<compile_context>
chip_gen: v7x
topology: tpu7x:2x2x1
jax: 0.10.2.dev20260603
libtpu: 0.0.44.dev20260713+nightly
codegen_flags: <defaults>
</compile_context>

<pallas_src>
import functools

import jax
import jax.numpy as jnp
from jax import lax
from jax.experimental import pallas as pl
from jax.experimental.pallas import tpu as pltpu
from jax.experimental.pallas import tpu_sc as plsc

NEG_SLOPE = 0.01

NC = 2
NS = 16
NW = NC * NS
B_EDGE = 80


def _spmm_body(nch, rpt, z_hbm, src_hbm, dst_hbm, zeros_hbm, u_hbm,
               u_sh, idxs_v, idxd_v, rows0, rows1, sem_a, sem_b):
    c = lax.axis_index("c")
    s = lax.axis_index("s")
    w = c * NS + s
    r0 = pl.multiple_of(s * rpt, 8)
    pltpu.sync_copy(zeros_hbm.at[pl.ds(r0, rpt)], u_sh.at[pl.ds(r0, rpt)])
    plsc.subcore_barrier()

    ph0 = nch // 2
    phases = ((0, ph0), (ph0, nch - ph0))

    for base, cnt in phases:
        pltpu.sync_copy(src_hbm.at[w, pl.ds(base, cnt)],
                        idxs_v.at[pl.ds(0, cnt)])
        pltpu.sync_copy(dst_hbm.at[w, pl.ds(base, cnt)],
                        idxd_v.at[pl.ds(0, cnt)])
        pltpu.async_copy(z_hbm.at[idxs_v.at[0]], rows0, sem_a)

        def pair(i, carry):
            ia = 2 * i
            pltpu.async_copy(z_hbm.at[idxs_v.at[ia + 1]], rows1, sem_b)
            pltpu.make_async_copy(z_hbm.at[idxs_v.at[ia]], rows0, sem_a).wait()
            pltpu.sync_copy(rows0, u_sh.at[idxd_v.at[ia]], add=True)

            @pl.when(ia + 2 < cnt)
            def _():
                pltpu.async_copy(z_hbm.at[idxs_v.at[ia + 2]], rows0, sem_a)
            pltpu.make_async_copy(z_hbm.at[idxs_v.at[ia + 1]], rows1, sem_b).wait()
            pltpu.sync_copy(rows1, u_sh.at[idxd_v.at[ia + 1]], add=True)
            return carry

        lax.fori_loop(0, cnt // 2, pair, 0)
        if cnt % 2:
            pltpu.make_async_copy(z_hbm.at[idxs_v.at[cnt - 1]], rows0,
                                  sem_a).wait()
            pltpu.sync_copy(rows0, u_sh.at[idxd_v.at[cnt - 1]], add=True)

    plsc.subcore_barrier()
    pltpu.sync_copy(u_sh.at[pl.ds(r0, rpt)], u_hbm.at[c, pl.ds(r0, rpt)])


def _make_spmm(np_, h, ep):
    nch = ep // (NW * B_EDGE)
    rpt = np_ // NS
    nbuf = nch - nch // 2
    mesh = plsc.VectorSubcoreMesh(core_axis_name="c", subcore_axis_name="s")
    return pl.kernel(
        functools.partial(_spmm_body, nch, rpt),
        out_type=jax.ShapeDtypeStruct((NC, np_, h), jnp.float32),
        mesh=mesh,
        scratch_types=[
            pltpu.VMEM_SHARED((np_, h), jnp.float32),
            pltpu.VMEM((nbuf, B_EDGE), jnp.int32),
            pltpu.VMEM((nbuf, B_EDGE), jnp.int32),
            pltpu.VMEM((B_EDGE, h), jnp.float32),
            pltpu.VMEM((B_EDGE, h), jnp.float32),
            pltpu.SemaphoreType.DMA,
            pltpu.SemaphoreType.DMA,
        ],
    )


def _deg_body(nch, rpt, h, src_hbm, ones_hbm, zeros_hbm, deg_hbm,
              deg_sh, idxs_v, ones_v):
    c = lax.axis_index("c")
    s = lax.axis_index("s")
    w = c * NS + s
    r0 = pl.multiple_of(s * rpt, 8)
    pltpu.sync_copy(zeros_hbm.at[pl.ds(r0, rpt)], deg_sh.at[pl.ds(r0, rpt)])
    pltpu.sync_copy(ones_hbm, ones_v)
    plsc.subcore_barrier()

    ph0 = nch // 2
    for base, cnt in ((0, ph0), (ph0, nch - ph0)):
        pltpu.sync_copy(src_hbm.at[w, pl.ds(base, cnt)],
                        idxs_v.at[pl.ds(0, cnt)])

        def chunk(i, carry):
            pltpu.sync_copy(ones_v, deg_sh.at[idxs_v.at[i]], add=True)
            return carry

        lax.fori_loop(0, cnt, chunk, 0)

    plsc.subcore_barrier()
    pltpu.sync_copy(deg_sh.at[pl.ds(r0, rpt)], deg_hbm.at[c, pl.ds(r0, rpt)])


def _make_deg(np_, h, ep):
    nch = ep // (NW * B_EDGE)
    rpt = np_ // NS
    nbuf = nch - nch // 2
    mesh = plsc.VectorSubcoreMesh(core_axis_name="c", subcore_axis_name="s")
    return pl.kernel(
        functools.partial(_deg_body, nch, rpt, h),
        out_type=jax.ShapeDtypeStruct((NC, np_, h), jnp.float32),
        mesh=mesh,
        scratch_types=[
            pltpu.VMEM_SHARED((np_, h), jnp.float32),
            pltpu.VMEM((nbuf, B_EDGE), jnp.int32),
            pltpu.VMEM((B_EDGE, h), jnp.float32),
        ],
    )



def _prep_body(dega_ref, degb_ref, x_ref, dis_ref, dis2_ref, z_ref):
    deg = dega_ref[:, 0:1] + degb_ref[:, 0:1]
    pos = deg > 0.0
    dis = jnp.where(pos, lax.rsqrt(deg), 0.0)
    dis2 = jnp.where(pos, 1.0 / deg, 0.0)
    dis_ref[...] = dis
    dis2_ref[...] = dis2
    z_ref[...] = x_ref[...] * dis


def _make_prep(np_, h, r):
    g = np_ // r
    return pl.pallas_call(
        _prep_body,
        grid=(g,),
        in_specs=[
            pl.BlockSpec((r, h), lambda i: (i, 0)),
            pl.BlockSpec((r, h), lambda i: (i, 0)),
            pl.BlockSpec((r, h), lambda i: (i, 0)),
        ],
        out_specs=[
            pl.BlockSpec((r, 1), lambda i: (i, 0)),
            pl.BlockSpec((r, 1), lambda i: (i, 0)),
            pl.BlockSpec((r, h), lambda i: (i, 0)),
        ],
        out_shape=[
            jax.ShapeDtypeStruct((np_, 1), jnp.float32),
            jax.ShapeDtypeStruct((np_, 1), jnp.float32),
            jax.ShapeDtypeStruct((np_, h), jnp.float32),
        ],
    )


def _comb_body(ua_ref, ub_ref, dis_ref, dis2_ref, y_ref, z_ref):
    u = ua_ref[...] + ub_ref[...]
    y_ref[...] = (-dis_ref[...]) * u
    z_ref[...] = (-dis2_ref[...]) * u


def _make_comb(np_, h, r):
    g = np_ // r
    return pl.pallas_call(
        _comb_body,
        grid=(g,),
        in_specs=[
            pl.BlockSpec((r, h), lambda i: (i, 0)),
            pl.BlockSpec((r, h), lambda i: (i, 0)),
            pl.BlockSpec((r, 1), lambda i: (i, 0)),
            pl.BlockSpec((r, 1), lambda i: (i, 0)),
        ],
        out_specs=[
            pl.BlockSpec((r, h), lambda i: (i, 0)),
            pl.BlockSpec((r, h), lambda i: (i, 0)),
        ],
        out_shape=[
            jax.ShapeDtypeStruct((np_, h), jnp.float32),
            jax.ShapeDtypeStruct((np_, h), jnp.float32),
        ],
    )


def _mm_body(act, h_ref, y1_ref, y2_ref, y3_ref, w_ref, b_ref, dis_ref,
             o_ref, z_ref):
    acc = jnp.dot(h_ref[...], w_ref[0], preferred_element_type=jnp.float32)
    acc = acc + jnp.dot(y1_ref[...], w_ref[1], preferred_element_type=jnp.float32)
    acc = acc + jnp.dot(y2_ref[...], w_ref[2], preferred_element_type=jnp.float32)
    acc = acc + jnp.dot(y3_ref[...], w_ref[3], preferred_element_type=jnp.float32)
    acc = acc + b_ref[...]
    if act:
        acc = jnp.where(acc >= 0.0, acc, NEG_SLOPE * acc)
    o_ref[...] = acc
    if z_ref is not None:
        z_ref[...] = dis_ref[...] * acc


def _make_mm(n, np_, h, r, act, with_z):
    g = n // r
    out_shape = [jax.ShapeDtypeStruct((n, h), jnp.float32)]
    out_specs = [pl.BlockSpec((r, h), lambda i: (i, 0))]
    if with_z:
        out_shape.append(jax.ShapeDtypeStruct((n, h), jnp.float32))
        out_specs.append(pl.BlockSpec((r, h), lambda i: (i, 0)))
        body = functools.partial(_mm_body, act)
    else:
        def body(h_ref, y1_ref, y2_ref, y3_ref, w_ref, b_ref, dis_ref, o_ref):
            _mm_body(act, h_ref, y1_ref, y2_ref, y3_ref, w_ref, b_ref,
                     dis_ref, o_ref, None)
    return pl.pallas_call(
        body,
        grid=(g,),
        in_specs=[
            pl.BlockSpec((r, h), lambda i: (i, 0)),
            pl.BlockSpec((r, h), lambda i: (i, 0)),
            pl.BlockSpec((r, h), lambda i: (i, 0)),
            pl.BlockSpec((r, h), lambda i: (i, 0)),
            pl.BlockSpec((4, h, h), lambda i: (0, 0, 0)),
            pl.BlockSpec((1, h), lambda i: (0, 0)),
            pl.BlockSpec((r, 1), lambda i: (i, 0)),
        ],
        out_specs=out_specs,
        out_shape=out_shape,
    )


_N, _H, _E = 10000, 128, 320000
_NP = ((_N + NS * 8 - 1) // (NS * 8)) * (NS * 8)
_EW = _E // NW
_NCH = -(-_EW // (B_EDGE * 16)) * 16
_EWP = _NCH * B_EDGE
_EP = _EWP * NW

_DEG_K = _make_deg(_NP, _H, _EP)
_SPMM_K = _make_spmm(_NP, _H, _EP)
_MM1_K = _make_mm(_N, _NP, _H, 2000, act=True, with_z=True)
_MM2_K = _make_mm(_N, _NP, _H, 2000, act=False, with_z=False)


def kernel(x_o, adj, W1, b1, W2, b2):
    n, h = x_o.shape
    e = adj.shape[1]
    assert (n, h, e) == (_N, _H, _E)
    np_, e_w, nch = _NP, _EW, _NCH
    e_wp = _EWP

    srcw = adj[0].reshape(NW, e_w)
    dstw = adj[1].reshape(NW, e_w)
    pad = jnp.full((NW, e_wp - e_w), n, jnp.int32)
    src3 = jnp.concatenate([srcw, pad], axis=1).reshape(NW, nch, B_EDGE)
    dst3 = jnp.concatenate([dstw, pad], axis=1).reshape(NW, nch, B_EDGE)
    x_pad = jnp.concatenate(
        [x_o, jnp.zeros((np_ - n, h), jnp.float32)], axis=0)
    zeros128 = jnp.zeros((np_, h), jnp.float32)
    ones128 = jnp.ones((B_EDGE, h), jnp.float32)

    def fold(W):
        return jnp.stack([W[0] - W[2], W[1] - 3.0 * W[3], 2.0 * W[2], 4.0 * W[3]])

    W1p = fold(W1)
    W2p = fold(W2)
    b1r = b1.reshape(1, h)
    b2r = b2.reshape(1, h)

    degp = _DEG_K(src3, ones128, zeros128)
    deg = (degp[0] + degp[1])[:, 0:1]
    dis = jnp.where(deg > 0.0, deg ** -0.5, 0.0)
    dis2 = jnp.where(deg > 0.0, 1.0 / deg, 0.0)
    z = dis * x_pad

    hcur = x_pad
    out = None
    for layer in range(2):
        ys = []
        for _ in range(3):
            up = _SPMM_K(z, src3, dst3, zeros128)
            u = up[0] + up[1]
            ys.append(-dis * u)
            z = -dis2 * u
        if layer == 0:
            x1, z1 = _MM1_K(hcur, ys[0], ys[1], ys[2], W1p, b1r, dis)
            hcur = x1
            z = jnp.concatenate(
                [z1, jnp.zeros((np_ - n, h), jnp.float32)], axis=0)
        else:
            out = _MM2_K(hcur, ys[0], ys[1], ys[2], W2p, b2r, dis)[0]
    return out

# --- scband reference (transcript-rebuilt; emitter-appended) ---
"""Pipeline reference for scband-pre-gnn-71476845740729 (READ-ONLY COPY).

The authoritative reference and input builder live on the scoring server;
editing this copy changes nothing except your own understanding.
"""

import jax, jax.numpy as jnp
import numpy as np

N = 10000
E = 320000
H = 128
K = 4
NEG_SLOPE = 0.01


def _cheb_conv(x, src, dst, w_edge, W, b):
    # Faithful to torch_geometric ChebConv with normalization='sym', lambda_max=2.0:
    # L_hat = -D^{-1/2} A D^{-1/2} (diagonal cancels to 0), Chebyshev recurrence.
    def lap(h):
        msg = h[src] * w_edge[:, None]
        return jnp.zeros_like(h).at[dst].add(msg)

    Tx0 = x
    out = Tx0 @ W[0]
    Tx1 = lap(x)
    out = out + Tx1 @ W[1]
    for k in range(2, K):
        Tx2 = 2.0 * lap(Tx1) - Tx0
        out = out + Tx2 @ W[k]
        Tx0, Tx1 = Tx1, Tx2
    return out + b


def setup_inputs(seed: int = 0) -> dict:
    key = jax.random.key(seed)
    k1, k2, k3, k4, k5, k6 = jax.random.split(key, 6)
    x_o = jax.random.normal(k1, (N, H), dtype=jnp.float32)
    adj = jax.random.randint(k2, (2, E), 0, N, dtype=jnp.int32)
    # Learned params: two ChebConv layers, each with K linear weights [in,out] and a bias.
    W1 = jax.random.normal(k3, (K, H, H), dtype=jnp.float32) * 0.05
    b1 = jnp.zeros((H,), dtype=jnp.float32)
    W2 = jax.random.normal(k4, (K, H, H), dtype=jnp.float32) * 0.05
    b2 = jnp.zeros((H,), dtype=jnp.float32)
    return {"x_o": x_o, "adj": adj, "W1": W1, "b1": b1, "W2": W2, "b2": b2}


def reference(x_o, adj, W1, b1, W2, b2):
    src = adj[0]
    dst = adj[1]
    # sym-normalized edge weights of -D^{-1/2} A D^{-1/2}
    deg = jnp.zeros((N,), dtype=jnp.float32).at[src].add(jnp.ones((E,), dtype=jnp.float32))
    deg_inv_sqrt = jnp.where(deg > 0, deg ** -0.5, 0.0)
    w_edge = -deg_inv_sqrt[src] * deg_inv_sqrt[dst]

    x1 = _cheb_conv(x_o, src, dst, w_edge, W1, b1)
    x1 = jax.nn.leaky_relu(x1, negative_slope=NEG_SLOPE)
    # dropout(p=0.2) is identity in eval mode
    out = _cheb_conv(x1, src, dst, w_edge, W2, b2)
    return out

if __name__ == "__main__":
    import jax
    _d = setup_inputs()
    print(jax.jit(kernel)(*tuple(_d.values())))

</pallas_src>

<mosaic_0001>
#map = affine_map<(d0, d1) -> (0, 0)>
#map1 = affine_map<(d0, d1) -> (0, 0, 0)>
module attributes {stable_mosaic.version = 14 : i64} {
  func.func @_spmm_body(%arg0: i32, %arg1: i32, %arg2: memref<10112x128xf32, #tpu.memory_space<hbm>>, %arg3: memref<32x128x80xi32, #tpu.memory_space<hbm>>, %arg4: memref<32x128x80xi32, #tpu.memory_space<hbm>>, %arg5: memref<10112x128xf32, #tpu.memory_space<hbm>>, %arg6: memref<2x10112x128xf32, #tpu.memory_space<hbm>>, %arg7: memref<10112x128xf32, #tpu.memory_space<vmem_shared>>, %arg8: memref<64x80xi32, #tpu.memory_space<vmem>>, %arg9: memref<64x80xi32, #tpu.memory_space<vmem>>, %arg10: memref<80x128xf32, #tpu.memory_space<vmem>>, %arg11: memref<80x128xf32, #tpu.memory_space<vmem>>, %arg12: memref<!tpu.dma_semaphore, #tpu.memory_space<semaphore_mem>>, %arg13: memref<!tpu.dma_semaphore, #tpu.memory_space<semaphore_mem>>) attributes {dimension_semantics = [#tpu.dimension_semantics<core_parallel>, #tpu.dimension_semantics<subcore_parallel>], iteration_bounds = array<i64: 2, 16>, scalar_prefetch = 0 : i64, scratch_operands = 7 : i64, tpu.core_type = #tpu.core_type<sc_vector_subcore>, window_params = [{transform_indices = #map}, {transform_indices = #map1}, {transform_indices = #map1}, {transform_indices = #map}, {transform_indices = #map1}]} {
    %mul3A = arith.constant 16 : i32
    %mul3A_0 = arith.muli %arg0, %mul3A : i32
    %add3A = arith.addi %mul3A_0, %arg1 : i32
    %mul3A_1 = arith.constant 632 : i32
    %mul3A_2 = arith.muli %arg1, %mul3A_1 : i32
    %multiple_of3A = tpu.assume_multiple %mul3A_2, 8 : i32
    "tpu.region"() ({
      %run_scoped3A = tpu.sem_alloc : memref<!tpu.dma_semaphore, #tpu.memory_space<semaphore_mem>>
      %dma_start3A_28 = arith.constant 0 : i32
      %dma_start3A_29 = tpu.memref_slice %arg7[%multiple_of3A, %dma_start3A_28] : memref<10112x128xf32, #tpu.memory_space<vmem_shared>> -> memref<632x128xf32, #tpu.memory_space<vmem_shared>>
      %dma_start3A_30 = arith.constant 0 : i32
      %dma_start3A_31 = tpu.memref_slice %arg5[%multiple_of3A, %dma_start3A_30] : memref<10112x128xf32, #tpu.memory_space<hbm>> -> memref<632x128xf32, #tpu.memory_space<hbm>>
      tpu.enqueue_dma source(%dma_start3A_31 : memref<632x128xf32, #tpu.memory_space<hbm>>) target(%dma_start3A_29 : memref<632x128xf32, #tpu.memory_space<vmem_shared>>) target_semaphore(%run_scoped3A : memref<!tpu.dma_semaphore, #tpu.memory_space<semaphore_mem>>)
      %dma_wait3A = arith.constant 0 : i32
      %dma_wait3A_32 = tpu.memref_slice %arg7[%multiple_of3A, %dma_wait3A] : memref<10112x128xf32, #tpu.memory_space<vmem_shared>> -> memref<632x128xf32, #tpu.memory_space<vmem_shared>>
      %dma_wait3A_33 = arith.constant 0 : i32
      %dma_wait3A_34 = tpu.memref_slice %arg5[%multiple_of3A, %dma_wait3A_33] : memref<10112x128xf32, #tpu.memory_space<hbm>> -> memref<632x128xf32, #tpu.memory_space<hbm>>
      tpu.wait_dma2 semaphore(%run_scoped3A : memref<!tpu.dma_semaphore, #tpu.memory_space<semaphore_mem>>) src(%dma_wait3A_34 : memref<632x128xf32, #tpu.memory_space<hbm>>) dst(%dma_wait3A_32 : memref<632x128xf32, #tpu.memory_space<vmem_shared>>)
      tpu.yield
    }) : () -> ()
    %barrier3A = arith.constant 0 : index
    tpu.barrier barrier_id(%barrier3A)
    "tpu.region"() ({
      %run_scoped3A = tpu.sem_alloc : memref<!tpu.dma_semaphore, #tpu.memory_space<semaphore_mem>>
      %dma_start3A_28 = arith.constant 0 : i32
      %dma_start3A_29 = arith.constant 0 : i32
      %dma_start3A_30 = tpu.memref_slice %arg8[%dma_start3A_28, %dma_start3A_29] : memref<64x80xi32, #tpu.memory_space<vmem>> -> memref<64x80xi32, #tpu.memory_space<vmem>>
      %dma_start3A_31 = arith.constant 0 : i32
      %dma_start3A_32 = arith.constant 0 : i32
      %dma_start3A_33 = tpu.memref_slice %arg3[%add3A, %dma_start3A_31, %dma_start3A_32] : memref<32x128x80xi32, #tpu.memory_space<hbm>> -> memref<1x64x80xi32, #tpu.memory_space<hbm>>
      %dma_start3A_34 = tpu.memref_squeeze %dma_start3A_33 : memref<1x64x80xi32, #tpu.memory_space<hbm>> -> memref<64x80xi32, #tpu.memory_space<hbm>>
      %dma_start3A_35 = arith.constant 0 : i32
      %dma_start3A_36 = arith.constant 0 : i32
      %dma_start3A_37 = tpu.memref_slice %arg8[%dma_start3A_35, %dma_start3A_36] : memref<64x80xi32, #tpu.memory_space<vmem>> -> memref<64x80xi32, #tpu.memory_space<vmem>>
      %dma_start3A_38 = arith.constant 0 : i32
      %dma_start3A_39 = arith.constant 0 : i32
      %dma_start3A_40 = tpu.memref_slice %arg3[%add3A, %dma_start3A_38, %dma_start3A_39] : memref<32x128x80xi32, #tpu.memory_space<hbm>> -> memref<1x64x80xi32, #tpu.memory_space<hbm>>
      %dma_start3A_41 = tpu.memref_squeeze %dma_start3A_40 : memref<1x64x80xi32, #tpu.memory_space<hbm>> -> memref<64x80xi32, #tpu.memory_space<hbm>>
      tpu.enqueue_dma source(%dma_start3A_41 : memref<64x80xi32, #tpu.memory_space<hbm>>) target(%dma_start3A_37 : memref<64x80xi32, #tpu.memory_space<vmem>>) target_semaphore(%run_scoped3A : memref<!tpu.dma_semaphore, #tpu.memory_space<semaphore_mem>>)
      %dma_wait3A = arith.constant 0 : i32
      %dma_wait3A_42 = arith.constant 0 : i32
      %dma_wait3A_43 = tpu.memref_slice %arg8[%dma_wait3A, %dma_wait3A_42] : memref<64x80xi32, #tpu.memory_space<vmem>> -> memref<64x80xi32, #tpu.memory_space<vmem>>
      %dma_wait3A_44 = arith.constant 0 : i32
      %dma_wait3A_45 = arith.constant 0 : i32
      %dma_wait3A_46 = tpu.memref_slice %arg3[%add3A, %dma_wait3A_44, %dma_wait3A_45] : memref<32x128x80xi32, #tpu.memory_space<hbm>> -> memref<1x64x80xi32, #tpu.memory_space<hbm>>
      %dma_wait3A_47 = tpu.memref_squeeze %dma_wait3A_46 : memref<1x64x80xi32, #tpu.memory_space<hbm>> -> memref<64x80xi32, #tpu.memory_space<hbm>>
      %dma_wait3A_48 = arith.constant 0 : i32
      %dma_wait3A_49 = arith.constant 0 : i32
      %dma_wait3A_50 = tpu.memref_slice %arg8[%dma_wait3A_48, %dma_wait3A_49] : memref<64x80xi32, #tpu.memory_space<vmem>> -> memref<64x80xi32, #tpu.memory_space<vmem>>
      %dma_wait3A_51 = arith.constant 0 : i32
      %dma_wait3A_52 = arith.constant 0 : i32
      %dma_wait3A_53 = tpu.memref_slice %arg3[%add3A, %dma_wait3A_51, %dma_wait3A_52] : memref<32x128x80xi32, #tpu.memory_space<hbm>> -> memref<1x64x80xi32, #tpu.memory_space<hbm>>
      %dma_wait3A_54 = tpu.memref_squeeze %dma_wait3A_53 : memref<1x64x80xi32, #tpu.memory_space<hbm>> -> memref<64x80xi32, #tpu.memory_space<hbm>>
      tpu.wait_dma2 semaphore(%run_scoped3A : memref<!tpu.dma_semaphore, #tpu.memory_space<semaphore_mem>>) src(%dma_wait3A_54 : memref<64x80xi32, #tpu.memory_space<hbm>>) dst(%dma_wait3A_50 : memref<64x80xi32, #tpu.memory_space<vmem>>)
      tpu.yield
    }) : () -> ()
    "tpu.region"() ({
      %run_scoped3A = tpu.sem_alloc : memref<!tpu.dma_semaphore, #tpu.memory_space<semaphore_mem>>
      %dma_start3A_28 = arith.constant 0 : i32
      %dma_start3A_29 = arith.constant 0 : i32
      %dma_start3A_30 = tpu.memref_slice %arg9[%dma_start3A_28, %dma_start3A_29] : memref<64x80xi32, #tpu.memory_space<vmem>> -> memref<64x80xi32, #tpu.memory_space<vmem>>
      %dma_start3A_31 = arith.constant 0 : i32
      %dma_start3A_32 = arith.constant 0 : i32
      %dma_start3A_33 = tpu.memref_slice %arg4[%add3A, %dma_start3A_31, %dma_start3A_32] : memref<32x128x80xi32, #tpu.memory_space<hbm>> -> memref<1x64x80xi32, #tpu.memory_space<hbm>>
      %dma_start3A_34 = tpu.memref_squeeze %dma_start3A_33 : memref<1x64x80xi32, #tpu.memory_space<hbm>> -> memref<64x80xi32, #tpu.memory_space<hbm>>
      %dma_start3A_35 = arith.constant 0 : i32
      %dma_start3A_36 = arith.constant 0 : i32
      %dma_start3A_37 = tpu.memref_slice %arg9[%dma_start3A_35, %dma_start3A_36] : memref<64x80xi32, #tpu.memory_space<vmem>> -> memref<64x80xi32, #tpu.memory_space<vmem>>
      %dma_start3A_38 = arith.constant 0 : i32
      %dma_start3A_39 = arith.constant 0 : i32
      %dma_start3A_40 = tpu.memref_slice %arg4[%add3A, %dma_start3A_38, %dma_start3A_39] : memref<32x128x80xi32, #tpu.memory_space<hbm>> -> memref<1x64x80xi32, #tpu.memory_space<hbm>>
      %dma_start3A_41 = tpu.memref_squeeze %dma_start3A_40 : memref<1x64x80xi32, #tpu.memory_space<hbm>> -> memref<64x80xi32, #tpu.memory_space<hbm>>
      tpu.enqueue_dma source(%dma_start3A_41 : memref<64x80xi32, #tpu.memory_space<hbm>>) target(%dma_start3A_37 : memref<64x80xi32, #tpu.memory_space<vmem>>) target_semaphore(%run_scoped3A : memref<!tpu.dma_semaphore, #tpu.memory_space<semaphore_mem>>)
      %dma_wait3A = arith.constant 0 : i32
      %dma_wait3A_42 = arith.constant 0 : i32
      %dma_wait3A_43 = tpu.memref_slice %arg9[%dma_wait3A, %dma_wait3A_42] : memref<64x80xi32, #tpu.memory_space<vmem>> -> memref<64x80xi32, #tpu.memory_space<vmem>>
      %dma_wait3A_44 = arith.constant 0 : i32
      %dma_wait3A_45 = arith.constant 0 : i32
      %dma_wait3A_46 = tpu.memref_slice %arg4[%add3A, %dma_wait3A_44, %dma_wait3A_45] : memref<32x128x80xi32, #tpu.memory_space<hbm>> -> memref<1x64x80xi32, #tpu.memory_space<hbm>>
      %dma_wait3A_47 = tpu.memref_squeeze %dma_wait3A_46 : memref<1x64x80xi32, #tpu.memory_space<hbm>> -> memref<64x80xi32, #tpu.memory_space<hbm>>
      %dma_wait3A_48 = arith.constant 0 : i32
      %dma_wait3A_49 = arith.constant 0 : i32
      %dma_wait3A_50 = tpu.memref_slice %arg9[%dma_wait3A_48, %dma_wait3A_49] : memref<64x80xi32, #tpu.memory_space<vmem>> -> memref<64x80xi32, #tpu.memory_space<vmem>>
      %dma_wait3A_51 = arith.constant 0 : i32
      %dma_wait3A_52 = arith.constant 0 : i32
      %dma_wait3A_53 = tpu.memref_slice %arg4[%add3A, %dma_wait3A_51, %dma_wait3A_52] : memref<32x128x80xi32, #tpu.memory_space<hbm>> -> memref<1x64x80xi32, #tpu.memory_space<hbm>>
      %dma_wait3A_54 = tpu.memref_squeeze %dma_wait3A_53 : memref<1x64x80xi32, #tpu.memory_space<hbm>> -> memref<64x80xi32, #tpu.memory_space<hbm>>
      tpu.wait_dma2 semaphore(%run_scoped3A : memref<!tpu.dma_semaphore, #tpu.memory_space<semaphore_mem>>) src(%dma_wait3A_54 : memref<64x80xi32, #tpu.memory_space<hbm>>) dst(%dma_wait3A_50 : memref<64x80xi32, #tpu.memory_space<vmem>>)
      tpu.yield
    }) : () -> ()
    %dma_start3A = arith.constant 0 : i32
    %dma_start3A_3 = arith.constant 0 : i32
    %dma_start3A_4 = tpu.memref_slice %arg8[%dma_start3A, %dma_start3A_3] : memref<64x80xi32, #tpu.memory_space<vmem>> -> memref<1x80xi32, #tpu.memory_space<vmem>>
    %dma_start3A_5 = tpu.memref_squeeze %dma_start3A_4 : memref<1x80xi32, #tpu.memory_space<vmem>> -> memref<80xi32, #tpu.memory_space<vmem>>
    %dma_start3A_6 = arith.constant 0 : i32
    %dma_start3A_7 = arith.constant 0 : i32
    %dma_start3A_8 = tpu.memref_slice %arg2[%dma_start3A_6, %dma_start3A_7] : memref<10112x128xf32, #tpu.memory_space<hbm>> -> memref<10112x128xf32, #tpu.memory_space<hbm>>
    tpu.enqueue_indirect_dma source(%dma_start3A_8 : memref<10112x128xf32, #tpu.memory_space<hbm>>) target(%arg10 : memref<80x128xf32, #tpu.memory_space<vmem>>) offsets(%dma_start3A_5 : memref<80xi32, #tpu.memory_space<vmem>>) semaphore(%arg12 : memref<!tpu.dma_semaphore, #tpu.memory_space<semaphore_mem>>)
    %scan3A = arith.constant 0 : i32
    %scan3A_9 = arith.constant 0 : i32
    %scan3A_10 = arith.constant 32 : i32
    %scan3A_11 = arith.addi %scan3A_9, %scan3A_10 : i32
    %scan3A_12 = arith.constant 1 : i32
    scf.for %scan3A_28 = %scan3A_9 to %scan3A_11 step %scan3A_12  : i32 {
      %mul3A_29 = arith.constant 2 : i32
      %mul3A_30 = arith.muli %mul3A_29, %scan3A_28 : i32
      %add3A_31 = arith.constant 1 : i32
      %add3A_32 = arith.addi %mul3A_30, %add3A_31 : i32
      %dma_start3A_33 = arith.constant 0 : i32
      %dma_start3A_34 = tpu.memref_slice %arg8[%add3A_32, %dma_start3A_33] : memref<64x80xi32, #tpu.memory_space<vmem>> -> memref<1x80xi32, #tpu.memory_space<vmem>>
      %dma_start3A_35 = tpu.memref_squeeze %dma_start3A_34 : memref<1x80xi32, #tpu.memory_space<vmem>> -> memref<80xi32, #tpu.memory_space<vmem>>
      %dma_start3A_36 = arith.constant 0 : i32
      %dma_start3A_37 = arith.constant 0 : i32
      %dma_start3A_38 = tpu.memref_slice %arg2[%dma_start3A_36, %dma_start3A_37] : memref<10112x128xf32, #tpu.memory_space<hbm>> -> memref<10112x128xf32, #tpu.memory_space<hbm>>
      tpu.enqueue_indirect_dma source(%dma_start3A_38 : memref<10112x128xf32, #tpu.memory_space<hbm>>) target(%arg11 : memref<80x128xf32, #tpu.memory_space<vmem>>) offsets(%dma_start3A_35 : memref<80xi32, #tpu.memory_space<vmem>>) semaphore(%arg13 : memref<!tpu.dma_semaphore, #tpu.memory_space<semaphore_mem>>)
      %dma_wait3A = arith.constant 0 : i32
      %dma_wait3A_39 = tpu.memref_slice %arg8[%mul3A_30, %dma_wait3A] : memref<64x80xi32, #tpu.memory_space<vmem>> -> memref<1x80xi32, #tpu.memory_space<vmem>>
      %dma_wait3A_40 = tpu.memref_squeeze %dma_wait3A_39 : memref<1x80xi32, #tpu.memory_space<vmem>> -> memref<80xi32, #tpu.memory_space<vmem>>
      %dma_wait3A_41 = arith.constant 0 : i32
      %dma_wait3A_42 = arith.constant 0 : i32
      %dma_wait3A_43 = tpu.memref_slice %arg2[%dma_wait3A_41, %dma_wait3A_42] : memref<10112x128xf32, #tpu.memory_space<hbm>> -> memref<10112x128xf32, #tpu.memory_space<hbm>>
      tpu.wait_indirect_dma semaphore(%arg12 : memref<!tpu.dma_semaphore, #tpu.memory_space<semaphore_mem>>) src(%dma_wait3A_43 : memref<10112x128xf32, #tpu.memory_space<hbm>>) dst(%arg10 : memref<80x128xf32, #tpu.memory_space<vmem>>)
      "tpu.region"() ({
        %run_scoped3A = tpu.sem_alloc : memref<!tpu.dma_semaphore, #tpu.memory_space<semaphore_mem>>
        %dma_start3A_58 = arith.constant 0 : i32
        %dma_start3A_59 = tpu.memref_slice %arg9[%mul3A_30, %dma_start3A_58] : memref<64x80xi32, #tpu.memory_space<vmem>> -> memref<1x80xi32, #tpu.memory_space<vmem>>
        %dma_start3A_60 = tpu.memref_squeeze %dma_start3A_59 : memref<1x80xi32, #tpu.memory_space<vmem>> -> memref<80xi32, #tpu.memory_space<vmem>>
        %dma_start3A_61 = arith.constant 0 : i32
        %dma_start3A_62 = arith.constant 0 : i32
        %dma_start3A_63 = tpu.memref_slice %arg7[%dma_start3A_61, %dma_start3A_62] : memref<10112x128xf32, #tpu.memory_space<vmem_shared>> -> memref<10112x128xf32, #tpu.memory_space<vmem_shared>>
        tpu.enqueue_indirect_dma source(%arg10 : memref<80x128xf32, #tpu.memory_space<vmem>>) target(%dma_start3A_63 : memref<10112x128xf32, #tpu.memory_space<vmem_shared>>) offsets(%dma_start3A_60 : memref<80xi32, #tpu.memory_space<vmem>>) semaphore(%run_scoped3A : memref<!tpu.dma_semaphore, #tpu.memory_space<semaphore_mem>>) {add = true}
        %dma_wait3A_64 = arith.constant 0 : i32
        %dma_wait3A_65 = tpu.memref_slice %arg9[%mul3A_30, %dma_wait3A_64] : memref<64x80xi32, #tpu.memory_space<vmem>> -> memref<1x80xi32, #tpu.memory_space<vmem>>
        %dma_wait3A_66 = tpu.memref_squeeze %dma_wait3A_65 : memref<1x80xi32, #tpu.memory_space<vmem>> -> memref<80xi32, #tpu.memory_space<vmem>>
        %dma_wait3A_67 = arith.constant 0 : i32
        %dma_wait3A_68 = arith.constant 0 : i32
        %dma_wait3A_69 = tpu.memref_slice %arg7[%dma_wait3A_67, %dma_wait3A_68] : memref<10112x128xf32, #tpu.memory_space<vmem_shared>> -> memref<10112x128xf32, #tpu.memory_space<vmem_shared>>
        tpu.wait_indirect_dma semaphore(%run_scoped3A : memref<!tpu.dma_semaphore, #tpu.memory_space<semaphore_mem>>) src(%arg10 : memref<80x128xf32, #tpu.memory_space<vmem>>) dst(%dma_wait3A_69 : memref<10112x128xf32, #tpu.memory_space<vmem_shared>>)
        tpu.yield
      }) : () -> ()
      %add3A_44 = arith.constant 2 : i32
      %add3A_45 = arith.addi %mul3A_30, %add3A_44 : i32
      %lt3A = arith.constant 64 : i32
      %lt3A_46 = arith.cmpi slt, %add3A_45, %lt3A : i32
      %convert_element_type3A = arith.extui %lt3A_46 : i1 to i32
      %cond3A = arith.constant 0 : i32
      %cond3A_47 = arith.cmpi ne, %convert_element_type3A, %cond3A : i32
      scf.if %cond3A_47 {
        %add3A_58 = arith.constant 2 : i32
        %add3A_59 = arith.addi %mul3A_30, %add3A_58 : i32
        %dma_start3A_60 = arith.constant 0 : i32
        %dma_start3A_61 = tpu.memref_slice %arg8[%add3A_59, %dma_start3A_60] : memref<64x80xi32, #tpu.memory_space<vmem>> -> memref<1x80xi32, #tpu.memory_space<vmem>>
        %dma_start3A_62 = tpu.memref_squeeze %dma_start3A_61 : memref<1x80xi32, #tpu.memory_space<vmem>> -> memref<80xi32, #tpu.memory_space<vmem>>
        %dma_start3A_63 = arith.constant 0 : i32
        %dma_start3A_64 = arith.constant 0 : i32
        %dma_start3A_65 = tpu.memref_slice %arg2[%dma_start3A_63, %dma_start3A_64] : memref<10112x128xf32, #tpu.memory_space<hbm>> -> memref<10112x128xf32, #tpu.memory_space<hbm>>
        tpu.enqueue_indirect_dma source(%dma_start3A_65 : memref<10112x128xf32, #tpu.memory_space<hbm>>) target(%arg10 : memref<80x128xf32, #tpu.memory_space<vmem>>) offsets(%dma_start3A_62 : memref<80xi32, #tpu.memory_space<vmem>>) semaphore(%arg12 : memref<!tpu.dma_semaphore, #tpu.memory_space<semaphore_mem>>)
      } else {
      }
      %add3A_48 = arith.constant 1 : i32
      %add3A_49 = arith.addi %mul3A_30, %add3A_48 : i32
      %dma_wait3A_50 = arith.constant 0 : i32
      %dma_wait3A_51 = tpu.memref_slice %arg8[%add3A_49, %dma_wait3A_50] : memref<64x80xi32, #tpu.memory_space<vmem>> -> memref<1x80xi32, #tpu.memory_space<vmem>>
      %dma_wait3A_52 = tpu.memref_squeeze %dma_wait3A_51 : memref<1x80xi32, #tpu.memory_space<vmem>> -> memref<80xi32, #tpu.memory_space<vmem>>
      %dma_wait3A_53 = arith.constant 0 : i32
      %dma_wait3A_54 = arith.constant 0 : i32
      %dma_wait3A_55 = tpu.memref_slice %arg2[%dma_wait3A_53, %dma_wait3A_54] : memref<10112x128xf32, #tpu.memory_space<hbm>> -> memref<10112x128xf32, #tpu.memory_space<hbm>>
      tpu.wait_indirect_dma semaphore(%arg13 : memref<!tpu.dma_semaphore, #tpu.memory_space<semaphore_mem>>) src(%dma_wait3A_55 : memref<10112x128xf32, #tpu.memory_space<hbm>>) dst(%arg11 : memref<80x128xf32, #tpu.memory_space<vmem>>)
      %add3A_56 = arith.constant 1 : i32
      %add3A_57 = arith.addi %mul3A_30, %add3A_56 : i32
      "tpu.region"() ({
        %run_scoped3A = tpu.sem_alloc : memref<!tpu.dma_semaphore, #tpu.memory_space<semaphore_mem>>
        %dma_start3A_58 = arith.constant 0 : i32
        %dma_start3A_59 = tpu.memref_slice %arg9[%add3A_57, %dma_start3A_58] : memref<64x80xi32, #tpu.memory_space<vmem>> -> memref<1x80xi32, #tpu.memory_space<vmem>>
        %dma_start3A_60 = tpu.memref_squeeze %dma_start3A_59 : memref<1x80xi32, #tpu.memory_space<vmem>> -> memref<80xi32, #tpu.memory_space<vmem>>
        %dma_start3A_61 = arith.constant 0 : i32
        %dma_start3A_62 = arith.constant 0 : i32
        %dma_start3A_63 = tpu.memref_slice %arg7[%dma_start3A_61, %dma_start3A_62] : memref<10112x128xf32, #tpu.memory_space<vmem_shared>> -> memref<10112x128xf32, #tpu.memory_space<vmem_shared>>
        tpu.enqueue_indirect_dma source(%arg11 : memref<80x128xf32, #tpu.memory_space<vmem>>) target(%dma_start3A_63 : memref<10112x128xf32, #tpu.memory_space<vmem_shared>>) offsets(%dma_start3A_60 : memref<80xi32, #tpu.memory_space<vmem>>) semaphore(%run_scoped3A : memref<!tpu.dma_semaphore, #tpu.memory_space<semaphore_mem>>) {add = true}
        %dma_wait3A_64 = arith.constant 0 : i32
        %dma_wait3A_65 = tpu.memref_slice %arg9[%add3A_57, %dma_wait3A_64] : memref<64x80xi32, #tpu.memory_space<vmem>> -> memref<1x80xi32, #tpu.memory_space<vmem>>
        %dma_wait3A_66 = tpu.memref_squeeze %dma_wait3A_65 : memref<1x80xi32, #tpu.memory_space<vmem>> -> memref<80xi32, #tpu.memory_space<vmem>>
        %dma_wait3A_67 = arith.constant 0 : i32
        %dma_wait3A_68 = arith.constant 0 : i32
        %dma_wait3A_69 = tpu.memref_slice %arg7[%dma_wait3A_67, %dma_wait3A_68] : memref<10112x128xf32, #tpu.memory_space<vmem_shared>> -> memref<10112x128xf32, #tpu.memory_space<vmem_shared>>
        tpu.wait_indirect_dma semaphore(%run_scoped3A : memref<!tpu.dma_semaphore, #tpu.memory_space<semaphore_mem>>) src(%arg11 : memref<80x128xf32, #tpu.memory_space<vmem>>) dst(%dma_wait3A_69 : memref<10112x128xf32, #tpu.memory_space<vmem_shared>>)
        tpu.yield
      }) : () -> ()
    }
    %scan3A_13 = arith.constant 32 : i32
    "tpu.region"() ({
      %run_scoped3A = tpu.sem_alloc : memref<!tpu.dma_semaphore, #tpu.memory_space<semaphore_mem>>
      %dma_start3A_28 = arith.constant 0 : i32
      %dma_start3A_29 = arith.constant 0 : i32
      %dma_start3A_30 = tpu.memref_slice %arg8[%dma_start3A_28, %dma_start3A_29] : memref<64x80xi32, #tpu.memory_space<vmem>> -> memref<64x80xi32, #tpu.memory_space<vmem>>
      %dma_start3A_31 = arith.constant 64 : i32
      %dma_start3A_32 = arith.constant 0 : i32
      %dma_start3A_33 = tpu.memref_slice %arg3[%add3A, %dma_start3A_31, %dma_start3A_32] : memref<32x128x80xi32, #tpu.memory_space<hbm>> -> memref<1x64x80xi32, #tpu.memory_space<hbm>>
      %dma_start3A_34 = tpu.memref_squeeze %dma_start3A_33 : memref<1x64x80xi32, #tpu.memory_space<hbm>> -> memref<64x80xi32, #tpu.memory_space<hbm>>
      %dma_start3A_35 = arith.constant 0 : i32
      %dma_start3A_36 = arith.constant 0 : i32
      %dma_start3A_37 = tpu.memref_slice %arg8[%dma_start3A_35, %dma_start3A_36] : memref<64x80xi32, #tpu.memory_space<vmem>> -> memref<64x80xi32, #tpu.memory_space<vmem>>
      %dma_start3A_38 = arith.constant 64 : i32
      %dma_start3A_39 = arith.constant 0 : i32
      %dma_start3A_40 = tpu.memref_slice %arg3[%add3A, %dma_start3A_38, %dma_start3A_39] : memref<32x128x80xi32, #tpu.memory_space<hbm>> -> memref<1x64x80xi32, #tpu.memory_space<hbm>>
      %dma_start3A_41 = tpu.memref_squeeze %dma_start3A_40 : memref<1x64x80xi32, #tpu.memory_space<hbm>> -> memref<64x80xi32, #tpu.memory_space<hbm>>
      tpu.enqueue_dma source(%dma_start3A_41 : memref<64x80xi32, #tpu.memory_space<hbm>>) target(%dma_start3A_37 : memref<64x80xi32, #tpu.memory_space<vmem>>) target_semaphore(%run_scoped3A : memref<!tpu.dma_semaphore, #tpu.memory_space<semaphore_mem>>)
      %dma_wait3A = arith.constant 0 : i32
      %dma_wait3A_42 = arith.constant 0 : i32
      %dma_wait3A_43 = tpu.memref_slice %arg8[%dma_wait3A, %dma_wait3A_42] : memref<64x80xi32, #tpu.memory_space<vmem>> -> memref<64x80xi32, #tpu.memory_space<vmem>>
      %dma_wait3A_44 = arith.constant 64 : i32
      %dma_wait3A_45 = arith.constant 0 : i32
      %dma_wait3A_46 = tpu.memref_slice %arg3[%add3A, %dma_wait3A_44, %dma_wait3A_45] : memref<32x128x80xi32, #tpu.memory_space<hbm>> -> memref<1x64x80xi32, #tpu.memory_space<hbm>>
      %dma_wait3A_47 = tpu.memref_squeeze %dma_wait3A_46 : memref<1x64x80xi32, #tpu.memory_space<hbm>> -> memref<64x80xi32, #tpu.memory_space<hbm>>
      %dma_wait3A_48 = arith.constant 0 : i32
      %dma_wait3A_49 = arith.constant 0 : i32
      %dma_wait3A_50 = tpu.memref_slice %arg8[%dma_wait3A_48, %dma_wait3A_49] : memref<64x80xi32, #tpu.memory_space<vmem>> -> memref<64x80xi32, #tpu.memory_space<vmem>>
      %dma_wait3A_51 = arith.constant 64 : i32
      %dma_wait3A_52 = arith.constant 0 : i32
      %dma_wait3A_53 = tpu.memref_slice %arg3[%add3A, %dma_wait3A_51, %dma_wait3A_52] : memref<32x128x80xi32, #tpu.memory_space<hbm>> -> memref<1x64x80xi32, #tpu.memory_space<hbm>>
      %dma_wait3A_54 = tpu.memref_squeeze %dma_wait3A_53 : memref<1x64x80xi32, #tpu.memory_space<hbm>> -> memref<64x80xi32, #tpu.memory_space<hbm>>
      tpu.wait_dma2 semaphore(%run_scoped3A : memref<!tpu.dma_semaphore, #tpu.memory_space<semaphore_mem>>) src(%dma_wait3A_54 : memref<64x80xi32, #tpu.memory_space<hbm>>) dst(%dma_wait3A_50 : memref<64x80xi32, #tpu.memory_space<vmem>>)
      tpu.yield
    }) : () -> ()
    "tpu.region"() ({
      %run_scoped3A = tpu.sem_alloc : memref<!tpu.dma_semaphore, #tpu.memory_space<semaphore_mem>>
      %dma_start3A_28 = arith.constant 0 : i32
      %dma_start3A_29 = arith.constant 0 : i32
      %dma_start3A_30 = tpu.memref_slice %arg9[%dma_start3A_28, %dma_start3A_29] : memref<64x80xi32, #tpu.memory_space<vmem>> -> memref<64x80xi32, #tpu.memory_space<vmem>>
      %dma_start3A_31 = arith.constant 64 : i32
      %dma_start3A_32 = arith.constant 0 : i32
      %dma_start3A_33 = tpu.memref_slice %arg4[%add3A, %dma_start3A_31, %dma_start3A_32] : memref<32x128x80xi32, #tpu.memory_space<hbm>> -> memref<1x64x80xi32, #tpu.memory_space<hbm>>
      %dma_start3A_34 = tpu.memref_squeeze %dma_start3A_33 : memref<1x64x80xi32, #tpu.memory_space<hbm>> -> memref<64x80xi32, #tpu.memory_space<hbm>>
      %dma_start3A_35 = arith.constant 0 : i32
      %dma_start3A_36 = arith.constant 0 : i32
      %dma_start3A_37 = tpu.memref_slice %arg9[%dma_start3A_35, %dma_start3A_36] : memref<64x80xi32, #tpu.memory_space<vmem>> -> memref<64x80xi32, #tpu.memory_space<vmem>>
      %dma_start3A_38 = arith.constant 64 : i32
      %dma_start3A_39 = arith.constant 0 : i32
      %dma_start3A_40 = tpu.memref_slice %arg4[%add3A, %dma_start3A_38, %dma_start3A_39] : memref<32x128x80xi32, #tpu.memory_space<hbm>> -> memref<1x64x80xi32, #tpu.memory_space<hbm>>
      %dma_start3A_41 = tpu.memref_squeeze %dma_start3A_40 : memref<1x64x80xi32, #tpu.memory_space<hbm>> -> memref<64x80xi32, #tpu.memory_space<hbm>>
      tpu.enqueue_dma source(%dma_start3A_41 : memref<64x80xi32, #tpu.memory_space<hbm>>) target(%dma_start3A_37 : memref<64x80xi32, #tpu.memory_space<vmem>>) target_semaphore(%run_scoped3A : memref<!tpu.dma_semaphore, #tpu.memory_space<semaphore_mem>>)
      %dma_wait3A = arith.constant 0 : i32
      %dma_wait3A_42 = arith.constant 0 : i32
      %dma_wait3A_43 = tpu.memref_slice %arg9[%dma_wait3A, %dma_wait3A_42] : memref<64x80xi32, #tpu.memory_space<vmem>> -> memref<64x80xi32, #tpu.memory_space<vmem>>
      %dma_wait3A_44 = arith.constant 64 : i32
      %dma_wait3A_45 = arith.constant 0 : i32
      %dma_wait3A_46 = tpu.memref_slice %arg4[%add3A, %dma_wait3A_44, %dma_wait3A_45] : memref<32x128x80xi32, #tpu.memory_space<hbm>> -> memref<1x64x80xi32, #tpu.memory_space<hbm>>
      %dma_wait3A_47 = tpu.memref_squeeze %dma_wait3A_46 : memref<1x64x80xi32, #tpu.memory_space<hbm>> -> memref<64x80xi32, #tpu.memory_space<hbm>>
      %dma_wait3A_48 = arith.constant 0 : i32
      %dma_wait3A_49 = arith.constant 0 : i32
      %dma_wait3A_50 = tpu.memref_slice %arg9[%dma_wait3A_48, %dma_wait3A_49] : memref<64x80xi32, #tpu.memory_space<vmem>> -> memref<64x80xi32, #tpu.memory_space<vmem>>
      %dma_wait3A_51 = arith.constant 64 : i32
      %dma_wait3A_52 = arith.constant 0 : i32
      %dma_wait3A_53 = tpu.memref_slice %arg4[%add3A, %dma_wait3A_51, %dma_wait3A_52] : memref<32x128x80xi32, #tpu.memory_space<hbm>> -> memref<1x64x80xi32, #tpu.memory_space<hbm>>
      %dma_wait3A_54 = tpu.memref_squeeze %dma_wait3A_53 : memref<1x64x80xi32, #tpu.memory_space<hbm>> -> memref<64x80xi32, #tpu.memory_space<hbm>>
      tpu.wait_dma2 semaphore(%run_scoped3A : memref<!tpu.dma_semaphore, #tpu.memory_space<semaphore_mem>>) src(%dma_wait3A_54 : memref<64x80xi32, #tpu.memory_space<hbm>>) dst(%dma_wait3A_50 : memref<64x80xi32, #tpu.memory_space<vmem>>)
      tpu.yield
    }) : () -> ()
    %dma_start3A_14 = arith.constant 0 : i32
    %dma_start3A_15 = arith.constant 0 : i32
    %dma_start3A_16 = tpu.memref_slice %arg8[%dma_start3A_14, %dma_start3A_15] : memref<64x80xi32, #tpu.memory_space<vmem>> -> memref<1x80xi32, #tpu.memory_space<vmem>>
    %dma_start3A_17 = tpu.memref_squeeze %dma_start3A_16 : memref<1x80xi32, #tpu.memory_space<vmem>> -> memref<80xi32, #tpu.memory_space<vmem>>
    %dma_start3A_18 = arith.constant 0 : i32
    %dma_start3A_19 = arith.constant 0 : i32
    %dma_start3A_20 = tpu.memref_slice %arg2[%dma_start3A_18, %dma_start3A_19] : memref<10112x128xf32, #tpu.memory_space<hbm>> -> memref<10112x128xf32, #tpu.memory_space<hbm>>
    tpu.enqueue_indirect_dma source(%dma_start3A_20 : memref<10112x128xf32, #tpu.memory_space<hbm>>) target(%arg10 : memref<80x128xf32, #tpu.memory_space<vmem>>) offsets(%dma_start3A_17 : memref<80xi32, #tpu.memory_space<vmem>>) semaphore(%arg12 : memref<!tpu.dma_semaphore, #tpu.memory_space<semaphore_mem>>)
    %scan3A_21 = arith.constant 0 : i32
    %scan3A_22 = arith.constant 0 : i32
    %scan3A_23 = arith.constant 32 : i32
    %scan3A_24 = arith.addi %scan3A_22, %scan3A_23 : i32
    %scan3A_25 = arith.constant 1 : i32
    scf.for %scan3A_28 = %scan3A_22 to %scan3A_24 step %scan3A_25  : i32 {
      %mul3A_29 = arith.constant 2 : i32
      %mul3A_30 = arith.muli %mul3A_29, %scan3A_28 : i32
      %add3A_31 = arith.constant 1 : i32
      %add3A_32 = arith.addi %mul3A_30, %add3A_31 : i32
      %dma_start3A_33 = arith.constant 0 : i32
      %dma_start3A_34 = tpu.memref_slice %arg8[%add3A_32, %dma_start3A_33] : memref<64x80xi32, #tpu.memory_space<vmem>> -> memref<1x80xi32, #tpu.memory_space<vmem>>
      %dma_start3A_35 = tpu.memref_squeeze %dma_start3A_34 : memref<1x80xi32, #tpu.memory_space<vmem>> -> memref<80xi32, #tpu.memory_space<vmem>>
      %dma_start3A_36 = arith.constant 0 : i32
      %dma_start3A_37 = arith.constant 0 : i32
      %dma_start3A_38 = tpu.memref_slice %arg2[%dma_start3A_36, %dma_start3A_37] : memref<10112x128xf32, #tpu.memory_space<hbm>> -> memref<10112x128xf32, #tpu.memory_space<hbm>>
      tpu.enqueue_indirect_dma source(%dma_start3A_38 : memref<10112x128xf32, #tpu.memory_space<hbm>>) target(%arg11 : memref<80x128xf32, #tpu.memory_space<vmem>>) offsets(%dma_start3A_35 : memref<80xi32, #tpu.memory_space<vmem>>) semaphore(%arg13 : memref<!tpu.dma_semaphore, #tpu.memory_space<semaphore_mem>>)
      %dma_wait3A = arith.constant 0 : i32
      %dma_wait3A_39 = tpu.memref_slice %arg8[%mul3A_30, %dma_wait3A] : memref<64x80xi32, #tpu.memory_space<vmem>> -> memref<1x80xi32, #tpu.memory_space<vmem>>
      %dma_wait3A_40 = tpu.memref_squeeze %dma_wait3A_39 : memref<1x80xi32, #tpu.memory_space<vmem>> -> memref<80xi32, #tpu.memory_space<vmem>>
      %dma_wait3A_41 = arith.constant 0 : i32
      %dma_wait3A_42 = arith.constant 0 : i32
      %dma_wait3A_43 = tpu.memref_slice %arg2[%dma_wait3A_41, %dma_wait3A_42] : memref<10112x128xf32, #tpu.memory_space<hbm>> -> memref<10112x128xf32, #tpu.memory_space<hbm>>
      tpu.wait_indirect_dma semaphore(%arg12 : memref<!tpu.dma_semaphore, #tpu.memory_space<semaphore_mem>>) src(%dma_wait3A_43 : memref<10112x128xf32, #tpu.memory_space<hbm>>) dst(%arg10 : memref<80x128xf32, #tpu.memory_space<vmem>>)
      "tpu.region"() ({
        %run_scoped3A = tpu.sem_alloc : memref<!tpu.dma_semaphore, #tpu.memory_space<semaphore_mem>>
        %dma_start3A_58 = arith.constant 0 : i32
        %dma_start3A_59 = tpu.memref_slice %arg9[%mul3A_30, %dma_start3A_58] : memref<64x80xi32, #tpu.memory_space<vmem>> -> memref<1x80xi32, #tpu.memory_space<vmem>>
        %dma_start3A_60 = tpu.memref_squeeze %dma_start3A_59 : memref<1x80xi32, #tpu.memory_space<vmem>> -> memref<80xi32, #tpu.memory_space<vmem>>
        %dma_start3A_61 = arith.constant 0 : i32
        %dma_start3A_62 = arith.constant 0 : i32
        %dma_start3A_63 = tpu.memref_slice %arg7[%dma_start3A_61, %dma_start3A_62] : memref<10112x128xf32, #tpu.memory_space<vmem_shared>> -> memref<10112x128xf32, #tpu.memory_space<vmem_shared>>
        tpu.enqueue_indirect_dma source(%arg10 : memref<80x128xf32, #tpu.memory_space<vmem>>) target(%dma_start3A_63 : memref<10112x128xf32, #tpu.memory_space<vmem_shared>>) offsets(%dma_start3A_60 : memref<80xi32, #tpu.memory_space<vmem>>) semaphore(%run_scoped3A : memref<!tpu.dma_semaphore, #tpu.memory_space<semaphore_mem>>) {add = true}
        %dma_wait3A_64 = arith.constant 0 : i32
        %dma_wait3A_65 = tpu.memref_slice %arg9[%mul3A_30, %dma_wait3A_64] : memref<64x80xi32, #tpu.memory_space<vmem>> -> memref<1x80xi32, #tpu.memory_space<vmem>>
        %dma_wait3A_66 = tpu.memref_squeeze %dma_wait3A_65 : memref<1x80xi32, #tpu.memory_space<vmem>> -> memref<80xi32, #tpu.memory_space<vmem>>
        %dma_wait3A_67 = arith.constant 0 : i32
        %dma_wait3A_68 = arith.constant 0 : i32
        %dma_wait3A_69 = tpu.memref_slice %arg7[%dma_wait3A_67, %dma_wait3A_68] : memref<10112x128xf32, #tpu.memory_space<vmem_shared>> -> memref<10112x128xf32, #tpu.memory_space<vmem_shared>>
        tpu.wait_indirect_dma semaphore(%run_scoped3A : memref<!tpu.dma_semaphore, #tpu.memory_space<semaphore_mem>>) src(%arg10 : memref<80x128xf32, #tpu.memory_space<vmem>>) dst(%dma_wait3A_69 : memref<10112x128xf32, #tpu.memory_space<vmem_shared>>)
        tpu.yield
      }) : () -> ()
      %add3A_44 = arith.constant 2 : i32
      %add3A_45 = arith.addi %mul3A_30, %add3A_44 : i32
      %lt3A = arith.constant 64 : i32
      %lt3A_46 = arith.cmpi slt, %add3A_45, %lt3A : i32
      %convert_element_type3A = arith.extui %lt3A_46 : i1 to i32
      %cond3A = arith.constant 0 : i32
      %cond3A_47 = arith.cmpi ne, %convert_element_type3A, %cond3A : i32
      scf.if %cond3A_47 {
        %add3A_58 = arith.constant 2 : i32
        %add3A_59 = arith.addi %mul3A_30, %add3A_58 : i32
        %dma_start3A_60 = arith.constant 0 : i32
        %dma_start3A_61 = tpu.memref_slice %arg8[%add3A_59, %dma_start3A_60] : memref<64x80xi32, #tpu.memory_space<vmem>> -> memref<1x80xi32, #tpu.memory_space<vmem>>
        %dma_start3A_62 = tpu.memref_squeeze %dma_start3A_61 : memref<1x80xi32, #tpu.memory_space<vmem>> -> memref<80xi32, #tpu.memory_space<vmem>>
        %dma_start3A_63 = arith.constant 0 : i32
        %dma_start3A_64 = arith.constant 0 : i32
        %dma_start3A_65 = tpu.memref_slice %arg2[%dma_start3A_63, %dma_start3A_64] : memref<10112x128xf32, #tpu.memory_space<hbm>> -> memref<10112x128xf32, #tpu.memory_space<hbm>>
        tpu.enqueue_indirect_dma source(%dma_start3A_65 : memref<10112x128xf32, #tpu.memory_space<hbm>>) target(%arg10 : memref<80x128xf32, #tpu.memory_space<vmem>>) offsets(%dma_start3A_62 : memref<80xi32, #tpu.memory_space<vmem>>) semaphore(%arg12 : memref<!tpu.dma_semaphore, #tpu.memory_space<semaphore_mem>>)
      } else {
      }
      %add3A_48 = arith.constant 1 : i32
      %add3A_49 = arith.addi %mul3A_30, %add3A_48 : i32
      %dma_wait3A_50 = arith.constant 0 : i32
      %dma_wait3A_51 = tpu.memref_slice %arg8[%add3A_49, %dma_wait3A_50] : memref<64x80xi32, #tpu.memory_space<vmem>> -> memref<1x80xi32, #tpu.memory_space<vmem>>
      %dma_wait3A_52 = tpu.memref_squeeze %dma_wait3A_51 : memref<1x80xi32, #tpu.memory_space<vmem>> -> memref<80xi32, #tpu.memory_space<vmem>>
      %dma_wait3A_53 = arith.constant 0 : i32
      %dma_wait3A_54 = arith.constant 0 : i32
      %dma_wait3A_55 = tpu.memref_slice %arg2[%dma_wait3A_53, %dma_wait3A_54] : memref<10112x128xf32, #tpu.memory_space<hbm>> -> memref<10112x128xf32, #tpu.memory_space<hbm>>
      tpu.wait_indirect_dma semaphore(%arg13 : memref<!tpu.dma_semaphore, #tpu.memory_space<semaphore_mem>>) src(%dma_wait3A_55 : memref<10112x128xf32, #tpu.memory_space<hbm>>) dst(%arg11 : memref<80x128xf32, #tpu.memory_space<vmem>>)
      %add3A_56 = arith.constant 1 : i32
      %add3A_57 = arith.addi %mul3A_30, %add3A_56 : i32
      "tpu.region"() ({
        %run_scoped3A = tpu.sem_alloc : memref<!tpu.dma_semaphore, #tpu.memory_space<semaphore_mem>>
        %dma_start3A_58 = arith.constant 0 : i32
        %dma_start3A_59 = tpu.memref_slice %arg9[%add3A_57, %dma_start3A_58] : memref<64x80xi32, #tpu.memory_space<vmem>> -> memref<1x80xi32, #tpu.memory_space<vmem>>
        %dma_start3A_60 = tpu.memref_squeeze %dma_start3A_59 : memref<1x80xi32, #tpu.memory_space<vmem>> -> memref<80xi32, #tpu.memory_space<vmem>>
        %dma_start3A_61 = arith.constant 0 : i32
        %dma_start3A_62 = arith.constant 0 : i32
        %dma_start3A_63 = tpu.memref_slice %arg7[%dma_start3A_61, %dma_start3A_62] : memref<10112x128xf32, #tpu.memory_space<vmem_shared>> -> memref<10112x128xf32, #tpu.memory_space<vmem_shared>>
        tpu.enqueue_indirect_dma source(%arg11 : memref<80x128xf32, #tpu.memory_space<vmem>>) target(%dma_start3A_63 : memref<10112x128xf32, #tpu.memory_space<vmem_shared>>) offsets(%dma_start3A_60 : memref<80xi32, #tpu.memory_space<vmem>>) semaphore(%run_scoped3A : memref<!tpu.dma_semaphore, #tpu.memory_space<semaphore_mem>>) {add = true}
        %dma_wait3A_64 = arith.constant 0 : i32
        %dma_wait3A_65 = tpu.memref_slice %arg9[%add3A_57, %dma_wait3A_64] : memref<64x80xi32, #tpu.memory_space<vmem>> -> memref<1x80xi32, #tpu.memory_space<vmem>>
        %dma_wait3A_66 = tpu.memref_squeeze %dma_wait3A_65 : memref<1x80xi32, #tpu.memory_space<vmem>> -> memref<80xi32, #tpu.memory_space<vmem>>
        %dma_wait3A_67 = arith.constant 0 : i32
        %dma_wait3A_68 = arith.constant 0 : i32
        %dma_wait3A_69 = tpu.memref_slice %arg7[%dma_wait3A_67, %dma_wait3A_68] : memref<10112x128xf32, #tpu.memory_space<vmem_shared>> -> memref<10112x128xf32, #tpu.memory_space<vmem_shared>>
        tpu.wait_indirect_dma semaphore(%run_scoped3A : memref<!tpu.dma_semaphore, #tpu.memory_space<semaphore_mem>>) src(%arg11 : memref<80x128xf32, #tpu.memory_space<vmem>>) dst(%dma_wait3A_69 : memref<10112x128xf32, #tpu.memory_space<vmem_shared>>)
        tpu.yield
      }) : () -> ()
    }
    %scan3A_26 = arith.constant 32 : i32
    %barrier3A_27 = arith.constant 0 : index
    tpu.barrier barrier_id(%barrier3A_27)
    "tpu.region"() ({
      %run_scoped3A = tpu.sem_alloc : memref<!tpu.dma_semaphore, #tpu.memory_space<semaphore_mem>>
      %dma_start3A_28 = arith.constant 0 : i32
      %dma_start3A_29 = tpu.memref_slice %arg6[%arg0, %multiple_of3A, %dma_start3A_28] : memref<2x10112x128xf32, #tpu.memory_space<hbm>> -> memref<1x632x128xf32, #tpu.memory_space<hbm>>
      %dma_start3A_30 = tpu.memref_squeeze %dma_start3A_29 : memref<1x632x128xf32, #tpu.memory_space<hbm>> -> memref<632x128xf32, #tpu.memory_space<hbm>>
      %dma_start3A_31 = arith.constant 0 : i32
      %dma_start3A_32 = tpu.memref_slice %arg7[%multiple_of3A, %dma_start3A_31] : memref<10112x128xf32, #tpu.memory_space<vmem_shared>> -> memref<632x128xf32, #tpu.memory_space<vmem_shared>>
      tpu.enqueue_dma source(%dma_start3A_32 : memref<632x128xf32, #tpu.memory_space<vmem_shared>>) target(%dma_start3A_30 : memref<632x128xf32, #tpu.memory_space<hbm>>) target_semaphore(%run_scoped3A : memref<!tpu.dma_semaphore, #tpu.memory_space<semaphore_mem>>)
      %dma_wait3A = arith.constant 0 : i32
      %dma_wait3A_33 = tpu.memref_slice %arg6[%arg0, %multiple_of3A, %dma_wait3A] : memref<2x10112x128xf32, #tpu.memory_space<hbm>> -> memref<1x632x128xf32, #tpu.memory_space<hbm>>
      %dma_wait3A_34 = tpu.memref_squeeze %dma_wait3A_33 : memref<1x632x128xf32, #tpu.memory_space<hbm>> -> memref<632x128xf32, #tpu.memory_space<hbm>>
      %dma_wait3A_35 = arith.constant 0 : i32
      %dma_wait3A_36 = tpu.memref_slice %arg7[%multiple_of3A, %dma_wait3A_35] : memref<10112x128xf32, #tpu.memory_space<vmem_shared>> -> memref<632x128xf32, #tpu.memory_space<vmem_shared>>
      tpu.wait_dma2 semaphore(%run_scoped3A : memref<!tpu.dma_semaphore, #tpu.memory_space<semaphore_mem>>) src(%dma_wait3A_36 : memref<632x128xf32, #tpu.memory_space<vmem_shared>>) dst(%dma_wait3A_34 : memref<632x128xf32, #tpu.memory_space<hbm>>)
      tpu.yield
    }) : () -> ()
    return
  }
}

#map = affine_map<(d0, d1) -> (0, 0, 0)>
#map1 = affine_map<(d0, d1) -> (0, 0)>
module attributes {stable_mosaic.version = 14 : i64} {
  func.func @_deg_body(%arg0: i32, %arg1: i32, %arg2: memref<32x128x80xi32, #tpu.memory_space<hbm>>, %arg3: memref<80x128xf32, #tpu.memory_space<hbm>>, %arg4: memref<10112x128xf32, #tpu.memory_space<hbm>>, %arg5: memref<2x10112x128xf32, #tpu.memory_space<hbm>>, %arg6: memref<10112x128xf32, #tpu.memory_space<vmem_shared>>, %arg7: memref<64x80xi32, #tpu.memory_space<vmem>>, %arg8: memref<80x128xf32, #tpu.memory_space<vmem>>) attributes {dimension_semantics = [#tpu.dimension_semantics<core_parallel>, #tpu.dimension_semantics<subcore_parallel>], iteration_bounds = array<i64: 2, 16>, scalar_prefetch = 0 : i64, scratch_operands = 3 : i64, tpu.core_type = #tpu.core_type<sc_vector_subcore>, window_params = [{transform_indices = #map}, {transform_indices = #map1}, {transform_indices = #map1}, {transform_indices = #map}]} {
    %mul3A = arith.constant 16 : i32
    %mul3A_0 = arith.muli %arg0, %mul3A : i32
    %add3A = arith.addi %mul3A_0, %arg1 : i32
    %mul3A_1 = arith.constant 632 : i32
    %mul3A_2 = arith.muli %arg1, %mul3A_1 : i32
    %multiple_of3A = tpu.assume_multiple %mul3A_2, 8 : i32
    "tpu.region"() ({
      %run_scoped3A = tpu.sem_alloc : memref<!tpu.dma_semaphore, #tpu.memory_space<semaphore_mem>>
      %dma_start3A = arith.constant 0 : i32
      %dma_start3A_15 = tpu.memref_slice %arg6[%multiple_of3A, %dma_start3A] : memref<10112x128xf32, #tpu.memory_space<vmem_shared>> -> memref<632x128xf32, #tpu.memory_space<vmem_shared>>
      %dma_start3A_16 = arith.constant 0 : i32
      %dma_start3A_17 = tpu.memref_slice %arg4[%multiple_of3A, %dma_start3A_16] : memref<10112x128xf32, #tpu.memory_space<hbm>> -> memref<632x128xf32, #tpu.memory_space<hbm>>
      tpu.enqueue_dma source(%dma_start3A_17 : memref<632x128xf32, #tpu.memory_space<hbm>>) target(%dma_start3A_15 : memref<632x128xf32, #tpu.memory_space<vmem_shared>>) target_semaphore(%run_scoped3A : memref<!tpu.dma_semaphore, #tpu.memory_space<semaphore_mem>>)
      %dma_wait3A = arith.constant 0 : i32
      %dma_wait3A_18 = tpu.memref_slice %arg6[%multiple_of3A, %dma_wait3A] : memref<10112x128xf32, #tpu.memory_space<vmem_shared>> -> memref<632x128xf32, #tpu.memory_space<vmem_shared>>
      %dma_wait3A_19 = arith.constant 0 : i32
      %dma_wait3A_20 = tpu.memref_slice %arg4[%multiple_of3A, %dma_wait3A_19] : memref<10112x128xf32, #tpu.memory_space<hbm>> -> memref<632x128xf32, #tpu.memory_space<hbm>>
      tpu.wait_dma2 semaphore(%run_scoped3A : memref<!tpu.dma_semaphore, #tpu.memory_space<semaphore_mem>>) src(%dma_wait3A_20 : memref<632x128xf32, #tpu.memory_space<hbm>>) dst(%dma_wait3A_18 : memref<632x128xf32, #tpu.memory_space<vmem_shared>>)
      tpu.yield
    }) : () -> ()
    "tpu.region"() ({
      %run_scoped3A = tpu.sem_alloc : memref<!tpu.dma_semaphore, #tpu.memory_space<semaphore_mem>>
      tpu.enqueue_dma source(%arg3 : memref<80x128xf32, #tpu.memory_space<hbm>>) target(%arg8 : memref<80x128xf32, #tpu.memory_space<vmem>>) target_semaphore(%run_scoped3A : memref<!tpu.dma_semaphore, #tpu.memory_space<semaphore_mem>>)
      tpu.wait_dma2 semaphore(%run_scoped3A : memref<!tpu.dma_semaphore, #tpu.memory_space<semaphore_mem>>) src(%arg3 : memref<80x128xf32, #tpu.memory_space<hbm>>) dst(%arg8 : memref<80x128xf32, #tpu.memory_space<vmem>>)
      tpu.yield
    }) : () -> ()
    %barrier3A = arith.constant 0 : index
    tpu.barrier barrier_id(%barrier3A)
    "tpu.region"() ({
      %run_scoped3A = tpu.sem_alloc : memref<!tpu.dma_semaphore, #tpu.memory_space<semaphore_mem>>
      %dma_start3A = arith.constant 0 : i32
      %dma_start3A_15 = arith.constant 0 : i32
      %dma_start3A_16 = tpu.memref_slice %arg7[%dma_start3A, %dma_start3A_15] : memref<64x80xi32, #tpu.memory_space<vmem>> -> memref<64x80xi32, #tpu.memory_space<vmem>>
      %dma_start3A_17 = arith.constant 0 : i32
      %dma_start3A_18 = arith.constant 0 : i32
      %dma_start3A_19 = tpu.memref_slice %arg2[%add3A, %dma_start3A_17, %dma_start3A_18] : memref<32x128x80xi32, #tpu.memory_space<hbm>> -> memref<1x64x80xi32, #tpu.memory_space<hbm>>
      %dma_start3A_20 = tpu.memref_squeeze %dma_start3A_19 : memref<1x64x80xi32, #tpu.memory_space<hbm>> -> memref<64x80xi32, #tpu.memory_space<hbm>>
      %dma_start3A_21 = arith.constant 0 : i32
      %dma_start3A_22 = arith.constant 0 : i32
      %dma_start3A_23 = tpu.memref_slice %arg7[%dma_start3A_21, %dma_start3A_22] : memref<64x80xi32, #tpu.memory_space<vmem>> -> memref<64x80xi32, #tpu.memory_space<vmem>>
      %dma_start3A_24 = arith.constant 0 : i32
      %dma_start3A_25 = arith.constant 0 : i32
      %dma_start3A_26 = tpu.memref_slice %arg2[%add3A, %dma_start3A_24, %dma_start3A_25] : memref<32x128x80xi32, #tpu.memory_space<hbm>> -> memref<1x64x80xi32, #tpu.memory_space<hbm>>
      %dma_start3A_27 = tpu.memref_squeeze %dma_start3A_26 : memref<1x64x80xi32, #tpu.memory_space<hbm>> -> memref<64x80xi32, #tpu.memory_space<hbm>>
      tpu.enqueue_dma source(%dma_start3A_27 : memref<64x80xi32, #tpu.memory_space<hbm>>) target(%dma_start3A_23 : memref<64x80xi32, #tpu.memory_space<vmem>>) target_semaphore(%run_scoped3A : memref<!tpu.dma_semaphore, #tpu.memory_space<semaphore_mem>>)
      %dma_wait3A = arith.constant 0 : i32
      %dma_wait3A_28 = arith.constant 0 : i32
      %dma_wait3A_29 = tpu.memref_slice %arg7[%dma_wait3A, %dma_wait3A_28] : memref<64x80xi32, #tpu.memory_space<vmem>> -> memref<64x80xi32, #tpu.memory_space<vmem>>
      %dma_wait3A_30 = arith.constant 0 : i32
      %dma_wait3A_31 = arith.constant 0 : i32
      %dma_wait3A_32 = tpu.memref_slice %arg2[%add3A, %dma_wait3A_30, %dma_wait3A_31] : memref<32x128x80xi32, #tpu.memory_space<hbm>> -> memref<1x64x80xi32, #tpu.memory_space<hbm>>
      %dma_wait3A_33 = tpu.memref_squeeze %dma_wait3A_32 : memref<1x64x80xi32, #tpu.memory_space<hbm>> -> memref<64x80xi32, #tpu.memory_space<hbm>>
      %dma_wait3A_34 = arith.constant 0 : i32
      %dma_wait3A_35 = arith.constant 0 : i32
      %dma_wait3A_36 = tpu.memref_slice %arg7[%dma_wait3A_34, %dma_wait3A_35] : memref<64x80xi32, #tpu.memory_space<vmem>> -> memref<64x80xi32, #tpu.memory_space<vmem>>
      %dma_wait3A_37 = arith.constant 0 : i32
      %dma_wait3A_38 = arith.constant 0 : i32
      %dma_wait3A_39 = tpu.memref_slice %arg2[%add3A, %dma_wait3A_37, %dma_wait3A_38] : memref<32x128x80xi32, #tpu.memory_space<hbm>> -> memref<1x64x80xi32, #tpu.memory_space<hbm>>
      %dma_wait3A_40 = tpu.memref_squeeze %dma_wait3A_39 : memref<1x64x80xi32, #tpu.memory_space<hbm>> -> memref<64x80xi32, #tpu.memory_space<hbm>>
      tpu.wait_dma2 semaphore(%run_scoped3A : memref<!tpu.dma_semaphore, #tpu.memory_space<semaphore_mem>>) src(%dma_wait3A_40 : memref<64x80xi32, #tpu.memory_space<hbm>>) dst(%dma_wait3A_36 : memref<64x80xi32, #tpu.memory_space<vmem>>)
      tpu.yield
    }) : () -> ()
    %scan3A = arith.constant 0 : i32
    %scan3A_3 = arith.constant 0 : i32
    %scan3A_4 = arith.constant 64 : i32
    %scan3A_5 = arith.addi %scan3A_3, %scan3A_4 : i32
    %scan3A_6 = arith.constant 1 : i32
    scf.for %scan3A_15 = %scan3A_3 to %scan3A_5 step %scan3A_6  : i32 {
      "tpu.region"() ({
        %run_scoped3A = tpu.sem_alloc : memref<!tpu.dma_semaphore, #tpu.memory_space<semaphore_mem>>
        %dma_start3A = arith.constant 0 : i32
        %dma_start3A_16 = tpu.memref_slice %arg7[%scan3A_15, %dma_start3A] : memref<64x80xi32, #tpu.memory_space<vmem>> -> memref<1x80xi32, #tpu.memory_space<vmem>>
        %dma_start3A_17 = tpu.memref_squeeze %dma_start3A_16 : memref<1x80xi32, #tpu.memory_space<vmem>> -> memref<80xi32, #tpu.memory_space<vmem>>
        %dma_start3A_18 = arith.constant 0 : i32
        %dma_start3A_19 = arith.constant 0 : i32
        %dma_start3A_20 = tpu.memref_slice %arg6[%dma_start3A_18, %dma_start3A_19] : memref<10112x128xf32, #tpu.memory_space<vmem_shared>> -> memref<10112x128xf32, #tpu.memory_space<vmem_shared>>
        tpu.enqueue_indirect_dma source(%arg8 : memref<80x128xf32, #tpu.memory_space<vmem>>) target(%dma_start3A_20 : memref<10112x128xf32, #tpu.memory_space<vmem_shared>>) offsets(%dma_start3A_17 : memref<80xi32, #tpu.memory_space<vmem>>) semaphore(%run_scoped3A : memref<!tpu.dma_semaphore, #tpu.memory_space<semaphore_mem>>) {add = true}
        %dma_wait3A = arith.constant 0 : i32
        %dma_wait3A_21 = tpu.memref_slice %arg7[%scan3A_15, %dma_wait3A] : memref<64x80xi32, #tpu.memory_space<vmem>> -> memref<1x80xi32, #tpu.memory_space<vmem>>
        %dma_wait3A_22 = tpu.memref_squeeze %dma_wait3A_21 : memref<1x80xi32, #tpu.memory_space<vmem>> -> memref<80xi32, #tpu.memory_space<vmem>>
        %dma_wait3A_23 = arith.constant 0 : i32
        %dma_wait3A_24 = arith.constant 0 : i32
        %dma_wait3A_25 = tpu.memref_slice %arg6[%dma_wait3A_23, %dma_wait3A_24] : memref<10112x128xf32, #tpu.memory_space<vmem_shared>> -> memref<10112x128xf32, #tpu.memory_space<vmem_shared>>
        tpu.wait_indirect_dma semaphore(%run_scoped3A : memref<!tpu.dma_semaphore, #tpu.memory_space<semaphore_mem>>) src(%arg8 : memref<80x128xf32, #tpu.memory_space<vmem>>) dst(%dma_wait3A_25 : memref<10112x128xf32, #tpu.memory_space<vmem_shared>>)
        tpu.yield
      }) : () -> ()
    }
    %scan3A_7 = arith.constant 64 : i32
    "tpu.region"() ({
      %run_scoped3A = tpu.sem_alloc : memref<!tpu.dma_semaphore, #tpu.memory_space<semaphore_mem>>
      %dma_start3A = arith.constant 0 : i32
      %dma_start3A_15 = arith.constant 0 : i32
      %dma_start3A_16 = tpu.memref_slice %arg7[%dma_start3A, %dma_start3A_15] : memref<64x80xi32, #tpu.memory_space<vmem>> -> memref<64x80xi32, #tpu.memory_space<vmem>>
      %dma_start3A_17 = arith.constant 64 : i32
      %dma_start3A_18 = arith.constant 0 : i32
      %dma_start3A_19 = tpu.memref_slice %arg2[%add3A, %dma_start3A_17, %dma_start3A_18] : memref<32x128x80xi32, #tpu.memory_space<hbm>> -> memref<1x64x80xi32, #tpu.memory_space<hbm>>
      %dma_start3A_20 = tpu.memref_squeeze %dma_start3A_19 : memref<1x64x80xi32, #tpu.memory_space<hbm>> -> memref<64x80xi32, #tpu.memory_space<hbm>>
      %dma_start3A_21 = arith.constant 0 : i32
      %dma_start3A_22 = arith.constant 0 : i32
      %dma_start3A_23 = tpu.memref_slice %arg7[%dma_start3A_21, %dma_start3A_22] : memref<64x80xi32, #tpu.memory_space<vmem>> -> memref<64x80xi32, #tpu.memory_space<vmem>>
      %dma_start3A_24 = arith.constant 64 : i32
      %dma_start3A_25 = arith.constant 0 : i32
      %dma_start3A_26 = tpu.memref_slice %arg2[%add3A, %dma_start3A_24, %dma_start3A_25] : memref<32x128x80xi32, #tpu.memory_space<hbm>> -> memref<1x64x80xi32, #tpu.memory_space<hbm>>
      %dma_start3A_27 = tpu.memref_squeeze %dma_start3A_26 : memref<1x64x80xi32, #tpu.memory_space<hbm>> -> memref<64x80xi32, #tpu.memory_space<hbm>>
      tpu.enqueue_dma source(%dma_start3A_27 : memref<64x80xi32, #tpu.memory_space<hbm>>) target(%dma_start3A_23 : memref<64x80xi32, #tpu.memory_space<vmem>>) target_semaphore(%run_scoped3A : memref<!tpu.dma_semaphore, #tpu.memory_space<semaphore_mem>>)
      %dma_wait3A = arith.constant 0 : i32
      %dma_wait3A_28 = arith.constant 0 : i32
      %dma_wait3A_29 = tpu.memref_slice %arg7[%dma_wait3A, %dma_wait3A_28] : memref<64x80xi32, #tpu.memory_space<vmem>> -> memref<64x80xi32, #tpu.memory_space<vmem>>
      %dma_wait3A_30 = arith.constant 64 : i32
      %dma_wait3A_31 = arith.constant 0 : i32
      %dma_wait3A_32 = tpu.memref_slice %arg2[%add3A, %dma_wait3A_30, %dma_wait3A_31] : memref<32x128x80xi32, #tpu.memory_space<hbm>> -> memref<1x64x80xi32, #tpu.memory_space<hbm>>
      %dma_wait3A_33 = tpu.memref_squeeze %dma_wait3A_32 : memref<1x64x80xi32, #tpu.memory_space<hbm>> -> memref<64x80xi32, #tpu.memory_space<hbm>>
      %dma_wait3A_34 = arith.constant 0 : i32
      %dma_wait3A_35 = arith.constant 0 : i32
      %dma_wait3A_36 = tpu.memref_slice %arg7[%dma_wait3A_34, %dma_wait3A_35] : memref<64x80xi32, #tpu.memory_space<vmem>> -> memref<64x80xi32, #tpu.memory_space<vmem>>
      %dma_wait3A_37 = arith.constant 64 : i32
      %dma_wait3A_38 = arith.constant 0 : i32
      %dma_wait3A_39 = tpu.memref_slice %arg2[%add3A, %dma_wait3A_37, %dma_wait3A_38] : memref<32x128x80xi32, #tpu.memory_space<hbm>> -> memref<1x64x80xi32, #tpu.memory_space<hbm>>
      %dma_wait3A_40 = tpu.memref_squeeze %dma_wait3A_39 : memref<1x64x80xi32, #tpu.memory_space<hbm>> -> memref<64x80xi32, #tpu.memory_space<hbm>>
      tpu.wait_dma2 semaphore(%run_scoped3A : memref<!tpu.dma_semaphore, #tpu.memory_space<semaphore_mem>>) src(%dma_wait3A_40 : memref<64x80xi32, #tpu.memory_space<hbm>>) dst(%dma_wait3A_36 : memref<64x80xi32, #tpu.memory_space<vmem>>)
      tpu.yield
    }) : () -> ()
    %scan3A_8 = arith.constant 0 : i32
    %scan3A_9 = arith.constant 0 : i32
    %scan3A_10 = arith.constant 64 : i32
    %scan3A_11 = arith.addi %scan3A_9, %scan3A_10 : i32
    %scan3A_12 = arith.constant 1 : i32
    scf.for %scan3A_15 = %scan3A_9 to %scan3A_11 step %scan3A_12  : i32 {
      "tpu.region"() ({
        %run_scoped3A = tpu.sem_alloc : memref<!tpu.dma_semaphore, #tpu.memory_space<semaphore_mem>>
        %dma_start3A = arith.constant 0 : i32
        %dma_start3A_16 = tpu.memref_slice %arg7[%scan3A_15, %dma_start3A] : memref<64x80xi32, #tpu.memory_space<vmem>> -> memref<1x80xi32, #tpu.memory_space<vmem>>
        %dma_start3A_17 = tpu.memref_squeeze %dma_start3A_16 : memref<1x80xi32, #tpu.memory_space<vmem>> -> memref<80xi32, #tpu.memory_space<vmem>>
        %dma_start3A_18 = arith.constant 0 : i32
        %dma_start3A_19 = arith.constant 0 : i32
        %dma_start3A_20 = tpu.memref_slice %arg6[%dma_start3A_18, %dma_start3A_19] : memref<10112x128xf32, #tpu.memory_space<vmem_shared>> -> memref<10112x128xf32, #tpu.memory_space<vmem_shared>>
        tpu.enqueue_indirect_dma source(%arg8 : memref<80x128xf32, #tpu.memory_space<vmem>>) target(%dma_start3A_20 : memref<10112x128xf32, #tpu.memory_space<vmem_shared>>) offsets(%dma_start3A_17 : memref<80xi32, #tpu.memory_space<vmem>>) semaphore(%run_scoped3A : memref<!tpu.dma_semaphore, #tpu.memory_space<semaphore_mem>>) {add = true}
        %dma_wait3A = arith.constant 0 : i32
        %dma_wait3A_21 = tpu.memref_slice %arg7[%scan3A_15, %dma_wait3A] : memref<64x80xi32, #tpu.memory_space<vmem>> -> memref<1x80xi32, #tpu.memory_space<vmem>>
        %dma_wait3A_22 = tpu.memref_squeeze %dma_wait3A_21 : memref<1x80xi32, #tpu.memory_space<vmem>> -> memref<80xi32, #tpu.memory_space<vmem>>
        %dma_wait3A_23 = arith.constant 0 : i32
        %dma_wait3A_24 = arith.constant 0 : i32
        %dma_wait3A_25 = tpu.memref_slice %arg6[%dma_wait3A_23, %dma_wait3A_24] : memref<10112x128xf32, #tpu.memory_space<vmem_shared>> -> memref<10112x128xf32, #tpu.memory_space<vmem_shared>>
        tpu.wait_indirect_dma semaphore(%run_scoped3A : memref<!tpu.dma_semaphore, #tpu.memory_space<semaphore_mem>>) src(%arg8 : memref<80x128xf32, #tpu.memory_space<vmem>>) dst(%dma_wait3A_25 : memref<10112x128xf32, #tpu.memory_space<vmem_shared>>)
        tpu.yield
      }) : () -> ()
    }
    %scan3A_13 = arith.constant 64 : i32
    %barrier3A_14 = arith.constant 0 : index
    tpu.barrier barrier_id(%barrier3A_14)
    "tpu.region"() ({
      %run_scoped3A = tpu.sem_alloc : memref<!tpu.dma_semaphore, #tpu.memory_space<semaphore_mem>>
      %dma_start3A = arith.constant 0 : i32
      %dma_start3A_15 = tpu.memref_slice %arg5[%arg0, %multiple_of3A, %dma_start3A] : memref<2x10112x128xf32, #tpu.memory_space<hbm>> -> memref<1x632x128xf32, #tpu.memory_space<hbm>>
      %dma_start3A_16 = tpu.memref_squeeze %dma_start3A_15 : memref<1x632x128xf32, #tpu.memory_space<hbm>> -> memref<632x128xf32, #tpu.memory_space<hbm>>
      %dma_start3A_17 = arith.constant 0 : i32
      %dma_start3A_18 = tpu.memref_slice %arg6[%multiple_of3A, %dma_start3A_17] : memref<10112x128xf32, #tpu.memory_space<vmem_shared>> -> memref<632x128xf32, #tpu.memory_space<vmem_shared>>
      tpu.enqueue_dma source(%dma_start3A_18 : memref<632x128xf32, #tpu.memory_space<vmem_shared>>) target(%dma_start3A_16 : memref<632x128xf32, #tpu.memory_space<hbm>>) target_semaphore(%run_scoped3A : memref<!tpu.dma_semaphore, #tpu.memory_space<semaphore_mem>>)
      %dma_wait3A = arith.constant 0 : i32
      %dma_wait3A_19 = tpu.memref_slice %arg5[%arg0, %multiple_of3A, %dma_wait3A] : memref<2x10112x128xf32, #tpu.memory_space<hbm>> -> memref<1x632x128xf32, #tpu.memory_space<hbm>>
      %dma_wait3A_20 = tpu.memref_squeeze %dma_wait3A_19 : memref<1x632x128xf32, #tpu.memory_space<hbm>> -> memref<632x128xf32, #tpu.memory_space<hbm>>
      %dma_wait3A_21 = arith.constant 0 : i32
      %dma_wait3A_22 = tpu.memref_slice %arg6[%multiple_of3A, %dma_wait3A_21] : memref<10112x128xf32, #tpu.memory_space<vmem_shared>> -> memref<632x128xf32, #tpu.memory_space<vmem_shared>>
      tpu.wait_dma2 semaphore(%run_scoped3A : memref<!tpu.dma_semaphore, #tpu.memory_space<semaphore_mem>>) src(%dma_wait3A_22 : memref<632x128xf32, #tpu.memory_space<vmem_shared>>) dst(%dma_wait3A_20 : memref<632x128xf32, #tpu.memory_space<hbm>>)
      tpu.yield
    }) : () -> ()
    return
  }
}

#map = affine_map<(d0, d1) -> (0, 0)>
#map1 = affine_map<(d0, d1) -> (0, 0, 0)>
module attributes {stable_mosaic.version = 14 : i64} {
  func.func @_spmm_body(%arg0: i32, %arg1: i32, %arg2: memref<10112x128xf32, #tpu.memory_space<hbm>>, %arg3: memref<32x128x80xi32, #tpu.memory_space<hbm>>, %arg4: memref<32x128x80xi32, #tpu.memory_space<hbm>>, %arg5: memref<10112x128xf32, #tpu.memory_space<hbm>>, %arg6: memref<2x10112x128xf32, #tpu.memory_space<hbm>>, %arg7: memref<10112x128xf32, #tpu.memory_space<vmem_shared>>, %arg8: memref<64x80xi32, #tpu.memory_space<vmem>>, %arg9: memref<64x80xi32, #tpu.memory_space<vmem>>, %arg10: memref<80x128xf32, #tpu.memory_space<vmem>>, %arg11: memref<80x128xf32, #tpu.memory_space<vmem>>, %arg12: memref<!tpu.dma_semaphore, #tpu.memory_space<semaphore_mem>>, %arg13: memref<!tpu.dma_semaphore, #tpu.memory_space<semaphore_mem>>) attributes {dimension_semantics = [#tpu.dimension_semantics<core_parallel>, #tpu.dimension_semantics<subcore_parallel>], iteration_bounds = array<i64: 2, 16>, scalar_prefetch = 0 : i64, scratch_operands = 7 : i64, tpu.core_type = #tpu.core_type<sc_vector_subcore>, window_params = [{transform_indices = #map}, {transform_indices = #map1}, {transform_indices = #map1}, {transform_indices = #map}, {transform_indices = #map1}]} {
    %mul3A = arith.constant 16 : i32
    %mul3A_0 = arith.muli %arg0, %mul3A : i32
    %add3A = arith.addi %mul3A_0, %arg1 : i32
    %mul3A_1 = arith.constant 632 : i32
    %mul3A_2 = arith.muli %arg1, %mul3A_1 : i32
    %multiple_of3A = tpu.assume_multiple %mul3A_2, 8 : i32
    "tpu.region"() ({
      %run_scoped3A = tpu.sem_alloc : memref<!tpu.dma_semaphore, #tpu.memory_space<semaphore_mem>>
      %dma_start3A_28 = arith.constant 0 : i32
      %dma_start3A_29 = tpu.memref_slice %arg7[%multiple_of3A, %dma_start3A_28] : memref<10112x128xf32, #tpu.memory_space<vmem_shared>> -> memref<632x128xf32, #tpu.memory_space<vmem_shared>>
      %dma_start3A_30 = arith.constant 0 : i32
      %dma_start3A_31 = tpu.memref_slice %arg5[%multiple_of3A, %dma_start3A_30] : memref<10112x128xf32, #tpu.memory_space<hbm>> -> memref<632x128xf32, #tpu.memory_space<hbm>>
      tpu.enqueue_dma source(%dma_start3A_31 : memref<632x128xf32, #tpu.memory_space<hbm>>) target(%dma_start3A_29 : memref<632x128xf32, #tpu.memory_space<vmem_shared>>) target_semaphore(%run_scoped3A : memref<!tpu.dma_semaphore, #tpu.memory_space<semaphore_mem>>)
      %dma_wait3A = arith.constant 0 : i32
      %dma_wait3A_32 = tpu.memref_slice %arg7[%multiple_of3A, %dma_wait3A] : memref<10112x128xf32, #tpu.memory_space<vmem_shared>> -> memref<632x128xf32, #tpu.memory_space<vmem_shared>>
      %dma_wait3A_33 = arith.constant 0 : i32
      %dma_wait3A_34 = tpu.memref_slice %arg5[%multiple_of3A, %dma_wait3A_33] : memref<10112x128xf32, #tpu.memory_space<hbm>> -> memref<632x128xf32, #tpu.memory_space<hbm>>
      tpu.wait_dma2 semaphore(%run_scoped3A : memref<!tpu.dma_semaphore, #tpu.memory_space<semaphore_mem>>) src(%dma_wait3A_34 : memref<632x128xf32, #tpu.memory_space<hbm>>) dst(%dma_wait3A_32 : memref<632x128xf32, #tpu.memory_space<vmem_shared>>)
      tpu.yield
    }) : () -> ()
    %barrier3A = arith.constant 0 : index
    tpu.barrier barrier_id(%barrier3A)
    "tpu.region"() ({
      %run_scoped3A = tpu.sem_alloc : memref<!tpu.dma_semaphore, #tpu.memory_space<semaphore_mem>>
      %dma_start3A_28 = arith.constant 0 : i32
      %dma_start3A_29 = arith.constant 0 : i32
      %dma_start3A_30 = tpu.memref_slice %arg8[%dma_start3A_28, %dma_start3A_29] : memref<64x80xi32, #tpu.memory_space<vmem>> -> memref<64x80xi32, #tpu.memory_space<vmem>>
      %dma_start3A_31 = arith.constant 0 : i32
      %dma_start3A_32 = arith.constant 0 : i32
      %dma_start3A_33 = tpu.memref_slice %arg3[%add3A, %dma_start3A_31, %dma_start3A_32] : memref<32x128x80xi32, #tpu.memory_space<hbm>> -> memref<1x64x80xi32, #tpu.memory_space<hbm>>
      %dma_start3A_34 = tpu.memref_squeeze %dma_start3A_33 : memref<1x64x80xi32, #tpu.memory_space<hbm>> -> memref<64x80xi32, #tpu.memory_space<hbm>>
      %dma_start3A_35 = arith.constant 0 : i32
      %dma_start3A_36 = arith.constant 0 : i32
      %dma_start3A_37 = tpu.memref_slice %arg8[%dma_start3A_35, %dma_start3A_36] : memref<64x80xi32, #tpu.memory_space<vmem>> -> memref<64x80xi32, #tpu.memory_space<vmem>>
      %dma_start3A_38 = arith.constant 0 : i32
      %dma_start3A_39 = arith.constant 0 : i32
      %dma_start3A_40 = tpu.memref_slice %arg3[%add3A, %dma_start3A_38, %dma_start3A_39] : memref<32x128x80xi32, #tpu.memory_space<hbm>> -> memref<1x64x80xi32, #tpu.memory_space<hbm>>
      %dma_start3A_41 = tpu.memref_squeeze %dma_start3A_40 : memref<1x64x80xi32, #tpu.memory_space<hbm>> -> memref<64x80xi32, #tpu.memory_space<hbm>>
      tpu.enqueue_dma source(%dma_start3A_41 : memref<64x80xi32, #tpu.memory_space<hbm>>) target(%dma_start3A_37 : memref<64x80xi32, #tpu.memory_space<vmem>>) target_semaphore(%run_scoped3A : memref<!tpu.dma_semaphore, #tpu.memory_space<semaphore_mem>>)
      %dma_wait3A = arith.constant 0 : i32
      %dma_wait3A_42 = arith.constant 0 : i32
      %dma_wait3A_43 = tpu.memref_slice %arg8[%dma_wait3A, %dma_wait3A_42] : memref<64x80xi32, #tpu.memory_space<vmem>> -> memref<64x80xi32, #tpu.memory_space<vmem>>
      %dma_wait3A_44 = arith.constant 0 : i32
      %dma_wait3A_45 = arith.constant 0 : i32
      %dma_wait3A_46 = tpu.memref_slice %arg3[%add3A, %dma_wait3A_44, %dma_wait3A_45] : memref<32x128x80xi32, #tpu.memory_space<hbm>> -> memref<1x64x80xi32, #tpu.memory_space<hbm>>
      %dma_wait3A_47 = tpu.memref_squeeze %dma_wait3A_46 : memref<1x64x80xi32, #tpu.memory_space<hbm>> -> memref<64x80xi32, #tpu.memory_space<hbm>>
      %dma_wait3A_48 = arith.constant 0 : i32
      %dma_wait3A_49 = arith.constant 0 : i32
      %dma_wait3A_50 = tpu.memref_slice %arg8[%dma_wait3A_48, %dma_wait3A_49] : memref<64x80xi32, #tpu.memory_space<vmem>> -> memref<64x80xi32, #tpu.memory_space<vmem>>
      %dma_wait3A_51 = arith.constant 0 : i32
      %dma_wait3A_52 = arith.constant 0 : i32
      %dma_wait3A_53 = tpu.memref_slice %arg3[%add3A, %dma_wait3A_51, %dma_wait3A_52] : memref<32x128x80xi32, #tpu.memory_space<hbm>> -> memref<1x64x80xi32, #tpu.memory_space<hbm>>
      %dma_wait3A_54 = tpu.memref_squeeze %dma_wait3A_53 : memref<1x64x80xi32, #tpu.memory_space<hbm>> -> memref<64x80xi32, #tpu.memory_space<hbm>>
      tpu.wait_dma2 semaphore(%run_scoped3A : memref<!tpu.dma_semaphore, #tpu.memory_space<semaphore_mem>>) src(%dma_wait3A_54 : memref<64x80xi32, #tpu.memory_space<hbm>>) dst(%dma_wait3A_50 : memref<64x80xi32, #tpu.memory_space<vmem>>)
      tpu.yield
    }) : () -> ()
    "tpu.region"() ({
      %run_scoped3A = tpu.sem_alloc : memref<!tpu.dma_semaphore, #tpu.memory_space<semaphore_mem>>
      %dma_start3A_28 = arith.constant 0 : i32
      %dma_start3A_29 = arith.constant 0 : i32
      %dma_start3A_30 = tpu.memref_slice %arg9[%dma_start3A_28, %dma_start3A_29] : memref<64x80xi32, #tpu.memory_space<vmem>> -> memref<64x80xi32, #tpu.memory_space<vmem>>
      %dma_start3A_31 = arith.constant 0 : i32
      %dma_start3A_32 = arith.constant 0 : i32
      %dma_start3A_33 = tpu.memref_slice %arg4[%add3A, %dma_start3A_31, %dma_start3A_32] : memref<32x128x80xi32, #tpu.memory_space<hbm>> -> memref<1x64x80xi32, #tpu.memory_space<hbm>>
      %dma_start3A_34 = tpu.memref_squeeze %dma_start3A_33 : memref<1x64x80xi32, #tpu.memory_space<hbm>> -> memref<64x80xi32, #tpu.memory_space<hbm>>
      %dma_start3A_35 = arith.constant 0 : i32
      %dma_start3A_36 = arith.constant 0 : i32
      %dma_start3A_37 = tpu.memref_slice %arg9[%dma_start3A_35, %dma_start3A_36] : memref<64x80xi32, #tpu.memory_space<vmem>> -> memref<64x80xi32, #tpu.memory_space<vmem>>
      %dma_start3A_38 = arith.constant 0 : i32
      %dma_start3A_39 = arith.constant 0 : i32
      %dma_start3A_40 = tpu.memref_slice %arg4[%add3A, %dma_start3A_38, %dma_start3A_39] : memref<32x128x80xi32, #tpu.memory_space<hbm>> -> memref<1x64x80xi32, #tpu.memory_space<hbm>>
      %dma_start3A_41 = tpu.memref_squeeze %dma_start3A_40 : memref<1x64x80xi32, #tpu.memory_space<hbm>> -> memref<64x80xi32, #tpu.memory_space<hbm>>
      tpu.enqueue_dma source(%dma_start3A_41 : memref<64x80xi32, #tpu.memory_space<hbm>>) target(%dma_start3A_37 : memref<64x80xi32, #tpu.memory_space<vmem>>) target_semaphore(%run_scoped3A : memref<!tpu.dma_semaphore, #tpu.memory_space<semaphore_mem>>)
      %dma_wait3A = arith.constant 0 : i32
      %dma_wait3A_42 = arith.constant 0 : i32
      %dma_wait3A_43 = tpu.memref_slice %arg9[%dma_wait3A, %dma_wait3A_42] : memref<64x80xi32, #tpu.memory_space<vmem>> -> memref<64x80xi32, #tpu.memory_space<vmem>>
      %dma_wait3A_44 = arith.constant 0 : i32
      %dma_wait3A_45 = arith.constant 0 : i32
      %dma_wait3A_46 = tpu.memref_slice %arg4[%add3A, %dma_wait3A_44, %dma_wait3A_45] : memref<32x128x80xi32, #tpu.memory_space<hbm>> -> memref<1x64x80xi32, #tpu.memory_space<hbm>>
      %dma_wait3A_47 = tpu.memref_squeeze %dma_wait3A_46 : memref<1x64x80xi32, #tpu.memory_space<hbm>> -> memref<64x80xi32, #tpu.memory_space<hbm>>
      %dma_wait3A_48 = arith.constant 0 : i32
      %dma_wait3A_49 = arith.constant 0 : i32
      %dma_wait3A_50 = tpu.memref_slice %arg9[%dma_wait3A_48, %dma_wait3A_49] : memref<64x80xi32, #tpu.memory_space<vmem>> -> memref<64x80xi32, #tpu.memory_space<vmem>>
      %dma_wait3A_51 = arith.constant 0 : i32
      %dma_wait3A_52 = arith.constant 0 : i32
      %dma_wait3A_53 = tpu.memref_slice %arg4[%add3A, %dma_wait3A_51, %dma_wait3A_52] : memref<32x128x80xi32, #tpu.memory_space<hbm>> -> memref<1x64x80xi32, #tpu.memory_space<hbm>>
      %dma_wait3A_54 = tpu.memref_squeeze %dma_wait3A_53 : memref<1x64x80xi32, #tpu.memory_space<hbm>> -> memref<64x80xi32, #tpu.memory_space<hbm>>
      tpu.wait_dma2 semaphore(%run_scoped3A : memref<!tpu.dma_semaphore, #tpu.memory_space<semaphore_mem>>) src(%dma_wait3A_54 : memref<64x80xi32, #tpu.memory_space<hbm>>) dst(%dma_wait3A_50 : memref<64x80xi32, #tpu.memory_space<vmem>>)
      tpu.yield
    }) : () -> ()
    %dma_start3A = arith.constant 0 : i32
    %dma_start3A_3 = arith.constant 0 : i32
    %dma_start3A_4 = tpu.memref_slice %arg8[%dma_start3A, %dma_start3A_3] : memref<64x80xi32, #tpu.memory_space<vmem>> -> memref<1x80xi32, #tpu.memory_space<vmem>>
    %dma_start3A_5 = tpu.memref_squeeze %dma_start3A_4 : memref<1x80xi32, #tpu.memory_space<vmem>> -> memref<80xi32, #tpu.memory_space<vmem>>
    %dma_start3A_6 = arith.constant 0 : i32
    %dma_start3A_7 = arith.constant 0 : i32
    %dma_start3A_8 = tpu.memref_slice %arg2[%dma_start3A_6, %dma_start3A_7] : memref<10112x128xf32, #tpu.memory_space<hbm>> -> memref<10112x128xf32, #tpu.memory_space<hbm>>
    tpu.enqueue_indirect_dma source(%dma_start3A_8 : memref<10112x128xf32, #tpu.memory_space<hbm>>) target(%arg10 : memref<80x128xf32, #tpu.memory_space<vmem>>) offsets(%dma_start3A_5 : memref<80xi32, #tpu.memory_space<vmem>>) semaphore(%arg12 : memref<!tpu.dma_semaphore, #tpu.memory_space<semaphore_mem>>)
    %scan3A = arith.constant 0 : i32
    %scan3A_9 = arith.constant 0 : i32
    %scan3A_10 = arith.constant 32 : i32
    %scan3A_11 = arith.addi %scan3A_9, %scan3A_10 : i32
    %scan3A_12 = arith.constant 1 : i32
    scf.for %scan3A_28 = %scan3A_9 to %scan3A_11 step %scan3A_12  : i32 {
      %mul3A_29 = arith.constant 2 : i32
      %mul3A_30 = arith.muli %mul3A_29, %scan3A_28 : i32
      %add3A_31 = arith.constant 1 : i32
      %add3A_32 = arith.addi %mul3A_30, %add3A_31 : i32
      %dma_start3A_33 = arith.constant 0 : i32
      %dma_start3A_34 = tpu.memref_slice %arg8[%add3A_32, %dma_start3A_33] : memref<64x80xi32, #tpu.memory_space<vmem>> -> memref<1x80xi32, #tpu.memory_space<vmem>>
      %dma_start3A_35 = tpu.memref_squeeze %dma_start3A_34 : memref<1x80xi32, #tpu.memory_space<vmem>> -> memref<80xi32, #tpu.memory_space<vmem>>
      %dma_start3A_36 = arith.constant 0 : i32
      %dma_start3A_37 = arith.constant 0 : i32
      %dma_start3A_38 = tpu.memref_slice %arg2[%dma_start3A_36, %dma_start3A_37] : memref<10112x128xf32, #tpu.memory_space<hbm>> -> memref<10112x128xf32, #tpu.memory_space<hbm>>
      tpu.enqueue_indirect_dma source(%dma_start3A_38 : memref<10112x128xf32, #tpu.memory_space<hbm>>) target(%arg11 : memref<80x128xf32, #tpu.memory_space<vmem>>) offsets(%dma_start3A_35 : memref<80xi32, #tpu.memory_space<vmem>>) semaphore(%arg13 : memref<!tpu.dma_semaphore, #tpu.memory_space<semaphore_mem>>)
      %dma_wait3A = arith.constant 0 : i32
      %dma_wait3A_39 = tpu.memref_slice %arg8[%mul3A_30, %dma_wait3A] : memref<64x80xi32, #tpu.memory_space<vmem>> -> memref<1x80xi32, #tpu.memory_space<vmem>>
      %dma_wait3A_40 = tpu.memref_squeeze %dma_wait3A_39 : memref<1x80xi32, #tpu.memory_space<vmem>> -> memref<80xi32, #tpu.memory_space<vmem>>
      %dma_wait3A_41 = arith.constant 0 : i32
      %dma_wait3A_42 = arith.constant 0 : i32
      %dma_wait3A_43 = tpu.memref_slice %arg2[%dma_wait3A_41, %dma_wait3A_42] : memref<10112x128xf32, #tpu.memory_space<hbm>> -> memref<10112x128xf32, #tpu.memory_space<hbm>>
      tpu.wait_indirect_dma semaphore(%arg12 : memref<!tpu.dma_semaphore, #tpu.memory_space<semaphore_mem>>) src(%dma_wait3A_43 : memref<10112x128xf32, #tpu.memory_space<hbm>>) dst(%arg10 : memref<80x128xf32, #tpu.memory_space<vmem>>)
      "tpu.region"() ({
        %run_scoped3A = tpu.sem_alloc : memref<!tpu.dma_semaphore, #tpu.memory_space<semaphore_mem>>
        %dma_start3A_58 = arith.constant 0 : i32
        %dma_start3A_59 = tpu.memref_slice %arg9[%mul3A_30, %dma_start3A_58] : memref<64x80xi32, #tpu.memory_space<vmem>> -> memref<1x80xi32, #tpu.memory_space<vmem>>
        %dma_start3A_60 = tpu.memref_squeeze %dma_start3A_59 : memref<1x80xi32, #tpu.memory_space<vmem>> -> memref<80xi32, #tpu.memory_space<vmem>>
        %dma_start3A_61 = arith.constant 0 : i32
        %dma_start3A_62 = arith.constant 0 : i32
        %dma_start3A_63 = tpu.memref_slice %arg7[%dma_start3A_61, %dma_start3A_62] : memref<10112x128xf32, #tpu.memory_space<vmem_shared>> -> memref<10112x128xf32, #tpu.memory_space<vmem_shared>>
        tpu.enqueue_indirect_dma source(%arg10 : memref<80x128xf32, #tpu.memory_space<vmem>>) target(%dma_start3A_63 : memref<10112x128xf32, #tpu.memory_space<vmem_shared>>) offsets(%dma_start3A_60 : memref<80xi32, #tpu.memory_space<vmem>>) semaphore(%run_scoped3A : memref<!tpu.dma_semaphore, #tpu.memory_space<semaphore_mem>>) {add = true}
        %dma_wait3A_64 = arith.constant 0 : i32
        %dma_wait3A_65 = tpu.memref_slice %arg9[%mul3A_30, %dma_wait3A_64] : memref<64x80xi32, #tpu.memory_space<vmem>> -> memref<1x80xi32, #tpu.memory_space<vmem>>
        %dma_wait3A_66 = tpu.memref_squeeze %dma_wait3A_65 : memref<1x80xi32, #tpu.memory_space<vmem>> -> memref<80xi32, #tpu.memory_space<vmem>>
        %dma_wait3A_67 = arith.constant 0 : i32
        %dma_wait3A_68 = arith.constant 0 : i32
        %dma_wait3A_69 = tpu.memref_slice %arg7[%dma_wait3A_67, %dma_wait3A_68] : memref<10112x128xf32, #tpu.memory_space<vmem_shared>> -> memref<10112x128xf32, #tpu.memory_space<vmem_shared>>
        tpu.wait_indirect_dma semaphore(%run_scoped3A : memref<!tpu.dma_semaphore, #tpu.memory_space<semaphore_mem>>) src(%arg10 : memref<80x128xf32, #tpu.memory_space<vmem>>) dst(%dma_wait3A_69 : memref<10112x128xf32, #tpu.memory_space<vmem_shared>>)
        tpu.yield
      }) : () -> ()
      %add3A_44 = arith.constant 2 : i32
      %add3A_45 = arith.addi %mul3A_30, %add3A_44 : i32
      %lt3A = arith.constant 64 : i32
      %lt3A_46 = arith.cmpi slt, %add3A_45, %lt3A : i32
      %convert_element_type3A = arith.extui %lt3A_46 : i1 to i32
      %cond3A = arith.constant 0 : i32
      %cond3A_47 = arith.cmpi ne, %convert_element_type3A, %cond3A : i32
      scf.if %cond3A_47 {
        %add3A_58 = arith.constant 2 : i32
        %add3A_59 = arith.addi %mul3A_30, %add3A_58 : i32
        %dma_start3A_60 = arith.constant 0 : i32
        %dma_start3A_61 = tpu.memref_slice %arg8[%add3A_59, %dma_start3A_60] : memref<64x80xi32, #tpu.memory_space<vmem>> -> memref<1x80xi32, #tpu.memory_space<vmem>>
        %dma_start3A_62 = tpu.memref_squeeze %dma_start3A_61 : memref<1x80xi32, #tpu.memory_space<vmem>> -> memref<80xi32, #tpu.memory_space<vmem>>
        %dma_start3A_63 = arith.constant 0 : i32
        %dma_start3A_64 = arith.constant 0 : i32
        %dma_start3A_65 = tpu.memref_slice %arg2[%dma_start3A_63, %dma_start3A_64] : memref<10112x128xf32, #tpu.memory_space<hbm>> -> memref<10112x128xf32, #tpu.memory_space<hbm>>
        tpu.enqueue_indirect_dma source(%dma_start3A_65 : memref<10112x128xf32, #tpu.memory_space<hbm>>) target(%arg10 : memref<80x128xf32, #tpu.memory_space<vmem>>) offsets(%dma_start3A_62 : memref<80xi32, #tpu.memory_space<vmem>>) semaphore(%arg12 : memref<!tpu.dma_semaphore, #tpu.memory_space<semaphore_mem>>)
      } else {
      }
      %add3A_48 = arith.constant 1 : i32
      %add3A_49 = arith.addi %mul3A_30, %add3A_48 : i32
      %dma_wait3A_50 = arith.constant 0 : i32
      %dma_wait3A_51 = tpu.memref_slice %arg8[%add3A_49, %dma_wait3A_50] : memref<64x80xi32, #tpu.memory_space<vmem>> -> memref<1x80xi32, #tpu.memory_space<vmem>>
      %dma_wait3A_52 = tpu.memref_squeeze %dma_wait3A_51 : memref<1x80xi32, #tpu.memory_space<vmem>> -> memref<80xi32, #tpu.memory_space<vmem>>
      %dma_wait3A_53 = arith.constant 0 : i32
      %dma_wait3A_54 = arith.constant 0 : i32
      %dma_wait3A_55 = tpu.memref_slice %arg2[%dma_wait3A_53, %dma_wait3A_54] : memref<10112x128xf32, #tpu.memory_space<hbm>> -> memref<10112x128xf32, #tpu.memory_space<hbm>>
      tpu.wait_indirect_dma semaphore(%arg13 : memref<!tpu.dma_semaphore, #tpu.memory_space<semaphore_mem>>) src(%dma_wait3A_55 : memref<10112x128xf32, #tpu.memory_space<hbm>>) dst(%arg11 : memref<80x128xf32, #tpu.memory_space<vmem>>)
      %add3A_56 = arith.constant 1 : i32
      %add3A_57 = arith.addi %mul3A_30, %add3A_56 : i32
      "tpu.region"() ({
        %run_scoped3A = tpu.sem_alloc : memref<!tpu.dma_semaphore, #tpu.memory_space<semaphore_mem>>
        %dma_start3A_58 = arith.constant 0 : i32
        %dma_start3A_59 = tpu.memref_slice %arg9[%add3A_57, %dma_start3A_58] : memref<64x80xi32, #tpu.memory_space<vmem>> -> memref<1x80xi32, #tpu.memory_space<vmem>>
        %dma_start3A_60 = tpu.memref_squeeze %dma_start3A_59 : memref<1x80xi32, #tpu.memory_space<vmem>> -> memref<80xi32, #tpu.memory_space<vmem>>
        %dma_start3A_61 = arith.constant 0 : i32
        %dma_start3A_62 = arith.constant 0 : i32
        %dma_start3A_63 = tpu.memref_slice %arg7[%dma_start3A_61, %dma_start3A_62] : memref<10112x128xf32, #tpu.memory_space<vmem_shared>> -> memref<10112x128xf32, #tpu.memory_space<vmem_shared>>
        tpu.enqueue_indirect_dma source(%arg11 : memref<80x128xf32, #tpu.memory_space<vmem>>) target(%dma_start3A_63 : memref<10112x128xf32, #tpu.memory_space<vmem_shared>>) offsets(%dma_start3A_60 : memref<80xi32, #tpu.memory_space<vmem>>) semaphore(%run_scoped3A : memref<!tpu.dma_semaphore, #tpu.memory_space<semaphore_mem>>) {add = true}
        %dma_wait3A_64 = arith.constant 0 : i32
        %dma_wait3A_65 = tpu.memref_slice %arg9[%add3A_57, %dma_wait3A_64] : memref<64x80xi32, #tpu.memory_space<vmem>> -> memref<1x80xi32, #tpu.memory_space<vmem>>
        %dma_wait3A_66 = tpu.memref_squeeze %dma_wait3A_65 : memref<1x80xi32, #tpu.memory_space<vmem>> -> memref<80xi32, #tpu.memory_space<vmem>>
        %dma_wait3A_67 = arith.constant 0 : i32
        %dma_wait3A_68 = arith.constant 0 : i32
        %dma_wait3A_69 = tpu.memref_slice %arg7[%dma_wait3A_67, %dma_wait3A_68] : memref<10112x128xf32, #tpu.memory_space<vmem_shared>> -> memref<10112x128xf32, #tpu.memory_space<vmem_shared>>
        tpu.wait_indirect_dma semaphore(%run_scoped3A : memref<!tpu.dma_semaphore, #tpu.memory_space<semaphore_mem>>) src(%arg11 : memref<80x128xf32, #tpu.memory_space<vmem>>) dst(%dma_wait3A_69 : memref<10112x128xf32, #tpu.memory_space<vmem_shared>>)
        tpu.yield
      }) : () -> ()
    }
    %scan3A_13 = arith.constant 32 : i32
    "tpu.region"() ({
      %run_scoped3A = tpu.sem_alloc : memref<!tpu.dma_semaphore, #tpu.memory_space<semaphore_mem>>
      %dma_start3A_28 = arith.constant 0 : i32
      %dma_start3A_29 = arith.constant 0 : i32
      %dma_start3A_30 = tpu.memref_slice %arg8[%dma_start3A_28, %dma_start3A_29] : memref<64x80xi32, #tpu.memory_space<vmem>> -> memref<64x80xi32, #tpu.memory_space<vmem>>
      %dma_start3A_31 = arith.constant 64 : i32
      %dma_start3A_32 = arith.constant 0 : i32
      %dma_start3A_33 = tpu.memref_slice %arg3[%add3A, %dma_start3A_31, %dma_start3A_32] : memref<32x128x80xi32, #tpu.memory_space<hbm>> -> memref<1x64x80xi32, #tpu.memory_space<hbm>>
      %dma_start3A_34 = tpu.memref_squeeze %dma_start3A_33 : memref<1x64x80xi32, #tpu.memory_space<hbm>> -> memref<64x80xi32, #tpu.memory_space<hbm>>
      %dma_start3A_35 = arith.constant 0 : i32
      %dma_start3A_36 = arith.constant 0 : i32
      %dma_start3A_37 = tpu.memref_slice %arg8[%dma_start3A_35, %dma_start3A_36] : memref<64x80xi32, #tpu.memory_space<vmem>> -> memref<64x80xi32, #tpu.memory_space<vmem>>
      %dma_start3A_38 = arith.constant 64 : i32
      %dma_start3A_39 = arith.constant 0 : i32
      %dma_start3A_40 = tpu.memref_slice %arg3[%add3A, %dma_start3A_38, %dma_start3A_39] : memref<32x128x80xi32, #tpu.memory_space<hbm>> -> memref<1x64x80xi32, #tpu.memory_space<hbm>>
      %dma_start3A_41 = tpu.memref_squeeze %dma_start3A_40 : memref<1x64x80xi32, #tpu.memory_space<hbm>> -> memref<64x80xi32, #tpu.memory_space<hbm>>
      tpu.enqueue_dma source(%dma_start3A_41 : memref<64x80xi32, #tpu.memory_space<hbm>>) target(%dma_start3A_37 : memref<64x80xi32, #tpu.memory_space<vmem>>) target_semaphore(%run_scoped3A : memref<!tpu.dma_semaphore, #tpu.memory_space<semaphore_mem>>)
      %dma_wait3A = arith.constant 0 : i32
      %dma_wait3A_42 = arith.constant 0 : i32
      %dma_wait3A_43 = tpu.memref_slice %arg8[%dma_wait3A, %dma_wait3A_42] : memref<64x80xi32, #tpu.memory_space<vmem>> -> memref<64x80xi32, #tpu.memory_space<vmem>>
      %dma_wait3A_44 = arith.constant 64 : i32
      %dma_wait3A_45 = arith.constant 0 : i32
      %dma_wait3A_46 = tpu.memref_slice %arg3[%add3A, %dma_wait3A_44, %dma_wait3A_45] : memref<32x128x80xi32, #tpu.memory_space<hbm>> -> memref<1x64x80xi32, #tpu.memory_space<hbm>>
      %dma_wait3A_47 = tpu.memref_squeeze %dma_wait3A_46 : memref<1x64x80xi32, #tpu.memory_space<hbm>> -> memref<64x80xi32, #tpu.memory_space<hbm>>
      %dma_wait3A_48 = arith.constant 0 : i32
      %dma_wait3A_49 = arith.constant 0 : i32
      %dma_wait3A_50 = tpu.memref_slice %arg8[%dma_wait3A_48, %dma_wait3A_49] : memref<64x80xi32, #tpu.memory_space<vmem>> -> memref<64x80xi32, #tpu.memory_space<vmem>>
      %dma_wait3A_51 = arith.constant 64 : i32
      %dma_wait3A_52 = arith.constant 0 : i32
      %dma_wait3A_53 = tpu.memref_slice %arg3[%add3A, %dma_wait3A_51, %dma_wait3A_52] : memref<32x128x80xi32, #tpu.memory_space<hbm>> -> memref<1x64x80xi32, #tpu.memory_space<hbm>>
      %dma_wait3A_54 = tpu.memref_squeeze %dma_wait3A_53 : memref<1x64x80xi32, #tpu.memory_space<hbm>> -> memref<64x80xi32, #tpu.memory_space<hbm>>
      tpu.wait_dma2 semaphore(%run_scoped3A : memref<!tpu.dma_semaphore, #tpu.memory_space<semaphore_mem>>) src(%dma_wait3A_54 : memref<64x80xi32, #tpu.memory_space<hbm>>) dst(%dma_wait3A_50 : memref<64x80xi32, #tpu.memory_space<vmem>>)
      tpu.yield
    }) : () -> ()
    "tpu.region"() ({
      %run_scoped3A = tpu.sem_alloc : memref<!tpu.dma_semaphore, #tpu.memory_space<semaphore_mem>>
      %dma_start3A_28 = arith.constant 0 : i32
      %dma_start3A_29 = arith.constant 0 : i32
      %dma_start3A_30 = tpu.memref_slice %arg9[%dma_start3A_28, %dma_start3A_29] : memref<64x80xi32, #tpu.memory_space<vmem>> -> memref<64x80xi32, #tpu.memory_space<vmem>>
      %dma_start3A_31 = arith.constant 64 : i32
      %dma_start3A_32 = arith.constant 0 : i32
      %dma_start3A_33 = tpu.memref_slice %arg4[%add3A, %dma_start3A_31, %dma_start3A_32] : memref<32x128x80xi32, #tpu.memory_space<hbm>> -> memref<1x64x80xi32, #tpu.memory_space<hbm>>
      %dma_start3A_34 = tpu.memref_squeeze %dma_start3A_33 : memref<1x64x80xi32, #tpu.memory_space<hbm>> -> memref<64x80xi32, #tpu.memory_space<hbm>>
      %dma_start3A_35 = arith.constant 0 : i32
      %dma_start3A_36 = arith.constant 0 : i32
      %dma_start3A_37 = tpu.memref_slice %arg9[%dma_start3A_35, %dma_start3A_36] : memref<64x80xi32, #tpu.memory_space<vmem>> -> memref<64x80xi32, #tpu.memory_space<vmem>>
      %dma_start3A_38 = arith.constant 64 : i32
      %dma_start3A_39 = arith.constant 0 : i32
      %dma_start3A_40 = tpu.memref_slice %arg4[%add3A, %dma_start3A_38, %dma_start3A_39] : memref<32x128x80xi32, #tpu.memory_space<hbm>> -> memref<1x64x80xi32, #tpu.memory_space<hbm>>
      %dma_start3A_41 = tpu.memref_squeeze %dma_start3A_40 : memref<1x64x80xi32, #tpu.memory_space<hbm>> -> memref<64x80xi32, #tpu.memory_space<hbm>>
      tpu.enqueue_dma source(%dma_start3A_41 : memref<64x80xi32, #tpu.memory_space<hbm>>) target(%dma_start3A_37 : memref<64x80xi32, #tpu.memory_space<vmem>>) target_semaphore(%run_scoped3A : memref<!tpu.dma_semaphore, #tpu.memory_space<semaphore_mem>>)
      %dma_wait3A = arith.constant 0 : i32
      %dma_wait3A_42 = arith.constant 0 : i32
      %dma_wait3A_43 = tpu.memref_slice %arg9[%dma_wait3A, %dma_wait3A_42] : memref<64x80xi32, #tpu.memory_space<vmem>> -> memref<64x80xi32, #tpu.memory_space<vmem>>
      %dma_wait3A_44 = arith.constant 64 : i32
      %dma_wait3A_45 = arith.constant 0 : i32
      %dma_wait3A_46 = tpu.memref_slice %arg4[%add3A, %dma_wait3A_44, %dma_wait3A_45] : memref<32x128x80xi32, #tpu.memory_space<hbm>> -> memref<1x64x80xi32, #tpu.memory_space<hbm>>
      %dma_wait3A_47 = tpu.memref_squeeze %dma_wait3A_46 : memref<1x64x80xi32, #tpu.memory_space<hbm>> -> memref<64x80xi32, #tpu.memory_space<hbm>>
      %dma_wait3A_48 = arith.constant 0 : i32
      %dma_wait3A_49 = arith.constant 0 : i32
      %dma_wait3A_50 = tpu.memref_slice %arg9[%dma_wait3A_48, %dma_wait3A_49] : memref<64x80xi32, #tpu.memory_space<vmem>> -> memref<64x80xi32, #tpu.memory_space<vmem>>
      %dma_wait3A_51 = arith.constant 64 : i32
      %dma_wait3A_52 = arith.constant 0 : i32
      %dma_wait3A_53 = tpu.memref_slice %arg4[%add3A, %dma_wait3A_51, %dma_wait3A_52] : memref<32x128x80xi32, #tpu.memory_space<hbm>> -> memref<1x64x80xi32, #tpu.memory_space<hbm>>
      %dma_wait3A_54 = tpu.memref_squeeze %dma_wait3A_53 : memref<1x64x80xi32, #tpu.memory_space<hbm>> -> memref<64x80xi32, #tpu.memory_space<hbm>>
      tpu.wait_dma2 semaphore(%run_scoped3A : memref<!tpu.dma_semaphore, #tpu.memory_space<semaphore_mem>>) src(%dma_wait3A_54 : memref<64x80xi32, #tpu.memory_space<hbm>>) dst(%dma_wait3A_50 : memref<64x80xi32, #tpu.memory_space<vmem>>)
      tpu.yield
    }) : () -> ()
    %dma_start3A_14 = arith.constant 0 : i32
    %dma_start3A_15 = arith.constant 0 : i32
    %dma_start3A_16 = tpu.memref_slice %arg8[%dma_start3A_14, %dma_start3A_15] : memref<64x80xi32, #tpu.memory_space<vmem>> -> memref<1x80xi32, #tpu.memory_space<vmem>>
    %dma_start3A_17 = tpu.memref_squeeze %dma_start3A_16 : memref<1x80xi32, #tpu.memory_space<vmem>> -> memref<80xi32, #tpu.memory_space<vmem>>
    %dma_start3A_18 = arith.constant 0 : i32
    %dma_start3A_19 = arith.constant 0 : i32
    %dma_start3A_20 = tpu.memref_slice %arg2[%dma_start3A_18, %dma_start3A_19] : memref<10112x128xf32, #tpu.memory_space<hbm>> -> memref<10112x128xf32, #tpu.memory_space<hbm>>
    tpu.enqueue_indirect_dma source(%dma_start3A_20 : memref<10112x128xf32, #tpu.memory_space<hbm>>) target(%arg10 : memref<80x128xf32, #tpu.memory_space<vmem>>) offsets(%dma_start3A_17 : memref<80xi32, #tpu.memory_space<vmem>>) semaphore(%arg12 : memref<!tpu.dma_semaphore, #tpu.memory_space<semaphore_mem>>)
    %scan3A_21 = arith.constant 0 : i32
    %scan3A_22 = arith.constant 0 : i32
    %scan3A_23 = arith.constant 32 : i32
    %scan3A_24 = arith.addi %scan3A_22, %scan3A_23 : i32
    %scan3A_25 = arith.constant 1 : i32
    scf.for %scan3A_28 = %scan3A_22 to %scan3A_24 step %scan3A_25  : i32 {
      %mul3A_29 = arith.constant 2 : i32
      %mul3A_30 = arith.muli %mul3A_29, %scan3A_28 : i32
      %add3A_31 = arith.constant 1 : i32
      %add3A_32 = arith.addi %mul3A_30, %add3A_31 : i32
      %dma_start3A_33 = arith.constant 0 : i32
      %dma_start3A_34 = tpu.memref_slice %arg8[%add3A_32, %dma_start3A_33] : memref<64x80xi32, #tpu.memory_space<vmem>> -> memref<1x80xi32, #tpu.memory_space<vmem>>
      %dma_start3A_35 = tpu.memref_squeeze %dma_start3A_34 : memref<1x80xi32, #tpu.memory_space<vmem>> -> memref<80xi32, #tpu.memory_space<vmem>>
      %dma_start3A_36 = arith.constant 0 : i32
      %dma_start3A_37 = arith.constant 0 : i32
      %dma_start3A_38 = tpu.memref_slice %arg2[%dma_start3A_36, %dma_start3A_37] : memref<10112x128xf32, #tpu.memory_space<hbm>> -> memref<10112x128xf32, #tpu.memory_space<hbm>>
      tpu.enqueue_indirect_dma source(%dma_start3A_38 : memref<10112x128xf32, #tpu.memory_space<hbm>>) target(%arg11 : memref<80x128xf32, #tpu.memory_space<vmem>>) offsets(%dma_start3A_35 : memref<80xi32, #tpu.memory_space<vmem>>) semaphore(%arg13 : memref<!tpu.dma_semaphore, #tpu.memory_space<semaphore_mem>>)
      %dma_wait3A = arith.constant 0 : i32
      %dma_wait3A_39 = tpu.memref_slice %arg8[%mul3A_30, %dma_wait3A] : memref<64x80xi32, #tpu.memory_space<vmem>> -> memref<1x80xi32, #tpu.memory_space<vmem>>
      %dma_wait3A_40 = tpu.memref_squeeze %dma_wait3A_39 : memref<1x80xi32, #tpu.memory_space<vmem>> -> memref<80xi32, #tpu.memory_space<vmem>>
      %dma_wait3A_41 = arith.constant 0 : i32
      %dma_wait3A_42 = arith.constant 0 : i32
      %dma_wait3A_43 = tpu.memref_slice %arg2[%dma_wait3A_41, %dma_wait3A_42] : memref<10112x128xf32, #tpu.memory_space<hbm>> -> memref<10112x128xf32, #tpu.memory_space<hbm>>
      tpu.wait_indirect_dma semaphore(%arg12 : memref<!tpu.dma_semaphore, #tpu.memory_space<semaphore_mem>>) src(%dma_wait3A_43 : memref<10112x128xf32, #tpu.memory_space<hbm>>) dst(%arg10 : memref<80x128xf32, #tpu.memory_space<vmem>>)
      "tpu.region"() ({
        %run_scoped3A = tpu.sem_alloc : memref<!tpu.dma_semaphore, #tpu.memory_space<semaphore_mem>>
        %dma_start3A_58 = arith.constant 0 : i32
        %dma_start3A_59 = tpu.memref_slice %arg9[%mul3A_30, %dma_start3A_58] : memref<64x80xi32, #tpu.memory_space<vmem>> -> memref<1x80xi32, #tpu.memory_space<vmem>>
        %dma_start3A_60 = tpu.memref_squeeze %dma_start3A_59 : memref<1x80xi32, #tpu.memory_space<vmem>> -> memref<80xi32, #tpu.memory_space<vmem>>
        %dma_start3A_61 = arith.constant 0 : i32
        %dma_start3A_62 = arith.constant 0 : i32
        %dma_start3A_63 = tpu.memref_slice %arg7[%dma_start3A_61, %dma_start3A_62] : memref<10112x128xf32, #tpu.memory_space<vmem_shared>> -> memref<10112x128xf32, #tpu.memory_space<vmem_shared>>
        tpu.enqueue_indirect_dma source(%arg10 : memref<80x128xf32, #tpu.memory_space<vmem>>) target(%dma_start3A_63 : memref<10112x128xf32, #tpu.memory_space<vmem_shared>>) offsets(%dma_start3A_60 : memref<80xi32, #tpu.memory_space<vmem>>) semaphore(%run_scoped3A : memref<!tpu.dma_semaphore, #tpu.memory_space<semaphore_mem>>) {add = true}
        %dma_wait3A_64 = arith.constant 0 : i32
        %dma_wait3A_65 = tpu.memref_slice %arg9[%mul3A_30, %dma_wait3A_64] : memref<64x80xi32, #tpu.memory_space<vmem>> -> memref<1x80xi32, #tpu.memory_space<vmem>>
        %dma_wait3A_66 = tpu.memref_squeeze %dma_wait3A_65 : memref<1x80xi32, #tpu.memory_space<vmem>> -> memref<80xi32, #tpu.memory_space<vmem>>
        %dma_wait3A_67 = arith.constant 0 : i32
        %dma_wait3A_68 = arith.constant 0 : i32
        %dma_wait3A_69 = tpu.memref_slice %arg7[%dma_wait3A_67, %dma_wait3A_68] : memref<10112x128xf32, #tpu.memory_space<vmem_shared>> -> memref<10112x128xf32, #tpu.memory_space<vmem_shared>>
        tpu.wait_indirect_dma semaphore(%run_scoped3A : memref<!tpu.dma_semaphore, #tpu.memory_space<semaphore_mem>>) src(%arg10 : memref<80x128xf32, #tpu.memory_space<vmem>>) dst(%dma_wait3A_69 : memref<10112x128xf32, #tpu.memory_space<vmem_shared>>)
        tpu.yield
      }) : () -> ()
      %add3A_44 = arith.constant 2 : i32
      %add3A_45 = arith.addi %mul3A_30, %add3A_44 : i32
      %lt3A = arith.constant 64 : i32
      %lt3A_46 = arith.cmpi slt, %add3A_45, %lt3A : i32
      %convert_element_type3A = arith.extui %lt3A_46 : i1 to i32
      %cond3A = arith.constant 0 : i32
      %cond3A_47 = arith.cmpi ne, %convert_element_type3A, %cond3A : i32
      scf.if %cond3A_47 {
        %add3A_58 = arith.constant 2 : i32
        %add3A_59 = arith.addi %mul3A_30, %add3A_58 : i32
        %dma_start3A_60 = arith.constant 0 : i32
        %dma_start3A_61 = tpu.memref_slice %arg8[%add3A_59, %dma_start3A_60] : memref<64x80xi32, #tpu.memory_space<vmem>> -> memref<1x80xi32, #tpu.memory_space<vmem>>
        %dma_start3A_62 = tpu.memref_squeeze %dma_start3A_61 : memref<1x80xi32, #tpu.memory_space<vmem>> -> memref<80xi32, #tpu.memory_space<vmem>>
        %dma_start3A_63 = arith.constant 0 : i32
        %dma_start3A_64 = arith.constant 0 : i32
        %dma_start3A_65 = tpu.memref_slice %arg2[%dma_start3A_63, %dma_start3A_64] : memref<10112x128xf32, #tpu.memory_space<hbm>> -> memref<10112x128xf32, #tpu.memory_space<hbm>>
        tpu.enqueue_indirect_dma source(%dma_start3A_65 : memref<10112x128xf32, #tpu.memory_space<hbm>>) target(%arg10 : memref<80x128xf32, #tpu.memory_space<vmem>>) offsets(%dma_start3A_62 : memref<80xi32, #tpu.memory_space<vmem>>) semaphore(%arg12 : memref<!tpu.dma_semaphore, #tpu.memory_space<semaphore_mem>>)
      } else {
      }
      %add3A_48 = arith.constant 1 : i32
      %add3A_49 = arith.addi %mul3A_30, %add3A_48 : i32
      %dma_wait3A_50 = arith.constant 0 : i32
      %dma_wait3A_51 = tpu.memref_slice %arg8[%add3A_49, %dma_wait3A_50] : memref<64x80xi32, #tpu.memory_space<vmem>> -> memref<1x80xi32, #tpu.memory_space<vmem>>
      %dma_wait3A_52 = tpu.memref_squeeze %dma_wait3A_51 : memref<1x80xi32, #tpu.memory_space<vmem>> -> memref<80xi32, #tpu.memory_space<vmem>>
      %dma_wait3A_53 = arith.constant 0 : i32
      %dma_wait3A_54 = arith.constant 0 : i32
      %dma_wait3A_55 = tpu.memref_slice %arg2[%dma_wait3A_53, %dma_wait3A_54] : memref<10112x128xf32, #tpu.memory_space<hbm>> -> memref<10112x128xf32, #tpu.memory_space<hbm>>
      tpu.wait_indirect_dma semaphore(%arg13 : memref<!tpu.dma_semaphore, #tpu.memory_space<semaphore_mem>>) src(%dma_wait3A_55 : memref<10112x128xf32, #tpu.memory_space<hbm>>) dst(%arg11 : memref<80x128xf32, #tpu.memory_space<vmem>>)
      %add3A_56 = arith.constant 1 : i32
      %add3A_57 = arith.addi %mul3A_30, %add3A_56 : i32
      "tpu.region"() ({
        %run_scoped3A = tpu.sem_alloc : memref<!tpu.dma_semaphore, #tpu.memory_space<semaphore_mem>>
        %dma_start3A_58 = arith.constant 0 : i32
        %dma_start3A_59 = tpu.memref_slice %arg9[%add3A_57, %dma_start3A_58] : memref<64x80xi32, #tpu.memory_space<vmem>> -> memref<1x80xi32, #tpu.memory_space<vmem>>
        %dma_start3A_60 = tpu.memref_squeeze %dma_start3A_59 : memref<1x80xi32, #tpu.memory_space<vmem>> -> memref<80xi32, #tpu.memory_space<vmem>>
        %dma_start3A_61 = arith.constant 0 : i32
        %dma_start3A_62 = arith.constant 0 : i32
        %dma_start3A_63 = tpu.memref_slice %arg7[%dma_start3A_61, %dma_start3A_62] : memref<10112x128xf32, #tpu.memory_space<vmem_shared>> -> memref<10112x128xf32, #tpu.memory_space<vmem_shared>>
        tpu.enqueue_indirect_dma source(%arg11 : memref<80x128xf32, #tpu.memory_space<vmem>>) target(%dma_start3A_63 : memref<10112x128xf32, #tpu.memory_space<vmem_shared>>) offsets(%dma_start3A_60 : memref<80xi32, #tpu.memory_space<vmem>>) semaphore(%run_scoped3A : memref<!tpu.dma_semaphore, #tpu.memory_space<semaphore_mem>>) {add = true}
        %dma_wait3A_64 = arith.constant 0 : i32
        %dma_wait3A_65 = tpu.memref_slice %arg9[%add3A_57, %dma_wait3A_64] : memref<64x80xi32, #tpu.memory_space<vmem>> -> memref<1x80xi32, #tpu.memory_space<vmem>>
        %dma_wait3A_66 = tpu.memref_squeeze %dma_wait3A_65 : memref<1x80xi32, #tpu.memory_space<vmem>> -> memref<80xi32, #tpu.memory_space<vmem>>
        %dma_wait3A_67 = arith.constant 0 : i32
        %dma_wait3A_68 = arith.constant 0 : i32
        %dma_wait3A_69 = tpu.memref_slice %arg7[%dma_wait3A_67, %dma_wait3A_68] : memref<10112x128xf32, #tpu.memory_space<vmem_shared>> -> memref<10112x128xf32, #tpu.memory_space<vmem_shared>>
        tpu.wait_indirect_dma semaphore(%run_scoped3A : memref<!tpu.dma_semaphore, #tpu.memory_space<semaphore_mem>>) src(%arg11 : memref<80x128xf32, #tpu.memory_space<vmem>>) dst(%dma_wait3A_69 : memref<10112x128xf32, #tpu.memory_space<vmem_shared>>)
        tpu.yield
      }) : () -> ()
    }
    %scan3A_26 = arith.constant 32 : i32
    %barrier3A_27 = arith.constant 0 : index
    tpu.barrier barrier_id(%barrier3A_27)
    "tpu.region"() ({
      %run_scoped3A = tpu.sem_alloc : memref<!tpu.dma_semaphore, #tpu.memory_space<semaphore_mem>>
      %dma_start3A_28 = arith.constant 0 : i32
      %dma_start3A_29 = tpu.memref_slice %arg6[%arg0, %multiple_of3A, %dma_start3A_28] : memref<2x10112x128xf32, #tpu.memory_space<hbm>> -> memref<1x632x128xf32, #tpu.memory_space<hbm>>
      %dma_start3A_30 = tpu.memref_squeeze %dma_start3A_29 : memref<1x632x128xf32, #tpu.memory_space<hbm>> -> memref<632x128xf32, #tpu.memory_space<hbm>>
      %dma_start3A_31 = arith.constant 0 : i32
      %dma_start3A_32 = tpu.memref_slice %arg7[%multiple_of3A, %dma_start3A_31] : memref<10112x128xf32, #tpu.memory_space<vmem_shared>> -> memref<632x128xf32, #tpu.memory_space<vmem_shared>>
      tpu.enqueue_dma source(%dma_start3A_32 : memref<632x128xf32, #tpu.memory_space<vmem_shared>>) target(%dma_start3A_30 : memref<632x128xf32, #tpu.memory_space<hbm>>) target_semaphore(%run_scoped3A : memref<!tpu.dma_semaphore, #tpu.memory_space<semaphore_mem>>)
      %dma_wait3A = arith.constant 0 : i32
      %dma_wait3A_33 = tpu.memref_slice %arg6[%arg0, %multiple_of3A, %dma_wait3A] : memref<2x10112x128xf32, #tpu.memory_space<hbm>> -> memref<1x632x128xf32, #tpu.memory_space<hbm>>
      %dma_wait3A_34 = tpu.memref_squeeze %dma_wait3A_33 : memref<1x632x128xf32, #tpu.memory_space<hbm>> -> memref<632x128xf32, #tpu.memory_space<hbm>>
      %dma_wait3A_35 = arith.constant 0 : i32
      %dma_wait3A_36 = tpu.memref_slice %arg7[%multiple_of3A, %dma_wait3A_35] : memref<10112x128xf32, #tpu.memory_space<vmem_shared>> -> memref<632x128xf32, #tpu.memory_space<vmem_shared>>
      tpu.wait_dma2 semaphore(%run_scoped3A : memref<!tpu.dma_semaphore, #tpu.memory_space<semaphore_mem>>) src(%dma_wait3A_36 : memref<632x128xf32, #tpu.memory_space<vmem_shared>>) dst(%dma_wait3A_34 : memref<632x128xf32, #tpu.memory_space<hbm>>)
      tpu.yield
    }) : () -> ()
    return
  }
}

#map = affine_map<(d0, d1) -> (0, 0)>
#map1 = affine_map<(d0, d1) -> (0, 0, 0)>
module attributes {stable_mosaic.version = 14 : i64} {
  func.func @_spmm_body(%arg0: i32, %arg1: i32, %arg2: memref<10112x128xf32, #tpu.memory_space<hbm>>, %arg3: memref<32x128x80xi32, #tpu.memory_space<hbm>>, %arg4: memref<32x128x80xi32, #tpu.memory_space<hbm>>, %arg5: memref<10112x128xf32, #tpu.memory_space<hbm>>, %arg6: memref<2x10112x128xf32, #tpu.memory_space<hbm>>, %arg7: memref<10112x128xf32, #tpu.memory_space<vmem_shared>>, %arg8: memref<64x80xi32, #tpu.memory_space<vmem>>, %arg9: memref<64x80xi32, #tpu.memory_space<vmem>>, %arg10: memref<80x128xf32, #tpu.memory_space<vmem>>, %arg11: memref<80x128xf32, #tpu.memory_space<vmem>>, %arg12: memref<!tpu.dma_semaphore, #tpu.memory_space<semaphore_mem>>, %arg13: memref<!tpu.dma_semaphore, #tpu.memory_space<semaphore_mem>>) attributes {dimension_semantics = [#tpu.dimension_semantics<core_parallel>, #tpu.dimension_semantics<subcore_parallel>], iteration_bounds = array<i64: 2, 16>, scalar_prefetch = 0 : i64, scratch_operands = 7 : i64, tpu.core_type = #tpu.core_type<sc_vector_subcore>, window_params = [{transform_indices = #map}, {transform_indices = #map1}, {transform_indices = #map1}, {transform_indices = #map}, {transform_indices = #map1}]} {
    %mul3A = arith.constant 16 : i32
    %mul3A_0 = arith.muli %arg0, %mul3A : i32
    %add3A = arith.addi %mul3A_0, %arg1 : i32
    %mul3A_1 = arith.constant 632 : i32
    %mul3A_2 = arith.muli %arg1, %mul3A_1 : i32
    %multiple_of3A = tpu.assume_multiple %mul3A_2, 8 : i32
    "tpu.region"() ({
      %run_scoped3A = tpu.sem_alloc : memref<!tpu.dma_semaphore, #tpu.memory_space<semaphore_mem>>
      %dma_start3A_28 = arith.constant 0 : i32
      %dma_start3A_29 = tpu.memref_slice %arg7[%multiple_of3A, %dma_start3A_28] : memref<10112x128xf32, #tpu.memory_space<vmem_shared>> -> memref<632x128xf32, #tpu.memory_space<vmem_shared>>
      %dma_start3A_30 = arith.constant 0 : i32
      %dma_start3A_31 = tpu.memref_slice %arg5[%multiple_of3A, %dma_start3A_30] : memref<10112x128xf32, #tpu.memory_space<hbm>> -> memref<632x128xf32, #tpu.memory_space<hbm>>
      tpu.enqueue_dma source(%dma_start3A_31 : memref<632x128xf32, #tpu.memory_space<hbm>>) target(%dma_start3A_29 : memref<632x128xf32, #tpu.memory_space<vmem_shared>>) target_semaphore(%run_scoped3A : memref<!tpu.dma_semaphore, #tpu.memory_space<semaphore_mem>>)
      %dma_wait3A = arith.constant 0 : i32
      %dma_wait3A_32 = tpu.memref_slice %arg7[%multiple_of3A, %dma_wait3A] : memref<10112x128xf32, #tpu.memory_space<vmem_shared>> -> memref<632x128xf32, #tpu.memory_space<vmem_shared>>
      %dma_wait3A_33 = arith.constant 0 : i32
      %dma_wait3A_34 = tpu.memref_slice %arg5[%multiple_of3A, %dma_wait3A_33] : memref<10112x128xf32, #tpu.memory_space<hbm>> -> memref<632x128xf32, #tpu.memory_space<hbm>>
      tpu.wait_dma2 semaphore(%run_scoped3A : memref<!tpu.dma_semaphore, #tpu.memory_space<semaphore_mem>>) src(%dma_wait3A_34 : memref<632x128xf32, #tpu.memory_space<hbm>>) dst(%dma_wait3A_32 : memref<632x128xf32, #tpu.memory_space<vmem_shared>>)
      tpu.yield
    }) : () -> ()
    %barrier3A = arith.constant 0 : index
    tpu.barrier barrier_id(%barrier3A)
    "tpu.region"() ({
      %run_scoped3A = tpu.sem_alloc : memref<!tpu.dma_semaphore, #tpu.memory_space<semaphore_mem>>
      %dma_start3A_28 = arith.constant 0 : i32
      %dma_start3A_29 = arith.constant 0 : i32
      %dma_start3A_30 = tpu.memref_slice %arg8[%dma_start3A_28, %dma_start3A_29] : memref<64x80xi32, #tpu.memory_space<vmem>> -> memref<64x80xi32, #tpu.memory_space<vmem>>
      %dma_start3A_31 = arith.constant 0 : i32
      %dma_start3A_32 = arith.constant 0 : i32
      %dma_start3A_33 = tpu.memref_slice %arg3[%add3A, %dma_start3A_31, %dma_start3A_32] : memref<32x128x80xi32, #tpu.memory_space<hbm>> -> memref<1x64x80xi32, #tpu.memory_space<hbm>>
      %dma_start3A_34 = tpu.memref_squeeze %dma_start3A_33 : memref<1x64x80xi32, #tpu.memory_space<hbm>> -> memref<64x80xi32, #tpu.memory_space<hbm>>
      %dma_start3A_35 = arith.constant 0 : i32
      %dma_start3A_36 = arith.constant 0 : i32
      %dma_start3A_37 = tpu.memref_slice %arg8[%dma_start3A_35, %dma_start3A_36] : memref<64x80xi32, #tpu.memory_space<vmem>> -> memref<64x80xi32, #tpu.memory_space<vmem>>
      %dma_start3A_38 = arith.constant 0 : i32
      %dma_start3A_39 = arith.constant 0 : i32
      %dma_start3A_40 = tpu.memref_slice %arg3[%add3A, %dma_start3A_38, %dma_start3A_39] : memref<32x128x80xi32, #tpu.memory_space<hbm>> -> memref<1x64x80xi32, #tpu.memory_space<hbm>>
      %dma_start3A_41 = tpu.memref_squeeze %dma_start3A_40 : memref<1x64x80xi32, #tpu.memory_space<hbm>> -> memref<64x80xi32, #tpu.memory_space<hbm>>
      tpu.enqueue_dma source(%dma_start3A_41 : memref<64x80xi32, #tpu.memory_space<hbm>>) target(%dma_start3A_37 : memref<64x80xi32, #tpu.memory_space<vmem>>) target_semaphore(%run_scoped3A : memref<!tpu.dma_semaphore, #tpu.memory_space<semaphore_mem>>)
      %dma_wait3A = arith.constant 0 : i32
      %dma_wait3A_42 = arith.constant 0 : i32
      %dma_wait3A_43 = tpu.memref_slice %arg8[%dma_wait3A, %dma_wait3A_42] : memref<64x80xi32, #tpu.memory_space<vmem>> -> memref<64x80xi32, #tpu.memory_space<vmem>>
      %dma_wait3A_44 = arith.constant 0 : i32
      %dma_wait3A_45 = arith.constant 0 : i32
      %dma_wait3A_46 = tpu.memref_slice %arg3[%add3A, %dma_wait3A_44, %dma_wait3A_45] : memref<32x128x80xi32, #tpu.memory_space<hbm>> -> memref<1x64x80xi32, #tpu.memory_space<hbm>>
      %dma_wait3A_47 = tpu.memref_squeeze %dma_wait3A_46 : memref<1x64x80xi32, #tpu.memory_space<hbm>> -> memref<64x80xi32, #tpu.memory_space<hbm>>
      %dma_wait3A_48 = arith.constant 0 : i32
      %dma_wait3A_49 = arith.constant 0 : i32
      %dma_wait3A_50 = tpu.memref_slice %arg8[%dma_wait3A_48, %dma_wait3A_49] : memref<64x80xi32, #tpu.memory_space<vmem>> -> memref<64x80xi32, #tpu.memory_space<vmem>>
      %dma_wait3A_51 = arith.constant 0 : i32
      %dma_wait3A_52 = arith.constant 0 : i32
      %dma_wait3A_53 = tpu.memref_slice %arg3[%add3A, %dma_wait3A_51, %dma_wait3A_52] : memref<32x128x80xi32, #tpu.memory_space<hbm>> -> memref<1x64x80xi32, #tpu.memory_space<hbm>>
      %dma_wait3A_54 = tpu.memref_squeeze %dma_wait3A_53 : memref<1x64x80xi32, #tpu.memory_space<hbm>> -> memref<64x80xi32, #tpu.memory_space<hbm>>
      tpu.wait_dma2 semaphore(%run_scoped3A : memref<!tpu.dma_semaphore, #tpu.memory_space<semaphore_mem>>) src(%dma_wait3A_54 : memref<64x80xi32, #tpu.memory_space<hbm>>) dst(%dma_wait3A_50 : memref<64x80xi32, #tpu.memory_space<vmem>>)
      tpu.yield
    }) : () -> ()
    "tpu.region"() ({
      %run_scoped3A = tpu.sem_alloc : memref<!tpu.dma_semaphore, #tpu.memory_space<semaphore_mem>>
      %dma_start3A_28 = arith.constant 0 : i32
      %dma_start3A_29 = arith.constant 0 : i32
      %dma_start3A_30 = tpu.memref_slice %arg9[%dma_start3A_28, %dma_start3A_29] : memref<64x80xi32, #tpu.memory_space<vmem>> -> memref<64x80xi32, #tpu.memory_space<vmem>>
      %dma_start3A_31 = arith.constant 0 : i32
      %dma_start3A_32 = arith.constant 0 : i32
      %dma_start3A_33 = tpu.memref_slice %arg4[%add3A, %dma_start3A_31, %dma_start3A_32] : memref<32x128x80xi32, #tpu.memory_space<hbm>> -> memref<1x64x80xi32, #tpu.memory_space<hbm>>
      %dma_start3A_34 = tpu.memref_squeeze %dma_start3A_33 : memref<1x64x80xi32, #tpu.memory_space<hbm>> -> memref<64x80xi32, #tpu.memory_space<hbm>>
      %dma_start3A_35 = arith.constant 0 : i32
      %dma_start3A_36 = arith.constant 0 : i32
      %dma_start3A_37 = tpu.memref_slice %arg9[%dma_start3A_35, %dma_start3A_36] : memref<64x80xi32, #tpu.memory_space<vmem>> -> memref<64x80xi32, #tpu.memory_space<vmem>>
      %dma_start3A_38 = arith.constant 0 : i32
      %dma_start3A_39 = arith.constant 0 : i32
      %dma_start3A_40 = tpu.memref_slice %arg4[%add3A, %dma_start3A_38, %dma_start3A_39] : memref<32x128x80xi32, #tpu.memory_space<hbm>> -> memref<1x64x80xi32, #tpu.memory_space<hbm>>
      %dma_start3A_41 = tpu.memref_squeeze %dma_start3A_40 : memref<1x64x80xi32, #tpu.memory_space<hbm>> -> memref<64x80xi32, #tpu.memory_space<hbm>>
      tpu.enqueue_dma source(%dma_start3A_41 : memref<64x80xi32, #tpu.memory_space<hbm>>) target(%dma_start3A_37 : memref<64x80xi32, #tpu.memory_space<vmem>>) target_semaphore(%run_scoped3A : memref<!tpu.dma_semaphore, #tpu.memory_space<semaphore_mem>>)
      %dma_wait3A = arith.constant 0 : i32
      %dma_wait3A_42 = arith.constant 0 : i32
      %dma_wait3A_43 = tpu.memref_slice %arg9[%dma_wait3A, %dma_wait3A_42] : memref<64x80xi32, #tpu.memory_space<vmem>> -> memref<64x80xi32, #tpu.memory_space<vmem>>
      %dma_wait3A_44 = arith.constant 0 : i32
      %dma_wait3A_45 = arith.constant 0 : i32
      %dma_wait3A_46 = tpu.memref_slice %arg4[%add3A, %dma_wait3A_44, %dma_wait3A_45] : memref<32x128x80xi32, #tpu.memory_space<hbm>> -> memref<1x64x80xi32, #tpu.memory_space<hbm>>
      %dma_wait3A_47 = tpu.memref_squeeze %dma_wait3A_46 : memref<1x64x80xi32, #tpu.memory_space<hbm>> -> memref<64x80xi32, #tpu.memory_space<hbm>>
      %dma_wait3A_48 = arith.constant 0 : i32
      %dma_wait3A_49 = arith.constant 0 : i32
      %dma_wait3A_50 = tpu.memref_slice %arg9[%dma_wait3A_48, %dma_wait3A_49] : memref<64x80xi32, #tpu.memory_space<vmem>> -> memref<64x80xi32, #tpu.memory_space<vmem>>
      %dma_wait3A_51 = arith.constant 0 : i32
      %dma_wait3A_52 = arith.constant 0 : i32
      %dma_wait3A_53 = tpu.memref_slice %arg4[%add3A, %dma_wait3A_51, %dma_wait3A_52] : memref<32x128x80xi32, #tpu.memory_space<hbm>> -> memref<1x64x80xi32, #tpu.memory_space<hbm>>
      %dma_wait3A_54 = tpu.memref_squeeze %dma_wait3A_53 : memref<1x64x80xi32, #tpu.memory_space<hbm>> -> memref<64x80xi32, #tpu.memory_space<hbm>>
      tpu.wait_dma2 semaphore(%run_scoped3A : memref<!tpu.dma_semaphore, #tpu.memory_space<semaphore_mem>>) src(%dma_wait3A_54 : memref<64x80xi32, #tpu.memory_space<hbm>>) dst(%dma_wait3A_50 : memref<64x80xi32, #tpu.memory_space<vmem>>)
      tpu.yield
    }) : () -> ()
    %dma_start3A = arith.constant 0 : i32
    %dma_start3A_3 = arith.constant 0 : i32
    %dma_start3A_4 = tpu.memref_slice %arg8[%dma_start3A, %dma_start3A_3] : memref<64x80xi32, #tpu.memory_space<vmem>> -> memref<1x80xi32, #tpu.memory_space<vmem>>
    %dma_start3A_5 = tpu.memref_squeeze %dma_start3A_4 : memref<1x80xi32, #tpu.memory_space<vmem>> -> memref<80xi32, #tpu.memory_space<vmem>>
    %dma_start3A_6 = arith.constant 0 : i32
    %dma_start3A_7 = arith.constant 0 : i32
    %dma_start3A_8 = tpu.memref_slice %arg2[%dma_start3A_6, %dma_start3A_7] : memref<10112x128xf32, #tpu.memory_space<hbm>> -> memref<10112x128xf32, #tpu.memory_space<hbm>>
    tpu.enqueue_indirect_dma source(%dma_start3A_8 : memref<10112x128xf32, #tpu.memory_space<hbm>>) target(%arg10 : memref<80x128xf32, #tpu.memory_space<vmem>>) offsets(%dma_start3A_5 : memref<80xi32, #tpu.memory_space<vmem>>) semaphore(%arg12 : memref<!tpu.dma_semaphore, #tpu.memory_space<semaphore_mem>>)
    %scan3A = arith.constant 0 : i32
    %scan3A_9 = arith.constant 0 : i32
    %scan3A_10 = arith.constant 32 : i32
    %scan3A_11 = arith.addi %scan3A_9, %scan3A_10 : i32
    %scan3A_12 = arith.constant 1 : i32
    scf.for %scan3A_28 = %scan3A_9 to %scan3A_11 step %scan3A_12  : i32 {
      %mul3A_29 = arith.constant 2 : i32
      %mul3A_30 = arith.muli %mul3A_29, %scan3A_28 : i32
      %add3A_31 = arith.constant 1 : i32
      %add3A_32 = arith.addi %mul3A_30, %add3A_31 : i32
      %dma_start3A_33 = arith.constant 0 : i32
      %dma_start3A_34 = tpu.memref_slice %arg8[%add3A_32, %dma_start3A_33] : memref<64x80xi32, #tpu.memory_space<vmem>> -> memref<1x80xi32, #tpu.memory_space<vmem>>
      %dma_start3A_35 = tpu.memref_squeeze %dma_start3A_34 : memref<1x80xi32, #tpu.memory_space<vmem>> -> memref<80xi32, #tpu.memory_space<vmem>>
      %dma_start3A_36 = arith.constant 0 : i32
      %dma_start3A_37 = arith.constant 0 : i32
      %dma_start3A_38 = tpu.memref_slice %arg2[%dma_start3A_36, %dma_start3A_37] : memref<10112x128xf32, #tpu.memory_space<hbm>> -> memref<10112x128xf32, #tpu.memory_space<hbm>>
      tpu.enqueue_indirect_dma source(%dma_start3A_38 : memref<10112x128xf32, #tpu.memory_space<hbm>>) target(%arg11 : memref<80x128xf32, #tpu.memory_space<vmem>>) offsets(%dma_start3A_35 : memref<80xi32, #tpu.memory_space<vmem>>) semaphore(%arg13 : memref<!tpu.dma_semaphore, #tpu.memory_space<semaphore_mem>>)
      %dma_wait3A = arith.constant 0 : i32
      %dma_wait3A_39 = tpu.memref_slice %arg8[%mul3A_30, %dma_wait3A] : memref<64x80xi32, #tpu.memory_space<vmem>> -> memref<1x80xi32, #tpu.memory_space<vmem>>
      %dma_wait3A_40 = tpu.memref_squeeze %dma_wait3A_39 : memref<1x80xi32, #tpu.memory_space<vmem>> -> memref<80xi32, #tpu.memory_space<vmem>>
      %dma_wait3A_41 = arith.constant 0 : i32
      %dma_wait3A_42 = arith.constant 0 : i32
      %dma_wait3A_43 = tpu.memref_slice %arg2[%dma_wait3A_41, %dma_wait3A_42] : memref<10112x128xf32, #tpu.memory_space<hbm>> -> memref<10112x128xf32, #tpu.memory_space<hbm>>
      tpu.wait_indirect_dma semaphore(%arg12 : memref<!tpu.dma_semaphore, #tpu.memory_space<semaphore_mem>>) src(%dma_wait3A_43 : memref<10112x128xf32, #tpu.memory_space<hbm>>) dst(%arg10 : memref<80x128xf32, #tpu.memory_space<vmem>>)
      "tpu.region"() ({
        %run_scoped3A = tpu.sem_alloc : memref<!tpu.dma_semaphore, #tpu.memory_space<semaphore_mem>>
        %dma_start3A_58 = arith.constant 0 : i32
        %dma_start3A_59 = tpu.memref_slice %arg9[%mul3A_30, %dma_start3A_58] : memref<64x80xi32, #tpu.memory_space<vmem>> -> memref<1x80xi32, #tpu.memory_space<vmem>>
        %dma_start3A_60 = tpu.memref_squeeze %dma_start3A_59 : memref<1x80xi32, #tpu.memory_space<vmem>> -> memref<80xi32, #tpu.memory_space<vmem>>
        %dma_start3A_61 = arith.constant 0 : i32
        %dma_start3A_62 = arith.constant 0 : i32
        %dma_start3A_63 = tpu.memref_slice %arg7[%dma_start3A_61, %dma_start3A_62] : memref<10112x128xf32, #tpu.memory_space<vmem_shared>> -> memref<10112x128xf32, #tpu.memory_space<vmem_shared>>
        tpu.enqueue_indirect_dma source(%arg10 : memref<80x128xf32, #tpu.memory_space<vmem>>) target(%dma_start3A_63 : memref<10112x128xf32, #tpu.memory_space<vmem_shared>>) offsets(%dma_start3A_60 : memref<80xi32, #tpu.memory_space<vmem>>) semaphore(%run_scoped3A : memref<!tpu.dma_semaphore, #tpu.memory_space<semaphore_mem>>) {add = true}
        %dma_wait3A_64 = arith.constant 0 : i32
        %dma_wait3A_65 = tpu.memref_slice %arg9[%mul3A_30, %dma_wait3A_64] : memref<64x80xi32, #tpu.memory_space<vmem>> -> memref<1x80xi32, #tpu.memory_space<vmem>>
        %dma_wait3A_66 = tpu.memref_squeeze %dma_wait3A_65 : memref<1x80xi32, #tpu.memory_space<vmem>> -> memref<80xi32, #tpu.memory_space<vmem>>
        %dma_wait3A_67 = arith.constant 0 : i32
        %dma_wait3A_68 = arith.constant 0 : i32
        %dma_wait3A_69 = tpu.memref_slice %arg7[%dma_wait3A_67, %dma_wait3A_68] : memref<10112x128xf32, #tpu.memory_space<vmem_shared>> -> memref<10112x128xf32, #tpu.memory_space<vmem_shared>>
        tpu.wait_indirect_dma semaphore(%run_scoped3A : memref<!tpu.dma_semaphore, #tpu.memory_space<semaphore_mem>>) src(%arg10 : memref<80x128xf32, #tpu.memory_space<vmem>>) dst(%dma_wait3A_69 : memref<10112x128xf32, #tpu.memory_space<vmem_shared>>)
        tpu.yield
      }) : () -> ()
      %add3A_44 = arith.constant 2 : i32
      %add3A_45 = arith.addi %mul3A_30, %add3A_44 : i32
      %lt3A = arith.constant 64 : i32
      %lt3A_46 = arith.cmpi slt, %add3A_45, %lt3A : i32
      %convert_element_type3A = arith.extui %lt3A_46 : i1 to i32
      %cond3A = arith.constant 0 : i32
      %cond3A_47 = arith.cmpi ne, %convert_element_type3A, %cond3A : i32
      scf.if %cond3A_47 {
        %add3A_58 = arith.constant 2 : i32
        %add3A_59 = arith.addi %mul3A_30, %add3A_58 : i32
        %dma_start3A_60 = arith.constant 0 : i32
        %dma_start3A_61 = tpu.memref_slice %arg8[%add3A_59, %dma_start3A_60] : memref<64x80xi32, #tpu.memory_space<vmem>> -> memref<1x80xi32, #tpu.memory_space<vmem>>
        %dma_start3A_62 = tpu.memref_squeeze %dma_start3A_61 : memref<1x80xi32, #tpu.memory_space<vmem>> -> memref<80xi32, #tpu.memory_space<vmem>>
        %dma_start3A_63 = arith.constant 0 : i32
        %dma_start3A_64 = arith.constant 0 : i32
        %dma_start3A_65 = tpu.memref_slice %arg2[%dma_start3A_63, %dma_start3A_64] : memref<10112x128xf32, #tpu.memory_space<hbm>> -> memref<10112x128xf32, #tpu.memory_space<hbm>>
        tpu.enqueue_indirect_dma source(%dma_start3A_65 : memref<10112x128xf32, #tpu.memory_space<hbm>>) target(%arg10 : memref<80x128xf32, #tpu.memory_space<vmem>>) offsets(%dma_start3A_62 : memref<80xi32, #tpu.memory_space<vmem>>) semaphore(%arg12 : memref<!tpu.dma_semaphore, #tpu.memory_space<semaphore_mem>>)
      } else {
      }
      %add3A_48 = arith.constant 1 : i32
      %add3A_49 = arith.addi %mul3A_30, %add3A_48 : i32
      %dma_wait3A_50 = arith.constant 0 : i32
      %dma_wait3A_51 = tpu.memref_slice %arg8[%add3A_49, %dma_wait3A_50] : memref<64x80xi32, #tpu.memory_space<vmem>> -> memref<1x80xi32, #tpu.memory_space<vmem>>
      %dma_wait3A_52 = tpu.memref_squeeze %dma_wait3A_51 : memref<1x80xi32, #tpu.memory_space<vmem>> -> memref<80xi32, #tpu.memory_space<vmem>>
      %dma_wait3A_53 = arith.constant 0 : i32
      %dma_wait3A_54 = arith.constant 0 : i32
      %dma_wait3A_55 = tpu.memref_slice %arg2[%dma_wait3A_53, %dma_wait3A_54] : memref<10112x128xf32, #tpu.memory_space<hbm>> -> memref<10112x128xf32, #tpu.memory_space<hbm>>
      tpu.wait_indirect_dma semaphore(%arg13 : memref<!tpu.dma_semaphore, #tpu.memory_space<semaphore_mem>>) src(%dma_wait3A_55 : memref<10112x128xf32, #tpu.memory_space<hbm>>) dst(%arg11 : memref<80x128xf32, #tpu.memory_space<vmem>>)
      %add3A_56 = arith.constant 1 : i32
      %add3A_57 = arith.addi %mul3A_30, %add3A_56 : i32
      "tpu.region"() ({
        %run_scoped3A = tpu.sem_alloc : memref<!tpu.dma_semaphore, #tpu.memory_space<semaphore_mem>>
        %dma_start3A_58 = arith.constant 0 : i32
        %dma_start3A_59 = tpu.memref_slice %arg9[%add3A_57, %dma_start3A_58] : memref<64x80xi32, #tpu.memory_space<vmem>> -> memref<1x80xi32, #tpu.memory_space<vmem>>
        %dma_start3A_60 = tpu.memref_squeeze %dma_start3A_59 : memref<1x80xi32, #tpu.memory_space<vmem>> -> memref<80xi32, #tpu.memory_space<vmem>>
        %dma_start3A_61 = arith.constant 0 : i32
        %dma_start3A_62 = arith.constant 0 : i32
        %dma_start3A_63 = tpu.memref_slice %arg7[%dma_start3A_61, %dma_start3A_62] : memref<10112x128xf32, #tpu.memory_space<vmem_shared>> -> memref<10112x128xf32, #tpu.memory_space<vmem_shared>>
        tpu.enqueue_indirect_dma source(%arg11 : memref<80x128xf32, #tpu.memory_space<vmem>>) target(%dma_start3A_63 : memref<10112x128xf32, #tpu.memory_space<vmem_shared>>) offsets(%dma_start3A_60 : memref<80xi32, #tpu.memory_space<vmem>>) semaphore(%run_scoped3A : memref<!tpu.dma_semaphore, #tpu.memory_space<semaphore_mem>>) {add = true}
        %dma_wait3A_64 = arith.constant 0 : i32
        %dma_wait3A_65 = tpu.memref_slice %arg9[%add3A_57, %dma_wait3A_64] : memref<64x80xi32, #tpu.memory_space<vmem>> -> memref<1x80xi32, #tpu.memory_space<vmem>>
        %dma_wait3A_66 = tpu.memref_squeeze %dma_wait3A_65 : memref<1x80xi32, #tpu.memory_space<vmem>> -> memref<80xi32, #tpu.memory_space<vmem>>
        %dma_wait3A_67 = arith.constant 0 : i32
        %dma_wait3A_68 = arith.constant 0 : i32
        %dma_wait3A_69 = tpu.memref_slice %arg7[%dma_wait3A_67, %dma_wait3A_68] : memref<10112x128xf32, #tpu.memory_space<vmem_shared>> -> memref<10112x128xf32, #tpu.memory_space<vmem_shared>>
        tpu.wait_indirect_dma semaphore(%run_scoped3A : memref<!tpu.dma_semaphore, #tpu.memory_space<semaphore_mem>>) src(%arg11 : memref<80x128xf32, #tpu.memory_space<vmem>>) dst(%dma_wait3A_69 : memref<10112x128xf32, #tpu.memory_space<vmem_shared>>)
        tpu.yield
      }) : () -> ()
    }
    %scan3A_13 = arith.constant 32 : i32
    "tpu.region"() ({
      %run_scoped3A = tpu.sem_alloc : memref<!tpu.dma_semaphore, #tpu.memory_space<semaphore_mem>>
      %dma_start3A_28 = arith.constant 0 : i32
      %dma_start3A_29 = arith.constant 0 : i32
      %dma_start3A_30 = tpu.memref_slice %arg8[%dma_start3A_28, %dma_start3A_29] : memref<64x80xi32, #tpu.memory_space<vmem>> -> memref<64x80xi32, #tpu.memory_space<vmem>>
      %dma_start3A_31 = arith.constant 64 : i32
      %dma_start3A_32 = arith.constant 0 : i32
      %dma_start3A_33 = tpu.memref_slice %arg3[%add3A, %dma_start3A_31, %dma_start3A_32] : memref<32x128x80xi32, #tpu.memory_space<hbm>> -> memref<1x64x80xi32, #tpu.memory_space<hbm>>
      %dma_start3A_34 = tpu.memref_squeeze %dma_start3A_33 : memref<1x64x80xi32, #tpu.memory_space<hbm>> -> memref<64x80xi32, #tpu.memory_space<hbm>>
      %dma_start3A_35 = arith.constant 0 : i32
      %dma_start3A_36 = arith.constant 0 : i32
      %dma_start3A_37 = tpu.memref_slice %arg8[%dma_start3A_35, %dma_start3A_36] : memref<64x80xi32, #tpu.memory_space<vmem>> -> memref<64x80xi32, #tpu.memory_space<vmem>>
      %dma_start3A_38 = arith.constant 64 : i32
      %dma_start3A_39 = arith.constant 0 : i32
      %dma_start3A_40 = tpu.memref_slice %arg3[%add3A, %dma_start3A_38, %dma_start3A_39] : memref<32x128x80xi32, #tpu.memory_space<hbm>> -> memref<1x64x80xi32, #tpu.memory_space<hbm>>
      %dma_start3A_41 = tpu.memref_squeeze %dma_start3A_40 : memref<1x64x80xi32, #tpu.memory_space<hbm>> -> memref<64x80xi32, #tpu.memory_space<hbm>>
      tpu.enqueue_dma source(%dma_start3A_41 : memref<64x80xi32, #tpu.memory_space<hbm>>) target(%dma_start3A_37 : memref<64x80xi32, #tpu.memory_space<vmem>>) target_semaphore(%run_scoped3A : memref<!tpu.dma_semaphore, #tpu.memory_space<semaphore_mem>>)
      %dma_wait3A = arith.constant 0 : i32
      %dma_wait3A_42 = arith.constant 0 : i32
      %dma_wait3A_43 = tpu.memref_slice %arg8[%dma_wait3A, %dma_wait3A_42] : memref<64x80xi32, #tpu.memory_space<vmem>> -> memref<64x80xi32, #tpu.memory_space<vmem>>
      %dma_wait3A_44 = arith.constant 64 : i32
      %dma_wait3A_45 = arith.constant 0 : i32
      %dma_wait3A_46 = tpu.memref_slice %arg3[%add3A, %dma_wait3A_44, %dma_wait3A_45] : memref<32x128x80xi32, #tpu.memory_space<hbm>> -> memref<1x64x80xi32, #tpu.memory_space<hbm>>
      %dma_wait3A_47 = tpu.memref_squeeze %dma_wait3A_46 : memref<1x64x80xi32, #tpu.memory_space<hbm>> -> memref<64x80xi32, #tpu.memory_space<hbm>>
      %dma_wait3A_48 = arith.constant 0 : i32
      %dma_wait3A_49 = arith.constant 0 : i32
      %dma_wait3A_50 = tpu.memref_slice %arg8[%dma_wait3A_48, %dma_wait3A_49] : memref<64x80xi32, #tpu.memory_space<vmem>> -> memref<64x80xi32, #tpu.memory_space<vmem>>
      %dma_wait3A_51 = arith.constant 64 : i32
      %dma_wait3A_52 = arith.constant 0 : i32
      %dma_wait3A_53 = tpu.memref_slice %arg3[%add3A, %dma_wait3A_51, %dma_wait3A_52] : memref<32x128x80xi32, #tpu.memory_space<hbm>> -> memref<1x64x80xi32, #tpu.memory_space<hbm>>
      %dma_wait3A_54 = tpu.memref_squeeze %dma_wait3A_53 : memref<1x64x80xi32, #tpu.memory_space<hbm>> -> memref<64x80xi32, #tpu.memory_space<hbm>>
      tpu.wait_dma2 semaphore(%run_scoped3A : memref<!tpu.dma_semaphore, #tpu.memory_space<semaphore_mem>>) src(%dma_wait3A_54 : memref<64x80xi32, #tpu.memory_space<hbm>>) dst(%dma_wait3A_50 : memref<64x80xi32, #tpu.memory_space<vmem>>)
      tpu.yield
    }) : () -> ()
    "tpu.region"() ({
      %run_scoped3A = tpu.sem_alloc : memref<!tpu.dma_semaphore, #tpu.memory_space<semaphore_mem>>
      %dma_start3A_28 = arith.constant 0 : i32
      %dma_start3A_29 = arith.constant 0 : i32
      %dma_start3A_30 = tpu.memref_slice %arg9[%dma_start3A_28, %dma_start3A_29] : memref<64x80xi32, #tpu.memory_space<vmem>> -> memref<64x80xi32, #tpu.memory_space<vmem>>
      %dma_start3A_31 = arith.constant 64 : i32
      %dma_start3A_32 = arith.constant 0 : i32
      %dma_start3A_33 = tpu.memref_slice %arg4[%add3A, %dma_start3A_31, %dma_start3A_32] : memref<32x128x80xi32, #tpu.memory_space<hbm>> -> memref<1x64x80xi32, #tpu.memory_space<hbm>>
      %dma_start3A_34 = tpu.memref_squeeze %dma_start3A_33 : memref<1x64x80xi32, #tpu.memory_space<hbm>> -> memref<64x80xi32, #tpu.memory_space<hbm>>
      %dma_start3A_35 = arith.constant 0 : i32
      %dma_start3A_36 = arith.constant 0 : i32
      %dma_start3A_37 = tpu.memref_slice %arg9[%dma_start3A_35, %dma_start3A_36] : memref<64x80xi32, #tpu.memory_space<vmem>> -> memref<64x80xi32, #tpu.memory_space<vmem>>
      %dma_start3A_38 = arith.constant 64 : i32
      %dma_start3A_39 = arith.constant 0 : i32
      %dma_start3A_40 = tpu.memref_slice %arg4[%add3A, %dma_start3A_38, %dma_start3A_39] : memref<32x128x80xi32, #tpu.memory_space<hbm>> -> memref<1x64x80xi32, #tpu.memory_space<hbm>>
      %dma_start3A_41 = tpu.memref_squeeze %dma_start3A_40 : memref<1x64x80xi32, #tpu.memory_space<hbm>> -> memref<64x80xi32, #tpu.memory_space<hbm>>
      tpu.enqueue_dma source(%dma_start3A_41 : memref<64x80xi32, #tpu.memory_space<hbm>>) target(%dma_start3A_37 : memref<64x80xi32, #tpu.memory_space<vmem>>) target_semaphore(%run_scoped3A : memref<!tpu.dma_semaphore, #tpu.memory_space<semaphore_mem>>)
      %dma_wait3A = arith.constant 0 : i32
      %dma_wait3A_42 = arith.constant 0 : i32
      %dma_wait3A_43 = tpu.memref_slice %arg9[%dma_wait3A, %dma_wait3A_42] : memref<64x80xi32, #tpu.memory_space<vmem>> -> memref<64x80xi32, #tpu.memory_space<vmem>>
      %dma_wait3A_44 = arith.constant 64 : i32
      %dma_wait3A_45 = arith.constant 0 : i32
      %dma_wait3A_46 = tpu.memref_slice %arg4[%add3A, %dma_wait3A_44, %dma_wait3A_45] : memref<32x128x80xi32, #tpu.memory_space<hbm>> -> memref<1x64x80xi32, #tpu.memory_space<hbm>>
      %dma_wait3A_47 = tpu.memref_squeeze %dma_wait3A_46 : memref<1x64x80xi32, #tpu.memory_space<hbm>> -> memref<64x80xi32, #tpu.memory_space<hbm>>
      %dma_wait3A_48 = arith.constant 0 : i32
      %dma_wait3A_49 = arith.constant 0 : i32
      %dma_wait3A_50 = tpu.memref_slice %arg9[%dma_wait3A_48, %dma_wait3A_49] : memref<64x80xi32, #tpu.memory_space<vmem>> -> memref<64x80xi32, #tpu.memory_space<vmem>>
      %dma_wait3A_51 = arith.constant 64 : i32
      %dma_wait3A_52 = arith.constant 0 : i32
      %dma_wait3A_53 = tpu.memref_slice %arg4[%add3A, %dma_wait3A_51, %dma_wait3A_52] : memref<32x128x80xi32, #tpu.memory_space<hbm>> -> memref<1x64x80xi32, #tpu.memory_space<hbm>>
      %dma_wait3A_54 = tpu.memref_squeeze %dma_wait3A_53 : memref<1x64x80xi32, #tpu.memory_space<hbm>> -> memref<64x80xi32, #tpu.memory_space<hbm>>
      tpu.wait_dma2 semaphore(%run_scoped3A : memref<!tpu.dma_semaphore, #tpu.memory_space<semaphore_mem>>) src(%dma_wait3A_54 : memref<64x80xi32, #tpu.memory_space<hbm>>) dst(%dma_wait3A_50 : memref<64x80xi32, #tpu.memory_space<vmem>>)
      tpu.yield
    }) : () -> ()
    %dma_start3A_14 = arith.constant 0 : i32
    %dma_start3A_15 = arith.constant 0 : i32
    %dma_start3A_16 = tpu.memref_slice %arg8[%dma_start3A_14, %dma_start3A_15] : memref<64x80xi32, #tpu.memory_space<vmem>> -> memref<1x80xi32, #tpu.memory_space<vmem>>
    %dma_start3A_17 = tpu.memref_squeeze %dma_start3A_16 : memref<1x80xi32, #tpu.memory_space<vmem>> -> memref<80xi32, #tpu.memory_space<vmem>>
    %dma_start3A_18 = arith.constant 0 : i32
    %dma_start3A_19 = arith.constant 0 : i32
    %dma_start3A_20 = tpu.memref_slice %arg2[%dma_start3A_18, %dma_start3A_19] : memref<10112x128xf32, #tpu.memory_space<hbm>> -> memref<10112x128xf32, #tpu.memory_space<hbm>>
    tpu.enqueue_indirect_dma source(%dma_start3A_20 : memref<10112x128xf32, #tpu.memory_space<hbm>>) target(%arg10 : memref<80x128xf32, #tpu.memory_space<vmem>>) offsets(%dma_start3A_17 : memref<80xi32, #tpu.memory_space<vmem>>) semaphore(%arg12 : memref<!tpu.dma_semaphore, #tpu.memory_space<semaphore_mem>>)
    %scan3A_21 = arith.constant 0 : i32
    %scan3A_22 = arith.constant 0 : i32
    %scan3A_23 = arith.constant 32 : i32
    %scan3A_24 = arith.addi %scan3A_22, %scan3A_23 : i32
    %scan3A_25 = arith.constant 1 : i32
    scf.for %scan3A_28 = %scan3A_22 to %scan3A_24 step %scan3A_25  : i32 {
      %mul3A_29 = arith.constant 2 : i32
      %mul3A_30 = arith.muli %mul3A_29, %scan3A_28 : i32
      %add3A_31 = arith.constant 1 : i32
      %add3A_32 = arith.addi %mul3A_30, %add3A_31 : i32
      %dma_start3A_33 = arith.constant 0 : i32
      %dma_start3A_34 = tpu.memref_slice %arg8[%add3A_32, %dma_start3A_33] : memref<64x80xi32, #tpu.memory_space<vmem>> -> memref<1x80xi32, #tpu.memory_space<vmem>>
      %dma_start3A_35 = tpu.memref_squeeze %dma_start3A_34 : memref<1x80xi32, #tpu.memory_space<vmem>> -> memref<80xi32, #tpu.memory_space<vmem>>
      %dma_start3A_36 = arith.constant 0 : i32
      %dma_start3A_37 = arith.constant 0 : i32
      %dma_start3A_38 = tpu.memref_slice %arg2[%dma_start3A_36, %dma_start3A_37] : memref<10112x128xf32, #tpu.memory_space<hbm>> -> memref<10112x128xf32, #tpu.memory_space<hbm>>
      tpu.enqueue_indirect_dma source(%dma_start3A_38 : memref<10112x128xf32, #tpu.memory_space<hbm>>) target(%arg11 : memref<80x128xf32, #tpu.memory_space<vmem>>) offsets(%dma_start3A_35 : memref<80xi32, #tpu.memory_space<vmem>>) semaphore(%arg13 : memref<!tpu.dma_semaphore, #tpu.memory_space<semaphore_mem>>)
      %dma_wait3A = arith.constant 0 : i32
      %dma_wait3A_39 = tpu.memref_slice %arg8[%mul3A_30, %dma_wait3A] : memref<64x80xi32, #tpu.memory_space<vmem>> -> memref<1x80xi32, #tpu.memory_space<vmem>>
      %dma_wait3A_40 = tpu.memref_squeeze %dma_wait3A_39 : memref<1x80xi32, #tpu.memory_space<vmem>> -> memref<80xi32, #tpu.memory_space<vmem>>
      %dma_wait3A_41 = arith.constant 0 : i32
      %dma_wait3A_42 = arith.constant 0 : i32
      %dma_wait3A_43 = tpu.memref_slice %arg2[%dma_wait3A_41, %dma_wait3A_42] : memref<10112x128xf32, #tpu.memory_space<hbm>> -> memref<10112x128xf32, #tpu.memory_space<hbm>>
      tpu.wait_indirect_dma semaphore(%arg12 : memref<!tpu.dma_semaphore, #tpu.memory_space<semaphore_mem>>) src(%dma_wait3A_43 : memref<10112x128xf32, #tpu.memory_space<hbm>>) dst(%arg10 : memref<80x128xf32, #tpu.memory_space<vmem>>)
      "tpu.region"() ({
        %run_scoped3A = tpu.sem_alloc : memref<!tpu.dma_semaphore, #tpu.memory_space<semaphore_mem>>
        %dma_start3A_58 = arith.constant 0 : i32
        %dma_start3A_59 = tpu.memref_slice %arg9[%mul3A_30, %dma_start3A_58] : memref<64x80xi32, #tpu.memory_space<vmem>> -> memref<1x80xi32, #tpu.memory_space<vmem>>
        %dma_start3A_60 = tpu.memref_squeeze %dma_start3A_59 : memref<1x80xi32, #tpu.memory_space<vmem>> -> memref<80xi32, #tpu.memory_space<vmem>>
        %dma_start3A_61 = arith.constant 0 : i32
        %dma_start3A_62 = arith.constant 0 : i32
        %dma_start3A_63 = tpu.memref_slice %arg7[%dma_start3A_61, %dma_start3A_62] : memref<10112x128xf32, #tpu.memory_space<vmem_shared>> -> memref<10112x128xf32, #tpu.memory_space<vmem_shared>>
        tpu.enqueue_indirect_dma source(%arg10 : memref<80x128xf32, #tpu.memory_space<vmem>>) target(%dma_start3A_63 : memref<10112x128xf32, #tpu.memory_space<vmem_shared>>) offsets(%dma_start3A_60 : memref<80xi32, #tpu.memory_space<vmem>>) semaphore(%run_scoped3A : memref<!tpu.dma_semaphore, #tpu.memory_space<semaphore_mem>>) {add = true}
        %dma_wait3A_64 = arith.constant 0 : i32
        %dma_wait3A_65 = tpu.memref_slice %arg9[%mul3A_30, %dma_wait3A_64] : memref<64x80xi32, #tpu.memory_space<vmem>> -> memref<1x80xi32, #tpu.memory_space<vmem>>
        %dma_wait3A_66 = tpu.memref_squeeze %dma_wait3A_65 : memref<1x80xi32, #tpu.memory_space<vmem>> -> memref<80xi32, #tpu.memory_space<vmem>>
        %dma_wait3A_67 = arith.constant 0 : i32
        %dma_wait3A_68 = arith.constant 0 : i32
        %dma_wait3A_69 = tpu.memref_slice %arg7[%dma_wait3A_67, %dma_wait3A_68] : memref<10112x128xf32, #tpu.memory_space<vmem_shared>> -> memref<10112x128xf32, #tpu.memory_space<vmem_shared>>
        tpu.wait_indirect_dma semaphore(%run_scoped3A : memref<!tpu.dma_semaphore, #tpu.memory_space<semaphore_mem>>) src(%arg10 : memref<80x128xf32, #tpu.memory_space<vmem>>) dst(%dma_wait3A_69 : memref<10112x128xf32, #tpu.memory_space<vmem_shared>>)
        tpu.yield
      }) : () -> ()
      %add3A_44 = arith.constant 2 : i32
      %add3A_45 = arith.addi %mul3A_30, %add3A_44 : i32
      %lt3A = arith.constant 64 : i32
      %lt3A_46 = arith.cmpi slt, %add3A_45, %lt3A : i32
      %convert_element_type3A = arith.extui %lt3A_46 : i1 to i32
      %cond3A = arith.constant 0 : i32
      %cond3A_47 = arith.cmpi ne, %convert_element_type3A, %cond3A : i32
      scf.if %cond3A_47 {
        %add3A_58 = arith.constant 2 : i32
        %add3A_59 = arith.addi %mul3A_30, %add3A_58 : i32
        %dma_start3A_60 = arith.constant 0 : i32
        %dma_start3A_61 = tpu.memref_slice %arg8[%add3A_59, %dma_start3A_60] : memref<64x80xi32, #tpu.memory_space<vmem>> -> memref<1x80xi32, #tpu.memory_space<vmem>>
        %dma_start3A_62 = tpu.memref_squeeze %dma_start3A_61 : memref<1x80xi32, #tpu.memory_space<vmem>> -> memref<80xi32, #tpu.memory_space<vmem>>
        %dma_start3A_63 = arith.constant 0 : i32
        %dma_start3A_64 = arith.constant 0 : i32
        %dma_start3A_65 = tpu.memref_slice %arg2[%dma_start3A_63, %dma_start3A_64] : memref<10112x128xf32, #tpu.memory_space<hbm>> -> memref<10112x128xf32, #tpu.memory_space<hbm>>
        tpu.enqueue_indirect_dma source(%dma_start3A_65 : memref<10112x128xf32, #tpu.memory_space<hbm>>) target(%arg10 : memref<80x128xf32, #tpu.memory_space<vmem>>) offsets(%dma_start3A_62 : memref<80xi32, #tpu.memory_space<vmem>>) semaphore(%arg12 : memref<!tpu.dma_semaphore, #tpu.memory_space<semaphore_mem>>)
      } else {
      }
      %add3A_48 = arith.constant 1 : i32
      %add3A_49 = arith.addi %mul3A_30, %add3A_48 : i32
      %dma_wait3A_50 = arith.constant 0 : i32
      %dma_wait3A_51 = tpu.memref_slice %arg8[%add3A_49, %dma_wait3A_50] : memref<64x80xi32, #tpu.memory_space<vmem>> -> memref<1x80xi32, #tpu.memory_space<vmem>>
      %dma_wait3A_52 = tpu.memref_squeeze %dma_wait3A_51 : memref<1x80xi32, #tpu.memory_space<vmem>> -> memref<80xi32, #tpu.memory_space<vmem>>
      %dma_wait3A_53 = arith.constant 0 : i32
      %dma_wait3A_54 = arith.constant 0 : i32
      %dma_wait3A_55 = tpu.memref_slice %arg2[%dma_wait3A_53, %dma_wait3A_54] : memref<10112x128xf32, #tpu.memory_space<hbm>> -> memref<10112x128xf32, #tpu.memory_space<hbm>>
      tpu.wait_indirect_dma semaphore(%arg13 : memref<!tpu.dma_semaphore, #tpu.memory_space<semaphore_mem>>) src(%dma_wait3A_55 : memref<10112x128xf32, #tpu.memory_space<hbm>>) dst(%arg11 : memref<80x128xf32, #tpu.memory_space<vmem>>)
      %add3A_56 = arith.constant 1 : i32
      %add3A_57 = arith.addi %mul3A_30, %add3A_56 : i32
      "tpu.region"() ({
        %run_scoped3A = tpu.sem_alloc : memref<!tpu.dma_semaphore, #tpu.memory_space<semaphore_mem>>
        %dma_start3A_58 = arith.constant 0 : i32
        %dma_start3A_59 = tpu.memref_slice %arg9[%add3A_57, %dma_start3A_58] : memref<64x80xi32, #tpu.memory_space<vmem>> -> memref<1x80xi32, #tpu.memory_space<vmem>>
        %dma_start3A_60 = tpu.memref_squeeze %dma_start3A_59 : memref<1x80xi32, #tpu.memory_space<vmem>> -> memref<80xi32, #tpu.memory_space<vmem>>
        %dma_start3A_61 = arith.constant 0 : i32
        %dma_start3A_62 = arith.constant 0 : i32
        %dma_start3A_63 = tpu.memref_slice %arg7[%dma_start3A_61, %dma_start3A_62] : memref<10112x128xf32, #tpu.memory_space<vmem_shared>> -> memref<10112x128xf32, #tpu.memory_space<vmem_shared>>
        tpu.enqueue_indirect_dma source(%arg11 : memref<80x128xf32, #tpu.memory_space<vmem>>) target(%dma_start3A_63 : memref<10112x128xf32, #tpu.memory_space<vmem_shared>>) offsets(%dma_start3A_60 : memref<80xi32, #tpu.memory_space<vmem>>) semaphore(%run_scoped3A : memref<!tpu.dma_semaphore, #tpu.memory_space<semaphore_mem>>) {add = true}
        %dma_wait3A_64 = arith.constant 0 : i32
        %dma_wait3A_65 = tpu.memref_slice %arg9[%add3A_57, %dma_wait3A_64] : memref<64x80xi32, #tpu.memory_space<vmem>> -> memref<1x80xi32, #tpu.memory_space<vmem>>
        %dma_wait3A_66 = tpu.memref_squeeze %dma_wait3A_65 : memref<1x80xi32, #tpu.memory_space<vmem>> -> memref<80xi32, #tpu.memory_space<vmem>>
        %dma_wait3A_67 = arith.constant 0 : i32
        %dma_wait3A_68 = arith.constant 0 : i32
        %dma_wait3A_69 = tpu.memref_slice %arg7[%dma_wait3A_67, %dma_wait3A_68] : memref<10112x128xf32, #tpu.memory_space<vmem_shared>> -> memref<10112x128xf32, #tpu.memory_space<vmem_shared>>
        tpu.wait_indirect_dma semaphore(%run_scoped3A : memref<!tpu.dma_semaphore, #tpu.memory_space<semaphore_mem>>) src(%arg11 : memref<80x128xf32, #tpu.memory_space<vmem>>) dst(%dma_wait3A_69 : memref<10112x128xf32, #tpu.memory_space<vmem_shared>>)
        tpu.yield
      }) : () -> ()
    }
    %scan3A_26 = arith.constant 32 : i32
    %barrier3A_27 = arith.constant 0 : index
    tpu.barrier barrier_id(%barrier3A_27)
    "tpu.region"() ({
      %run_scoped3A = tpu.sem_alloc : memref<!tpu.dma_semaphore, #tpu.memory_space<semaphore_mem>>
      %dma_start3A_28 = arith.constant 0 : i32
      %dma_start3A_29 = tpu.memref_slice %arg6[%arg0, %multiple_of3A, %dma_start3A_28] : memref<2x10112x128xf32, #tpu.memory_space<hbm>> -> memref<1x632x128xf32, #tpu.memory_space<hbm>>
      %dma_start3A_30 = tpu.memref_squeeze %dma_start3A_29 : memref<1x632x128xf32, #tpu.memory_space<hbm>> -> memref<632x128xf32, #tpu.memory_space<hbm>>
      %dma_start3A_31 = arith.constant 0 : i32
      %dma_start3A_32 = tpu.memref_slice %arg7[%multiple_of3A, %dma_start3A_31] : memref<10112x128xf32, #tpu.memory_space<vmem_shared>> -> memref<632x128xf32, #tpu.memory_space<vmem_shared>>
      tpu.enqueue_dma source(%dma_start3A_32 : memref<632x128xf32, #tpu.memory_space<vmem_shared>>) target(%dma_start3A_30 : memref<632x128xf32, #tpu.memory_space<hbm>>) target_semaphore(%run_scoped3A : memref<!tpu.dma_semaphore, #tpu.memory_space<semaphore_mem>>)
      %dma_wait3A = arith.constant 0 : i32
      %dma_wait3A_33 = tpu.memref_slice %arg6[%arg0, %multiple_of3A, %dma_wait3A] : memref<2x10112x128xf32, #tpu.memory_space<hbm>> -> memref<1x632x128xf32, #tpu.memory_space<hbm>>
      %dma_wait3A_34 = tpu.memref_squeeze %dma_wait3A_33 : memref<1x632x128xf32, #tpu.memory_space<hbm>> -> memref<632x128xf32, #tpu.memory_space<hbm>>
      %dma_wait3A_35 = arith.constant 0 : i32
      %dma_wait3A_36 = tpu.memref_slice %arg7[%multiple_of3A, %dma_wait3A_35] : memref<10112x128xf32, #tpu.memory_space<vmem_shared>> -> memref<632x128xf32, #tpu.memory_space<vmem_shared>>
      tpu.wait_dma2 semaphore(%run_scoped3A : memref<!tpu.dma_semaphore, #tpu.memory_space<semaphore_mem>>) src(%dma_wait3A_36 : memref<632x128xf32, #tpu.memory_space<vmem_shared>>) dst(%dma_wait3A_34 : memref<632x128xf32, #tpu.memory_space<hbm>>)
      tpu.yield
    }) : () -> ()
    return
  }
}

#map = affine_map<(d0, d1) -> (0, 0)>
#map1 = affine_map<(d0, d1) -> (0, 0, 0)>
module attributes {stable_mosaic.version = 14 : i64} {
  func.func @_spmm_body(%arg0: i32, %arg1: i32, %arg2: memref<10112x128xf32, #tpu.memory_space<hbm>>, %arg3: memref<32x128x80xi32, #tpu.memory_space<hbm>>, %arg4: memref<32x128x80xi32, #tpu.memory_space<hbm>>, %arg5: memref<10112x128xf32, #tpu.memory_space<hbm>>, %arg6: memref<2x10112x128xf32, #tpu.memory_space<hbm>>, %arg7: memref<10112x128xf32, #tpu.memory_space<vmem_shared>>, %arg8: memref<64x80xi32, #tpu.memory_space<vmem>>, %arg9: memref<64x80xi32, #tpu.memory_space<vmem>>, %arg10: memref<80x128xf32, #tpu.memory_space<vmem>>, %arg11: memref<80x128xf32, #tpu.memory_space<vmem>>, %arg12: memref<!tpu.dma_semaphore, #tpu.memory_space<semaphore_mem>>, %arg13: memref<!tpu.dma_semaphore, #tpu.memory_space<semaphore_mem>>) attributes {dimension_semantics = [#tpu.dimension_semantics<core_parallel>, #tpu.dimension_semantics<subcore_parallel>], iteration_bounds = array<i64: 2, 16>, scalar_prefetch = 0 : i64, scratch_operands = 7 : i64, tpu.core_type = #tpu.core_type<sc_vector_subcore>, window_params = [{transform_indices = #map}, {transform_indices = #map1}, {transform_indices = #map1}, {transform_indices = #map}, {transform_indices = #map1}]} {
    %mul3A = arith.constant 16 : i32
    %mul3A_0 = arith.muli %arg0, %mul3A : i32
    %add3A = arith.addi %mul3A_0, %arg1 : i32
    %mul3A_1 = arith.constant 632 : i32
    %mul3A_2 = arith.muli %arg1, %mul3A_1 : i32
    %multiple_of3A = tpu.assume_multiple %mul3A_2, 8 : i32
    "tpu.region"() ({
      %run_scoped3A = tpu.sem_alloc : memref<!tpu.dma_semaphore, #tpu.memory_space<semaphore_mem>>
      %dma_start3A_28 = arith.constant 0 : i32
      %dma_start3A_29 = tpu.memref_slice %arg7[%multiple_of3A, %dma_start3A_28] : memref<10112x128xf32, #tpu.memory_space<vmem_shared>> -> memref<632x128xf32, #tpu.memory_space<vmem_shared>>
      %dma_start3A_30 = arith.constant 0 : i32
      %dma_start3A_31 = tpu.memref_slice %arg5[%multiple_of3A, %dma_start3A_30] : memref<10112x128xf32, #tpu.memory_space<hbm>> -> memref<632x128xf32, #tpu.memory_space<hbm>>
      tpu.enqueue_dma source(%dma_start3A_31 : memref<632x128xf32, #tpu.memory_space<hbm>>) target(%dma_start3A_29 : memref<632x128xf32, #tpu.memory_space<vmem_shared>>) target_semaphore(%run_scoped3A : memref<!tpu.dma_semaphore, #tpu.memory_space<semaphore_mem>>)
      %dma_wait3A = arith.constant 0 : i32
      %dma_wait3A_32 = tpu.memref_slice %arg7[%multiple_of3A, %dma_wait3A] : memref<10112x128xf32, #tpu.memory_space<vmem_shared>> -> memref<632x128xf32, #tpu.memory_space<vmem_shared>>
      %dma_wait3A_33 = arith.constant 0 : i32
      %dma_wait3A_34 = tpu.memref_slice %arg5[%multiple_of3A, %dma_wait3A_33] : memref<10112x128xf32, #tpu.memory_space<hbm>> -> memref<632x128xf32, #tpu.memory_space<hbm>>
      tpu.wait_dma2 semaphore(%run_scoped3A : memref<!tpu.dma_semaphore, #tpu.memory_space<semaphore_mem>>) src(%dma_wait3A_34 : memref<632x128xf32, #tpu.memory_space<hbm>>) dst(%dma_wait3A_32 : memref<632x128xf32, #tpu.memory_space<vmem_shared>>)
      tpu.yield
    }) : () -> ()
    %barrier3A = arith.constant 0 : index
    tpu.barrier barrier_id(%barrier3A)
    "tpu.region"() ({
      %run_scoped3A = tpu.sem_alloc : memref<!tpu.dma_semaphore, #tpu.memory_space<semaphore_mem>>
      %dma_start3A_28 = arith.constant 0 : i32
      %dma_start3A_29 = arith.constant 0 : i32
      %dma_start3A_30 = tpu.memref_slice %arg8[%dma_start3A_28, %dma_start3A_29] : memref<64x80xi32, #tpu.memory_space<vmem>> -> memref<64x80xi32, #tpu.memory_space<vmem>>
      %dma_start3A_31 = arith.constant 0 : i32
      %dma_start3A_32 = arith.constant 0 : i32
      %dma_start3A_33 = tpu.memref_slice %arg3[%add3A, %dma_start3A_31, %dma_start3A_32] : memref<32x128x80xi32, #tpu.memory_space<hbm>> -> memref<1x64x80xi32, #tpu.memory_space<hbm>>
      %dma_start3A_34 = tpu.memref_squeeze %dma_start3A_33 : memref<1x64x80xi32, #tpu.memory_space<hbm>> -> memref<64x80xi32, #tpu.memory_space<hbm>>
      %dma_start3A_35 = arith.constant 0 : i32
      %dma_start3A_36 = arith.constant 0 : i32
      %dma_start3A_37 = tpu.memref_slice %arg8[%dma_start3A_35, %dma_start3A_36] : memref<64x80xi32, #tpu.memory_space<vmem>> -> memref<64x80xi32, #tpu.memory_space<vmem>>
      %dma_start3A_38 = arith.constant 0 : i32
      %dma_start3A_39 = arith.constant 0 : i32
      %dma_start3A_40 = tpu.memref_slice %arg3[%add3A, %dma_start3A_38, %dma_start3A_39] : memref<32x128x80xi32, #tpu.memory_space<hbm>> -> memref<1x64x80xi32, #tpu.memory_space<hbm>>
      %dma_start3A_41 = tpu.memref_squeeze %dma_start3A_40 : memref<1x64x80xi32, #tpu.memory_space<hbm>> -> memref<64x80xi32, #tpu.memory_space<hbm>>
      tpu.enqueue_dma source(%dma_start3A_41 : memref<64x80xi32, #tpu.memory_space<hbm>>) target(%dma_start3A_37 : memref<64x80xi32, #tpu.memory_space<vmem>>) target_semaphore(%run_scoped3A : memref<!tpu.dma_semaphore, #tpu.memory_space<semaphore_mem>>)
      %dma_wait3A = arith.constant 0 : i32
      %dma_wait3A_42 = arith.constant 0 : i32
      %dma_wait3A_43 = tpu.memref_slice %arg8[%dma_wait3A, %dma_wait3A_42] : memref<64x80xi32, #tpu.memory_space<vmem>> -> memref<64x80xi32, #tpu.memory_space<vmem>>
      %dma_wait3A_44 = arith.constant 0 : i32
      %dma_wait3A_45 = arith.constant 0 : i32
      %dma_wait3A_46 = tpu.memref_slice %arg3[%add3A, %dma_wait3A_44, %dma_wait3A_45] : memref<32x128x80xi32, #tpu.memory_space<hbm>> -> memref<1x64x80xi32, #tpu.memory_space<hbm>>
      %dma_wait3A_47 = tpu.memref_squeeze %dma_wait3A_46 : memref<1x64x80xi32, #tpu.memory_space<hbm>> -> memref<64x80xi32, #tpu.memory_space<hbm>>
      %dma_wait3A_48 = arith.constant 0 : i32
      %dma_wait3A_49 = arith.constant 0 : i32
      %dma_wait3A_50 = tpu.memref_slice %arg8[%dma_wait3A_48, %dma_wait3A_49] : memref<64x80xi32, #tpu.memory_space<vmem>> -> memref<64x80xi32, #tpu.memory_space<vmem>>
      %dma_wait3A_51 = arith.constant 0 : i32
      %dma_wait3A_52 = arith.constant 0 : i32
      %dma_wait3A_53 = tpu.memref_slice %arg3[%add3A, %dma_wait3A_51, %dma_wait3A_52] : memref<32x128x80xi32, #tpu.memory_space<hbm>> -> memref<1x64x80xi32, #tpu.memory_space<hbm>>
      %dma_wait3A_54 = tpu.memref_squeeze %dma_wait3A_53 : memref<1x64x80xi32, #tpu.memory_space<hbm>> -> memref<64x80xi32, #tpu.memory_space<hbm>>
      tpu.wait_dma2 semaphore(%run_scoped3A : memref<!tpu.dma_semaphore, #tpu.memory_space<semaphore_mem>>) src(%dma_wait3A_54 : memref<64x80xi32, #tpu.memory_space<hbm>>) dst(%dma_wait3A_50 : memref<64x80xi32, #tpu.memory_space<vmem>>)
      tpu.yield
    }) : () -> ()
    "tpu.region"() ({
      %run_scoped3A = tpu.sem_alloc : memref<!tpu.dma_semaphore, #tpu.memory_space<semaphore_mem>>
      %dma_start3A_28 = arith.constant 0 : i32
      %dma_start3A_29 = arith.constant 0 : i32
      %dma_start3A_30 = tpu.memref_slice %arg9[%dma_start3A_28, %dma_start3A_29] : memref<64x80xi32, #tpu.memory_space<vmem>> -> memref<64x80xi32, #tpu.memory_space<vmem>>
      %dma_start3A_31 = arith.constant 0 : i32
      %dma_start3A_32 = arith.constant 0 : i32
      %dma_start3A_33 = tpu.memref_slice %arg4[%add3A, %dma_start3A_31, %dma_start3A_32] : memref<32x128x80xi32, #tpu.memory_space<hbm>> -> memref<1x64x80xi32, #tpu.memory_space<hbm>>
      %dma_start3A_34 = tpu.memref_squeeze %dma_start3A_33 : memref<1x64x80xi32, #tpu.memory_space<hbm>> -> memref<64x80xi32, #tpu.memory_space<hbm>>
      %dma_start3A_35 = arith.constant 0 : i32
      %dma_start3A_36 = arith.constant 0 : i32
      %dma_start3A_37 = tpu.memref_slice %arg9[%dma_start3A_35, %dma_start3A_36] : memref<64x80xi32, #tpu.memory_space<vmem>> -> memref<64x80xi32, #tpu.memory_space<vmem>>
      %dma_start3A_38 = arith.constant 0 : i32
      %dma_start3A_39 = arith.constant 0 : i32
      %dma_start3A_40 = tpu.memref_slice %arg4[%add3A, %dma_start3A_38, %dma_start3A_39] : memref<32x128x80xi32, #tpu.memory_space<hbm>> -> memref<1x64x80xi32, #tpu.memory_space<hbm>>
      %dma_start3A_41 = tpu.memref_squeeze %dma_start3A_40 : memref<1x64x80xi32, #tpu.memory_space<hbm>> -> memref<64x80xi32, #tpu.memory_space<hbm>>
      tpu.enqueue_dma source(%dma_start3A_41 : memref<64x80xi32, #tpu.memory_space<hbm>>) target(%dma_start3A_37 : memref<64x80xi32, #tpu.memory_space<vmem>>) target_semaphore(%run_scoped3A : memref<!tpu.dma_semaphore, #tpu.memory_space<semaphore_mem>>)
      %dma_wait3A = arith.constant 0 : i32
      %dma_wait3A_42 = arith.constant 0 : i32
      %dma_wait3A_43 = tpu.memref_slice %arg9[%dma_wait3A, %dma_wait3A_42] : memref<64x80xi32, #tpu.memory_space<vmem>> -> memref<64x80xi32, #tpu.memory_space<vmem>>
      %dma_wait3A_44 = arith.constant 0 : i32
      %dma_wait3A_45 = arith.constant 0 : i32
      %dma_wait3A_46 = tpu.memref_slice %arg4[%add3A, %dma_wait3A_44, %dma_wait3A_45] : memref<32x128x80xi32, #tpu.memory_space<hbm>> -> memref<1x64x80xi32, #tpu.memory_space<hbm>>
      %dma_wait3A_47 = tpu.memref_squeeze %dma_wait3A_46 : memref<1x64x80xi32, #tpu.memory_space<hbm>> -> memref<64x80xi32, #tpu.memory_space<hbm>>
      %dma_wait3A_48 = arith.constant 0 : i32
      %dma_wait3A_49 = arith.constant 0 : i32
      %dma_wait3A_50 = tpu.memref_slice %arg9[%dma_wait3A_48, %dma_wait3A_49] : memref<64x80xi32, #tpu.memory_space<vmem>> -> memref<64x80xi32, #tpu.memory_space<vmem>>
      %dma_wait3A_51 = arith.constant 0 : i32
      %dma_wait3A_52 = arith.constant 0 : i32
      %dma_wait3A_53 = tpu.memref_slice %arg4[%add3A, %dma_wait3A_51, %dma_wait3A_52] : memref<32x128x80xi32, #tpu.memory_space<hbm>> -> memref<1x64x80xi32, #tpu.memory_space<hbm>>
      %dma_wait3A_54 = tpu.memref_squeeze %dma_wait3A_53 : memref<1x64x80xi32, #tpu.memory_space<hbm>> -> memref<64x80xi32, #tpu.memory_space<hbm>>
      tpu.wait_dma2 semaphore(%run_scoped3A : memref<!tpu.dma_semaphore, #tpu.memory_space<semaphore_mem>>) src(%dma_wait3A_54 : memref<64x80xi32, #tpu.memory_space<hbm>>) dst(%dma_wait3A_50 : memref<64x80xi32, #tpu.memory_space<vmem>>)
      tpu.yield
    }) : () -> ()
    %dma_start3A = arith.constant 0 : i32
    %dma_start3A_3 = arith.constant 0 : i32
    %dma_start3A_4 = tpu.memref_slice %arg8[%dma_start3A, %dma_start3A_3] : memref<64x80xi32, #tpu.memory_space<vmem>> -> memref<1x80xi32, #tpu.memory_space<vmem>>
    %dma_start3A_5 = tpu.memref_squeeze %dma_start3A_4 : memref<1x80xi32, #tpu.memory_space<vmem>> -> memref<80xi32, #tpu.memory_space<vmem>>
    %dma_start3A_6 = arith.constant 0 : i32
    %dma_start3A_7 = arith.constant 0 : i32
    %dma_start3A_8 = tpu.memref_slice %arg2[%dma_start3A_6, %dma_start3A_7] : memref<10112x128xf32, #tpu.memory_space<hbm>> -> memref<10112x128xf32, #tpu.memory_space<hbm>>
    tpu.enqueue_indirect_dma source(%dma_start3A_8 : memref<10112x128xf32, #tpu.memory_space<hbm>>) target(%arg10 : memref<80x128xf32, #tpu.memory_space<vmem>>) offsets(%dma_start3A_5 : memref<80xi32, #tpu.memory_space<vmem>>) semaphore(%arg12 : memref<!tpu.dma_semaphore, #tpu.memory_space<semaphore_mem>>)
    %scan3A = arith.constant 0 : i32
    %scan3A_9 = arith.constant 0 : i32
    %scan3A_10 = arith.constant 32 : i32
    %scan3A_11 = arith.addi %scan3A_9, %scan3A_10 : i32
    %scan3A_12 = arith.constant 1 : i32
    scf.for %scan3A_28 = %scan3A_9 to %scan3A_11 step %scan3A_12  : i32 {
      %mul3A_29 = arith.constant 2 : i32
      %mul3A_30 = arith.muli %mul3A_29, %scan3A_28 : i32
      %add3A_31 = arith.constant 1 : i32
      %add3A_32 = arith.addi %mul3A_30, %add3A_31 : i32
      %dma_start3A_33 = arith.constant 0 : i32
      %dma_start3A_34 = tpu.memref_slice %arg8[%add3A_32, %dma_start3A_33] : memref<64x80xi32, #tpu.memory_space<vmem>> -> memref<1x80xi32, #tpu.memory_space<vmem>>
      %dma_start3A_35 = tpu.memref_squeeze %dma_start3A_34 : memref<1x80xi32, #tpu.memory_space<vmem>> -> memref<80xi32, #tpu.memory_space<vmem>>
      %dma_start3A_36 = arith.constant 0 : i32
      %dma_start3A_37 = arith.constant 0 : i32
      %dma_start3A_38 = tpu.memref_slice %arg2[%dma_start3A_36, %dma_start3A_37] : memref<10112x128xf32, #tpu.memory_space<hbm>> -> memref<10112x128xf32, #tpu.memory_space<hbm>>
      tpu.enqueue_indirect_dma source(%dma_start3A_38 : memref<10112x128xf32, #tpu.memory_space<hbm>>) target(%arg11 : memref<80x128xf32, #tpu.memory_space<vmem>>) offsets(%dma_start3A_35 : memref<80xi32, #tpu.memory_space<vmem>>) semaphore(%arg13 : memref<!tpu.dma_semaphore, #tpu.memory_space<semaphore_mem>>)
      %dma_wait3A = arith.constant 0 : i32
      %dma_wait3A_39 = tpu.memref_slice %arg8[%mul3A_30, %dma_wait3A] : memref<64x80xi32, #tpu.memory_space<vmem>> -> memref<1x80xi32, #tpu.memory_space<vmem>>
      %dma_wait3A_40 = tpu.memref_squeeze %dma_wait3A_39 : memref<1x80xi32, #tpu.memory_space<vmem>> -> memref<80xi32, #tpu.memory_space<vmem>>
      %dma_wait3A_41 = arith.constant 0 : i32
      %dma_wait3A_42 = arith.constant 0 : i32
      %dma_wait3A_43 = tpu.memref_slice %arg2[%dma_wait3A_41, %dma_wait3A_42] : memref<10112x128xf32, #tpu.memory_space<hbm>> -> memref<10112x128xf32, #tpu.memory_space<hbm>>
      tpu.wait_indirect_dma semaphore(%arg12 : memref<!tpu.dma_semaphore, #tpu.memory_space<semaphore_mem>>) src(%dma_wait3A_43 : memref<10112x128xf32, #tpu.memory_space<hbm>>) dst(%arg10 : memref<80x128xf32, #tpu.memory_space<vmem>>)
      "tpu.region"() ({
        %run_scoped3A = tpu.sem_alloc : memref<!tpu.dma_semaphore, #tpu.memory_space<semaphore_mem>>
        %dma_start3A_58 = arith.constant 0 : i32
        %dma_start3A_59 = tpu.memref_slice %arg9[%mul3A_30, %dma_start3A_58] : memref<64x80xi32, #tpu.memory_space<vmem>> -> memref<1x80xi32, #tpu.memory_space<vmem>>
        %dma_start3A_60 = tpu.memref_squeeze %dma_start3A_59 : memref<1x80xi32, #tpu.memory_space<vmem>> -> memref<80xi32, #tpu.memory_space<vmem>>
        %dma_start3A_61 = arith.constant 0 : i32
        %dma_start3A_62 = arith.constant 0 : i32
        %dma_start3A_63 = tpu.memref_slice %arg7[%dma_start3A_61, %dma_start3A_62] : memref<10112x128xf32, #tpu.memory_space<vmem_shared>> -> memref<10112x128xf32, #tpu.memory_space<vmem_shared>>
        tpu.enqueue_indirect_dma source(%arg10 : memref<80x128xf32, #tpu.memory_space<vmem>>) target(%dma_start3A_63 : memref<10112x128xf32, #tpu.memory_space<vmem_shared>>) offsets(%dma_start3A_60 : memref<80xi32, #tpu.memory_space<vmem>>) semaphore(%run_scoped3A : memref<!tpu.dma_semaphore, #tpu.memory_space<semaphore_mem>>) {add = true}
        %dma_wait3A_64 = arith.constant 0 : i32
        %dma_wait3A_65 = tpu.memref_slice %arg9[%mul3A_30, %dma_wait3A_64] : memref<64x80xi32, #tpu.memory_space<vmem>> -> memref<1x80xi32, #tpu.memory_space<vmem>>
        %dma_wait3A_66 = tpu.memref_squeeze %dma_wait3A_65 : memref<1x80xi32, #tpu.memory_space<vmem>> -> memref<80xi32, #tpu.memory_space<vmem>>
        %dma_wait3A_67 = arith.constant 0 : i32
        %dma_wait3A_68 = arith.constant 0 : i32
        %dma_wait3A_69 = tpu.memref_slice %arg7[%dma_wait3A_67, %dma_wait3A_68] : memref<10112x128xf32, #tpu.memory_space<vmem_shared>> -> memref<10112x128xf32, #tpu.memory_space<vmem_shared>>
        tpu.wait_indirect_dma semaphore(%run_scoped3A : memref<!tpu.dma_semaphore, #tpu.memory_space<semaphore_mem>>) src(%arg10 : memref<80x128xf32, #tpu.memory_space<vmem>>) dst(%dma_wait3A_69 : memref<10112x128xf32, #tpu.memory_space<vmem_shared>>)
        tpu.yield
      }) : () -> ()
      %add3A_44 = arith.constant 2 : i32
      %add3A_45 = arith.addi %mul3A_30, %add3A_44 : i32
      %lt3A = arith.constant 64 : i32
      %lt3A_46 = arith.cmpi slt, %add3A_45, %lt3A : i32
      %convert_element_type3A = arith.extui %lt3A_46 : i1 to i32
      %cond3A = arith.constant 0 : i32
      %cond3A_47 = arith.cmpi ne, %convert_element_type3A, %cond3A : i32
      scf.if %cond3A_47 {
        %add3A_58 = arith.constant 2 : i32
        %add3A_59 = arith.addi %mul3A_30, %add3A_58 : i32
        %dma_start3A_60 = arith.constant 0 : i32
        %dma_start3A_61 = tpu.memref_slice %arg8[%add3A_59, %dma_start3A_60] : memref<64x80xi32, #tpu.memory_space<vmem>> -> memref<1x80xi32, #tpu.memory_space<vmem>>
        %dma_start3A_62 = tpu.memref_squeeze %dma_start3A_61 : memref<1x80xi32, #tpu.memory_space<vmem>> -> memref<80xi32, #tpu.memory_space<vmem>>
        %dma_start3A_63 = arith.constant 0 : i32
        %dma_start3A_64 = arith.constant 0 : i32
        %dma_start3A_65 = tpu.memref_slice %arg2[%dma_start3A_63, %dma_start3A_64] : memref<10112x128xf32, #tpu.memory_space<hbm>> -> memref<10112x128xf32, #tpu.memory_space<hbm>>
        tpu.enqueue_indirect_dma source(%dma_start3A_65 : memref<10112x128xf32, #tpu.memory_space<hbm>>) target(%arg10 : memref<80x128xf32, #tpu.memory_space<vmem>>) offsets(%dma_start3A_62 : memref<80xi32, #tpu.memory_space<vmem>>) semaphore(%arg12 : memref<!tpu.dma_semaphore, #tpu.memory_space<semaphore_mem>>)
      } else {
      }
      %add3A_48 = arith.constant 1 : i32
      %add3A_49 = arith.addi %mul3A_30, %add3A_48 : i32
      %dma_wait3A_50 = arith.constant 0 : i32
      %dma_wait3A_51 = tpu.memref_slice %arg8[%add3A_49, %dma_wait3A_50] : memref<64x80xi32, #tpu.memory_space<vmem>> -> memref<1x80xi32, #tpu.memory_space<vmem>>
      %dma_wait3A_52 = tpu.memref_squeeze %dma_wait3A_51 : memref<1x80xi32, #tpu.memory_space<vmem>> -> memref<80xi32, #tpu.memory_space<vmem>>
      %dma_wait3A_53 = arith.constant 0 : i32
      %dma_wait3A_54 = arith.constant 0 : i32
      %dma_wait3A_55 = tpu.memref_slice %arg2[%dma_wait3A_53, %dma_wait3A_54] : memref<10112x128xf32, #tpu.memory_space<hbm>> -> memref<10112x128xf32, #tpu.memory_space<hbm>>
      tpu.wait_indirect_dma semaphore(%arg13 : memref<!tpu.dma_semaphore, #tpu.memory_space<semaphore_mem>>) src(%dma_wait3A_55 : memref<10112x128xf32, #tpu.memory_space<hbm>>) dst(%arg11 : memref<80x128xf32, #tpu.memory_space<vmem>>)
      %add3A_56 = arith.constant 1 : i32
      %add3A_57 = arith.addi %mul3A_30, %add3A_56 : i32
      "tpu.region"() ({
        %run_scoped3A = tpu.sem_alloc : memref<!tpu.dma_semaphore, #tpu.memory_space<semaphore_mem>>
        %dma_start3A_58 = arith.constant 0 : i32
        %dma_start3A_59 = tpu.memref_slice %arg9[%add3A_57, %dma_start3A_58] : memref<64x80xi32, #tpu.memory_space<vmem>> -> memref<1x80xi32, #tpu.memory_space<vmem>>
        %dma_start3A_60 = tpu.memref_squeeze %dma_start3A_59 : memref<1x80xi32, #tpu.memory_space<vmem>> -> memref<80xi32, #tpu.memory_space<vmem>>
        %dma_start3A_61 = arith.constant 0 : i32
        %dma_start3A_62 = arith.constant 0 : i32
        %dma_start3A_63 = tpu.memref_slice %arg7[%dma_start3A_61, %dma_start3A_62] : memref<10112x128xf32, #tpu.memory_space<vmem_shared>> -> memref<10112x128xf32, #tpu.memory_space<vmem_shared>>
        tpu.enqueue_indirect_dma source(%arg11 : memref<80x128xf32, #tpu.memory_space<vmem>>) target(%dma_start3A_63 : memref<10112x128xf32, #tpu.memory_space<vmem_shared>>) offsets(%dma_start3A_60 : memref<80xi32, #tpu.memory_space<vmem>>) semaphore(%run_scoped3A : memref<!tpu.dma_semaphore, #tpu.memory_space<semaphore_mem>>) {add = true}
        %dma_wait3A_64 = arith.constant 0 : i32
        %dma_wait3A_65 = tpu.memref_slice %arg9[%add3A_57, %dma_wait3A_64] : memref<64x80xi32, #tpu.memory_space<vmem>> -> memref<1x80xi32, #tpu.memory_space<vmem>>
        %dma_wait3A_66 = tpu.memref_squeeze %dma_wait3A_65 : memref<1x80xi32, #tpu.memory_space<vmem>> -> memref<80xi32, #tpu.memory_space<vmem>>
        %dma_wait3A_67 = arith.constant 0 : i32
        %dma_wait3A_68 = arith.constant 0 : i32
        %dma_wait3A_69 = tpu.memref_slice %arg7[%dma_wait3A_67, %dma_wait3A_68] : memref<10112x128xf32, #tpu.memory_space<vmem_shared>> -> memref<10112x128xf32, #tpu.memory_space<vmem_shared>>
        tpu.wait_indirect_dma semaphore(%run_scoped3A : memref<!tpu.dma_semaphore, #tpu.memory_space<semaphore_mem>>) src(%arg11 : memref<80x128xf32, #tpu.memory_space<vmem>>) dst(%dma_wait3A_69 : memref<10112x128xf32, #tpu.memory_space<vmem_shared>>)
        tpu.yield
      }) : () -> ()
    }
    %scan3A_13 = arith.constant 32 : i32
    "tpu.region"() ({
      %run_scoped3A = tpu.sem_alloc : memref<!tpu.dma_semaphore, #tpu.memory_space<semaphore_mem>>
      %dma_start3A_28 = arith.constant 0 : i32
      %dma_start3A_29 = arith.constant 0 : i32
      %dma_start3A_30 = tpu.memref_slice %arg8[%dma_start3A_28, %dma_start3A_29] : memref<64x80xi32, #tpu.memory_space<vmem>> -> memref<64x80xi32, #tpu.memory_space<vmem>>
      %dma_start3A_31 = arith.constant 64 : i32
      %dma_start3A_32 = arith.constant 0 : i32
      %dma_start3A_33 = tpu.memref_slice %arg3[%add3A, %dma_start3A_31, %dma_start3A_32] : memref<32x128x80xi32, #tpu.memory_space<hbm>> -> memref<1x64x80xi32, #tpu.memory_space<hbm>>
      %dma_start3A_34 = tpu.memref_squeeze %dma_start3A_33 : memref<1x64x80xi32, #tpu.memory_space<hbm>> -> memref<64x80xi32, #tpu.memory_space<hbm>>
      %dma_start3A_35 = arith.constant 0 : i32
      %dma_start3A_36 = arith.constant 0 : i32
      %dma_start3A_37 = tpu.memref_slice %arg8[%dma_start3A_35, %dma_start3A_36] : memref<64x80xi32, #tpu.memory_space<vmem>> -> memref<64x80xi32, #tpu.memory_space<vmem>>
      %dma_start3A_38 = arith.constant 64 : i32
      %dma_start3A_39 = arith.constant 0 : i32
      %dma_start3A_40 = tpu.memref_slice %arg3[%add3A, %dma_start3A_38, %dma_start3A_39] : memref<32x128x80xi32, #tpu.memory_space<hbm>> -> memref<1x64x80xi32, #tpu.memory_space<hbm>>
      %dma_start3A_41 = tpu.memref_squeeze %dma_start3A_40 : memref<1x64x80xi32, #tpu.memory_space<hbm>> -> memref<64x80xi32, #tpu.memory_space<hbm>>
      tpu.enqueue_dma source(%dma_start3A_41 : memref<64x80xi32, #tpu.memory_space<hbm>>) target(%dma_start3A_37 : memref<64x80xi32, #tpu.memory_space<vmem>>) target_semaphore(%run_scoped3A : memref<!tpu.dma_semaphore, #tpu.memory_space<semaphore_mem>>)
      %dma_wait3A = arith.constant 0 : i32
      %dma_wait3A_42 = arith.constant 0 : i32
      %dma_wait3A_43 = tpu.memref_slice %arg8[%dma_wait3A, %dma_wait3A_42] : memref<64x80xi32, #tpu.memory_space<vmem>> -> memref<64x80xi32, #tpu.memory_space<vmem>>
      %dma_wait3A_44 = arith.constant 64 : i32
      %dma_wait3A_45 = arith.constant 0 : i32
      %dma_wait3A_46 = tpu.memref_slice %arg3[%add3A, %dma_wait3A_44, %dma_wait3A_45] : memref<32x128x80xi32, #tpu.memory_space<hbm>> -> memref<1x64x80xi32, #tpu.memory_space<hbm>>
      %dma_wait3A_47 = tpu.memref_squeeze %dma_wait3A_46 : memref<1x64x80xi32, #tpu.memory_space<hbm>> -> memref<64x80xi32, #tpu.memory_space<hbm>>
      %dma_wait3A_48 = arith.constant 0 : i32
      %dma_wait3A_49 = arith.constant 0 : i32
      %dma_wait3A_50 = tpu.memref_slice %arg8[%dma_wait3A_48, %dma_wait3A_49] : memref<64x80xi32, #tpu.memory_space<vmem>> -> memref<64x80xi32, #tpu.memory_space<vmem>>
      %dma_wait3A_51 = arith.constant 64 : i32
      %dma_wait3A_52 = arith.constant 0 : i32
      %dma_wait3A_53 = tpu.memref_slice %arg3[%add3A, %dma_wait3A_51, %dma_wait3A_52] : memref<32x128x80xi32, #tpu.memory_space<hbm>> -> memref<1x64x80xi32, #tpu.memory_space<hbm>>
      %dma_wait3A_54 = tpu.memref_squeeze %dma_wait3A_53 : memref<1x64x80xi32, #tpu.memory_space<hbm>> -> memref<64x80xi32, #tpu.memory_space<hbm>>
      tpu.wait_dma2 semaphore(%run_scoped3A : memref<!tpu.dma_semaphore, #tpu.memory_space<semaphore_mem>>) src(%dma_wait3A_54 : memref<64x80xi32, #tpu.memory_space<hbm>>) dst(%dma_wait3A_50 : memref<64x80xi32, #tpu.memory_space<vmem>>)
      tpu.yield
    }) : () -> ()
    "tpu.region"() ({
      %run_scoped3A = tpu.sem_alloc : memref<!tpu.dma_semaphore, #tpu.memory_space<semaphore_mem>>
      %dma_start3A_28 = arith.constant 0 : i32
      %dma_start3A_29 = arith.constant 0 : i32
      %dma_start3A_30 = tpu.memref_slice %arg9[%dma_start3A_28, %dma_start3A_29] : memref<64x80xi32, #tpu.memory_space<vmem>> -> memref<64x80xi32, #tpu.memory_space<vmem>>
      %dma_start3A_31 = arith.constant 64 : i32
      %dma_start3A_32 = arith.constant 0 : i32
      %dma_start3A_33 = tpu.memref_slice %arg4[%add3A, %dma_start3A_31, %dma_start3A_32] : memref<32x128x80xi32, #tpu.memory_space<hbm>> -> memref<1x64x80xi32, #tpu.memory_space<hbm>>
      %dma_start3A_34 = tpu.memref_squeeze %dma_start3A_33 : memref<1x64x80xi32, #tpu.memory_space<hbm>> -> memref<64x80xi32, #tpu.memory_space<hbm>>
      %dma_start3A_35 = arith.constant 0 : i32
      %dma_start3A_36 = arith.constant 0 : i32
      %dma_start3A_37 = tpu.memref_slice %arg9[%dma_start3A_35, %dma_start3A_36] : memref<64x80xi32, #tpu.memory_space<vmem>> -> memref<64x80xi32, #tpu.memory_space<vmem>>
      %dma_start3A_38 = arith.constant 64 : i32
      %dma_start3A_39 = arith.constant 0 : i32
      %dma_start3A_40 = tpu.memref_slice %arg4[%add3A, %dma_start3A_38, %dma_start3A_39] : memref<32x128x80xi32, #tpu.memory_space<hbm>> -> memref<1x64x80xi32, #tpu.memory_space<hbm>>
      %dma_start3A_41 = tpu.memref_squeeze %dma_start3A_40 : memref<1x64x80xi32, #tpu.memory_space<hbm>> -> memref<64x80xi32, #tpu.memory_space<hbm>>
      tpu.enqueue_dma source(%dma_start3A_41 : memref<64x80xi32, #tpu.memory_space<hbm>>) target(%dma_start3A_37 : memref<64x80xi32, #tpu.memory_space<vmem>>) target_semaphore(%run_scoped3A : memref<!tpu.dma_semaphore, #tpu.memory_space<semaphore_mem>>)
      %dma_wait3A = arith.constant 0 : i32
      %dma_wait3A_42 = arith.constant 0 : i32
      %dma_wait3A_43 = tpu.memref_slice %arg9[%dma_wait3A, %dma_wait3A_42] : memref<64x80xi32, #tpu.memory_space<vmem>> -> memref<64x80xi32, #tpu.memory_space<vmem>>
      %dma_wait3A_44 = arith.constant 64 : i32
      %dma_wait3A_45 = arith.constant 0 : i32
      %dma_wait3A_46 = tpu.memref_slice %arg4[%add3A, %dma_wait3A_44, %dma_wait3A_45] : memref<32x128x80xi32, #tpu.memory_space<hbm>> -> memref<1x64x80xi32, #tpu.memory_space<hbm>>
      %dma_wait3A_47 = tpu.memref_squeeze %dma_wait3A_46 : memref<1x64x80xi32, #tpu.memory_space<hbm>> -> memref<64x80xi32, #tpu.memory_space<hbm>>
      %dma_wait3A_48 = arith.constant 0 : i32
      %dma_wait3A_49 = arith.constant 0 : i32
      %dma_wait3A_50 = tpu.memref_slice %arg9[%dma_wait3A_48, %dma_wait3A_49] : memref<64x80xi32, #tpu.memory_space<vmem>> -> memref<64x80xi32, #tpu.memory_space<vmem>>
      %dma_wait3A_51 = arith.constant 64 : i32
      %dma_wait3A_52 = arith.constant 0 : i32
      %dma_wait3A_53 = tpu.memref_slice %arg4[%add3A, %dma_wait3A_51, %dma_wait3A_52] : memref<32x128x80xi32, #tpu.memory_space<hbm>> -> memref<1x64x80xi32, #tpu.memory_space<hbm>>
      %dma_wait3A_54 = tpu.memref_squeeze %dma_wait3A_53 : memref<1x64x80xi32, #tpu.memory_space<hbm>> -> memref<64x80xi32, #tpu.memory_space<hbm>>
      tpu.wait_dma2 semaphore(%run_scoped3A : memref<!tpu.dma_semaphore, #tpu.memory_space<semaphore_mem>>) src(%dma_wait3A_54 : memref<64x80xi32, #tpu.memory_space<hbm>>) dst(%dma_wait3A_50 : memref<64x80xi32, #tpu.memory_space<vmem>>)
      tpu.yield
    }) : () -> ()
    %dma_start3A_14 = arith.constant 0 : i32
    %dma_start3A_15 = arith.constant 0 : i32
    %dma_start3A_16 = tpu.memref_slice %arg8[%dma_start3A_14, %dma_start3A_15] : memref<64x80xi32, #tpu.memory_space<vmem>> -> memref<1x80xi32, #tpu.memory_space<vmem>>
    %dma_start3A_17 = tpu.memref_squeeze %dma_start3A_16 : memref<1x80xi32, #tpu.memory_space<vmem>> -> memref<80xi32, #tpu.memory_space<vmem>>
    %dma_start3A_18 = arith.constant 0 : i32
    %dma_start3A_19 = arith.constant 0 : i32
    %dma_start3A_20 = tpu.memref_slice %arg2[%dma_start3A_18, %dma_start3A_19] : memref<10112x128xf32, #tpu.memory_space<hbm>> -> memref<10112x128xf32, #tpu.memory_space<hbm>>
    tpu.enqueue_indirect_dma source(%dma_start3A_20 : memref<10112x128xf32, #tpu.memory_space<hbm>>) target(%arg10 : memref<80x128xf32, #tpu.memory_space<vmem>>) offsets(%dma_start3A_17 : memref<80xi32, #tpu.memory_space<vmem>>) semaphore(%arg12 : memref<!tpu.dma_semaphore, #tpu.memory_space<semaphore_mem>>)
    %scan3A_21 = arith.constant 0 : i32
    %scan3A_22 = arith.constant 0 : i32
    %scan3A_23 = arith.constant 32 : i32
    %scan3A_24 = arith.addi %scan3A_22, %scan3A_23 : i32
    %scan3A_25 = arith.constant 1 : i32
    scf.for %scan3A_28 = %scan3A_22 to %scan3A_24 step %scan3A_25  : i32 {
      %mul3A_29 = arith.constant 2 : i32
      %mul3A_30 = arith.muli %mul3A_29, %scan3A_28 : i32
      %add3A_31 = arith.constant 1 : i32
      %add3A_32 = arith.addi %mul3A_30, %add3A_31 : i32
      %dma_start3A_33 = arith.constant 0 : i32
      %dma_start3A_34 = tpu.memref_slice %arg8[%add3A_32, %dma_start3A_33] : memref<64x80xi32, #tpu.memory_space<vmem>> -> memref<1x80xi32, #tpu.memory_space<vmem>>
      %dma_start3A_35 = tpu.memref_squeeze %dma_start3A_34 : memref<1x80xi32, #tpu.memory_space<vmem>> -> memref<80xi32, #tpu.memory_space<vmem>>
      %dma_start3A_36 = arith.constant 0 : i32
      %dma_start3A_37 = arith.constant 0 : i32
      %dma_start3A_38 = tpu.memref_slice %arg2[%dma_start3A_36, %dma_start3A_37] : memref<10112x128xf32, #tpu.memory_space<hbm>> -> memref<10112x128xf32, #tpu.memory_space<hbm>>
      tpu.enqueue_indirect_dma source(%dma_start3A_38 : memref<10112x128xf32, #tpu.memory_space<hbm>>) target(%arg11 : memref<80x128xf32, #tpu.memory_space<vmem>>) offsets(%dma_start3A_35 : memref<80xi32, #tpu.memory_space<vmem>>) semaphore(%arg13 : memref<!tpu.dma_semaphore, #tpu.memory_space<semaphore_mem>>)
      %dma_wait3A = arith.constant 0 : i32
      %dma_wait3A_39 = tpu.memref_slice %arg8[%mul3A_30, %dma_wait3A] : memref<64x80xi32, #tpu.memory_space<vmem>> -> memref<1x80xi32, #tpu.memory_space<vmem>>
      %dma_wait3A_40 = tpu.memref_squeeze %dma_wait3A_39 : memref<1x80xi32, #tpu.memory_space<vmem>> -> memref<80xi32, #tpu.memory_space<vmem>>
      %dma_wait3A_41 = arith.constant 0 : i32
      %dma_wait3A_42 = arith.constant 0 : i32
      %dma_wait3A_43 = tpu.memref_slice %arg2[%dma_wait3A_41, %dma_wait3A_42] : memref<10112x128xf32, #tpu.memory_space<hbm>> -> memref<10112x128xf32, #tpu.memory_space<hbm>>
      tpu.wait_indirect_dma semaphore(%arg12 : memref<!tpu.dma_semaphore, #tpu.memory_space<semaphore_mem>>) src(%dma_wait3A_43 : memref<10112x128xf32, #tpu.memory_space<hbm>>) dst(%arg10 : memref<80x128xf32, #tpu.memory_space<vmem>>)
      "tpu.region"() ({
        %run_scoped3A = tpu.sem_alloc : memref<!tpu.dma_semaphore, #tpu.memory_space<semaphore_mem>>
        %dma_start3A_58 = arith.constant 0 : i32
        %dma_start3A_59 = tpu.memref_slice %arg9[%mul3A_30, %dma_start3A_58] : memref<64x80xi32, #tpu.memory_space<vmem>> -> memref<1x80xi32, #tpu.memory_space<vmem>>
        %dma_start3A_60 = tpu.memref_squeeze %dma_start3A_59 : memref<1x80xi32, #tpu.memory_space<vmem>> -> memref<80xi32, #tpu.memory_space<vmem>>
        %dma_start3A_61 = arith.constant 0 : i32
        %dma_start3A_62 = arith.constant 0 : i32
        %dma_start3A_63 = tpu.memref_slice %arg7[%dma_start3A_61, %dma_start3A_62] : memref<10112x128xf32, #tpu.memory_space<vmem_shared>> -> memref<10112x128xf32, #tpu.memory_space<vmem_shared>>
        tpu.enqueue_indirect_dma source(%arg10 : memref<80x128xf32, #tpu.memory_space<vmem>>) target(%dma_start3A_63 : memref<10112x128xf32, #tpu.memory_space<vmem_shared>>) offsets(%dma_start3A_60 : memref<80xi32, #tpu.memory_space<vmem>>) semaphore(%run_scoped3A : memref<!tpu.dma_semaphore, #tpu.memory_space<semaphore_mem>>) {add = true}
        %dma_wait3A_64 = arith.constant 0 : i32
        %dma_wait3A_65 = tpu.memref_slice %arg9[%mul3A_30, %dma_wait3A_64] : memref<64x80xi32, #tpu.memory_space<vmem>> -> memref<1x80xi32, #tpu.memory_space<vmem>>
        %dma_wait3A_66 = tpu.memref_squeeze %dma_wait3A_65 : memref<1x80xi32, #tpu.memory_space<vmem>> -> memref<80xi32, #tpu.memory_space<vmem>>
        %dma_wait3A_67 = arith.constant 0 : i32
        %dma_wait3A_68 = arith.constant 0 : i32
        %dma_wait3A_69 = tpu.memref_slice %arg7[%dma_wait3A_67, %dma_wait3A_68] : memref<10112x128xf32, #tpu.memory_space<vmem_shared>> -> memref<10112x128xf32, #tpu.memory_space<vmem_shared>>
        tpu.wait_indirect_dma semaphore(%run_scoped3A : memref<!tpu.dma_semaphore, #tpu.memory_space<semaphore_mem>>) src(%arg10 : memref<80x128xf32, #tpu.memory_space<vmem>>) dst(%dma_wait3A_69 : memref<10112x128xf32, #tpu.memory_space<vmem_shared>>)
        tpu.yield
      }) : () -> ()
      %add3A_44 = arith.constant 2 : i32
      %add3A_45 = arith.addi %mul3A_30, %add3A_44 : i32
      %lt3A = arith.constant 64 : i32
      %lt3A_46 = arith.cmpi slt, %add3A_45, %lt3A : i32
      %convert_element_type3A = arith.extui %lt3A_46 : i1 to i32
      %cond3A = arith.constant 0 : i32
      %cond3A_47 = arith.cmpi ne, %convert_element_type3A, %cond3A : i32
      scf.if %cond3A_47 {
        %add3A_58 = arith.constant 2 : i32
        %add3A_59 = arith.addi %mul3A_30, %add3A_58 : i32
        %dma_start3A_60 = arith.constant 0 : i32
        %dma_start3A_61 = tpu.memref_slice %arg8[%add3A_59, %dma_start3A_60] : memref<64x80xi32, #tpu.memory_space<vmem>> -> memref<1x80xi32, #tpu.memory_space<vmem>>
        %dma_start3A_62 = tpu.memref_squeeze %dma_start3A_61 : memref<1x80xi32, #tpu.memory_space<vmem>> -> memref<80xi32, #tpu.memory_space<vmem>>
        %dma_start3A_63 = arith.constant 0 : i32
        %dma_start3A_64 = arith.constant 0 : i32
        %dma_start3A_65 = tpu.memref_slice %arg2[%dma_start3A_63, %dma_start3A_64] : memref<10112x128xf32, #tpu.memory_space<hbm>> -> memref<10112x128xf32, #tpu.memory_space<hbm>>
        tpu.enqueue_indirect_dma source(%dma_start3A_65 : memref<10112x128xf32, #tpu.memory_space<hbm>>) target(%arg10 : memref<80x128xf32, #tpu.memory_space<vmem>>) offsets(%dma_start3A_62 : memref<80xi32, #tpu.memory_space<vmem>>) semaphore(%arg12 : memref<!tpu.dma_semaphore, #tpu.memory_space<semaphore_mem>>)
      } else {
      }
      %add3A_48 = arith.constant 1 : i32
      %add3A_49 = arith.addi %mul3A_30, %add3A_48 : i32
      %dma_wait3A_50 = arith.constant 0 : i32
      %dma_wait3A_51 = tpu.memref_slice %arg8[%add3A_49, %dma_wait3A_50] : memref<64x80xi32, #tpu.memory_space<vmem>> -> memref<1x80xi32, #tpu.memory_space<vmem>>
      %dma_wait3A_52 = tpu.memref_squeeze %dma_wait3A_51 : memref<1x80xi32, #tpu.memory_space<vmem>> -> memref<80xi32, #tpu.memory_space<vmem>>
      %dma_wait3A_53 = arith.constant 0 : i32
      %dma_wait3A_54 = arith.constant 0 : i32
      %dma_wait3A_55 = tpu.memref_slice %arg2[%dma_wait3A_53, %dma_wait3A_54] : memref<10112x128xf32, #tpu.memory_space<hbm>> -> memref<10112x128xf32, #tpu.memory_space<hbm>>
      tpu.wait_indirect_dma semaphore(%arg13 : memref<!tpu.dma_semaphore, #tpu.memory_space<semaphore_mem>>) src(%dma_wait3A_55 : memref<10112x128xf32, #tpu.memory_space<hbm>>) dst(%arg11 : memref<80x128xf32, #tpu.memory_space<vmem>>)
      %add3A_56 = arith.constant 1 : i32
      %add3A_57 = arith.addi %mul3A_30, %add3A_56 : i32
      "tpu.region"() ({
        %run_scoped3A = tpu.sem_alloc : memref<!tpu.dma_semaphore, #tpu.memory_space<semaphore_mem>>
        %dma_start3A_58 = arith.constant 0 : i32
        %dma_start3A_59 = tpu.memref_slice %arg9[%add3A_57, %dma_start3A_58] : memref<64x80xi32, #tpu.memory_space<vmem>> -> memref<1x80xi32, #tpu.memory_space<vmem>>
        %dma_start3A_60 = tpu.memref_squeeze %dma_start3A_59 : memref<1x80xi32, #tpu.memory_space<vmem>> -> memref<80xi32, #tpu.memory_space<vmem>>
        %dma_start3A_61 = arith.constant 0 : i32
        %dma_start3A_62 = arith.constant 0 : i32
        %dma_start3A_63 = tpu.memref_slice %arg7[%dma_start3A_61, %dma_start3A_62] : memref<10112x128xf32, #tpu.memory_space<vmem_shared>> -> memref<10112x128xf32, #tpu.memory_space<vmem_shared>>
        tpu.enqueue_indirect_dma source(%arg11 : memref<80x128xf32, #tpu.memory_space<vmem>>) target(%dma_start3A_63 : memref<10112x128xf32, #tpu.memory_space<vmem_shared>>) offsets(%dma_start3A_60 : memref<80xi32, #tpu.memory_space<vmem>>) semaphore(%run_scoped3A : memref<!tpu.dma_semaphore, #tpu.memory_space<semaphore_mem>>) {add = true}
        %dma_wait3A_64 = arith.constant 0 : i32
        %dma_wait3A_65 = tpu.memref_slice %arg9[%add3A_57, %dma_wait3A_64] : memref<64x80xi32, #tpu.memory_space<vmem>> -> memref<1x80xi32, #tpu.memory_space<vmem>>
        %dma_wait3A_66 = tpu.memref_squeeze %dma_wait3A_65 : memref<1x80xi32, #tpu.memory_space<vmem>> -> memref<80xi32, #tpu.memory_space<vmem>>
        %dma_wait3A_67 = arith.constant 0 : i32
        %dma_wait3A_68 = arith.constant 0 : i32
        %dma_wait3A_69 = tpu.memref_slice %arg7[%dma_wait3A_67, %dma_wait3A_68] : memref<10112x128xf32, #tpu.memory_space<vmem_shared>> -> memref<10112x128xf32, #tpu.memory_space<vmem_shared>>
        tpu.wait_indirect_dma semaphore(%run_scoped3A : memref<!tpu.dma_semaphore, #tpu.memory_space<semaphore_mem>>) src(%arg11 : memref<80x128xf32, #tpu.memory_space<vmem>>) dst(%dma_wait3A_69 : memref<10112x128xf32, #tpu.memory_space<vmem_shared>>)
        tpu.yield
      }) : () -> ()
    }
    %scan3A_26 = arith.constant 32 : i32
    %barrier3A_27 = arith.constant 0 : index
    tpu.barrier barrier_id(%barrier3A_27)
    "tpu.region"() ({
      %run_scoped3A = tpu.sem_alloc : memref<!tpu.dma_semaphore, #tpu.memory_space<semaphore_mem>>
      %dma_start3A_28 = arith.constant 0 : i32
      %dma_start3A_29 = tpu.memref_slice %arg6[%arg0, %multiple_of3A, %dma_start3A_28] : memref<2x10112x128xf32, #tpu.memory_space<hbm>> -> memref<1x632x128xf32, #tpu.memory_space<hbm>>
      %dma_start3A_30 = tpu.memref_squeeze %dma_start3A_29 : memref<1x632x128xf32, #tpu.memory_space<hbm>> -> memref<632x128xf32, #tpu.memory_space<hbm>>
      %dma_start3A_31 = arith.constant 0 : i32
      %dma_start3A_32 = tpu.memref_slice %arg7[%multiple_of3A, %dma_start3A_31] : memref<10112x128xf32, #tpu.memory_space<vmem_shared>> -> memref<632x128xf32, #tpu.memory_space<vmem_shared>>
      tpu.enqueue_dma source(%dma_start3A_32 : memref<632x128xf32, #tpu.memory_space<vmem_shared>>) target(%dma_start3A_30 : memref<632x128xf32, #tpu.memory_space<hbm>>) target_semaphore(%run_scoped3A : memref<!tpu.dma_semaphore, #tpu.memory_space<semaphore_mem>>)
      %dma_wait3A = arith.constant 0 : i32
      %dma_wait3A_33 = tpu.memref_slice %arg6[%arg0, %multiple_of3A, %dma_wait3A] : memref<2x10112x128xf32, #tpu.memory_space<hbm>> -> memref<1x632x128xf32, #tpu.memory_space<hbm>>
      %dma_wait3A_34 = tpu.memref_squeeze %dma_wait3A_33 : memref<1x632x128xf32, #tpu.memory_space<hbm>> -> memref<632x128xf32, #tpu.memory_space<hbm>>
      %dma_wait3A_35 = arith.constant 0 : i32
      %dma_wait3A_36 = tpu.memref_slice %arg7[%multiple_of3A, %dma_wait3A_35] : memref<10112x128xf32, #tpu.memory_space<vmem_shared>> -> memref<632x128xf32, #tpu.memory_space<vmem_shared>>
      tpu.wait_dma2 semaphore(%run_scoped3A : memref<!tpu.dma_semaphore, #tpu.memory_space<semaphore_mem>>) src(%dma_wait3A_36 : memref<632x128xf32, #tpu.memory_space<vmem_shared>>) dst(%dma_wait3A_34 : memref<632x128xf32, #tpu.memory_space<hbm>>)
      tpu.yield
    }) : () -> ()
    return
  }
}

#map = affine_map<(d0, d1) -> (0, 0)>
#map1 = affine_map<(d0, d1) -> (0, 0, 0)>
module attributes {stable_mosaic.version = 14 : i64} {
  func.func @_spmm_body(%arg0: i32, %arg1: i32, %arg2: memref<10112x128xf32, #tpu.memory_space<hbm>>, %arg3: memref<32x128x80xi32, #tpu.memory_space<hbm>>, %arg4: memref<32x128x80xi32, #tpu.memory_space<hbm>>, %arg5: memref<10112x128xf32, #tpu.memory_space<hbm>>, %arg6: memref<2x10112x128xf32, #tpu.memory_space<hbm>>, %arg7: memref<10112x128xf32, #tpu.memory_space<vmem_shared>>, %arg8: memref<64x80xi32, #tpu.memory_space<vmem>>, %arg9: memref<64x80xi32, #tpu.memory_space<vmem>>, %arg10: memref<80x128xf32, #tpu.memory_space<vmem>>, %arg11: memref<80x128xf32, #tpu.memory_space<vmem>>, %arg12: memref<!tpu.dma_semaphore, #tpu.memory_space<semaphore_mem>>, %arg13: memref<!tpu.dma_semaphore, #tpu.memory_space<semaphore_mem>>) attributes {dimension_semantics = [#tpu.dimension_semantics<core_parallel>, #tpu.dimension_semantics<subcore_parallel>], iteration_bounds = array<i64: 2, 16>, scalar_prefetch = 0 : i64, scratch_operands = 7 : i64, tpu.core_type = #tpu.core_type<sc_vector_subcore>, window_params = [{transform_indices = #map}, {transform_indices = #map1}, {transform_indices = #map1}, {transform_indices = #map}, {transform_indices = #map1}]} {
    %mul3A = arith.constant 16 : i32
    %mul3A_0 = arith.muli %arg0, %mul3A : i32
    %add3A = arith.addi %mul3A_0, %arg1 : i32
    %mul3A_1 = arith.constant 632 : i32
    %mul3A_2 = arith.muli %arg1, %mul3A_1 : i32
    %multiple_of3A = tpu.assume_multiple %mul3A_2, 8 : i32
    "tpu.region"() ({
      %run_scoped3A = tpu.sem_alloc : memref<!tpu.dma_semaphore, #tpu.memory_space<semaphore_mem>>
      %dma_start3A_28 = arith.constant 0 : i32
      %dma_start3A_29 = tpu.memref_slice %arg7[%multiple_of3A, %dma_start3A_28] : memref<10112x128xf32, #tpu.memory_space<vmem_shared>> -> memref<632x128xf32, #tpu.memory_space<vmem_shared>>
      %dma_start3A_30 = arith.constant 0 : i32
      %dma_start3A_31 = tpu.memref_slice %arg5[%multiple_of3A, %dma_start3A_30] : memref<10112x128xf32, #tpu.memory_space<hbm>> -> memref<632x128xf32, #tpu.memory_space<hbm>>
      tpu.enqueue_dma source(%dma_start3A_31 : memref<632x128xf32, #tpu.memory_space<hbm>>) target(%dma_start3A_29 : memref<632x128xf32, #tpu.memory_space<vmem_shared>>) target_semaphore(%run_scoped3A : memref<!tpu.dma_semaphore, #tpu.memory_space<semaphore_mem>>)
      %dma_wait3A = arith.constant 0 : i32
      %dma_wait3A_32 = tpu.memref_slice %arg7[%multiple_of3A, %dma_wait3A] : memref<10112x128xf32, #tpu.memory_space<vmem_shared>> -> memref<632x128xf32, #tpu.memory_space<vmem_shared>>
      %dma_wait3A_33 = arith.constant 0 : i32
      %dma_wait3A_34 = tpu.memref_slice %arg5[%multiple_of3A, %dma_wait3A_33] : memref<10112x128xf32, #tpu.memory_space<hbm>> -> memref<632x128xf32, #tpu.memory_space<hbm>>
      tpu.wait_dma2 semaphore(%run_scoped3A : memref<!tpu.dma_semaphore, #tpu.memory_space<semaphore_mem>>) src(%dma_wait3A_34 : memref<632x128xf32, #tpu.memory_space<hbm>>) dst(%dma_wait3A_32 : memref<632x128xf32, #tpu.memory_space<vmem_shared>>)
      tpu.yield
    }) : () -> ()
    %barrier3A = arith.constant 0 : index
    tpu.barrier barrier_id(%barrier3A)
    "tpu.region"() ({
      %run_scoped3A = tpu.sem_alloc : memref<!tpu.dma_semaphore, #tpu.memory_space<semaphore_mem>>
      %dma_start3A_28 = arith.constant 0 : i32
      %dma_start3A_29 = arith.constant 0 : i32
      %dma_start3A_30 = tpu.memref_slice %arg8[%dma_start3A_28, %dma_start3A_29] : memref<64x80xi32, #tpu.memory_space<vmem>> -> memref<64x80xi32, #tpu.memory_space<vmem>>
      %dma_start3A_31 = arith.constant 0 : i32
      %dma_start3A_32 = arith.constant 0 : i32
      %dma_start3A_33 = tpu.memref_slice %arg3[%add3A, %dma_start3A_31, %dma_start3A_32] : memref<32x128x80xi32, #tpu.memory_space<hbm>> -> memref<1x64x80xi32, #tpu.memory_space<hbm>>
      %dma_start3A_34 = tpu.memref_squeeze %dma_start3A_33 : memref<1x64x80xi32, #tpu.memory_space<hbm>> -> memref<64x80xi32, #tpu.memory_space<hbm>>
      %dma_start3A_35 = arith.constant 0 : i32
      %dma_start3A_36 = arith.constant 0 : i32
      %dma_start3A_37 = tpu.memref_slice %arg8[%dma_start3A_35, %dma_start3A_36] : memref<64x80xi32, #tpu.memory_space<vmem>> -> memref<64x80xi32, #tpu.memory_space<vmem>>
      %dma_start3A_38 = arith.constant 0 : i32
      %dma_start3A_39 = arith.constant 0 : i32
      %dma_start3A_40 = tpu.memref_slice %arg3[%add3A, %dma_start3A_38, %dma_start3A_39] : memref<32x128x80xi32, #tpu.memory_space<hbm>> -> memref<1x64x80xi32, #tpu.memory_space<hbm>>
      %dma_start3A_41 = tpu.memref_squeeze %dma_start3A_40 : memref<1x64x80xi32, #tpu.memory_space<hbm>> -> memref<64x80xi32, #tpu.memory_space<hbm>>
      tpu.enqueue_dma source(%dma_start3A_41 : memref<64x80xi32, #tpu.memory_space<hbm>>) target(%dma_start3A_37 : memref<64x80xi32, #tpu.memory_space<vmem>>) target_semaphore(%run_scoped3A : memref<!tpu.dma_semaphore, #tpu.memory_space<semaphore_mem>>)
      %dma_wait3A = arith.constant 0 : i32
      %dma_wait3A_42 = arith.constant 0 : i32
      %dma_wait3A_43 = tpu.memref_slice %arg8[%dma_wait3A, %dma_wait3A_42] : memref<64x80xi32, #tpu.memory_space<vmem>> -> memref<64x80xi32, #tpu.memory_space<vmem>>
      %dma_wait3A_44 = arith.constant 0 : i32
      %dma_wait3A_45 = arith.constant 0 : i32
      %dma_wait3A_46 = tpu.memref_slice %arg3[%add3A, %dma_wait3A_44, %dma_wait3A_45] : memref<32x128x80xi32, #tpu.memory_space<hbm>> -> memref<1x64x80xi32, #tpu.memory_space<hbm>>
      %dma_wait3A_47 = tpu.memref_squeeze %dma_wait3A_46 : memref<1x64x80xi32, #tpu.memory_space<hbm>> -> memref<64x80xi32, #tpu.memory_space<hbm>>
      %dma_wait3A_48 = arith.constant 0 : i32
      %dma_wait3A_49 = arith.constant 0 : i32
      %dma_wait3A_50 = tpu.memref_slice %arg8[%dma_wait3A_48, %dma_wait3A_49] : memref<64x80xi32, #tpu.memory_space<vmem>> -> memref<64x80xi32, #tpu.memory_space<vmem>>
      %dma_wait3A_51 = arith.constant 0 : i32
      %dma_wait3A_52 = arith.constant 0 : i32
      %dma_wait3A_53 = tpu.memref_slice %arg3[%add3A, %dma_wait3A_51, %dma_wait3A_52] : memref<32x128x80xi32, #tpu.memory_space<hbm>> -> memref<1x64x80xi32, #tpu.memory_space<hbm>>
      %dma_wait3A_54 = tpu.memref_squeeze %dma_wait3A_53 : memref<1x64x80xi32, #tpu.memory_space<hbm>> -> memref<64x80xi32, #tpu.memory_space<hbm>>
      tpu.wait_dma2 semaphore(%run_scoped3A : memref<!tpu.dma_semaphore, #tpu.memory_space<semaphore_mem>>) src(%dma_wait3A_54 : memref<64x80xi32, #tpu.memory_space<hbm>>) dst(%dma_wait3A_50 : memref<64x80xi32, #tpu.memory_space<vmem>>)
      tpu.yield
    }) : () -> ()
    "tpu.region"() ({
      %run_scoped3A = tpu.sem_alloc : memref<!tpu.dma_semaphore, #tpu.memory_space<semaphore_mem>>
      %dma_start3A_28 = arith.constant 0 : i32
      %dma_start3A_29 = arith.constant 0 : i32
      %dma_start3A_30 = tpu.memref_slice %arg9[%dma_start3A_28, %dma_start3A_29] : memref<64x80xi32, #tpu.memory_space<vmem>> -> memref<64x80xi32, #tpu.memory_space<vmem>>
      %dma_start3A_31 = arith.constant 0 : i32
      %dma_start3A_32 = arith.constant 0 : i32
      %dma_start3A_33 = tpu.memref_slice %arg4[%add3A, %dma_start3A_31, %dma_start3A_32] : memref<32x128x80xi32, #tpu.memory_space<hbm>> -> memref<1x64x80xi32, #tpu.memory_space<hbm>>
      %dma_start3A_34 = tpu.memref_squeeze %dma_start3A_33 : memref<1x64x80xi32, #tpu.memory_space<hbm>> -> memref<64x80xi32, #tpu.memory_space<hbm>>
      %dma_start3A_35 = arith.constant 0 : i32
      %dma_start3A_36 = arith.constant 0 : i32
      %dma_start3A_37 = tpu.memref_slice %arg9[%dma_start3A_35, %dma_start3A_36] : memref<64x80xi32, #tpu.memory_space<vmem>> -> memref<64x80xi32, #tpu.memory_space<vmem>>
      %dma_start3A_38 = arith.constant 0 : i32
      %dma_start3A_39 = arith.constant 0 : i32
      %dma_start3A_40 = tpu.memref_slice %arg4[%add3A, %dma_start3A_38, %dma_start3A_39] : memref<32x128x80xi32, #tpu.memory_space<hbm>> -> memref<1x64x80xi32, #tpu.memory_space<hbm>>
      %dma_start3A_41 = tpu.memref_squeeze %dma_start3A_40 : memref<1x64x80xi32, #tpu.memory_space<hbm>> -> memref<64x80xi32, #tpu.memory_space<hbm>>
      tpu.enqueue_dma source(%dma_start3A_41 : memref<64x80xi32, #tpu.memory_space<hbm>>) target(%dma_start3A_37 : memref<64x80xi32, #tpu.memory_space<vmem>>) target_semaphore(%run_scoped3A : memref<!tpu.dma_semaphore, #tpu.memory_space<semaphore_mem>>)
      %dma_wait3A = arith.constant 0 : i32
      %dma_wait3A_42 = arith.constant 0 : i32
      %dma_wait3A_43 = tpu.memref_slice %arg9[%dma_wait3A, %dma_wait3A_42] : memref<64x80xi32, #tpu.memory_space<vmem>> -> memref<64x80xi32, #tpu.memory_space<vmem>>
      %dma_wait3A_44 = arith.constant 0 : i32
      %dma_wait3A_45 = arith.constant 0 : i32
      %dma_wait3A_46 = tpu.memref_slice %arg4[%add3A, %dma_wait3A_44, %dma_wait3A_45] : memref<32x128x80xi32, #tpu.memory_space<hbm>> -> memref<1x64x80xi32, #tpu.memory_space<hbm>>
      %dma_wait3A_47 = tpu.memref_squeeze %dma_wait3A_46 : memref<1x64x80xi32, #tpu.memory_space<hbm>> -> memref<64x80xi32, #tpu.memory_space<hbm>>
      %dma_wait3A_48 = arith.constant 0 : i32
      %dma_wait3A_49 = arith.constant 0 : i32
      %dma_wait3A_50 = tpu.memref_slice %arg9[%dma_wait3A_48, %dma_wait3A_49] : memref<64x80xi32, #tpu.memory_space<vmem>> -> memref<64x80xi32, #tpu.memory_space<vmem>>
      %dma_wait3A_51 = arith.constant 0 : i32
      %dma_wait3A_52 = arith.constant 0 : i32
      %dma_wait3A_53 = tpu.memref_slice %arg4[%add3A, %dma_wait3A_51, %dma_wait3A_52] : memref<32x128x80xi32, #tpu.memory_space<hbm>> -> memref<1x64x80xi32, #tpu.memory_space<hbm>>
      %dma_wait3A_54 = tpu.memref_squeeze %dma_wait3A_53 : memref<1x64x80xi32, #tpu.memory_space<hbm>> -> memref<64x80xi32, #tpu.memory_space<hbm>>
      tpu.wait_dma2 semaphore(%run_scoped3A : memref<!tpu.dma_semaphore, #tpu.memory_space<semaphore_mem>>) src(%dma_wait3A_54 : memref<64x80xi32, #tpu.memory_space<hbm>>) dst(%dma_wait3A_50 : memref<64x80xi32, #tpu.memory_space<vmem>>)
      tpu.yield
    }) : () -> ()
    %dma_start3A = arith.constant 0 : i32
    %dma_start3A_3 = arith.constant 0 : i32
    %dma_start3A_4 = tpu.memref_slice %arg8[%dma_start3A, %dma_start3A_3] : memref<64x80xi32, #tpu.memory_space<vmem>> -> memref<1x80xi32, #tpu.memory_space<vmem>>
    %dma_start3A_5 = tpu.memref_squeeze %dma_start3A_4 : memref<1x80xi32, #tpu.memory_space<vmem>> -> memref<80xi32, #tpu.memory_space<vmem>>
    %dma_start3A_6 = arith.constant 0 : i32
    %dma_start3A_7 = arith.constant 0 : i32
    %dma_start3A_8 = tpu.memref_slice %arg2[%dma_start3A_6, %dma_start3A_7] : memref<10112x128xf32, #tpu.memory_space<hbm>> -> memref<10112x128xf32, #tpu.memory_space<hbm>>
    tpu.enqueue_indirect_dma source(%dma_start3A_8 : memref<10112x128xf32, #tpu.memory_space<hbm>>) target(%arg10 : memref<80x128xf32, #tpu.memory_space<vmem>>) offsets(%dma_start3A_5 : memref<80xi32, #tpu.memory_space<vmem>>) semaphore(%arg12 : memref<!tpu.dma_semaphore, #tpu.memory_space<semaphore_mem>>)
    %scan3A = arith.constant 0 : i32
    %scan3A_9 = arith.constant 0 : i32
    %scan3A_10 = arith.constant 32 : i32
    %scan3A_11 = arith.addi %scan3A_9, %scan3A_10 : i32
    %scan3A_12 = arith.constant 1 : i32
    scf.for %scan3A_28 = %scan3A_9 to %scan3A_11 step %scan3A_12  : i32 {
      %mul3A_29 = arith.constant 2 : i32
      %mul3A_30 = arith.muli %mul3A_29, %scan3A_28 : i32
      %add3A_31 = arith.constant 1 : i32
      %add3A_32 = arith.addi %mul3A_30, %add3A_31 : i32
      %dma_start3A_33 = arith.constant 0 : i32
      %dma_start3A_34 = tpu.memref_slice %arg8[%add3A_32, %dma_start3A_33] : memref<64x80xi32, #tpu.memory_space<vmem>> -> memref<1x80xi32, #tpu.memory_space<vmem>>
      %dma_start3A_35 = tpu.memref_squeeze %dma_start3A_34 : memref<1x80xi32, #tpu.memory_space<vmem>> -> memref<80xi32, #tpu.memory_space<vmem>>
      %dma_start3A_36 = arith.constant 0 : i32
      %dma_start3A_37 = arith.constant 0 : i32
      %dma_start3A_38 = tpu.memref_slice %arg2[%dma_start3A_36, %dma_start3A_37] : memref<10112x128xf32, #tpu.memory_space<hbm>> -> memref<10112x128xf32, #tpu.memory_space<hbm>>
      tpu.enqueue_indirect_dma source(%dma_start3A_38 : memref<10112x128xf32, #tpu.memory_space<hbm>>) target(%arg11 : memref<80x128xf32, #tpu.memory_space<vmem>>) offsets(%dma_start3A_35 : memref<80xi32, #tpu.memory_space<vmem>>) semaphore(%arg13 : memref<!tpu.dma_semaphore, #tpu.memory_space<semaphore_mem>>)
      %dma_wait3A = arith.constant 0 : i32
      %dma_wait3A_39 = tpu.memref_slice %arg8[%mul3A_30, %dma_wait3A] : memref<64x80xi32, #tpu.memory_space<vmem>> -> memref<1x80xi32, #tpu.memory_space<vmem>>
      %dma_wait3A_40 = tpu.memref_squeeze %dma_wait3A_39 : memref<1x80xi32, #tpu.memory_space<vmem>> -> memref<80xi32, #tpu.memory_space<vmem>>
      %dma_wait3A_41 = arith.constant 0 : i32
      %dma_wait3A_42 = arith.constant 0 : i32
      %dma_wait3A_43 = tpu.memref_slice %arg2[%dma_wait3A_41, %dma_wait3A_42] : memref<10112x128xf32, #tpu.memory_space<hbm>> -> memref<10112x128xf32, #tpu.memory_space<hbm>>
      tpu.wait_indirect_dma semaphore(%arg12 : memref<!tpu.dma_semaphore, #tpu.memory_space<semaphore_mem>>) src(%dma_wait3A_43 : memref<10112x128xf32, #tpu.memory_space<hbm>>) dst(%arg10 : memref<80x128xf32, #tpu.memory_space<vmem>>)
      "tpu.region"() ({
        %run_scoped3A = tpu.sem_alloc : memref<!tpu.dma_semaphore, #tpu.memory_space<semaphore_mem>>
        %dma_start3A_58 = arith.constant 0 : i32
        %dma_start3A_59 = tpu.memref_slice %arg9[%mul3A_30, %dma_start3A_58] : memref<64x80xi32, #tpu.memory_space<vmem>> -> memref<1x80xi32, #tpu.memory_space<vmem>>
        %dma_start3A_60 = tpu.memref_squeeze %dma_start3A_59 : memref<1x80xi32, #tpu.memory_space<vmem>> -> memref<80xi32, #tpu.memory_space<vmem>>
        %dma_start3A_61 = arith.constant 0 : i32
        %dma_start3A_62 = arith.constant 0 : i32
        %dma_start3A_63 = tpu.memref_slice %arg7[%dma_start3A_61, %dma_start3A_62] : memref<10112x128xf32, #tpu.memory_space<vmem_shared>> -> memref<10112x128xf32, #tpu.memory_space<vmem_shared>>
        tpu.enqueue_indirect_dma source(%arg10 : memref<80x128xf32, #tpu.memory_space<vmem>>) target(%dma_start3A_63 : memref<10112x128xf32, #tpu.memory_space<vmem_shared>>) offsets(%dma_start3A_60 : memref<80xi32, #tpu.memory_space<vmem>>) semaphore(%run_scoped3A : memref<!tpu.dma_semaphore, #tpu.memory_space<semaphore_mem>>) {add = true}
        %dma_wait3A_64 = arith.constant 0 : i32
        %dma_wait3A_65 = tpu.memref_slice %arg9[%mul3A_30, %dma_wait3A_64] : memref<64x80xi32, #tpu.memory_space<vmem>> -> memref<1x80xi32, #tpu.memory_space<vmem>>
        %dma_wait3A_66 = tpu.memref_squeeze %dma_wait3A_65 : memref<1x80xi32, #tpu.memory_space<vmem>> -> memref<80xi32, #tpu.memory_space<vmem>>
        %dma_wait3A_67 = arith.constant 0 : i32
        %dma_wait3A_68 = arith.constant 0 : i32
        %dma_wait3A_69 = tpu.memref_slice %arg7[%dma_wait3A_67, %dma_wait3A_68] : memref<10112x128xf32, #tpu.memory_space<vmem_shared>> -> memref<10112x128xf32, #tpu.memory_space<vmem_shared>>
        tpu.wait_indirect_dma semaphore(%run_scoped3A : memref<!tpu.dma_semaphore, #tpu.memory_space<semaphore_mem>>) src(%arg10 : memref<80x128xf32, #tpu.memory_space<vmem>>) dst(%dma_wait3A_69 : memref<10112x128xf32, #tpu.memory_space<vmem_shared>>)
        tpu.yield
      }) : () -> ()
      %add3A_44 = arith.constant 2 : i32
      %add3A_45 = arith.addi %mul3A_30, %add3A_44 : i32
      %lt3A = arith.constant 64 : i32
      %lt3A_46 = arith.cmpi slt, %add3A_45, %lt3A : i32
      %convert_element_type3A = arith.extui %lt3A_46 : i1 to i32
      %cond3A = arith.constant 0 : i32
      %cond3A_47 = arith.cmpi ne, %convert_element_type3A, %cond3A : i32
      scf.if %cond3A_47 {
        %add3A_58 = arith.constant 2 : i32
        %add3A_59 = arith.addi %mul3A_30, %add3A_58 : i32
        %dma_start3A_60 = arith.constant 0 : i32
        %dma_start3A_61 = tpu.memref_slice %arg8[%add3A_59, %dma_start3A_60] : memref<64x80xi32, #tpu.memory_space<vmem>> -> memref<1x80xi32, #tpu.memory_space<vmem>>
        %dma_start3A_62 = tpu.memref_squeeze %dma_start3A_61 : memref<1x80xi32, #tpu.memory_space<vmem>> -> memref<80xi32, #tpu.memory_space<vmem>>
        %dma_start3A_63 = arith.constant 0 : i32
        %dma_start3A_64 = arith.constant 0 : i32
        %dma_start3A_65 = tpu.memref_slice %arg2[%dma_start3A_63, %dma_start3A_64] : memref<10112x128xf32, #tpu.memory_space<hbm>> -> memref<10112x128xf32, #tpu.memory_space<hbm>>
        tpu.enqueue_indirect_dma source(%dma_start3A_65 : memref<10112x128xf32, #tpu.memory_space<hbm>>) target(%arg10 : memref<80x128xf32, #tpu.memory_space<vmem>>) offsets(%dma_start3A_62 : memref<80xi32, #tpu.memory_space<vmem>>) semaphore(%arg12 : memref<!tpu.dma_semaphore, #tpu.memory_space<semaphore_mem>>)
      } else {
      }
      %add3A_48 = arith.constant 1 : i32
      %add3A_49 = arith.addi %mul3A_30, %add3A_48 : i32
      %dma_wait3A_50 = arith.constant 0 : i32
      %dma_wait3A_51 = tpu.memref_slice %arg8[%add3A_49, %dma_wait3A_50] : memref<64x80xi32, #tpu.memory_space<vmem>> -> memref<1x80xi32, #tpu.memory_space<vmem>>
      %dma_wait3A_52 = tpu.memref_squeeze %dma_wait3A_51 : memref<1x80xi32, #tpu.memory_space<vmem>> -> memref<80xi32, #tpu.memory_space<vmem>>
      %dma_wait3A_53 = arith.constant 0 : i32
      %dma_wait3A_54 = arith.constant 0 : i32
      %dma_wait3A_55 = tpu.memref_slice %arg2[%dma_wait3A_53, %dma_wait3A_54] : memref<10112x128xf32, #tpu.memory_space<hbm>> -> memref<10112x128xf32, #tpu.memory_space<hbm>>
      tpu.wait_indirect_dma semaphore(%arg13 : memref<!tpu.dma_semaphore, #tpu.memory_space<semaphore_mem>>) src(%dma_wait3A_55 : memref<10112x128xf32, #tpu.memory_space<hbm>>) dst(%arg11 : memref<80x128xf32, #tpu.memory_space<vmem>>)
      %add3A_56 = arith.constant 1 : i32
      %add3A_57 = arith.addi %mul3A_30, %add3A_56 : i32
      "tpu.region"() ({
        %run_scoped3A = tpu.sem_alloc : memref<!tpu.dma_semaphore, #tpu.memory_space<semaphore_mem>>
        %dma_start3A_58 = arith.constant 0 : i32
        %dma_start3A_59 = tpu.memref_slice %arg9[%add3A_57, %dma_start3A_58] : memref<64x80xi32, #tpu.memory_space<vmem>> -> memref<1x80xi32, #tpu.memory_space<vmem>>
        %dma_start3A_60 = tpu.memref_squeeze %dma_start3A_59 : memref<1x80xi32, #tpu.memory_space<vmem>> -> memref<80xi32, #tpu.memory_space<vmem>>
        %dma_start3A_61 = arith.constant 0 : i32
        %dma_start3A_62 = arith.constant 0 : i32
        %dma_start3A_63 = tpu.memref_slice %arg7[%dma_start3A_61, %dma_start3A_62] : memref<10112x128xf32, #tpu.memory_space<vmem_shared>> -> memref<10112x128xf32, #tpu.memory_space<vmem_shared>>
        tpu.enqueue_indirect_dma source(%arg11 : memref<80x128xf32, #tpu.memory_space<vmem>>) target(%dma_start3A_63 : memref<10112x128xf32, #tpu.memory_space<vmem_shared>>) offsets(%dma_start3A_60 : memref<80xi32, #tpu.memory_space<vmem>>) semaphore(%run_scoped3A : memref<!tpu.dma_semaphore, #tpu.memory_space<semaphore_mem>>) {add = true}
        %dma_wait3A_64 = arith.constant 0 : i32
        %dma_wait3A_65 = tpu.memref_slice %arg9[%add3A_57, %dma_wait3A_64] : memref<64x80xi32, #tpu.memory_space<vmem>> -> memref<1x80xi32, #tpu.memory_space<vmem>>
        %dma_wait3A_66 = tpu.memref_squeeze %dma_wait3A_65 : memref<1x80xi32, #tpu.memory_space<vmem>> -> memref<80xi32, #tpu.memory_space<vmem>>
        %dma_wait3A_67 = arith.constant 0 : i32
        %dma_wait3A_68 = arith.constant 0 : i32
        %dma_wait3A_69 = tpu.memref_slice %arg7[%dma_wait3A_67, %dma_wait3A_68] : memref<10112x128xf32, #tpu.memory_space<vmem_shared>> -> memref<10112x128xf32, #tpu.memory_space<vmem_shared>>
        tpu.wait_indirect_dma semaphore(%run_scoped3A : memref<!tpu.dma_semaphore, #tpu.memory_space<semaphore_mem>>) src(%arg11 : memref<80x128xf32, #tpu.memory_space<vmem>>) dst(%dma_wait3A_69 : memref<10112x128xf32, #tpu.memory_space<vmem_shared>>)
        tpu.yield
      }) : () -> ()
    }
    %scan3A_13 = arith.constant 32 : i32
    "tpu.region"() ({
      %run_scoped3A = tpu.sem_alloc : memref<!tpu.dma_semaphore, #tpu.memory_space<semaphore_mem>>
      %dma_start3A_28 = arith.constant 0 : i32
      %dma_start3A_29 = arith.constant 0 : i32
      %dma_start3A_30 = tpu.memref_slice %arg8[%dma_start3A_28, %dma_start3A_29] : memref<64x80xi32, #tpu.memory_space<vmem>> -> memref<64x80xi32, #tpu.memory_space<vmem>>
      %dma_start3A_31 = arith.constant 64 : i32
      %dma_start3A_32 = arith.constant 0 : i32
      %dma_start3A_33 = tpu.memref_slice %arg3[%add3A, %dma_start3A_31, %dma_start3A_32] : memref<32x128x80xi32, #tpu.memory_space<hbm>> -> memref<1x64x80xi32, #tpu.memory_space<hbm>>
      %dma_start3A_34 = tpu.memref_squeeze %dma_start3A_33 : memref<1x64x80xi32, #tpu.memory_space<hbm>> -> memref<64x80xi32, #tpu.memory_space<hbm>>
      %dma_start3A_35 = arith.constant 0 : i32
      %dma_start3A_36 = arith.constant 0 : i32
      %dma_start3A_37 = tpu.memref_slice %arg8[%dma_start3A_35, %dma_start3A_36] : memref<64x80xi32, #tpu.memory_space<vmem>> -> memref<64x80xi32, #tpu.memory_space<vmem>>
      %dma_start3A_38 = arith.constant 64 : i32
      %dma_start3A_39 = arith.constant 0 : i32
      %dma_start3A_40 = tpu.memref_slice %arg3[%add3A, %dma_start3A_38, %dma_start3A_39] : memref<32x128x80xi32, #tpu.memory_space<hbm>> -> memref<1x64x80xi32, #tpu.memory_space<hbm>>
      %dma_start3A_41 = tpu.memref_squeeze %dma_start3A_40 : memref<1x64x80xi32, #tpu.memory_space<hbm>> -> memref<64x80xi32, #tpu.memory_space<hbm>>
      tpu.enqueue_dma source(%dma_start3A_41 : memref<64x80xi32, #tpu.memory_space<hbm>>) target(%dma_start3A_37 : memref<64x80xi32, #tpu.memory_space<vmem>>) target_semaphore(%run_scoped3A : memref<!tpu.dma_semaphore, #tpu.memory_space<semaphore_mem>>)
      %dma_wait3A = arith.constant 0 : i32
      %dma_wait3A_42 = arith.constant 0 : i32
      %dma_wait3A_43 = tpu.memref_slice %arg8[%dma_wait3A, %dma_wait3A_42] : memref<64x80xi32, #tpu.memory_space<vmem>> -> memref<64x80xi32, #tpu.memory_space<vmem>>
      %dma_wait3A_44 = arith.constant 64 : i32
      %dma_wait3A_45 = arith.constant 0 : i32
      %dma_wait3A_46 = tpu.memref_slice %arg3[%add3A, %dma_wait3A_44, %dma_wait3A_45] : memref<32x128x80xi32, #tpu.memory_space<hbm>> -> memref<1x64x80xi32, #tpu.memory_space<hbm>>
      %dma_wait3A_47 = tpu.memref_squeeze %dma_wait3A_46 : memref<1x64x80xi32, #tpu.memory_space<hbm>> -> memref<64x80xi32, #tpu.memory_space<hbm>>
      %dma_wait3A_48 = arith.constant 0 : i32
      %dma_wait3A_49 = arith.constant 0 : i32
      %dma_wait3A_50 = tpu.memref_slice %arg8[%dma_wait3A_48, %dma_wait3A_49] : memref<64x80xi32, #tpu.memory_space<vmem>> -> memref<64x80xi32, #tpu.memory_space<vmem>>
      %dma_wait3A_51 = arith.constant 64 : i32
      %dma_wait3A_52 = arith.constant 0 : i32
      %dma_wait3A_53 = tpu.memref_slice %arg3[%add3A, %dma_wait3A_51, %dma_wait3A_52] : memref<32x128x80xi32, #tpu.memory_space<hbm>> -> memref<1x64x80xi32, #tpu.memory_space<hbm>>
      %dma_wait3A_54 = tpu.memref_squeeze %dma_wait3A_53 : memref<1x64x80xi32, #tpu.memory_space<hbm>> -> memref<64x80xi32, #tpu.memory_space<hbm>>
      tpu.wait_dma2 semaphore(%run_scoped3A : memref<!tpu.dma_semaphore, #tpu.memory_space<semaphore_mem>>) src(%dma_wait3A_54 : memref<64x80xi32, #tpu.memory_space<hbm>>) dst(%dma_wait3A_50 : memref<64x80xi32, #tpu.memory_space<vmem>>)
      tpu.yield
    }) : () -> ()
    "tpu.region"() ({
      %run_scoped3A = tpu.sem_alloc : memref<!tpu.dma_semaphore, #tpu.memory_space<semaphore_mem>>
      %dma_start3A_28 = arith.constant 0 : i32
      %dma_start3A_29 = arith.constant 0 : i32
      %dma_start3A_30 = tpu.memref_slice %arg9[%dma_start3A_28, %dma_start3A_29] : memref<64x80xi32, #tpu.memory_space<vmem>> -> memref<64x80xi32, #tpu.memory_space<vmem>>
      %dma_start3A_31 = arith.constant 64 : i32
      %dma_start3A_32 = arith.constant 0 : i32
      %dma_start3A_33 = tpu.memref_slice %arg4[%add3A, %dma_start3A_31, %dma_start3A_32] : memref<32x128x80xi32, #tpu.memory_space<hbm>> -> memref<1x64x80xi32, #tpu.memory_space<hbm>>
      %dma_start3A_34 = tpu.memref_squeeze %dma_start3A_33 : memref<1x64x80xi32, #tpu.memory_space<hbm>> -> memref<64x80xi32, #tpu.memory_space<hbm>>
      %dma_start3A_35 = arith.constant 0 : i32
      %dma_start3A_36 = arith.constant 0 : i32
      %dma_start3A_37 = tpu.memref_slice %arg9[%dma_start3A_35, %dma_start3A_36] : memref<64x80xi32, #tpu.memory_space<vmem>> -> memref<64x80xi32, #tpu.memory_space<vmem>>
      %dma_start3A_38 = arith.constant 64 : i32
      %dma_start3A_39 = arith.constant 0 : i32
      %dma_start3A_40 = tpu.memref_slice %arg4[%add3A, %dma_start3A_38, %dma_start3A_39] : memref<32x128x80xi32, #tpu.memory_space<hbm>> -> memref<1x64x80xi32, #tpu.memory_space<hbm>>
      %dma_start3A_41 = tpu.memref_squeeze %dma_start3A_40 : memref<1x64x80xi32, #tpu.memory_space<hbm>> -> memref<64x80xi32, #tpu.memory_space<hbm>>
      tpu.enqueue_dma source(%dma_start3A_41 : memref<64x80xi32, #tpu.memory_space<hbm>>) target(%dma_start3A_37 : memref<64x80xi32, #tpu.memory_space<vmem>>) target_semaphore(%run_scoped3A : memref<!tpu.dma_semaphore, #tpu.memory_space<semaphore_mem>>)
      %dma_wait3A = arith.constant 0 : i32
      %dma_wait3A_42 = arith.constant 0 : i32
      %dma_wait3A_43 = tpu.memref_slice %arg9[%dma_wait3A, %dma_wait3A_42] : memref<64x80xi32, #tpu.memory_space<vmem>> -> memref<64x80xi32, #tpu.memory_space<vmem>>
      %dma_wait3A_44 = arith.constant 64 : i32
      %dma_wait3A_45 = arith.constant 0 : i32
      %dma_wait3A_46 = tpu.memref_slice %arg4[%add3A, %dma_wait3A_44, %dma_wait3A_45] : memref<32x128x80xi32, #tpu.memory_space<hbm>> -> memref<1x64x80xi32, #tpu.memory_space<hbm>>
      %dma_wait3A_47 = tpu.memref_squeeze %dma_wait3A_46 : memref<1x64x80xi32, #tpu.memory_space<hbm>> -> memref<64x80xi32, #tpu.memory_space<hbm>>
      %dma_wait3A_48 = arith.constant 0 : i32
      %dma_wait3A_49 = arith.constant 0 : i32
      %dma_wait3A_50 = tpu.memref_slice %arg9[%dma_wait3A_48, %dma_wait3A_49] : memref<64x80xi32, #tpu.memory_space<vmem>> -> memref<64x80xi32, #tpu.memory_space<vmem>>
      %dma_wait3A_51 = arith.constant 64 : i32
      %dma_wait3A_52 = arith.constant 0 : i32
      %dma_wait3A_53 = tpu.memref_slice %arg4[%add3A, %dma_wait3A_51, %dma_wait3A_52] : memref<32x128x80xi32, #tpu.memory_space<hbm>> -> memref<1x64x80xi32, #tpu.memory_space<hbm>>
      %dma_wait3A_54 = tpu.memref_squeeze %dma_wait3A_53 : memref<1x64x80xi32, #tpu.memory_space<hbm>> -> memref<64x80xi32, #tpu.memory_space<hbm>>
      tpu.wait_dma2 semaphore(%run_scoped3A : memref<!tpu.dma_semaphore, #tpu.memory_space<semaphore_mem>>) src(%dma_wait3A_54 : memref<64x80xi32, #tpu.memory_space<hbm>>) dst(%dma_wait3A_50 : memref<64x80xi32, #tpu.memory_space<vmem>>)
      tpu.yield
    }) : () -> ()
    %dma_start3A_14 = arith.constant 0 : i32
    %dma_start3A_15 = arith.constant 0 : i32
    %dma_start3A_16 = tpu.memref_slice %arg8[%dma_start3A_14, %dma_start3A_15] : memref<64x80xi32, #tpu.memory_space<vmem>> -> memref<1x80xi32, #tpu.memory_space<vmem>>
    %dma_start3A_17 = tpu.memref_squeeze %dma_start3A_16 : memref<1x80xi32, #tpu.memory_space<vmem>> -> memref<80xi32, #tpu.memory_space<vmem>>
    %dma_start3A_18 = arith.constant 0 : i32
    %dma_start3A_19 = arith.constant 0 : i32
    %dma_start3A_20 = tpu.memref_slice %arg2[%dma_start3A_18, %dma_start3A_19] : memref<10112x128xf32, #tpu.memory_space<hbm>> -> memref<10112x128xf32, #tpu.memory_space<hbm>>
    tpu.enqueue_indirect_dma source(%dma_start3A_20 : memref<10112x128xf32, #tpu.memory_space<hbm>>) target(%arg10 : memref<80x128xf32, #tpu.memory_space<vmem>>) offsets(%dma_start3A_17 : memref<80xi32, #tpu.memory_space<vmem>>) semaphore(%arg12 : memref<!tpu.dma_semaphore, #tpu.memory_space<semaphore_mem>>)
    %scan3A_21 = arith.constant 0 : i32
    %scan3A_22 = arith.constant 0 : i32
    %scan3A_23 = arith.constant 32 : i32
    %scan3A_24 = arith.addi %scan3A_22, %scan3A_23 : i32
    %scan3A_25 = arith.constant 1 : i32
    scf.for %scan3A_28 = %scan3A_22 to %scan3A_24 step %scan3A_25  : i32 {
      %mul3A_29 = arith.constant 2 : i32
      %mul3A_30 = arith.muli %mul3A_29, %scan3A_28 : i32
      %add3A_31 = arith.constant 1 : i32
      %add3A_32 = arith.addi %mul3A_30, %add3A_31 : i32
      %dma_start3A_33 = arith.constant 0 : i32
      %dma_start3A_34 = tpu.memref_slice %arg8[%add3A_32, %dma_start3A_33] : memref<64x80xi32, #tpu.memory_space<vmem>> -> memref<1x80xi32, #tpu.memory_space<vmem>>
      %dma_start3A_35 = tpu.memref_squeeze %dma_start3A_34 : memref<1x80xi32, #tpu.memory_space<vmem>> -> memref<80xi32, #tpu.memory_space<vmem>>
      %dma_start3A_36 = arith.constant 0 : i32
      %dma_start3A_37 = arith.constant 0 : i32
      %dma_start3A_38 = tpu.memref_slice %arg2[%dma_start3A_36, %dma_start3A_37] : memref<10112x128xf32, #tpu.memory_space<hbm>> -> memref<10112x128xf32, #tpu.memory_space<hbm>>
      tpu.enqueue_indirect_dma source(%dma_start3A_38 : memref<10112x128xf32, #tpu.memory_space<hbm>>) target(%arg11 : memref<80x128xf32, #tpu.memory_space<vmem>>) offsets(%dma_start3A_35 : memref<80xi32, #tpu.memory_space<vmem>>) semaphore(%arg13 : memref<!tpu.dma_semaphore, #tpu.memory_space<semaphore_mem>>)
      %dma_wait3A = arith.constant 0 : i32
      %dma_wait3A_39 = tpu.memref_slice %arg8[%mul3A_30, %dma_wait3A] : memref<64x80xi32, #tpu.memory_space<vmem>> -> memref<1x80xi32, #tpu.memory_space<vmem>>
      %dma_wait3A_40 = tpu.memref_squeeze %dma_wait3A_39 : memref<1x80xi32, #tpu.memory_space<vmem>> -> memref<80xi32, #tpu.memory_space<vmem>>
      %dma_wait3A_41 = arith.constant 0 : i32
      %dma_wait3A_42 = arith.constant 0 : i32
      %dma_wait3A_43 = tpu.memref_slice %arg2[%dma_wait3A_41, %dma_wait3A_42] : memref<10112x128xf32, #tpu.memory_space<hbm>> -> memref<10112x128xf32, #tpu.memory_space<hbm>>
      tpu.wait_indirect_dma semaphore(%arg12 : memref<!tpu.dma_semaphore, #tpu.memory_space<semaphore_mem>>) src(%dma_wait3A_43 : memref<10112x128xf32, #tpu.memory_space<hbm>>) dst(%arg10 : memref<80x128xf32, #tpu.memory_space<vmem>>)
      "tpu.region"() ({
        %run_scoped3A = tpu.sem_alloc : memref<!tpu.dma_semaphore, #tpu.memory_space<semaphore_mem>>
        %dma_start3A_58 = arith.constant 0 : i32
        %dma_start3A_59 = tpu.memref_slice %arg9[%mul3A_30, %dma_start3A_58] : memref<64x80xi32, #tpu.memory_space<vmem>> -> memref<1x80xi32, #tpu.memory_space<vmem>>
        %dma_start3A_60 = tpu.memref_squeeze %dma_start3A_59 : memref<1x80xi32, #tpu.memory_space<vmem>> -> memref<80xi32, #tpu.memory_space<vmem>>
        %dma_start3A_61 = arith.constant 0 : i32
        %dma_start3A_62 = arith.constant 0 : i32
        %dma_start3A_63 = tpu.memref_slice %arg7[%dma_start3A_61, %dma_start3A_62] : memref<10112x128xf32, #tpu.memory_space<vmem_shared>> -> memref<10112x128xf32, #tpu.memory_space<vmem_shared>>
        tpu.enqueue_indirect_dma source(%arg10 : memref<80x128xf32, #tpu.memory_space<vmem>>) target(%dma_start3A_63 : memref<10112x128xf32, #tpu.memory_space<vmem_shared>>) offsets(%dma_start3A_60 : memref<80xi32, #tpu.memory_space<vmem>>) semaphore(%run_scoped3A : memref<!tpu.dma_semaphore, #tpu.memory_space<semaphore_mem>>) {add = true}
        %dma_wait3A_64 = arith.constant 0 : i32
        %dma_wait3A_65 = tpu.memref_slice %arg9[%mul3A_30, %dma_wait3A_64] : memref<64x80xi32, #tpu.memory_space<vmem>> -> memref<1x80xi32, #tpu.memory_space<vmem>>
        %dma_wait3A_66 = tpu.memref_squeeze %dma_wait3A_65 : memref<1x80xi32, #tpu.memory_space<vmem>> -> memref<80xi32, #tpu.memory_space<vmem>>
        %dma_wait3A_67 = arith.constant 0 : i32
        %dma_wait3A_68 = arith.constant 0 : i32
        %dma_wait3A_69 = tpu.memref_slice %arg7[%dma_wait3A_67, %dma_wait3A_68] : memref<10112x128xf32, #tpu.memory_space<vmem_shared>> -> memref<10112x128xf32, #tpu.memory_space<vmem_shared>>
        tpu.wait_indirect_dma semaphore(%run_scoped3A : memref<!tpu.dma_semaphore, #tpu.memory_space<semaphore_mem>>) src(%arg10 : memref<80x128xf32, #tpu.memory_space<vmem>>) dst(%dma_wait3A_69 : memref<10112x128xf32, #tpu.memory_space<vmem_shared>>)
        tpu.yield
      }) : () -> ()
      %add3A_44 = arith.constant 2 : i32
      %add3A_45 = arith.addi %mul3A_30, %add3A_44 : i32
      %lt3A = arith.constant 64 : i32
      %lt3A_46 = arith.cmpi slt, %add3A_45, %lt3A : i32
      %convert_element_type3A = arith.extui %lt3A_46 : i1 to i32
      %cond3A = arith.constant 0 : i32
      %cond3A_47 = arith.cmpi ne, %convert_element_type3A, %cond3A : i32
      scf.if %cond3A_47 {
        %add3A_58 = arith.constant 2 : i32
        %add3A_59 = arith.addi %mul3A_30, %add3A_58 : i32
        %dma_start3A_60 = arith.constant 0 : i32
        %dma_start3A_61 = tpu.memref_slice %arg8[%add3A_59, %dma_start3A_60] : memref<64x80xi32, #tpu.memory_space<vmem>> -> memref<1x80xi32, #tpu.memory_space<vmem>>
        %dma_start3A_62 = tpu.memref_squeeze %dma_start3A_61 : memref<1x80xi32, #tpu.memory_space<vmem>> -> memref<80xi32, #tpu.memory_space<vmem>>
        %dma_start3A_63 = arith.constant 0 : i32
        %dma_start3A_64 = arith.constant 0 : i32
        %dma_start3A_65 = tpu.memref_slice %arg2[%dma_start3A_63, %dma_start3A_64] : memref<10112x128xf32, #tpu.memory_space<hbm>> -> memref<10112x128xf32, #tpu.memory_space<hbm>>
        tpu.enqueue_indirect_dma source(%dma_start3A_65 : memref<10112x128xf32, #tpu.memory_space<hbm>>) target(%arg10 : memref<80x128xf32, #tpu.memory_space<vmem>>) offsets(%dma_start3A_62 : memref<80xi32, #tpu.memory_space<vmem>>) semaphore(%arg12 : memref<!tpu.dma_semaphore, #tpu.memory_space<semaphore_mem>>)
      } else {
      }
      %add3A_48 = arith.constant 1 : i32
      %add3A_49 = arith.addi %mul3A_30, %add3A_48 : i32
      %dma_wait3A_50 = arith.constant 0 : i32
      %dma_wait3A_51 = tpu.memref_slice %arg8[%add3A_49, %dma_wait3A_50] : memref<64x80xi32, #tpu.memory_space<vmem>> -> memref<1x80xi32, #tpu.memory_space<vmem>>
      %dma_wait3A_52 = tpu.memref_squeeze %dma_wait3A_51 : memref<1x80xi32, #tpu.memory_space<vmem>> -> memref<80xi32, #tpu.memory_space<vmem>>
      %dma_wait3A_53 = arith.constant 0 : i32
      %dma_wait3A_54 = arith.constant 0 : i32
      %dma_wait3A_55 = tpu.memref_slice %arg2[%dma_wait3A_53, %dma_wait3A_54] : memref<10112x128xf32, #tpu.memory_space<hbm>> -> memref<10112x128xf32, #tpu.memory_space<hbm>>
      tpu.wait_indirect_dma semaphore(%arg13 : memref<!tpu.dma_semaphore, #tpu.memory_space<semaphore_mem>>) src(%dma_wait3A_55 : memref<10112x128xf32, #tpu.memory_space<hbm>>) dst(%arg11 : memref<80x128xf32, #tpu.memory_space<vmem>>)
      %add3A_56 = arith.constant 1 : i32
      %add3A_57 = arith.addi %mul3A_30, %add3A_56 : i32
      "tpu.region"() ({
        %run_scoped3A = tpu.sem_alloc : memref<!tpu.dma_semaphore, #tpu.memory_space<semaphore_mem>>
        %dma_start3A_58 = arith.constant 0 : i32
        %dma_start3A_59 = tpu.memref_slice %arg9[%add3A_57, %dma_start3A_58] : memref<64x80xi32, #tpu.memory_space<vmem>> -> memref<1x80xi32, #tpu.memory_space<vmem>>
        %dma_start3A_60 = tpu.memref_squeeze %dma_start3A_59 : memref<1x80xi32, #tpu.memory_space<vmem>> -> memref<80xi32, #tpu.memory_space<vmem>>
        %dma_start3A_61 = arith.constant 0 : i32
        %dma_start3A_62 = arith.constant 0 : i32
        %dma_start3A_63 = tpu.memref_slice %arg7[%dma_start3A_61, %dma_start3A_62] : memref<10112x128xf32, #tpu.memory_space<vmem_shared>> -> memref<10112x128xf32, #tpu.memory_space<vmem_shared>>
        tpu.enqueue_indirect_dma source(%arg11 : memref<80x128xf32, #tpu.memory_space<vmem>>) target(%dma_start3A_63 : memref<10112x128xf32, #tpu.memory_space<vmem_shared>>) offsets(%dma_start3A_60 : memref<80xi32, #tpu.memory_space<vmem>>) semaphore(%run_scoped3A : memref<!tpu.dma_semaphore, #tpu.memory_space<semaphore_mem>>) {add = true}
        %dma_wait3A_64 = arith.constant 0 : i32
        %dma_wait3A_65 = tpu.memref_slice %arg9[%add3A_57, %dma_wait3A_64] : memref<64x80xi32, #tpu.memory_space<vmem>> -> memref<1x80xi32, #tpu.memory_space<vmem>>
        %dma_wait3A_66 = tpu.memref_squeeze %dma_wait3A_65 : memref<1x80xi32, #tpu.memory_space<vmem>> -> memref<80xi32, #tpu.memory_space<vmem>>
        %dma_wait3A_67 = arith.constant 0 : i32
        %dma_wait3A_68 = arith.constant 0 : i32
        %dma_wait3A_69 = tpu.memref_slice %arg7[%dma_wait3A_67, %dma_wait3A_68] : memref<10112x128xf32, #tpu.memory_space<vmem_shared>> -> memref<10112x128xf32, #tpu.memory_space<vmem_shared>>
        tpu.wait_indirect_dma semaphore(%run_scoped3A : memref<!tpu.dma_semaphore, #tpu.memory_space<semaphore_mem>>) src(%arg11 : memref<80x128xf32, #tpu.memory_space<vmem>>) dst(%dma_wait3A_69 : memref<10112x128xf32, #tpu.memory_space<vmem_shared>>)
        tpu.yield
      }) : () -> ()
    }
    %scan3A_26 = arith.constant 32 : i32
    %barrier3A_27 = arith.constant 0 : index
    tpu.barrier barrier_id(%barrier3A_27)
    "tpu.region"() ({
      %run_scoped3A = tpu.sem_alloc : memref<!tpu.dma_semaphore, #tpu.memory_space<semaphore_mem>>
      %dma_start3A_28 = arith.constant 0 : i32
      %dma_start3A_29 = tpu.memref_slice %arg6[%arg0, %multiple_of3A, %dma_start3A_28] : memref<2x10112x128xf32, #tpu.memory_space<hbm>> -> memref<1x632x128xf32, #tpu.memory_space<hbm>>
      %dma_start3A_30 = tpu.memref_squeeze %dma_start3A_29 : memref<1x632x128xf32, #tpu.memory_space<hbm>> -> memref<632x128xf32, #tpu.memory_space<hbm>>
      %dma_start3A_31 = arith.constant 0 : i32
      %dma_start3A_32 = tpu.memref_slice %arg7[%multiple_of3A, %dma_start3A_31] : memref<10112x128xf32, #tpu.memory_space<vmem_shared>> -> memref<632x128xf32, #tpu.memory_space<vmem_shared>>
      tpu.enqueue_dma source(%dma_start3A_32 : memref<632x128xf32, #tpu.memory_space<vmem_shared>>) target(%dma_start3A_30 : memref<632x128xf32, #tpu.memory_space<hbm>>) target_semaphore(%run_scoped3A : memref<!tpu.dma_semaphore, #tpu.memory_space<semaphore_mem>>)
      %dma_wait3A = arith.constant 0 : i32
      %dma_wait3A_33 = tpu.memref_slice %arg6[%arg0, %multiple_of3A, %dma_wait3A] : memref<2x10112x128xf32, #tpu.memory_space<hbm>> -> memref<1x632x128xf32, #tpu.memory_space<hbm>>
      %dma_wait3A_34 = tpu.memref_squeeze %dma_wait3A_33 : memref<1x632x128xf32, #tpu.memory_space<hbm>> -> memref<632x128xf32, #tpu.memory_space<hbm>>
      %dma_wait3A_35 = arith.constant 0 : i32
      %dma_wait3A_36 = tpu.memref_slice %arg7[%multiple_of3A, %dma_wait3A_35] : memref<10112x128xf32, #tpu.memory_space<vmem_shared>> -> memref<632x128xf32, #tpu.memory_space<vmem_shared>>
      tpu.wait_dma2 semaphore(%run_scoped3A : memref<!tpu.dma_semaphore, #tpu.memory_space<semaphore_mem>>) src(%dma_wait3A_36 : memref<632x128xf32, #tpu.memory_space<vmem_shared>>) dst(%dma_wait3A_34 : memref<632x128xf32, #tpu.memory_space<hbm>>)
      tpu.yield
    }) : () -> ()
    return
  }
}

#map = affine_map<(d0, d1) -> (0, 0)>
#map1 = affine_map<(d0, d1) -> (0, 0, 0)>
module attributes {stable_mosaic.version = 14 : i64} {
  func.func @_spmm_body(%arg0: i32, %arg1: i32, %arg2: memref<10112x128xf32, #tpu.memory_space<hbm>>, %arg3: memref<32x128x80xi32, #tpu.memory_space<hbm>>, %arg4: memref<32x128x80xi32, #tpu.memory_space<hbm>>, %arg5: memref<10112x128xf32, #tpu.memory_space<hbm>>, %arg6: memref<2x10112x128xf32, #tpu.memory_space<hbm>>, %arg7: memref<10112x128xf32, #tpu.memory_space<vmem_shared>>, %arg8: memref<64x80xi32, #tpu.memory_space<vmem>>, %arg9: memref<64x80xi32, #tpu.memory_space<vmem>>, %arg10: memref<80x128xf32, #tpu.memory_space<vmem>>, %arg11: memref<80x128xf32, #tpu.memory_space<vmem>>, %arg12: memref<!tpu.dma_semaphore, #tpu.memory_space<semaphore_mem>>, %arg13: memref<!tpu.dma_semaphore, #tpu.memory_space<semaphore_mem>>) attributes {dimension_semantics = [#tpu.dimension_semantics<core_parallel>, #tpu.dimension_semantics<subcore_parallel>], iteration_bounds = array<i64: 2, 16>, scalar_prefetch = 0 : i64, scratch_operands = 7 : i64, tpu.core_type = #tpu.core_type<sc_vector_subcore>, window_params = [{transform_indices = #map}, {transform_indices = #map1}, {transform_indices = #map1}, {transform_indices = #map}, {transform_indices = #map1}]} {
    %mul3A = arith.constant 16 : i32
    %mul3A_0 = arith.muli %arg0, %mul3A : i32
    %add3A = arith.addi %mul3A_0, %arg1 : i32
    %mul3A_1 = arith.constant 632 : i32
    %mul3A_2 = arith.muli %arg1, %mul3A_1 : i32
    %multiple_of3A = tpu.assume_multiple %mul3A_2, 8 : i32
    "tpu.region"() ({
      %run_scoped3A = tpu.sem_alloc : memref<!tpu.dma_semaphore, #tpu.memory_space<semaphore_mem>>
      %dma_start3A_28 = arith.constant 0 : i32
      %dma_start3A_29 = tpu.memref_slice %arg7[%multiple_of3A, %dma_start3A_28] : memref<10112x128xf32, #tpu.memory_space<vmem_shared>> -> memref<632x128xf32, #tpu.memory_space<vmem_shared>>
      %dma_start3A_30 = arith.constant 0 : i32
      %dma_start3A_31 = tpu.memref_slice %arg5[%multiple_of3A, %dma_start3A_30] : memref<10112x128xf32, #tpu.memory_space<hbm>> -> memref<632x128xf32, #tpu.memory_space<hbm>>
      tpu.enqueue_dma source(%dma_start3A_31 : memref<632x128xf32, #tpu.memory_space<hbm>>) target(%dma_start3A_29 : memref<632x128xf32, #tpu.memory_space<vmem_shared>>) target_semaphore(%run_scoped3A : memref<!tpu.dma_semaphore, #tpu.memory_space<semaphore_mem>>)
      %dma_wait3A = arith.constant 0 : i32
      %dma_wait3A_32 = tpu.memref_slice %arg7[%multiple_of3A, %dma_wait3A] : memref<10112x128xf32, #tpu.memory_space<vmem_shared>> -> memref<632x128xf32, #tpu.memory_space<vmem_shared>>
      %dma_wait3A_33 = arith.constant 0 : i32
      %dma_wait3A_34 = tpu.memref_slice %arg5[%multiple_of3A, %dma_wait3A_33] : memref<10112x128xf32, #tpu.memory_space<hbm>> -> memref<632x128xf32, #tpu.memory_space<hbm>>
      tpu.wait_dma2 semaphore(%run_scoped3A : memref<!tpu.dma_semaphore, #tpu.memory_space<semaphore_mem>>) src(%dma_wait3A_34 : memref<632x128xf32, #tpu.memory_space<hbm>>) dst(%dma_wait3A_32 : memref<632x128xf32, #tpu.memory_space<vmem_shared>>)
      tpu.yield
    }) : () -> ()
    %barrier3A = arith.constant 0 : index
    tpu.barrier barrier_id(%barrier3A)
    "tpu.region"() ({
      %run_scoped3A = tpu.sem_alloc : memref<!tpu.dma_semaphore, #tpu.memory_space<semaphore_mem>>
      %dma_start3A_28 = arith.constant 0 : i32
      %dma_start3A_29 = arith.constant 0 : i32
      %dma_start3A_30 = tpu.memref_slice %arg8[%dma_start3A_28, %dma_start3A_29] : memref<64x80xi32, #tpu.memory_space<vmem>> -> memref<64x80xi32, #tpu.memory_space<vmem>>
      %dma_start3A_31 = arith.constant 0 : i32
      %dma_start3A_32 = arith.constant 0 : i32
      %dma_start3A_33 = tpu.memref_slice %arg3[%add3A, %dma_start3A_31, %dma_start3A_32] : memref<32x128x80xi32, #tpu.memory_space<hbm>> -> memref<1x64x80xi32, #tpu.memory_space<hbm>>
      %dma_start3A_34 = tpu.memref_squeeze %dma_start3A_33 : memref<1x64x80xi32, #tpu.memory_space<hbm>> -> memref<64x80xi32, #tpu.memory_space<hbm>>
      %dma_start3A_35 = arith.constant 0 : i32
      %dma_start3A_36 = arith.constant 0 : i32
      %dma_start3A_37 = tpu.memref_slice %arg8[%dma_start3A_35, %dma_start3A_36] : memref<64x80xi32, #tpu.memory_space<vmem>> -> memref<64x80xi32, #tpu.memory_space<vmem>>
      %dma_start3A_38 = arith.constant 0 : i32
      %dma_start3A_39 = arith.constant 0 : i32
      %dma_start3A_40 = tpu.memref_slice %arg3[%add3A, %dma_start3A_38, %dma_start3A_39] : memref<32x128x80xi32, #tpu.memory_space<hbm>> -> memref<1x64x80xi32, #tpu.memory_space<hbm>>
      %dma_start3A_41 = tpu.memref_squeeze %dma_start3A_40 : memref<1x64x80xi32, #tpu.memory_space<hbm>> -> memref<64x80xi32, #tpu.memory_space<hbm>>
      tpu.enqueue_dma source(%dma_start3A_41 : memref<64x80xi32, #tpu.memory_space<hbm>>) target(%dma_start3A_37 : memref<64x80xi32, #tpu.memory_space<vmem>>) target_semaphore(%run_scoped3A : memref<!tpu.dma_semaphore, #tpu.memory_space<semaphore_mem>>)
      %dma_wait3A = arith.constant 0 : i32
      %dma_wait3A_42 = arith.constant 0 : i32
      %dma_wait3A_43 = tpu.memref_slice %arg8[%dma_wait3A, %dma_wait3A_42] : memref<64x80xi32, #tpu.memory_space<vmem>> -> memref<64x80xi32, #tpu.memory_space<vmem>>
      %dma_wait3A_44 = arith.constant 0 : i32
      %dma_wait3A_45 = arith.constant 0 : i32
      %dma_wait3A_46 = tpu.memref_slice %arg3[%add3A, %dma_wait3A_44, %dma_wait3A_45] : memref<32x128x80xi32, #tpu.memory_space<hbm>> -> memref<1x64x80xi32, #tpu.memory_space<hbm>>
      %dma_wait3A_47 = tpu.memref_squeeze %dma_wait3A_46 : memref<1x64x80xi32, #tpu.memory_space<hbm>> -> memref<64x80xi32, #tpu.memory_space<hbm>>
      %dma_wait3A_48 = arith.constant 0 : i32
      %dma_wait3A_49 = arith.constant 0 : i32
      %dma_wait3A_50 = tpu.memref_slice %arg8[%dma_wait3A_48, %dma_wait3A_49] : memref<64x80xi32, #tpu.memory_space<vmem>> -> memref<64x80xi32, #tpu.memory_space<vmem>>
      %dma_wait3A_51 = arith.constant 0 : i32
      %dma_wait3A_52 = arith.constant 0 : i32
      %dma_wait3A_53 = tpu.memref_slice %arg3[%add3A, %dma_wait3A_51, %dma_wait3A_52] : memref<32x128x80xi32, #tpu.memory_space<hbm>> -> memref<1x64x80xi32, #tpu.memory_space<hbm>>
      %dma_wait3A_54 = tpu.memref_squeeze %dma_wait3A_53 : memref<1x64x80xi32, #tpu.memory_space<hbm>> -> memref<64x80xi32, #tpu.memory_space<hbm>>
      tpu.wait_dma2 semaphore(%run_scoped3A : memref<!tpu.dma_semaphore, #tpu.memory_space<semaphore_mem>>) src(%dma_wait3A_54 : memref<64x80xi32, #tpu.memory_space<hbm>>) dst(%dma_wait3A_50 : memref<64x80xi32, #tpu.memory_space<vmem>>)
      tpu.yield
    }) : () -> ()
    "tpu.region"() ({
      %run_scoped3A = tpu.sem_alloc : memref<!tpu.dma_semaphore, #tpu.memory_space<semaphore_mem>>
      %dma_start3A_28 = arith.constant 0 : i32
      %dma_start3A_29 = arith.constant 0 : i32
      %dma_start3A_30 = tpu.memref_slice %arg9[%dma_start3A_28, %dma_start3A_29] : memref<64x80xi32, #tpu.memory_space<vmem>> -> memref<64x80xi32, #tpu.memory_space<vmem>>
      %dma_start3A_31 = arith.constant 0 : i32
      %dma_start3A_32 = arith.constant 0 : i32
      %dma_start3A_33 = tpu.memref_slice %arg4[%add3A, %dma_start3A_31, %dma_start3A_32] : memref<32x128x80xi32, #tpu.memory_space<hbm>> -> memref<1x64x80xi32, #tpu.memory_space<hbm>>
      %dma_start3A_34 = tpu.memref_squeeze %dma_start3A_33 : memref<1x64x80xi32, #tpu.memory_space<hbm>> -> memref<64x80xi32, #tpu.memory_space<hbm>>
      %dma_start3A_35 = arith.constant 0 : i32
      %dma_start3A_36 = arith.constant 0 : i32
      %dma_start3A_37 = tpu.memref_slice %arg9[%dma_start3A_35, %dma_start3A_36] : memref<64x80xi32, #tpu.memory_space<vmem>> -> memref<64x80xi32, #tpu.memory_space<vmem>>
      %dma_start3A_38 = arith.constant 0 : i32
      %dma_start3A_39 = arith.constant 0 : i32
      %dma_start3A_40 = tpu.memref_slice %arg4[%add3A, %dma_start3A_38, %dma_start3A_39] : memref<32x128x80xi32, #tpu.memory_space<hbm>> -> memref<1x64x80xi32, #tpu.memory_space<hbm>>
      %dma_start3A_41 = tpu.memref_squeeze %dma_start3A_40 : memref<1x64x80xi32, #tpu.memory_space<hbm>> -> memref<64x80xi32, #tpu.memory_space<hbm>>
      tpu.enqueue_dma source(%dma_start3A_41 : memref<64x80xi32, #tpu.memory_space<hbm>>) target(%dma_start3A_37 : memref<64x80xi32, #tpu.memory_space<vmem>>) target_semaphore(%run_scoped3A : memref<!tpu.dma_semaphore, #tpu.memory_space<semaphore_mem>>)
      %dma_wait3A = arith.constant 0 : i32
      %dma_wait3A_42 = arith.constant 0 : i32
      %dma_wait3A_43 = tpu.memref_slice %arg9[%dma_wait3A, %dma_wait3A_42] : memref<64x80xi32, #tpu.memory_space<vmem>> -> memref<64x80xi32, #tpu.memory_space<vmem>>
      %dma_wait3A_44 = arith.constant 0 : i32
      %dma_wait3A_45 = arith.constant 0 : i32
      %dma_wait3A_46 = tpu.memref_slice %arg4[%add3A, %dma_wait3A_44, %dma_wait3A_45] : memref<32x128x80xi32, #tpu.memory_space<hbm>> -> memref<1x64x80xi32, #tpu.memory_space<hbm>>
      %dma_wait3A_47 = tpu.memref_squeeze %dma_wait3A_46 : memref<1x64x80xi32, #tpu.memory_space<hbm>> -> memref<64x80xi32, #tpu.memory_space<hbm>>
      %dma_wait3A_48 = arith.constant 0 : i32
      %dma_wait3A_49 = arith.constant 0 : i32
      %dma_wait3A_50 = tpu.memref_slice %arg9[%dma_wait3A_48, %dma_wait3A_49] : memref<64x80xi32, #tpu.memory_space<vmem>> -> memref<64x80xi32, #tpu.memory_space<vmem>>
      %dma_wait3A_51 = arith.constant 0 : i32
      %dma_wait3A_52 = arith.constant 0 : i32
      %dma_wait3A_53 = tpu.memref_slice %arg4[%add3A, %dma_wait3A_51, %dma_wait3A_52] : memref<32x128x80xi32, #tpu.memory_space<hbm>> -> memref<1x64x80xi32, #tpu.memory_space<hbm>>
      %dma_wait3A_54 = tpu.memref_squeeze %dma_wait3A_53 : memref<1x64x80xi32, #tpu.memory_space<hbm>> -> memref<64x80xi32, #tpu.memory_space<hbm>>
      tpu.wait_dma2 semaphore(%run_scoped3A : memref<!tpu.dma_semaphore, #tpu.memory_space<semaphore_mem>>) src(%dma_wait3A_54 : memref<64x80xi32, #tpu.memory_space<hbm>>) dst(%dma_wait3A_50 : memref<64x80xi32, #tpu.memory_space<vmem>>)
      tpu.yield
    }) : () -> ()
    %dma_start3A = arith.constant 0 : i32
    %dma_start3A_3 = arith.constant 0 : i32
    %dma_start3A_4 = tpu.memref_slice %arg8[%dma_start3A, %dma_start3A_3] : memref<64x80xi32, #tpu.memory_space<vmem>> -> memref<1x80xi32, #tpu.memory_space<vmem>>
    %dma_start3A_5 = tpu.memref_squeeze %dma_start3A_4 : memref<1x80xi32, #tpu.memory_space<vmem>> -> memref<80xi32, #tpu.memory_space<vmem>>
    %dma_start3A_6 = arith.constant 0 : i32
    %dma_start3A_7 = arith.constant 0 : i32
    %dma_start3A_8 = tpu.memref_slice %arg2[%dma_start3A_6, %dma_start3A_7] : memref<10112x128xf32, #tpu.memory_space<hbm>> -> memref<10112x128xf32, #tpu.memory_space<hbm>>
    tpu.enqueue_indirect_dma source(%dma_start3A_8 : memref<10112x128xf32, #tpu.memory_space<hbm>>) target(%arg10 : memref<80x128xf32, #tpu.memory_space<vmem>>) offsets(%dma_start3A_5 : memref<80xi32, #tpu.memory_space<vmem>>) semaphore(%arg12 : memref<!tpu.dma_semaphore, #tpu.memory_space<semaphore_mem>>)
    %scan3A = arith.constant 0 : i32
    %scan3A_9 = arith.constant 0 : i32
    %scan3A_10 = arith.constant 32 : i32
    %scan3A_11 = arith.addi %scan3A_9, %scan3A_10 : i32
    %scan3A_12 = arith.constant 1 : i32
    scf.for %scan3A_28 = %scan3A_9 to %scan3A_11 step %scan3A_12  : i32 {
      %mul3A_29 = arith.constant 2 : i32
      %mul3A_30 = arith.muli %mul3A_29, %scan3A_28 : i32
      %add3A_31 = arith.constant 1 : i32
      %add3A_32 = arith.addi %mul3A_30, %add3A_31 : i32
      %dma_start3A_33 = arith.constant 0 : i32
      %dma_start3A_34 = tpu.memref_slice %arg8[%add3A_32, %dma_start3A_33] : memref<64x80xi32, #tpu.memory_space<vmem>> -> memref<1x80xi32, #tpu.memory_space<vmem>>
      %dma_start3A_35 = tpu.memref_squeeze %dma_start3A_34 : memref<1x80xi32, #tpu.memory_space<vmem>> -> memref<80xi32, #tpu.memory_space<vmem>>
      %dma_start3A_36 = arith.constant 0 : i32
      %dma_start3A_37 = arith.constant 0 : i32
      %dma_start3A_38 = tpu.memref_slice %arg2[%dma_start3A_36, %dma_start3A_37] : memref<10112x128xf32, #tpu.memory_space<hbm>> -> memref<10112x128xf32, #tpu.memory_space<hbm>>
      tpu.enqueue_indirect_dma source(%dma_start3A_38 : memref<10112x128xf32, #tpu.memory_space<hbm>>) target(%arg11 : memref<80x128xf32, #tpu.memory_space<vmem>>) offsets(%dma_start3A_35 : memref<80xi32, #tpu.memory_space<vmem>>) semaphore(%arg13 : memref<!tpu.dma_semaphore, #tpu.memory_space<semaphore_mem>>)
      %dma_wait3A = arith.constant 0 : i32
      %dma_wait3A_39 = tpu.memref_slice %arg8[%mul3A_30, %dma_wait3A] : memref<64x80xi32, #tpu.memory_space<vmem>> -> memref<1x80xi32, #tpu.memory_space<vmem>>
      %dma_wait3A_40 = tpu.memref_squeeze %dma_wait3A_39 : memref<1x80xi32, #tpu.memory_space<vmem>> -> memref<80xi32, #tpu.memory_space<vmem>>
      %dma_wait3A_41 = arith.constant 0 : i32
      %dma_wait3A_42 = arith.constant 0 : i32
      %dma_wait3A_43 = tpu.memref_slice %arg2[%dma_wait3A_41, %dma_wait3A_42] : memref<10112x128xf32, #tpu.memory_space<hbm>> -> memref<10112x128xf32, #tpu.memory_space<hbm>>
      tpu.wait_indirect_dma semaphore(%arg12 : memref<!tpu.dma_semaphore, #tpu.memory_space<semaphore_mem>>) src(%dma_wait3A_43 : memref<10112x128xf32, #tpu.memory_space<hbm>>) dst(%arg10 : memref<80x128xf32, #tpu.memory_space<vmem>>)
      "tpu.region"() ({
        %run_scoped3A = tpu.sem_alloc : memref<!tpu.dma_semaphore, #tpu.memory_space<semaphore_mem>>
        %dma_start3A_58 = arith.constant 0 : i32
        %dma_start3A_59 = tpu.memref_slice %arg9[%mul3A_30, %dma_start3A_58] : memref<64x80xi32, #tpu.memory_space<vmem>> -> memref<1x80xi32, #tpu.memory_space<vmem>>
        %dma_start3A_60 = tpu.memref_squeeze %dma_start3A_59 : memref<1x80xi32, #tpu.memory_space<vmem>> -> memref<80xi32, #tpu.memory_space<vmem>>
        %dma_start3A_61 = arith.constant 0 : i32
        %dma_start3A_62 = arith.constant 0 : i32
        %dma_start3A_63 = tpu.memref_slice %arg7[%dma_start3A_61, %dma_start3A_62] : memref<10112x128xf32, #tpu.memory_space<vmem_shared>> -> memref<10112x128xf32, #tpu.memory_space<vmem_shared>>
        tpu.enqueue_indirect_dma source(%arg10 : memref<80x128xf32, #tpu.memory_space<vmem>>) target(%dma_start3A_63 : memref<10112x128xf32, #tpu.memory_space<vmem_shared>>) offsets(%dma_start3A_60 : memref<80xi32, #tpu.memory_space<vmem>>) semaphore(%run_scoped3A : memref<!tpu.dma_semaphore, #tpu.memory_space<semaphore_mem>>) {add = true}
        %dma_wait3A_64 = arith.constant 0 : i32
        %dma_wait3A_65 = tpu.memref_slice %arg9[%mul3A_30, %dma_wait3A_64] : memref<64x80xi32, #tpu.memory_space<vmem>> -> memref<1x80xi32, #tpu.memory_space<vmem>>
        %dma_wait3A_66 = tpu.memref_squeeze %dma_wait3A_65 : memref<1x80xi32, #tpu.memory_space<vmem>> -> memref<80xi32, #tpu.memory_space<vmem>>
        %dma_wait3A_67 = arith.constant 0 : i32
        %dma_wait3A_68 = arith.constant 0 : i32
        %dma_wait3A_69 = tpu.memref_slice %arg7[%dma_wait3A_67, %dma_wait3A_68] : memref<10112x128xf32, #tpu.memory_space<vmem_shared>> -> memref<10112x128xf32, #tpu.memory_space<vmem_shared>>
        tpu.wait_indirect_dma semaphore(%run_scoped3A : memref<!tpu.dma_semaphore, #tpu.memory_space<semaphore_mem>>) src(%arg10 : memref<80x128xf32, #tpu.memory_space<vmem>>) dst(%dma_wait3A_69 : memref<10112x128xf32, #tpu.memory_space<vmem_shared>>)
        tpu.yield
      }) : () -> ()
      %add3A_44 = arith.constant 2 : i32
      %add3A_45 = arith.addi %mul3A_30, %add3A_44 : i32
      %lt3A = arith.constant 64 : i32
      %lt3A_46 = arith.cmpi slt, %add3A_45, %lt3A : i32
      %convert_element_type3A = arith.extui %lt3A_46 : i1 to i32
      %cond3A = arith.constant 0 : i32
      %cond3A_47 = arith.cmpi ne, %convert_element_type3A, %cond3A : i32
      scf.if %cond3A_47 {
        %add3A_58 = arith.constant 2 : i32
        %add3A_59 = arith.addi %mul3A_30, %add3A_58 : i32
        %dma_start3A_60 = arith.constant 0 : i32
        %dma_start3A_61 = tpu.memref_slice %arg8[%add3A_59, %dma_start3A_60] : memref<64x80xi32, #tpu.memory_space<vmem>> -> memref<1x80xi32, #tpu.memory_space<vmem>>
        %dma_start3A_62 = tpu.memref_squeeze %dma_start3A_61 : memref<1x80xi32, #tpu.memory_space<vmem>> -> memref<80xi32, #tpu.memory_space<vmem>>
        %dma_start3A_63 = arith.constant 0 : i32
        %dma_start3A_64 = arith.constant 0 : i32
        %dma_start3A_65 = tpu.memref_slice %arg2[%dma_start3A_63, %dma_start3A_64] : memref<10112x128xf32, #tpu.memory_space<hbm>> -> memref<10112x128xf32, #tpu.memory_space<hbm>>
        tpu.enqueue_indirect_dma source(%dma_start3A_65 : memref<10112x128xf32, #tpu.memory_space<hbm>>) target(%arg10 : memref<80x128xf32, #tpu.memory_space<vmem>>) offsets(%dma_start3A_62 : memref<80xi32, #tpu.memory_space<vmem>>) semaphore(%arg12 : memref<!tpu.dma_semaphore, #tpu.memory_space<semaphore_mem>>)
      } else {
      }
      %add3A_48 = arith.constant 1 : i32
      %add3A_49 = arith.addi %mul3A_30, %add3A_48 : i32
      %dma_wait3A_50 = arith.constant 0 : i32
      %dma_wait3A_51 = tpu.memref_slice %arg8[%add3A_49, %dma_wait3A_50] : memref<64x80xi32, #tpu.memory_space<vmem>> -> memref<1x80xi32, #tpu.memory_space<vmem>>
      %dma_wait3A_52 = tpu.memref_squeeze %dma_wait3A_51 : memref<1x80xi32, #tpu.memory_space<vmem>> -> memref<80xi32, #tpu.memory_space<vmem>>
      %dma_wait3A_53 = arith.constant 0 : i32
      %dma_wait3A_54 = arith.constant 0 : i32
      %dma_wait3A_55 = tpu.memref_slice %arg2[%dma_wait3A_53, %dma_wait3A_54] : memref<10112x128xf32, #tpu.memory_space<hbm>> -> memref<10112x128xf32, #tpu.memory_space<hbm>>
      tpu.wait_indirect_dma semaphore(%arg13 : memref<!tpu.dma_semaphore, #tpu.memory_space<semaphore_mem>>) src(%dma_wait3A_55 : memref<10112x128xf32, #tpu.memory_space<hbm>>) dst(%arg11 : memref<80x128xf32, #tpu.memory_space<vmem>>)
      %add3A_56 = arith.constant 1 : i32
      %add3A_57 = arith.addi %mul3A_30, %add3A_56 : i32
      "tpu.region"() ({
        %run_scoped3A = tpu.sem_alloc : memref<!tpu.dma_semaphore, #tpu.memory_space<semaphore_mem>>
        %dma_start3A_58 = arith.constant 0 : i32
        %dma_start3A_59 = tpu.memref_slice %arg9[%add3A_57, %dma_start3A_58] : memref<64x80xi32, #tpu.memory_space<vmem>> -> memref<1x80xi32, #tpu.memory_space<vmem>>
        %dma_start3A_60 = tpu.memref_squeeze %dma_start3A_59 : memref<1x80xi32, #tpu.memory_space<vmem>> -> memref<80xi32, #tpu.memory_space<vmem>>
        %dma_start3A_61 = arith.constant 0 : i32
        %dma_start3A_62 = arith.constant 0 : i32
        %dma_start3A_63 = tpu.memref_slice %arg7[%dma_start3A_61, %dma_start3A_62] : memref<10112x128xf32, #tpu.memory_space<vmem_shared>> -> memref<10112x128xf32, #tpu.memory_space<vmem_shared>>
        tpu.enqueue_indirect_dma source(%arg11 : memref<80x128xf32, #tpu.memory_space<vmem>>) target(%dma_start3A_63 : memref<10112x128xf32, #tpu.memory_space<vmem_shared>>) offsets(%dma_start3A_60 : memref<80xi32, #tpu.memory_space<vmem>>) semaphore(%run_scoped3A : memref<!tpu.dma_semaphore, #tpu.memory_space<semaphore_mem>>) {add = true}
        %dma_wait3A_64 = arith.constant 0 : i32
        %dma_wait3A_65 = tpu.memref_slice %arg9[%add3A_57, %dma_wait3A_64] : memref<64x80xi32, #tpu.memory_space<vmem>> -> memref<1x80xi32, #tpu.memory_space<vmem>>
        %dma_wait3A_66 = tpu.memref_squeeze %dma_wait3A_65 : memref<1x80xi32, #tpu.memory_space<vmem>> -> memref<80xi32, #tpu.memory_space<vmem>>
        %dma_wait3A_67 = arith.constant 0 : i32
        %dma_wait3A_68 = arith.constant 0 : i32
        %dma_wait3A_69 = tpu.memref_slice %arg7[%dma_wait3A_67, %dma_wait3A_68] : memref<10112x128xf32, #tpu.memory_space<vmem_shared>> -> memref<10112x128xf32, #tpu.memory_space<vmem_shared>>
        tpu.wait_indirect_dma semaphore(%run_scoped3A : memref<!tpu.dma_semaphore, #tpu.memory_space<semaphore_mem>>) src(%arg11 : memref<80x128xf32, #tpu.memory_space<vmem>>) dst(%dma_wait3A_69 : memref<10112x128xf32, #tpu.memory_space<vmem_shared>>)
        tpu.yield
      }) : () -> ()
    }
    %scan3A_13 = arith.constant 32 : i32
    "tpu.region"() ({
      %run_scoped3A = tpu.sem_alloc : memref<!tpu.dma_semaphore, #tpu.memory_space<semaphore_mem>>
      %dma_start3A_28 = arith.constant 0 : i32
      %dma_start3A_29 = arith.constant 0 : i32
      %dma_start3A_30 = tpu.memref_slice %arg8[%dma_start3A_28, %dma_start3A_29] : memref<64x80xi32, #tpu.memory_space<vmem>> -> memref<64x80xi32, #tpu.memory_space<vmem>>
      %dma_start3A_31 = arith.constant 64 : i32
      %dma_start3A_32 = arith.constant 0 : i32
      %dma_start3A_33 = tpu.memref_slice %arg3[%add3A, %dma_start3A_31, %dma_start3A_32] : memref<32x128x80xi32, #tpu.memory_space<hbm>> -> memref<1x64x80xi32, #tpu.memory_space<hbm>>
      %dma_start3A_34 = tpu.memref_squeeze %dma_start3A_33 : memref<1x64x80xi32, #tpu.memory_space<hbm>> -> memref<64x80xi32, #tpu.memory_space<hbm>>
      %dma_start3A_35 = arith.constant 0 : i32
      %dma_start3A_36 = arith.constant 0 : i32
      %dma_start3A_37 = tpu.memref_slice %arg8[%dma_start3A_35, %dma_start3A_36] : memref<64x80xi32, #tpu.memory_space<vmem>> -> memref<64x80xi32, #tpu.memory_space<vmem>>
      %dma_start3A_38 = arith.constant 64 : i32
      %dma_start3A_39 = arith.constant 0 : i32
      %dma_start3A_40 = tpu.memref_slice %arg3[%add3A, %dma_start3A_38, %dma_start3A_39] : memref<32x128x80xi32, #tpu.memory_space<hbm>> -> memref<1x64x80xi32, #tpu.memory_space<hbm>>
      %dma_start3A_41 = tpu.memref_squeeze %dma_start3A_40 : memref<1x64x80xi32, #tpu.memory_space<hbm>> -> memref<64x80xi32, #tpu.memory_space<hbm>>
      tpu.enqueue_dma source(%dma_start3A_41 : memref<64x80xi32, #tpu.memory_space<hbm>>) target(%dma_start3A_37 : memref<64x80xi32, #tpu.memory_space<vmem>>) target_semaphore(%run_scoped3A : memref<!tpu.dma_semaphore, #tpu.memory_space<semaphore_mem>>)
      %dma_wait3A = arith.constant 0 : i32
      %dma_wait3A_42 = arith.constant 0 : i32
      %dma_wait3A_43 = tpu.memref_slice %arg8[%dma_wait3A, %dma_wait3A_42] : memref<64x80xi32, #tpu.memory_space<vmem>> -> memref<64x80xi32, #tpu.memory_space<vmem>>
      %dma_wait3A_44 = arith.constant 64 : i32
      %dma_wait3A_45 = arith.constant 0 : i32
      %dma_wait3A_46 = tpu.memref_slice %arg3[%add3A, %dma_wait3A_44, %dma_wait3A_45] : memref<32x128x80xi32, #tpu.memory_space<hbm>> -> memref<1x64x80xi32, #tpu.memory_space<hbm>>
      %dma_wait3A_47 = tpu.memref_squeeze %dma_wait3A_46 : memref<1x64x80xi32, #tpu.memory_space<hbm>> -> memref<64x80xi32, #tpu.memory_space<hbm>>
      %dma_wait3A_48 = arith.constant 0 : i32
      %dma_wait3A_49 = arith.constant 0 : i32
      %dma_wait3A_50 = tpu.memref_slice %arg8[%dma_wait3A_48, %dma_wait3A_49] : memref<64x80xi32, #tpu.memory_space<vmem>> -> memref<64x80xi32, #tpu.memory_space<vmem>>
      %dma_wait3A_51 = arith.constant 64 : i32
      %dma_wait3A_52 = arith.constant 0 : i32
      %dma_wait3A_53 = tpu.memref_slice %arg3[%add3A, %dma_wait3A_51, %dma_wait3A_52] : memref<32x128x80xi32, #tpu.memory_space<hbm>> -> memref<1x64x80xi32, #tpu.memory_space<hbm>>
      %dma_wait3A_54 = tpu.memref_squeeze %dma_wait3A_53 : memref<1x64x80xi32, #tpu.memory_space<hbm>> -> memref<64x80xi32, #tpu.memory_space<hbm>>
      tpu.wait_dma2 semaphore(%run_scoped3A : memref<!tpu.dma_semaphore, #tpu.memory_space<semaphore_mem>>) src(%dma_wait3A_54 : memref<64x80xi32, #tpu.memory_space<hbm>>) dst(%dma_wait3A_50 : memref<64x80xi32, #tpu.memory_space<vmem>>)
      tpu.yield
    }) : () -> ()
    "tpu.region"() ({
      %run_scoped3A = tpu.sem_alloc : memref<!tpu.dma_semaphore, #tpu.memory_space<semaphore_mem>>
      %dma_start3A_28 = arith.constant 0 : i32
      %dma_start3A_29 = arith.constant 0 : i32
      %dma_start3A_30 = tpu.memref_slice %arg9[%dma_start3A_28, %dma_start3A_29] : memref<64x80xi32, #tpu.memory_space<vmem>> -> memref<64x80xi32, #tpu.memory_space<vmem>>
      %dma_start3A_31 = arith.constant 64 : i32
      %dma_start3A_32 = arith.constant 0 : i32
      %dma_start3A_33 = tpu.memref_slice %arg4[%add3A, %dma_start3A_31, %dma_start3A_32] : memref<32x128x80xi32, #tpu.memory_space<hbm>> -> memref<1x64x80xi32, #tpu.memory_space<hbm>>
      %dma_start3A_34 = tpu.memref_squeeze %dma_start3A_33 : memref<1x64x80xi32, #tpu.memory_space<hbm>> -> memref<64x80xi32, #tpu.memory_space<hbm>>
      %dma_start3A_35 = arith.constant 0 : i32
      %dma_start3A_36 = arith.constant 0 : i32
      %dma_start3A_37 = tpu.memref_slice %arg9[%dma_start3A_35, %dma_start3A_36] : memref<64x80xi32, #tpu.memory_space<vmem>> -> memref<64x80xi32, #tpu.memory_space<vmem>>
      %dma_start3A_38 = arith.constant 64 : i32
      %dma_start3A_39 = arith.constant 0 : i32
      %dma_start3A_40 = tpu.memref_slice %arg4[%add3A, %dma_start3A_38, %dma_start3A_39] : memref<32x128x80xi32, #tpu.memory_space<hbm>> -> memref<1x64x80xi32, #tpu.memory_space<hbm>>
      %dma_start3A_41 = tpu.memref_squeeze %dma_start3A_40 : memref<1x64x80xi32, #tpu.memory_space<hbm>> -> memref<64x80xi32, #tpu.memory_space<hbm>>
      tpu.enqueue_dma source(%dma_start3A_41 : memref<64x80xi32, #tpu.memory_space<hbm>>) target(%dma_start3A_37 : memref<64x80xi32, #tpu.memory_space<vmem>>) target_semaphore(%run_scoped3A : memref<!tpu.dma_semaphore, #tpu.memory_space<semaphore_mem>>)
      %dma_wait3A = arith.constant 0 : i32
      %dma_wait3A_42 = arith.constant 0 : i32
      %dma_wait3A_43 = tpu.memref_slice %arg9[%dma_wait3A, %dma_wait3A_42] : memref<64x80xi32, #tpu.memory_space<vmem>> -> memref<64x80xi32, #tpu.memory_space<vmem>>
      %dma_wait3A_44 = arith.constant 64 : i32
      %dma_wait3A_45 = arith.constant 0 : i32
      %dma_wait3A_46 = tpu.memref_slice %arg4[%add3A, %dma_wait3A_44, %dma_wait3A_45] : memref<32x128x80xi32, #tpu.memory_space<hbm>> -> memref<1x64x80xi32, #tpu.memory_space<hbm>>
      %dma_wait3A_47 = tpu.memref_squeeze %dma_wait3A_46 : memref<1x64x80xi32, #tpu.memory_space<hbm>> -> memref<64x80xi32, #tpu.memory_space<hbm>>
      %dma_wait3A_48 = arith.constant 0 : i32
      %dma_wait3A_49 = arith.constant 0 : i32
      %dma_wait3A_50 = tpu.memref_slice %arg9[%dma_wait3A_48, %dma_wait3A_49] : memref<64x80xi32, #tpu.memory_space<vmem>> -> memref<64x80xi32, #tpu.memory_space<vmem>>
      %dma_wait3A_51 = arith.constant 64 : i32
      %dma_wait3A_52 = arith.constant 0 : i32
      %dma_wait3A_53 = tpu.memref_slice %arg4[%add3A, %dma_wait3A_51, %dma_wait3A_52] : memref<32x128x80xi32, #tpu.memory_space<hbm>> -> memref<1x64x80xi32, #tpu.memory_space<hbm>>
      %dma_wait3A_54 = tpu.memref_squeeze %dma_wait3A_53 : memref<1x64x80xi32, #tpu.memory_space<hbm>> -> memref<64x80xi32, #tpu.memory_space<hbm>>
      tpu.wait_dma2 semaphore(%run_scoped3A : memref<!tpu.dma_semaphore, #tpu.memory_space<semaphore_mem>>) src(%dma_wait3A_54 : memref<64x80xi32, #tpu.memory_space<hbm>>) dst(%dma_wait3A_50 : memref<64x80xi32, #tpu.memory_space<vmem>>)
      tpu.yield
    }) : () -> ()
    %dma_start3A_14 = arith.constant 0 : i32
    %dma_start3A_15 = arith.constant 0 : i32
    %dma_start3A_16 = tpu.memref_slice %arg8[%dma_start3A_14, %dma_start3A_15] : memref<64x80xi32, #tpu.memory_space<vmem>> -> memref<1x80xi32, #tpu.memory_space<vmem>>
    %dma_start3A_17 = tpu.memref_squeeze %dma_start3A_16 : memref<1x80xi32, #tpu.memory_space<vmem>> -> memref<80xi32, #tpu.memory_space<vmem>>
    %dma_start3A_18 = arith.constant 0 : i32
    %dma_start3A_19 = arith.constant 0 : i32
    %dma_start3A_20 = tpu.memref_slice %arg2[%dma_start3A_18, %dma_start3A_19] : memref<10112x128xf32, #tpu.memory_space<hbm>> -> memref<10112x128xf32, #tpu.memory_space<hbm>>
    tpu.enqueue_indirect_dma source(%dma_start3A_20 : memref<10112x128xf32, #tpu.memory_space<hbm>>) target(%arg10 : memref<80x128xf32, #tpu.memory_space<vmem>>) offsets(%dma_start3A_17 : memref<80xi32, #tpu.memory_space<vmem>>) semaphore(%arg12 : memref<!tpu.dma_semaphore, #tpu.memory_space<semaphore_mem>>)
    %scan3A_21 = arith.constant 0 : i32
    %scan3A_22 = arith.constant 0 : i32
    %scan3A_23 = arith.constant 32 : i32
    %scan3A_24 = arith.addi %scan3A_22, %scan3A_23 : i32
    %scan3A_25 = arith.constant 1 : i32
    scf.for %scan3A_28 = %scan3A_22 to %scan3A_24 step %scan3A_25  : i32 {
      %mul3A_29 = arith.constant 2 : i32
      %mul3A_30 = arith.muli %mul3A_29, %scan3A_28 : i32
      %add3A_31 = arith.constant 1 : i32
      %add3A_32 = arith.addi %mul3A_30, %add3A_31 : i32
      %dma_start3A_33 = arith.constant 0 : i32
      %dma_start3A_34 = tpu.memref_slice %arg8[%add3A_32, %dma_start3A_33] : memref<64x80xi32, #tpu.memory_space<vmem>> -> memref<1x80xi32, #tpu.memory_space<vmem>>
      %dma_start3A_35 = tpu.memref_squeeze %dma_start3A_34 : memref<1x80xi32, #tpu.memory_space<vmem>> -> memref<80xi32, #tpu.memory_space<vmem>>
      %dma_start3A_36 = arith.constant 0 : i32
      %dma_start3A_37 = arith.constant 0 : i32
      %dma_start3A_38 = tpu.memref_slice %arg2[%dma_start3A_36, %dma_start3A_37] : memref<10112x128xf32, #tpu.memory_space<hbm>> -> memref<10112x128xf32, #tpu.memory_space<hbm>>
      tpu.enqueue_indirect_dma source(%dma_start3A_38 : memref<10112x128xf32, #tpu.memory_space<hbm>>) target(%arg11 : memref<80x128xf32, #tpu.memory_space<vmem>>) offsets(%dma_start3A_35 : memref<80xi32, #tpu.memory_space<vmem>>) semaphore(%arg13 : memref<!tpu.dma_semaphore, #tpu.memory_space<semaphore_mem>>)
      %dma_wait3A = arith.constant 0 : i32
      %dma_wait3A_39 = tpu.memref_slice %arg8[%mul3A_30, %dma_wait3A] : memref<64x80xi32, #tpu.memory_space<vmem>> -> memref<1x80xi32, #tpu.memory_space<vmem>>
      %dma_wait3A_40 = tpu.memref_squeeze %dma_wait3A_39 : memref<1x80xi32, #tpu.memory_space<vmem>> -> memref<80xi32, #tpu.memory_space<vmem>>
      %dma_wait3A_41 = arith.constant 0 : i32
      %dma_wait3A_42 = arith.constant 0 : i32
      %dma_wait3A_43 = tpu.memref_slice %arg2[%dma_wait3A_41, %dma_wait3A_42] : memref<10112x128xf32, #tpu.memory_space<hbm>> -> memref<10112x128xf32, #tpu.memory_space<hbm>>
      tpu.wait_indirect_dma semaphore(%arg12 : memref<!tpu.dma_semaphore, #tpu.memory_space<semaphore_mem>>) src(%dma_wait3A_43 : memref<10112x128xf32, #tpu.memory_space<hbm>>) dst(%arg10 : memref<80x128xf32, #tpu.memory_space<vmem>>)
      "tpu.region"() ({
        %run_scoped3A = tpu.sem_alloc : memref<!tpu.dma_semaphore, #tpu.memory_space<semaphore_mem>>
        %dma_start3A_58 = arith.constant 0 : i32
        %dma_start3A_59 = tpu.memref_slice %arg9[%mul3A_30, %dma_start3A_58] : memref<64x80xi32, #tpu.memory_space<vmem>> -> memref<1x80xi32, #tpu.memory_space<vmem>>
        %dma_start3A_60 = tpu.memref_squeeze %dma_start3A_59 : memref<1x80xi32, #tpu.memory_space<vmem>> -> memref<80xi32, #tpu.memory_space<vmem>>
        %dma_start3A_61 = arith.constant 0 : i32
        %dma_start3A_62 = arith.constant 0 : i32
        %dma_start3A_63 = tpu.memref_slice %arg7[%dma_start3A_61, %dma_start3A_62] : memref<10112x128xf32, #tpu.memory_space<vmem_shared>> -> memref<10112x128xf32, #tpu.memory_space<vmem_shared>>
        tpu.enqueue_indirect_dma source(%arg10 : memref<80x128xf32, #tpu.memory_space<vmem>>) target(%dma_start3A_63 : memref<10112x128xf32, #tpu.memory_space<vmem_shared>>) offsets(%dma_start3A_60 : memref<80xi32, #tpu.memory_space<vmem>>) semaphore(%run_scoped3A : memref<!tpu.dma_semaphore, #tpu.memory_space<semaphore_mem>>) {add = true}
        %dma_wait3A_64 = arith.constant 0 : i32
        %dma_wait3A_65 = tpu.memref_slice %arg9[%mul3A_30, %dma_wait3A_64] : memref<64x80xi32, #tpu.memory_space<vmem>> -> memref<1x80xi32, #tpu.memory_space<vmem>>
        %dma_wait3A_66 = tpu.memref_squeeze %dma_wait3A_65 : memref<1x80xi32, #tpu.memory_space<vmem>> -> memref<80xi32, #tpu.memory_space<vmem>>
        %dma_wait3A_67 = arith.constant 0 : i32
        %dma_wait3A_68 = arith.constant 0 : i32
        %dma_wait3A_69 = tpu.memref_slice %arg7[%dma_wait3A_67, %dma_wait3A_68] : memref<10112x128xf32, #tpu.memory_space<vmem_shared>> -> memref<10112x128xf32, #tpu.memory_space<vmem_shared>>
        tpu.wait_indirect_dma semaphore(%run_scoped3A : memref<!tpu.dma_semaphore, #tpu.memory_space<semaphore_mem>>) src(%arg10 : memref<80x128xf32, #tpu.memory_space<vmem>>) dst(%dma_wait3A_69 : memref<10112x128xf32, #tpu.memory_space<vmem_shared>>)
        tpu.yield
      }) : () -> ()
      %add3A_44 = arith.constant 2 : i32
      %add3A_45 = arith.addi %mul3A_30, %add3A_44 : i32
      %lt3A = arith.constant 64 : i32
      %lt3A_46 = arith.cmpi slt, %add3A_45, %lt3A : i32
      %convert_element_type3A = arith.extui %lt3A_46 : i1 to i32
      %cond3A = arith.constant 0 : i32
      %cond3A_47 = arith.cmpi ne, %convert_element_type3A, %cond3A : i32
      scf.if %cond3A_47 {
        %add3A_58 = arith.constant 2 : i32
        %add3A_59 = arith.addi %mul3A_30, %add3A_58 : i32
        %dma_start3A_60 = arith.constant 0 : i32
        %dma_start3A_61 = tpu.memref_slice %arg8[%add3A_59, %dma_start3A_60] : memref<64x80xi32, #tpu.memory_space<vmem>> -> memref<1x80xi32, #tpu.memory_space<vmem>>
        %dma_start3A_62 = tpu.memref_squeeze %dma_start3A_61 : memref<1x80xi32, #tpu.memory_space<vmem>> -> memref<80xi32, #tpu.memory_space<vmem>>
        %dma_start3A_63 = arith.constant 0 : i32
        %dma_start3A_64 = arith.constant 0 : i32
        %dma_start3A_65 = tpu.memref_slice %arg2[%dma_start3A_63, %dma_start3A_64] : memref<10112x128xf32, #tpu.memory_space<hbm>> -> memref<10112x128xf32, #tpu.memory_space<hbm>>
        tpu.enqueue_indirect_dma source(%dma_start3A_65 : memref<10112x128xf32, #tpu.memory_space<hbm>>) target(%arg10 : memref<80x128xf32, #tpu.memory_space<vmem>>) offsets(%dma_start3A_62 : memref<80xi32, #tpu.memory_space<vmem>>) semaphore(%arg12 : memref<!tpu.dma_semaphore, #tpu.memory_space<semaphore_mem>>)
      } else {
      }
      %add3A_48 = arith.constant 1 : i32
      %add3A_49 = arith.addi %mul3A_30, %add3A_48 : i32
      %dma_wait3A_50 = arith.constant 0 : i32
      %dma_wait3A_51 = tpu.memref_slice %arg8[%add3A_49, %dma_wait3A_50] : memref<64x80xi32, #tpu.memory_space<vmem>> -> memref<1x80xi32, #tpu.memory_space<vmem>>
      %dma_wait3A_52 = tpu.memref_squeeze %dma_wait3A_51 : memref<1x80xi32, #tpu.memory_space<vmem>> -> memref<80xi32, #tpu.memory_space<vmem>>
      %dma_wait3A_53 = arith.constant 0 : i32
      %dma_wait3A_54 = arith.constant 0 : i32
      %dma_wait3A_55 = tpu.memref_slice %arg2[%dma_wait3A_53, %dma_wait3A_54] : memref<10112x128xf32, #tpu.memory_space<hbm>> -> memref<10112x128xf32, #tpu.memory_space<hbm>>
      tpu.wait_indirect_dma semaphore(%arg13 : memref<!tpu.dma_semaphore, #tpu.memory_space<semaphore_mem>>) src(%dma_wait3A_55 : memref<10112x128xf32, #tpu.memory_space<hbm>>) dst(%arg11 : memref<80x128xf32, #tpu.memory_space<vmem>>)
      %add3A_56 = arith.constant 1 : i32
      %add3A_57 = arith.addi %mul3A_30, %add3A_56 : i32
      "tpu.region"() ({
        %run_scoped3A = tpu.sem_alloc : memref<!tpu.dma_semaphore, #tpu.memory_space<semaphore_mem>>
        %dma_start3A_58 = arith.constant 0 : i32
        %dma_start3A_59 = tpu.memref_slice %arg9[%add3A_57, %dma_start3A_58] : memref<64x80xi32, #tpu.memory_space<vmem>> -> memref<1x80xi32, #tpu.memory_space<vmem>>
        %dma_start3A_60 = tpu.memref_squeeze %dma_start3A_59 : memref<1x80xi32, #tpu.memory_space<vmem>> -> memref<80xi32, #tpu.memory_space<vmem>>
        %dma_start3A_61 = arith.constant 0 : i32
        %dma_start3A_62 = arith.constant 0 : i32
        %dma_start3A_63 = tpu.memref_slice %arg7[%dma_start3A_61, %dma_start3A_62] : memref<10112x128xf32, #tpu.memory_space<vmem_shared>> -> memref<10112x128xf32, #tpu.memory_space<vmem_shared>>
        tpu.enqueue_indirect_dma source(%arg11 : memref<80x128xf32, #tpu.memory_space<vmem>>) target(%dma_start3A_63 : memref<10112x128xf32, #tpu.memory_space<vmem_shared>>) offsets(%dma_start3A_60 : memref<80xi32, #tpu.memory_space<vmem>>) semaphore(%run_scoped3A : memref<!tpu.dma_semaphore, #tpu.memory_space<semaphore_mem>>) {add = true}
        %dma_wait3A_64 = arith.constant 0 : i32
        %dma_wait3A_65 = tpu.memref_slice %arg9[%add3A_57, %dma_wait3A_64] : memref<64x80xi32, #tpu.memory_space<vmem>> -> memref<1x80xi32, #tpu.memory_space<vmem>>
        %dma_wait3A_66 = tpu.memref_squeeze %dma_wait3A_65 : memref<1x80xi32, #tpu.memory_space<vmem>> -> memref<80xi32, #tpu.memory_space<vmem>>
        %dma_wait3A_67 = arith.constant 0 : i32
        %dma_wait3A_68 = arith.constant 0 : i32
        %dma_wait3A_69 = tpu.memref_slice %arg7[%dma_wait3A_67, %dma_wait3A_68] : memref<10112x128xf32, #tpu.memory_space<vmem_shared>> -> memref<10112x128xf32, #tpu.memory_space<vmem_shared>>
        tpu.wait_indirect_dma semaphore(%run_scoped3A : memref<!tpu.dma_semaphore, #tpu.memory_space<semaphore_mem>>) src(%arg11 : memref<80x128xf32, #tpu.memory_space<vmem>>) dst(%dma_wait3A_69 : memref<10112x128xf32, #tpu.memory_space<vmem_shared>>)
        tpu.yield
      }) : () -> ()
    }
    %scan3A_26 = arith.constant 32 : i32
    %barrier3A_27 = arith.constant 0 : index
    tpu.barrier barrier_id(%barrier3A_27)
    "tpu.region"() ({
      %run_scoped3A = tpu.sem_alloc : memref<!tpu.dma_semaphore, #tpu.memory_space<semaphore_mem>>
      %dma_start3A_28 = arith.constant 0 : i32
      %dma_start3A_29 = tpu.memref_slice %arg6[%arg0, %multiple_of3A, %dma_start3A_28] : memref<2x10112x128xf32, #tpu.memory_space<hbm>> -> memref<1x632x128xf32, #tpu.memory_space<hbm>>
      %dma_start3A_30 = tpu.memref_squeeze %dma_start3A_29 : memref<1x632x128xf32, #tpu.memory_space<hbm>> -> memref<632x128xf32, #tpu.memory_space<hbm>>
      %dma_start3A_31 = arith.constant 0 : i32
      %dma_start3A_32 = tpu.memref_slice %arg7[%multiple_of3A, %dma_start3A_31] : memref<10112x128xf32, #tpu.memory_space<vmem_shared>> -> memref<632x128xf32, #tpu.memory_space<vmem_shared>>
      tpu.enqueue_dma source(%dma_start3A_32 : memref<632x128xf32, #tpu.memory_space<vmem_shared>>) target(%dma_start3A_30 : memref<632x128xf32, #tpu.memory_space<hbm>>) target_semaphore(%run_scoped3A : memref<!tpu.dma_semaphore, #tpu.memory_space<semaphore_mem>>)
      %dma_wait3A = arith.constant 0 : i32
      %dma_wait3A_33 = tpu.memref_slice %arg6[%arg0, %multiple_of3A, %dma_wait3A] : memref<2x10112x128xf32, #tpu.memory_space<hbm>> -> memref<1x632x128xf32, #tpu.memory_space<hbm>>
      %dma_wait3A_34 = tpu.memref_squeeze %dma_wait3A_33 : memref<1x632x128xf32, #tpu.memory_space<hbm>> -> memref<632x128xf32, #tpu.memory_space<hbm>>
      %dma_wait3A_35 = arith.constant 0 : i32
      %dma_wait3A_36 = tpu.memref_slice %arg7[%multiple_of3A, %dma_wait3A_35] : memref<10112x128xf32, #tpu.memory_space<vmem_shared>> -> memref<632x128xf32, #tpu.memory_space<vmem_shared>>
      tpu.wait_dma2 semaphore(%run_scoped3A : memref<!tpu.dma_semaphore, #tpu.memory_space<semaphore_mem>>) src(%dma_wait3A_36 : memref<632x128xf32, #tpu.memory_space<vmem_shared>>) dst(%dma_wait3A_34 : memref<632x128xf32, #tpu.memory_space<hbm>>)
      tpu.yield
    }) : () -> ()
    return
  }
}

module attributes {stable_mosaic.version = 14 : i64} {
  func.func @_mm_body(%arg0: i32, %arg1: memref<2000x128xf32, #tpu.memory_space<vmem>>, %arg2: memref<2000x128xf32, #tpu.memory_space<vmem>>, %arg3: memref<2000x128xf32, #tpu.memory_space<vmem>>, %arg4: memref<2000x128xf32, #tpu.memory_space<vmem>>, %arg5: memref<4x128x128xf32, #tpu.memory_space<vmem>>, %arg6: memref<1x128xf32, #tpu.memory_space<vmem>>, %arg7: memref<2000x1xf32, #tpu.memory_space<vmem>>, %arg8: memref<2000x128xf32, #tpu.memory_space<vmem>>, %arg9: memref<2000x128xf32, #tpu.memory_space<vmem>>) attributes {dimension_semantics = [#tpu.dimension_semantics<arbitrary>], iteration_bounds = array<i64: 5>, scalar_prefetch = 0 : i64, scratch_operands = 0 : i64, tpu.core_type = #tpu.core_type<tc>, window_params = [{transform_indices = @transform_0, window_bounds = array<i64: 2000, 128>}, {transform_indices = @transform_1, window_bounds = array<i64: 2000, 128>}, {transform_indices = @transform_2, window_bounds = array<i64: 2000, 128>}, {transform_indices = @transform_3, window_bounds = array<i64: 2000, 128>}, {pipeline_mode = #tpu.pipeline_mode<synchronous>, transform_indices = @transform_4, window_bounds = array<i64: 4, 128, 128>}, {pipeline_mode = #tpu.pipeline_mode<synchronous>, transform_indices = @transform_5, window_bounds = array<i64: 1, 128>}, {transform_indices = @transform_6, window_bounds = array<i64: 2000, 1>}, {transform_indices = @transform_7, window_bounds = array<i64: 2000, 128>}, {transform_indices = @transform_8, window_bounds = array<i64: 2000, 128>}]} {
    %get3A = arith.constant 0 : index
    %get3A_0 = arith.constant 0 : index
    %get3A_1 = vector.load %arg1[%get3A, %get3A_0] : memref<2000x128xf32, #tpu.memory_space<vmem>>, vector<2000x128xf32>
    %get3A_2 = arith.constant 0 : index
    %get3A_3 = arith.constant 0 : index
    %get3A_4 = arith.constant 0 : index
    %get3A_5 = vector.load %arg5[%get3A_2, %get3A_3, %get3A_4] : memref<4x128x128xf32, #tpu.memory_space<vmem>>, vector<1x128x128xf32>
    %get3A_6 = vector.shape_cast %get3A_5 : vector<1x128x128xf32> to vector<128x128xf32>
    %dot_general3A = arith.constant dense<0.000000e+00> : vector<2000x128xf32>
    %dot_general3A_7 = tpu.matmul %get3A_1, %get3A_6, %dot_general3A {dimension_numbers = #tpu.dot_dimension_numbers<[1], [0], [0], [1], [0, 0, 1, 1], [], []>, transpose_lhs_hint = false} : vector<2000x128xf32>, vector<128x128xf32>, vector<2000x128xf32> -> vector<2000x128xf32>
    %get3A_8 = arith.constant 0 : index
    %get3A_9 = arith.constant 0 : index
    %get3A_10 = vector.load %arg2[%get3A_8, %get3A_9] : memref<2000x128xf32, #tpu.memory_space<vmem>>, vector<2000x128xf32>
    %get3A_11 = arith.constant 1 : index
    %get3A_12 = arith.constant 0 : index
    %get3A_13 = arith.constant 0 : index
    %get3A_14 = vector.load %arg5[%get3A_11, %get3A_12, %get3A_13] : memref<4x128x128xf32, #tpu.memory_space<vmem>>, vector<1x128x128xf32>
    %get3A_15 = vector.shape_cast %get3A_14 : vector<1x128x128xf32> to vector<128x128xf32>
    %dot_general3A_16 = arith.constant dense<0.000000e+00> : vector<2000x128xf32>
    %dot_general3A_17 = tpu.matmul %get3A_10, %get3A_15, %dot_general3A_16 {dimension_numbers = #tpu.dot_dimension_numbers<[1], [0], [0], [1], [0, 0, 1, 1], [], []>, transpose_lhs_hint = false} : vector<2000x128xf32>, vector<128x128xf32>, vector<2000x128xf32> -> vector<2000x128xf32>
    %add3A = arith.addf %dot_general3A_7, %dot_general3A_17 : vector<2000x128xf32>
    %get3A_18 = arith.constant 0 : index
    %get3A_19 = arith.constant 0 : index
    %get3A_20 = vector.load %arg3[%get3A_18, %get3A_19] : memref<2000x128xf32, #tpu.memory_space<vmem>>, vector<2000x128xf32>
    %get3A_21 = arith.constant 2 : index
    %get3A_22 = arith.constant 0 : index
    %get3A_23 = arith.constant 0 : index
    %get3A_24 = vector.load %arg5[%get3A_21, %get3A_22, %get3A_23] : memref<4x128x128xf32, #tpu.memory_space<vmem>>, vector<1x128x128xf32>
    %get3A_25 = vector.shape_cast %get3A_24 : vector<1x128x128xf32> to vector<128x128xf32>
    %dot_general3A_26 = arith.constant dense<0.000000e+00> : vector<2000x128xf32>
    %dot_general3A_27 = tpu.matmul %get3A_20, %get3A_25, %dot_general3A_26 {dimension_numbers = #tpu.dot_dimension_numbers<[1], [0], [0], [1], [0, 0, 1, 1], [], []>, transpose_lhs_hint = false} : vector<2000x128xf32>, vector<128x128xf32>, vector<2000x128xf32> -> vector<2000x128xf32>
    %add3A_28 = arith.addf %add3A, %dot_general3A_27 : vector<2000x128xf32>
    %get3A_29 = arith.constant 0 : index
    %get3A_30 = arith.constant 0 : index
    %get3A_31 = vector.load %arg4[%get3A_29, %get3A_30] : memref<2000x128xf32, #tpu.memory_space<vmem>>, vector<2000x128xf32>
    %get3A_32 = arith.constant 3 : index
    %get3A_33 = arith.constant 0 : index
    %get3A_34 = arith.constant 0 : index
    %get3A_35 = vector.load %arg5[%get3A_32, %get3A_33, %get3A_34] : memref<4x128x128xf32, #tpu.memory_space<vmem>>, vector<1x128x128xf32>
    %get3A_36 = vector.shape_cast %get3A_35 : vector<1x128x128xf32> to vector<128x128xf32>
    %dot_general3A_37 = arith.constant dense<0.000000e+00> : vector<2000x128xf32>
    %dot_general3A_38 = tpu.matmul %get3A_31, %get3A_36, %dot_general3A_37 {dimension_numbers = #tpu.dot_dimension_numbers<[1], [0], [0], [1], [0, 0, 1, 1], [], []>, transpose_lhs_hint = false} : vector<2000x128xf32>, vector<128x128xf32>, vector<2000x128xf32> -> vector<2000x128xf32>
    %add3A_39 = arith.addf %add3A_28, %dot_general3A_38 : vector<2000x128xf32>
    %get3A_40 = arith.constant 0 : index
    %get3A_41 = arith.constant 0 : index
    %get3A_42 = vector.load %arg6[%get3A_40, %get3A_41] : memref<1x128xf32, #tpu.memory_space<vmem>>, vector<1x128xf32>
    %add3A_43 = vector.broadcast %get3A_42 : vector<1x128xf32> to vector<2000x128xf32>
    %add3A_44 = arith.addf %add3A_39, %add3A_43 : vector<2000x128xf32>
    %ge3A = arith.constant 0.000000e+00 : f32
    %ge3A_45 = vector.broadcast %ge3A : f32 to vector<2000x128xf32>
    %ge3A_46 = arith.cmpf oge, %add3A_44, %ge3A_45 : vector<2000x128xf32>
    %mul3A = arith.constant 0.00999999977 : f32
    %mul3A_47 = vector.broadcast %mul3A : f32 to vector<2000x128xf32>
    %mul3A_48 = arith.mulf %mul3A_47, %add3A_44 : vector<2000x128xf32>
    %select_n3A = arith.select %ge3A_46, %add3A_44, %mul3A_48 : vector<2000x128xi1>, vector<2000x128xf32>
    %swap3A = arith.constant 0 : index
    %swap3A_49 = arith.constant 0 : index
    %swap3A_50 = vector.load %arg8[%swap3A, %swap3A_49] : memref<2000x128xf32, #tpu.memory_space<vmem>>, vector<2000x128xf32>
    tpu.vector_store %arg8[%swap3A, %swap3A_49], %select_n3A {strides = array<i32>} : memref<2000x128xf32, #tpu.memory_space<vmem>>, vector<2000x128xf32>,
    %get3A_51 = arith.constant 0 : index
    %get3A_52 = arith.constant 0 : index
    %get3A_53 = vector.load %arg7[%get3A_51, %get3A_52] : memref<2000x1xf32, #tpu.memory_space<vmem>>, vector<2000x1xf32>
    %mul3A_54 = vector.broadcast %get3A_53 : vector<2000x1xf32> to vector<2000x128xf32>
    %mul3A_55 = arith.mulf %mul3A_54, %select_n3A : vector<2000x128xf32>
    %swap3A_56 = arith.constant 0 : index
    %swap3A_57 = arith.constant 0 : index
    %swap3A_58 = vector.load %arg9[%swap3A_56, %swap3A_57] : memref<2000x128xf32, #tpu.memory_space<vmem>>, vector<2000x128xf32>
    tpu.vector_store %arg9[%swap3A_56, %swap3A_57], %mul3A_55 {strides = array<i32>} : memref<2000x128xf32, #tpu.memory_space<vmem>>, vector<2000x128xf32>,
    return
  }
  func.func @transform_0(%arg0: i32) -> (i32, i32) {
    %c0_i32 = arith.constant 0 : i32
    %c0_i32_0 = arith.constant 0 : i32
    return %arg0, %c0_i32 : i32, i32
  }
  func.func @transform_1(%arg0: i32) -> (i32, i32) {
    %c0_i32 = arith.constant 0 : i32
    %c0_i32_0 = arith.constant 0 : i32
    return %arg0, %c0_i32 : i32, i32
  }
  func.func @transform_2(%arg0: i32) -> (i32, i32) {
    %c0_i32 = arith.constant 0 : i32
    %c0_i32_0 = arith.constant 0 : i32
    return %arg0, %c0_i32 : i32, i32
  }
  func.func @transform_3(%arg0: i32) -> (i32, i32) {
    %c0_i32 = arith.constant 0 : i32
    %c0_i32_0 = arith.constant 0 : i32
    return %arg0, %c0_i32 : i32, i32
  }
  func.func @transform_4(%arg0: i32) -> (i32, i32, i32) {
    %c0_i32 = arith.constant 0 : i32
    %c0_i32_0 = arith.constant 0 : i32
    %c0_i32_1 = arith.constant 0 : i32
    %c0_i32_2 = arith.constant 0 : i32
    return %c0_i32, %c0_i32_0, %c0_i32_1 : i32, i32, i32
  }
  func.func @transform_5(%arg0: i32) -> (i32, i32) {
    %c0_i32 = arith.constant 0 : i32
    %c0_i32_0 = arith.constant 0 : i32
    %c0_i32_1 = arith.constant 0 : i32
    return %c0_i32, %c0_i32_0 : i32, i32
  }
  func.func @transform_6(%arg0: i32) -> (i32, i32) {
    %c0_i32 = arith.constant 0 : i32
    %c0_i32_0 = arith.constant 0 : i32
    return %arg0, %c0_i32 : i32, i32
  }
  func.func @transform_7(%arg0: i32) -> (i32, i32) {
    %c0_i32 = arith.constant 0 : i32
    %c0_i32_0 = arith.constant 0 : i32
    return %arg0, %c0_i32 : i32, i32
  }
  func.func @transform_8(%arg0: i32) -> (i32, i32) {
    %c0_i32 = arith.constant 0 : i32
    %c0_i32_0 = arith.constant 0 : i32
    return %arg0, %c0_i32 : i32, i32
  }
}

module attributes {stable_mosaic.version = 14 : i64} {
  func.func @body(%arg0: i32, %arg1: memref<2000x128xf32, #tpu.memory_space<vmem>>, %arg2: memref<2000x128xf32, #tpu.memory_space<vmem>>, %arg3: memref<2000x128xf32, #tpu.memory_space<vmem>>, %arg4: memref<2000x128xf32, #tpu.memory_space<vmem>>, %arg5: memref<4x128x128xf32, #tpu.memory_space<vmem>>, %arg6: memref<1x128xf32, #tpu.memory_space<vmem>>, %arg7: memref<2000x1xf32, #tpu.memory_space<vmem>>, %arg8: memref<2000x128xf32, #tpu.memory_space<vmem>>) attributes {dimension_semantics = [#tpu.dimension_semantics<arbitrary>], iteration_bounds = array<i64: 5>, scalar_prefetch = 0 : i64, scratch_operands = 0 : i64, tpu.core_type = #tpu.core_type<tc>, window_params = [{transform_indices = @transform_0, window_bounds = array<i64: 2000, 128>}, {transform_indices = @transform_1, window_bounds = array<i64: 2000, 128>}, {transform_indices = @transform_2, window_bounds = array<i64: 2000, 128>}, {transform_indices = @transform_3, window_bounds = array<i64: 2000, 128>}, {pipeline_mode = #tpu.pipeline_mode<synchronous>, transform_indices = @transform_4, window_bounds = array<i64: 4, 128, 128>}, {pipeline_mode = #tpu.pipeline_mode<synchronous>, transform_indices = @transform_5, window_bounds = array<i64: 1, 128>}, {transform_indices = @transform_6, window_bounds = array<i64: 2000, 1>}, {transform_indices = @transform_7, window_bounds = array<i64: 2000, 128>}]} {
    %get3A = arith.constant 0 : index
    %get3A_0 = arith.constant 0 : index
    %get3A_1 = vector.load %arg1[%get3A, %get3A_0] : memref<2000x128xf32, #tpu.memory_space<vmem>>, vector<2000x128xf32>
    %get3A_2 = arith.constant 0 : index
    %get3A_3 = arith.constant 0 : index
    %get3A_4 = arith.constant 0 : index
    %get3A_5 = vector.load %arg5[%get3A_2, %get3A_3, %get3A_4] : memref<4x128x128xf32, #tpu.memory_space<vmem>>, vector<1x128x128xf32>
    %get3A_6 = vector.shape_cast %get3A_5 : vector<1x128x128xf32> to vector<128x128xf32>
    %dot_general3A = arith.constant dense<0.000000e+00> : vector<2000x128xf32>
    %dot_general3A_7 = tpu.matmul %get3A_1, %get3A_6, %dot_general3A {dimension_numbers = #tpu.dot_dimension_numbers<[1], [0], [0], [1], [0, 0, 1, 1], [], []>, transpose_lhs_hint = false} : vector<2000x128xf32>, vector<128x128xf32>, vector<2000x128xf32> -> vector<2000x128xf32>
    %get3A_8 = arith.constant 0 : index
    %get3A_9 = arith.constant 0 : index
    %get3A_10 = vector.load %arg2[%get3A_8, %get3A_9] : memref<2000x128xf32, #tpu.memory_space<vmem>>, vector<2000x128xf32>
    %get3A_11 = arith.constant 1 : index
    %get3A_12 = arith.constant 0 : index
    %get3A_13 = arith.constant 0 : index
    %get3A_14 = vector.load %arg5[%get3A_11, %get3A_12, %get3A_13] : memref<4x128x128xf32, #tpu.memory_space<vmem>>, vector<1x128x128xf32>
    %get3A_15 = vector.shape_cast %get3A_14 : vector<1x128x128xf32> to vector<128x128xf32>
    %dot_general3A_16 = arith.constant dense<0.000000e+00> : vector<2000x128xf32>
    %dot_general3A_17 = tpu.matmul %get3A_10, %get3A_15, %dot_general3A_16 {dimension_numbers = #tpu.dot_dimension_numbers<[1], [0], [0], [1], [0, 0, 1, 1], [], []>, transpose_lhs_hint = false} : vector<2000x128xf32>, vector<128x128xf32>, vector<2000x128xf32> -> vector<2000x128xf32>
    %add3A = arith.addf %dot_general3A_7, %dot_general3A_17 : vector<2000x128xf32>
    %get3A_18 = arith.constant 0 : index
    %get3A_19 = arith.constant 0 : index
    %get3A_20 = vector.load %arg3[%get3A_18, %get3A_19] : memref<2000x128xf32, #tpu.memory_space<vmem>>, vector<2000x128xf32>
    %get3A_21 = arith.constant 2 : index
    %get3A_22 = arith.constant 0 : index
    %get3A_23 = arith.constant 0 : index
    %get3A_24 = vector.load %arg5[%get3A_21, %get3A_22, %get3A_23] : memref<4x128x128xf32, #tpu.memory_space<vmem>>, vector<1x128x128xf32>
    %get3A_25 = vector.shape_cast %get3A_24 : vector<1x128x128xf32> to vector<128x128xf32>
    %dot_general3A_26 = arith.constant dense<0.000000e+00> : vector<2000x128xf32>
    %dot_general3A_27 = tpu.matmul %get3A_20, %get3A_25, %dot_general3A_26 {dimension_numbers = #tpu.dot_dimension_numbers<[1], [0], [0], [1], [0, 0, 1, 1], [], []>, transpose_lhs_hint = false} : vector<2000x128xf32>, vector<128x128xf32>, vector<2000x128xf32> -> vector<2000x128xf32>
    %add3A_28 = arith.addf %add3A, %dot_general3A_27 : vector<2000x128xf32>
    %get3A_29 = arith.constant 0 : index
    %get3A_30 = arith.constant 0 : index
    %get3A_31 = vector.load %arg4[%get3A_29, %get3A_30] : memref<2000x128xf32, #tpu.memory_space<vmem>>, vector<2000x128xf32>
    %get3A_32 = arith.constant 3 : index
    %get3A_33 = arith.constant 0 : index
    %get3A_34 = arith.constant 0 : index
    %get3A_35 = vector.load %arg5[%get3A_32, %get3A_33, %get3A_34] : memref<4x128x128xf32, #tpu.memory_space<vmem>>, vector<1x128x128xf32>
    %get3A_36 = vector.shape_cast %get3A_35 : vector<1x128x128xf32> to vector<128x128xf32>
    %dot_general3A_37 = arith.constant dense<0.000000e+00> : vector<2000x128xf32>
    %dot_general3A_38 = tpu.matmul %get3A_31, %get3A_36, %dot_general3A_37 {dimension_numbers = #tpu.dot_dimension_numbers<[1], [0], [0], [1], [0, 0, 1, 1], [], []>, transpose_lhs_hint = false} : vector<2000x128xf32>, vector<128x128xf32>, vector<2000x128xf32> -> vector<2000x128xf32>
    %add3A_39 = arith.addf %add3A_28, %dot_general3A_38 : vector<2000x128xf32>
    %get3A_40 = arith.constant 0 : index
    %get3A_41 = arith.constant 0 : index
    %get3A_42 = vector.load %arg6[%get3A_40, %get3A_41] : memref<1x128xf32, #tpu.memory_space<vmem>>, vector<1x128xf32>
    %add3A_43 = vector.broadcast %get3A_42 : vector<1x128xf32> to vector<2000x128xf32>
    %add3A_44 = arith.addf %add3A_39, %add3A_43 : vector<2000x128xf32>
    %swap3A = arith.constant 0 : index
    %swap3A_45 = arith.constant 0 : index
    %swap3A_46 = vector.load %arg8[%swap3A, %swap3A_45] : memref<2000x128xf32, #tpu.memory_space<vmem>>, vector<2000x128xf32>
    tpu.vector_store %arg8[%swap3A, %swap3A_45], %add3A_44 {strides = array<i32>} : memref<2000x128xf32, #tpu.memory_space<vmem>>, vector<2000x128xf32>,
    return
  }
  func.func @transform_0(%arg0: i32) -> (i32, i32) {
    %c0_i32 = arith.constant 0 : i32
    %c0_i32_0 = arith.constant 0 : i32
    return %arg0, %c0_i32 : i32, i32
  }
  func.func @transform_1(%arg0: i32) -> (i32, i32) {
    %c0_i32 = arith.constant 0 : i32
    %c0_i32_0 = arith.constant 0 : i32
    return %arg0, %c0_i32 : i32, i32
  }
  func.func @transform_2(%arg0: i32) -> (i32, i32) {
    %c0_i32 = arith.constant 0 : i32
    %c0_i32_0 = arith.constant 0 : i32
    return %arg0, %c0_i32 : i32, i32
  }
  func.func @transform_3(%arg0: i32) -> (i32, i32) {
    %c0_i32 = arith.constant 0 : i32
    %c0_i32_0 = arith.constant 0 : i32
    return %arg0, %c0_i32 : i32, i32
  }
  func.func @transform_4(%arg0: i32) -> (i32, i32, i32) {
    %c0_i32 = arith.constant 0 : i32
    %c0_i32_0 = arith.constant 0 : i32
    %c0_i32_1 = arith.constant 0 : i32
    %c0_i32_2 = arith.constant 0 : i32
    return %c0_i32, %c0_i32_0, %c0_i32_1 : i32, i32, i32
  }
  func.func @transform_5(%arg0: i32) -> (i32, i32) {
    %c0_i32 = arith.constant 0 : i32
    %c0_i32_0 = arith.constant 0 : i32
    %c0_i32_1 = arith.constant 0 : i32
    return %c0_i32, %c0_i32_0 : i32, i32
  }
  func.func @transform_6(%arg0: i32) -> (i32, i32) {
    %c0_i32 = arith.constant 0 : i32
    %c0_i32_0 = arith.constant 0 : i32
    return %arg0, %c0_i32 : i32, i32
  }
  func.func @transform_7(%arg0: i32) -> (i32, i32) {
    %c0_i32 = arith.constant 0 : i32
    %c0_i32_0 = arith.constant 0 : i32
    return %arg0, %c0_i32 : i32, i32
  }
}

</mosaic_0001>

<sc_bundles>
// kernel: kernel.11.cloned.1.call-start
scs
__scs_entry_jumppad:
0x0: {  	(pc) =	sbr.rel $0x88, $3  }
0x1: {  	(tag) =	ssettag $0x0;
	lr =	simm.s32 $0x1  }
0x2: {  	[smem:$0x3F9B] =	sst lr;
	_ =	strace $0xD0000000  }
0x3: {  	_ = 	snop  }
0x4: {  	_ = 	snop  }
0x5: {  	_ = 	snop  }
0x6: {  	_ = 	snop  }
0x7: {  	_ = 	snop  }
__scs_overlays_trampoline_lowered:
0x8: {  	[smem:$0x3FAA] =	sst s0  }
0x9: {  	[smem:$0x3FAB] =	sst s1  }
0xa: {  	[smem:$0x3FAC] =	sst s2  }
0xb: {  	[smem:$0x3FAD] =	sst s3  }
0xc: {  	[smem:$0x3FAE] =	sst s4  }
0xd: {  	[smem:$0x3FAF] =	sst s5  }
0xe: {  	[smem:$0x3FB0] =	sst s6  }
0xf: {  	[smem:$0x3FB1] =	sst s7  }
0x10: {  	[smem:$0x3FB2] =	sst s8  }
0x11: {  	[smem:$0x3FB3] =	sst s9;
	s0 =	simm.s32 @!p0 $0x0  }
0x12: {  	s1 =	sld [smem:$0x3F99];
	s0 =	simm.s32 @p0 $0x1  }
0x13: {  	[smem:$0x3FB4] =	sst s0;
	s0 =	simm.s32 @!p1 $0x0  }
0x14: {  	s2 =	sld [smem:$0x3F98];
	s0 =	simm.s32 @p1 $0x1  }
0x15: {  	[smem:$0x3FB5] =	sst s0;
	s0 =	simm.s32 @!p2 $0x0  }
0x16: {  	s3 =	sld [smem:$0x3FDB];
	s0 =	simm.s32 @p2 $0x1  }
0x17: {  	s4 =	simm.s32 $0x1BF5;
	[smem:$0x3FB7] =	sst s0  }
0x18: {  	s0 =	sld [smem:$0x3F9A];
	_ =	swait.ge [sflag:s4], $0x0  }
0x19: {  	s7 =	sld [smem:$0x3F9B]  }
0x1a: {  	s8 =	sadd.s32 $0xFFFFE003, lr  }
0x1b: {  	s9 =	sadd.s32 $0xFFFFFEF7, lr;
	s5 =	simm.s32 $0xFFFFFFFF;
	p2 =	slt.u32 s8, $0xFFFFF086  }
0x1c: {  	p1 =	slt.u32 s9, $0xF7A;
	s5 =	simm.s32 @!p2 $0x0  }
0x1d: {  	s5 =	simm.s32 @p1 $0x1;
	p0 =	seq.s32 s7, s2  }
0x1e: {  	s7 =	smul.u32 @!p0 $0xF7A, s2;
	p2 =	seq.s32 @!p0 s5, $0x0  }
0x1f: {  	s9 =	smul.u32 $0xF7A, s1;
	s8 =	simm.s32 @!p0 $0x1BF5;
	p2 =	por !p2, p0  }
0x20: {  	[sflag:s8] =	ssyncset.s32 @!p0 $0xFFFFF086;
	s6 =	sadd.s32 @!p0 s3, s7;
	s7 =	simm.s32 @!p0 $0x108  }
0x21: {  	s3 =	sadd.s32 s3, s9;
	s6 =	sadd.s32 @!p0 $0x88, s6;
	s7 =	simm.s32 @p2 $0x1082  }
0x22: {  	[simem:s7], [sflag:s8] =	dma.local @!p0 [hbm:s6], $0xF7A  }
0x23: {  	s9 =	sor.u32 $0xD0000000, s2;
	s6 =	simm.s32 $0x108;
	_ =	swait.ge @!p0 [sflag:s8], $0x0  }
0x24: {  	s3 =	sadd.s32 $0x88, s3;
	s6 =	simm.s32 @!p1 $0x1082;
	[sflag:s4] =	ssyncset.s32 $0xFFFFF086  }
0x25: {  	[simem:s6], [sflag:s4] =	dma.local [hbm:s3], $0xF7A  }
0x26: {  	[smem:$0x3F9B] =	sst s1;
	(tag) =	ssettag s2;
	_ =	strace s9  }
0x27: {  	s1 =	sld [smem:$0x3FAB]  }
0x28: {  	s2 =	sld [smem:$0x3FAC]  }
0x29: {  	s4 =	sld [smem:$0x3FAE]  }
0x2a: {  	p0 =	seq.s32 s5, $0x0;
	s5 =	sld [smem:$0x3FAF]  }
0x2b: {  	s6 =	sld [smem:$0x3FB0]  }
0x2c: {  	s7 =	sld [smem:$0x3FB1]  }
0x2d: {  	s3 =	simm.s32 $0x108;
	s8 =	sld [smem:$0x3FB2]  }
0x2e: {  	s3 =	simm.s32 @!p0 $0x1082;
	s9 =	sld [smem:$0x3FB3]  }
0x2f: {  	lr =	sadd.s32 s0, s3;
	s0 =	sld [smem:$0x3FAA]  }
0x30: {  	s3 =	sld [smem:$0x3FAD]  }
0x31: {  	[smem:$0x3FB6] =	sst s10  }
0x32: {  	s10 =	sld [smem:$0x3FB4];
	_ =	sdelay $0x3  }
0x33: {  	p0 =	seq.s32 s10, $0x1;
	s10 =	sld [smem:$0x3FB6];
	_ =	sdelay $0x3  }
0x34: {  	[smem:$0x3FB6] =	sst s10  }
0x35: {  	s10 =	sld [smem:$0x3FB5];
	_ =	sdelay $0x3  }
0x36: {  	p1 =	seq.s32 s10, $0x1;
	s10 =	sld [smem:$0x3FB6];
	_ =	sdelay $0x3  }
0x37: {  	[smem:$0x3FB6] =	sst s10  }
0x38: {  	s10 =	sld [smem:$0x3FB7]  }
0x39: {  	_ = 	snop;
	(pc) =	sbr.ind lr, $3  }
0x3a: {  	_ = 	snop  }
0x3b: {  	_ = 	snop  }
0x3c: {  	p2 =	seq.s32 s10, $0x1;
	s10 =	sld [smem:$0x3FB6]  }
0x3d: {  	_ =	shalt  }
0x3e: {  	_ =	shalt  }
0x3f: {  	_ =	shalt  }
0x40: {  	_ =	shalt  }
0x41: {  	_ =	shalt  }
0x42: {  	_ =	shalt  }
0x43: {  	_ =	shalt  }
0x44: {  	_ =	shalt  }
0x45: {  	_ =	shalt  }
0x46: {  	_ =	shalt  }
0x47: {  	_ =	shalt  }
0x48: {  	_ =	shalt  }
0x49: {  	_ =	shalt  }
0x4a: {  	_ =	shalt  }
0x4b: {  	_ =	shalt  }
0x4c: {  	_ =	shalt  }
0x4d: {  	_ =	shalt  }
0x4e: {  	_ =	shalt  }
0x4f: {  	_ =	shalt  }
0x50: {  	_ =	shalt  }
0x51: {  	_ =	shalt  }
0x52: {  	_ =	shalt  }
0x53: {  	_ =	shalt  }
0x54: {  	_ =	shalt  }
0x55: {  	_ =	shalt  }
0x56: {  	_ =	shalt  }
0x57: {  	_ =	shalt  }
0x58: {  	_ =	shalt  }
0x59: {  	_ =	shalt  }
0x5a: {  	_ =	shalt  }
0x5b: {  	_ =	shalt  }
0x5c: {  	_ =	shalt  }
0x5d: {  	_ =	shalt  }
0x5e: {  	_ =	shalt  }
0x5f: {  	_ =	shalt  }
0x60: {  	_ =	shalt  }
0x61: {  	_ =	shalt  }
0x62: {  	_ =	shalt  }
0x63: {  	_ =	shalt  }
0x64: {  	_ =	shalt  }
0x65: {  	_ =	shalt  }
0x66: {  	_ =	shalt  }
0x67: {  	_ =	shalt  }
0x68: {  	_ =	shalt  }
0x69: {  	_ =	shalt  }
0x6a: {  	_ =	shalt  }
0x6b: {  	_ =	shalt  }
0x6c: {  	_ =	shalt  }
0x6d: {  	_ =	shalt  }
0x6e: {  	_ =	shalt  }
0x6f: {  	_ =	shalt  }
0x70: {  	_ =	shalt  }
0x71: {  	_ =	shalt  }
0x72: {  	_ =	shalt  }
0x73: {  	_ =	shalt  }
0x74: {  	_ =	shalt  }
0x75: {  	_ =	shalt  }
0x76: {  	_ =	shalt  }
0x77: {  	_ =	shalt  }
0x78: {  	_ =	shalt  }
0x79: {  	_ =	shalt  }
0x7a: {  	_ =	shalt  }
0x7b: {  	_ =	shalt  }
0x7c: {  	_ =	shalt  }
0x7d: {  	_ =	shalt  }
0x7e: {  	_ =	shalt  }
0x7f: {  	_ =	shalt  }
0x80: {  	_ =	shalt  }
0x81: {  	_ =	shalt  }
0x82: {  	_ =	shalt  }
0x83: {  	_ =	shalt  }
0x84: {  	_ =	shalt  }
0x85: {  	_ =	shalt  }
0x86: {  	_ =	shalt  }
0x87: {  	_ =	shalt  }
.Lfunc_end0:
.L_simem_size_0:
called_computation_lowered:
.L_overlay_start_0:
0x88: {  	s2 =	sld [smem:$0x3FD9]  }
0x89: {  	s3 =	sld [smem:$0x3FFE];
	_ =	sdelay $0x1  }
0x8a: {  	s1 =	srdreg.scid  }
0x8b: {  	s0 =	sand.u32 $0x1, s1  }
0x8c: {  	s17 =	sshll.u32 s0, $0xA;
	s2 =	sadd.s32 s3, s2  }
0x8d: {  	s2 =	sadd.s32 s2, s17  }
0x8e: {  	[smem:$0x3FC2] =	sst s2  }
0x8f: {  	_ = 	snop  }
0x90: {  	s2 =	sld [smem:$0x3FD0];
	(tm) =	ssettm $0x1  }
0x91: {  	s18 =	sld [smem:$0x3FFB];
	_ =	sdelay $0x3  }
0x92: {  	_ =	strace s18  }
0x93: {  	s3 =	sld [smem:$0x3FFC];
	_ =	sdelay $0x3  }
0x94: {  	_ =	strace s3  }
0x95: {  	s3 =	sld [smem:$0x3FFD];
	_ =	sdelay $0x3  }
0x96: {  	_ =	strace s3  }
0x97: {  	_ =	strace $0x8FFFFFFF  }
0x98: {  	s19 =	sld [smem:$0x3FDB];
	_ =	sdelay $0x1  }
0x99: {  	s4 =	simm.s32 $_scs_section_size  }
0x9a: {  	s5 =	simm.s32 $_size__tile_overlayer_lowered;
	s6 =	simm.s32 $_tile_overlayer_lowered  }
0x9b: {  	s22 =	simm.s32 $0x1BFF;
	s21 =	sshll.u32 s6, $0x1;
	s3 =	sadd.s32 s4, s19  }
0x9c: {  	s7 =	simm.s32 $0x0;
	s20 =	sshll.u32 s5, $0x1;
	s5 =	sadd.s32 s21, s3  }
0x9d: {  	[timem:s7], [sflag:s22] =	dma.local [hbm:s5], s20  }
0x9e: {  	_ =	swait.ge [sflag:s22], s20  }
0x9f: {  	s4 =	ssub.s32 $0x0, s20;
	[sflag:s22] =	ssyncset.done $0x0  }
0xa0: {  	[sflag:s22] =	ssyncadd.s32 s4;
	_ =	sdelay $0x1  }
0xa1: {  	s23 =	simm.s32 $0x1B8B  }
0xa2: {  	_ =	swait.ge [sflag:s23], $0x1  }
0xa3: {  	[sflag:s23] =	ssyncset.done $0x0  }
0xa4: {  	s25 =	simm.s32 $0x1B8E;
	s24 =	sld [smem:$0x3FFE];
	[sflag:s23] =	ssyncadd.s32 $0xFFFFFFFF  }
0xa5: {  	s26 =	simm.s32 $execute0_lowered;
	[smem:$0x3FD2] =	sst s25  }
0xa6: {  	s5 =	sshll.u32 s26, $0x1;
	_ =	strace $0x80000046;
	[dreg:$0x1] =	wrdreg $0xFFFFFFFF  }
0xa7: {  	s28 =	simm.s32 $_size_execute0_lowered;
	s3 =	sadd.s32 s3, s5;
	[dreg:$0x0] =	wrdreg $0x0  }
0xa8: {  	s5 =	sshll.u32 s28, $0x1;
	[dreg:$0x2] =	wrdreg s3  }
0xa9: {  	[dreg:$0x3] =	wrdreg s5  }
0xaa: {  	[dreg:$0x4] =	wrdreg $0xC0  }
0xab: {  	_ =	task [dreg:s7], $0x5FFFF  }
0xac: {  	[dreg:$0x1] =	wrdreg $0xFFFFFFFF  }
0xad: {  	[dreg:$0x0] =	wrdreg $0x60  }
0xae: {  	[dreg:$0x2] =	wrdreg s2  }
0xaf: {  	[dreg:$0x3] =	wrdreg s24  }
0xb0: {  	[dreg:$0x4] =	wrdreg $0x0  }
0xb1: {  	[dreg:$0x5] =	wrdreg $0x9  }
0xb2: {  	_ =	task.clear_ibuf [dreg:s7], $0x6FFFF;
	_ =	strace $0x90000046  }
0xb3: {  	s29 =	simm.s32 $0x9;
	_ =	strace $0x80000048  }
0xb4: {  	_ =	swait.ge [sflag:s29], $0x1  }
0xb5: {  	[sflag:s29] =	ssyncadd.s32 $0xFFFFFFFF  }
0xb6: {  	_ =	strace $0x90000048  }
0xb7: {  	_ =	sfence  }
0xb8: {  	s30 =	sld [smem:$0x0];
	_ =	sdelay $0x2  }
0xb9: {  	s31 =	sshll.u32 s1, $0xD;
	s1 =	sshrl.u32 s1, $0x2  }
0xba: {  	s3 =	sand.u32 $0x4000, s31;
	s1 =	sadd.s32 s1, s30  }
0xbb: {  	s0 =	sor.u32 s3, s0;
	s1 =	sshll.u32 s1, $0x11  }
0xbc: {  	s0 =	sor.u32 s1, s0  }
0xbd: {  	s0 =	sadd.s32 $0x8F2B, s0  }
0xbe: {  	[sflag:s0] =	ssyncadd.remote.s32 $0x1  }
0xbf: {  	_ =	sfence.sel $0xFFFF  }
0xc0: {  	[dreg:$0x0] =	wrdreg $0xFFFFFFFF;
	(pc) =	sbr.abs _section_cstart, $3  }
0xc1: {  	[dreg:$0x1] =	wrdreg $0xFFFFFFFF  }
0xc2: {  	_ =	task.clear_ibuf [dreg:s7], $0x2FFFF;
	_ =	strace $0x9FFFFFFF  }
0xc3: {  	(tm) =	ssettm $0x7FFFFFFF  }
tec
execute0_lowered:
.L_overlay_start_1:
0x0: {  	(tag) =	ssettag $0x1  }
0x1: {  	s7 =	rddreg [dreg:$0x0]  }
0x2: {  	s5 =	rddreg [dreg:$0x1]  }
0x3: {  	s2 =	rddreg [dreg:$0x2]  }
0x4: {  	s0 =	rddreg [dreg:$0x3]  }
0x5: {  	s1 =	stileid.u32;
	s4 =	srdreg.scid;
	s3 =	simm.s32 $0x0  }
0x6: {  	s14 =	simm.s32 $0x13C00;
	s15 =	simm.s32 $0x50;
	s16 =	simm.s32 $0x0  }
0x7: {  	s6 =	smul.u32 $0x13C00, s1;
	s8 =	sand.u32 $0x1, s4;
	[smem:$0x7FF] =	sst s3  }
0x8: {  	s4 =	sadd.s32 $0x29E00, s5;
	s12 =	smul.u32 $0x4F000, s1;
	s30 =	sshll.u32 s1, $0xB  }
0x9: {  	s31 =	sshll.u32 s1, $0x6;
	s9 =	smul.u32 $0x13C000, s8;
	_ =	strace $0x80000047  }
0xa: {  	s26 =	ssub.s32 $0x2, s8;
	s29 =	sshll.u32 s8, $0xF;
	s10 =	sshrl.u32 s6, $0x3  }
0xb: {  	s11 =	sshrl.u32 s26, $0x1;
	s28 =	sshrl.u32 s12, $0x2;
	s8 =	sor.u32 s30, s29  }
0xc: {  	s6 =	sadd.s32 s6, s9;
	s10 =	sadd.s32 s10, s5;
	s11 =	ssub.s32 s26, s11  }
0xd: {  	s12 =	sadd.s32 s28, s2;
	s7 =	sadd.s32 s7, s8;
	s6 =	sshrl.u32 s6, $0x3  }
0xe: {  	s8 =	sadd.s32 $0x400, s7;
	s13 =	sadd.s32 s6, s5;
	s5 =	sadd.s32 $0x2600, s10  }
0xf: {  	s6 =	sor.u32 $0x1C01, s31;
	s10 =	smax.u32 s11, $0x1;
	s11 =	sshrl.u32 s12, $0x3  }
0x10: {  	s12 =	simm.s32 $0x1;
	s9 =	sadd.s32 $0x2A400, s13;
	s13 =	simm.s32 $0x15C00  }
.LBB2_1:
0x11: {  	[spmem:s11], [sflag:s6] =	dma.local [hbm:s5], $0x2780  }
0x12: {  	_ =	swait.ge [sflag:s12], $0x2780  }
0x13: {  	[sflag:s12] =	ssyncset.done $0x0  }
0x14: {  	[sflag:s12] =	ssyncadd.s32 $0xFFFFD880  }
0x15: {  	[tilespmem:s13], [sflag:$0x1] =	stream.linear.gather [hbm4b:s4+s3], $0x2800, $0x38;
	[tilespmem:$0x18400] =	vst v63  }
0x16: {  	_ =	swait.ge [sflag:s12], $0x2800  }
0x17: {  	[sflag:s12] =	ssyncset.done $0x0  }
0x18: {  	[sflag:s12] =	ssyncadd.s32 $0xFFFFD800  }
0x19: {  	[bflag:$0x0] =	sbarrier.arrive $0xFFFF  }
0x1a: {  	[tilespmem:s14], [sflag:$0x1] =	stream.linear.gather [hbm4b:s7+s3], $0x2000, $0x38;
	[tilespmem:$0x18400] =	vst v63  }
0x1b: {  	_ =	swait.ge [sflag:s12], $0x2000  }
0x1c: {  	[sflag:s12] =	ssyncset.done $0x0  }
0x1d: {  	s17 =	simm.s32 $0x13C00;
	[sflag:s12] =	ssyncadd.s32 $0xFFFFE000  }
0x1e: {  	[spmem:s2] =	stream.indirect.scatter.add.f32 [tilespmem:s13], [sflag:$0x1], $0x80, s17, s15, $0xb8;
	[tilespmem:$0x18400] =	vst v63  }
0x1f: {  	s17 =	simm.s32 $0x200;
	_ =	swait.ge [sflag:s12], $0x2800  }
.LBB2_2:
0x20: {  	s18 =	sshra.s32 s17, $0x2;
	[sflag:s12] =	ssyncset.done $0x0;
	p0 =	sne.s32 s17, $0x7E00  }
.Ltmp0:
0x21: {  	s18 =	sadd.s32 $0x13C00, s18;
	[sflag:s12] =	ssyncadd.s32 $0xFFFFD800;
	(pc) =	sbr.rel @p0 .LBB2_2-.Ltmp0, $3  }
0x22: {  	[spmem:s2] =	stream.indirect.scatter.add.f32 [tilespmem:s13], [sflag:$0x1], $0x80, s18, s15, $0xb8;
	[tilespmem:$0x18400] =	vst v63  }
0x23: {  	s17 =	sadd.s32 $0x200, s17;
	_ =	sdelay $0x1  }
0x24: {  	_ =	swait.ge [sflag:s12], $0x2800  }
0x25: {  	[sflag:s12] =	ssyncset.done $0x0  }
0x26: {  	s17 =	simm.s32 $0x0;
	[sflag:s12] =	ssyncadd.s32 $0xFFFFD800  }
0x27: {  	[tilespmem:s14], [sflag:$0x1] =	stream.linear.gather [hbm4b:s8+s17], $0x2000, $0x38;
	[tilespmem:$0x18400] =	vst v63  }
0x28: {  	_ =	swait.ge [sflag:s12], $0x2000  }
0x29: {  	[sflag:s12] =	ssyncset.done $0x0  }
0x2a: {  	s31 =	simm.s32 $0x13C00;
	[sflag:s12] =	ssyncadd.s32 $0xFFFFE000  }
0x2b: {  	[spmem:s2] =	stream.indirect.scatter.add.f32 [tilespmem:s13], [sflag:$0x1], $0x80, s31, s15, $0xb8;
	[tilespmem:$0x18400] =	vst v63  }
0x2c: {  	s17 =	simm.s32 $0x200;
	_ =	swait.ge [sflag:s12], $0x2800  }
.LBB2_4:
0x2d: {  	s18 =	sshra.s32 s17, $0x2;
	[sflag:s12] =	ssyncset.done $0x0;
	p0 =	sne.s32 s17, $0x7E00  }
.Ltmp1:
0x2e: {  	s18 =	sadd.s32 $0x13C00, s18;
	[sflag:s12] =	ssyncadd.s32 $0xFFFFD800;
	(pc) =	sbr.rel @p0 .LBB2_4-.Ltmp1, $3  }
0x2f: {  	[spmem:s2] =	stream.indirect.scatter.add.f32 [tilespmem:s13], [sflag:$0x1], $0x80, s18, s15, $0xb8;
	[tilespmem:$0x18400] =	vst v63  }
0x30: {  	s17 =	sadd.s32 $0x200, s17;
	_ =	sdelay $0x1  }
0x31: {  	_ =	swait.ge [sflag:s12], $0x2800  }
0x32: {  	[sflag:s12] =	ssyncset.done $0x0;
	s16 =	sadd.s32 $0x1, s16  }
0x33: {  	[sflag:s12] =	ssyncadd.s32 $0xFFFFD800;
	p0 =	sne.s32 s16, s10  }
.Ltmp2:
0x34: {  	[bflag:$0x0] =	sbarrier.arrive $0xFFFF;
	(pc) =	sbr.rel @p0 .LBB2_1-.Ltmp2, $4  }
0x35: {  	[hbm:s9], [sflag:s6] =	dma.local [spmem:s11], $0x2780  }
0x36: {  	_ =	swait.ge [sflag:s12], $0x2780  }
0x37: {  	[sflag:s12] =	ssyncset.done $0x0  }
0x38: {  	[sflag:s12] =	ssyncadd.s32 $0xFFFFD880  }
0x39: {  	_ =	sfence.sel $0x180000  }
0x3a: {  	[bflag:$0x0] =	sbarrier.arrive $0xFFFF  }
0x3b: {  	p0 =	sne.s32 s1, $0x0;
	_ =	strace $0x90000047  }
0x3c: {  	s0 =	sadd.s32 @!p0 $0x100000, s0;
	[bflag:$0x2] =	sbarrier.arrive $0xFFFF  }
0x3d: {  	[sflag:s0] =	ssyncadd.tile.s32 @!p0 $0x1;
	_ =	shalt  }
.Lfunc_end2:
_tile_overlayer_lowered:
.L_overlay_start_2:
0x3e: {  	(tag) =	ssettag $0x2  }
0x3f: {  	s0 =	rddreg [dreg:$0x0];
	s2 =	stileid.u32  }
0x40: {  	s1 =	rddreg [dreg:$0x1];
	p0 =	sne.s32 s2, $0x0  }
0x41: {  	s3 =	rddreg [dreg:$0x2];
	[bflag:$0x3] =	sbarrier.arrive $0xFFFF;
	s2 =	simm.s32 @!p0 $0x1C01  }
0x42: {  	[timem:s3], [sflag:s2] =	dma.local @!p0 [hbm:s0], s1  }
0x43: {  	s0 =	simm.s32 @!p0 $0x1  }
0x44: {  	_ =	swait.ge @!p0 [sflag:s0], s1  }
0x45: {  	s1 =	ssub.s32 @!p0 $0x0, s1;
	[sflag:s0] =	ssyncset.done @!p0 $0x0  }
0x46: {  	[sflag:s0] =	ssyncadd.s32 @!p0 s1  }
0x47: {  	[bflag:$0x3] =	sbarrier.arrive $0xFFFF  }
0x48: {  	_ =	shalt  }

// kernel: kernel.14.cloned.1.call-start
scs
__scs_entry_jumppad:
0x0: {  	(pc) =	sbr.rel $0x88, $3  }
0x1: {  	(tag) =	ssettag $0x0;
	lr =	simm.s32 $0x1  }
0x2: {  	[smem:$0x3F9B] =	sst lr;
	_ =	strace $0xD0000000  }
0x3: {  	_ = 	snop  }
0x4: {  	_ = 	snop  }
0x5: {  	_ = 	snop  }
0x6: {  	_ = 	snop  }
0x7: {  	_ = 	snop  }
__scs_overlays_trampoline_lowered:
0x8: {  	[smem:$0x3FAA] =	sst s0  }
0x9: {  	[smem:$0x3FAB] =	sst s1  }
0xa: {  	[smem:$0x3FAC] =	sst s2  }
0xb: {  	[smem:$0x3FAD] =	sst s3  }
0xc: {  	[smem:$0x3FAE] =	sst s4  }
0xd: {  	[smem:$0x3FAF] =	sst s5  }
0xe: {  	[smem:$0x3FB0] =	sst s6  }
0xf: {  	[smem:$0x3FB1] =	sst s7  }
0x10: {  	[smem:$0x3FB2] =	sst s8  }
0x11: {  	[smem:$0x3FB3] =	sst s9;
	s0 =	simm.s32 @!p0 $0x0  }
0x12: {  	s1 =	sld [smem:$0x3F99];
	s0 =	simm.s32 @p0 $0x1  }
0x13: {  	[smem:$0x3FB4] =	sst s0;
	s0 =	simm.s32 @!p1 $0x0  }
0x14: {  	s2 =	sld [smem:$0x3F98];
	s0 =	simm.s32 @p1 $0x1  }
0x15: {  	[smem:$0x3FB5] =	sst s0;
	s0 =	simm.s32 @!p2 $0x0  }
0x16: {  	s3 =	sld [smem:$0x3FDB];
	s0 =	simm.s32 @p2 $0x1  }
0x17: {  	s4 =	simm.s32 $0x1BF5;
	[smem:$0x3FB7] =	sst s0  }
0x18: {  	s0 =	sld [smem:$0x3F9A];
	_ =	swait.ge [sflag:s4], $0x0  }
0x19: {  	s7 =	sld [smem:$0x3F9B]  }
0x1a: {  	s8 =	sadd.s32 $0xFFFFE003, lr  }
0x1b: {  	s9 =	sadd.s32 $0xFFFFFEF7, lr;
	s5 =	simm.s32 $0xFFFFFFFF;
	p2 =	slt.u32 s8, $0xFFFFF086  }
0x1c: {  	p1 =	slt.u32 s9, $0xF7A;
	s5 =	simm.s32 @!p2 $0x0  }
0x1d: {  	s5 =	simm.s32 @p1 $0x1;
	p0 =	seq.s32 s7, s2  }
0x1e: {  	s7 =	smul.u32 @!p0 $0xF7A, s2;
	p2 =	seq.s32 @!p0 s5, $0x0  }
0x1f: {  	s9 =	smul.u32 $0xF7A, s1;
	s8 =	simm.s32 @!p0 $0x1BF5;
	p2 =	por !p2, p0  }
0x20: {  	[sflag:s8] =	ssyncset.s32 @!p0 $0xFFFFF086;
	s6 =	sadd.s32 @!p0 s3, s7;
	s7 =	simm.s32 @!p0 $0x108  }
0x21: {  	s3 =	sadd.s32 s3, s9;
	s6 =	sadd.s32 @!p0 $0x88, s6;
	s7 =	simm.s32 @p2 $0x1082  }
0x22: {  	[simem:s7], [sflag:s8] =	dma.local @!p0 [hbm:s6], $0xF7A  }
0x23: {  	s9 =	sor.u32 $0xD0000000, s2;
	s6 =	simm.s32 $0x108;
	_ =	swait.ge @!p0 [sflag:s8], $0x0  }
0x24: {  	s3 =	sadd.s32 $0x88, s3;
	s6 =	simm.s32 @!p1 $0x1082;
	[sflag:s4] =	ssyncset.s32 $0xFFFFF086  }
0x25: {  	[simem:s6], [sflag:s4] =	dma.local [hbm:s3], $0xF7A  }
0x26: {  	[smem:$0x3F9B] =	sst s1;
	(tag) =	ssettag s2;
	_ =	strace s9  }
0x27: {  	s1 =	sld [smem:$0x3FAB]  }
0x28: {  	s2 =	sld [smem:$0x3FAC]  }
0x29: {  	s4 =	sld [smem:$0x3FAE]  }
0x2a: {  	p0 =	seq.s32 s5, $0x0;
	s5 =	sld [smem:$0x3FAF]  }
0x2b: {  	s6 =	sld [smem:$0x3FB0]  }
0x2c: {  	s7 =	sld [smem:$0x3FB1]  }
0x2d: {  	s3 =	simm.s32 $0x108;
	s8 =	sld [smem:$0x3FB2]  }
0x2e: {  	s3 =	simm.s32 @!p0 $0x1082;
	s9 =	sld [smem:$0x3FB3]  }
0x2f: {  	lr =	sadd.s32 s0, s3;
	s0 =	sld [smem:$0x3FAA]  }
0x30: {  	s3 =	sld [smem:$0x3FAD]  }
0x31: {  	[smem:$0x3FB6] =	sst s10  }
0x32: {  	s10 =	sld [smem:$0x3FB4];
	_ =	sdelay $0x3  }
0x33: {  	p0 =	seq.s32 s10, $0x1;
	s10 =	sld [smem:$0x3FB6];
	_ =	sdelay $0x3  }
0x34: {  	[smem:$0x3FB6] =	sst s10  }
0x35: {  	s10 =	sld [smem:$0x3FB5];
	_ =	sdelay $0x3  }
0x36: {  	p1 =	seq.s32 s10, $0x1;
	s10 =	sld [smem:$0x3FB6];
	_ =	sdelay $0x3  }
0x37: {  	[smem:$0x3FB6] =	sst s10  }
0x38: {  	s10 =	sld [smem:$0x3FB7]  }
0x39: {  	_ = 	snop;
	(pc) =	sbr.ind lr, $3  }
0x3a: {  	_ = 	snop  }
0x3b: {  	_ = 	snop  }
0x3c: {  	p2 =	seq.s32 s10, $0x1;
	s10 =	sld [smem:$0x3FB6]  }
0x3d: {  	_ =	shalt  }
0x3e: {  	_ =	shalt  }
0x3f: {  	_ =	shalt  }
0x40: {  	_ =	shalt  }
0x41: {  	_ =	shalt  }
0x42: {  	_ =	shalt  }
0x43: {  	_ =	shalt  }
0x44: {  	_ =	shalt  }
0x45: {  	_ =	shalt  }
0x46: {  	_ =	shalt  }
0x47: {  	_ =	shalt  }
0x48: {  	_ =	shalt  }
0x49: {  	_ =	shalt  }
0x4a: {  	_ =	shalt  }
0x4b: {  	_ =	shalt  }
0x4c: {  	_ =	shalt  }
0x4d: {  	_ =	shalt  }
0x4e: {  	_ =	shalt  }
0x4f: {  	_ =	shalt  }
0x50: {  	_ =	shalt  }
0x51: {  	_ =	shalt  }
0x52: {  	_ =	shalt  }
0x53: {  	_ =	shalt  }
0x54: {  	_ =	shalt  }
0x55: {  	_ =	shalt  }
0x56: {  	_ =	shalt  }
0x57: {  	_ =	shalt  }
0x58: {  	_ =	shalt  }
0x59: {  	_ =	shalt  }
0x5a: {  	_ =	shalt  }
0x5b: {  	_ =	shalt  }
0x5c: {  	_ =	shalt  }
0x5d: {  	_ =	shalt  }
0x5e: {  	_ =	shalt  }
0x5f: {  	_ =	shalt  }
0x60: {  	_ =	shalt  }
0x61: {  	_ =	shalt  }
0x62: {  	_ =	shalt  }
0x63: {  	_ =	shalt  }
0x64: {  	_ =	shalt  }
0x65: {  	_ =	shalt  }
0x66: {  	_ =	shalt  }
0x67: {  	_ =	shalt  }
0x68: {  	_ =	shalt  }
0x69: {  	_ =	shalt  }
0x6a: {  	_ =	shalt  }
0x6b: {  	_ =	shalt  }
0x6c: {  	_ =	shalt  }
0x6d: {  	_ =	shalt  }
0x6e: {  	_ =	shalt  }
0x6f: {  	_ =	shalt  }
0x70: {  	_ =	shalt  }
0x71: {  	_ =	shalt  }
0x72: {  	_ =	shalt  }
0x73: {  	_ =	shalt  }
0x74: {  	_ =	shalt  }
0x75: {  	_ =	shalt  }
0x76: {  	_ =	shalt  }
0x77: {  	_ =	shalt  }
0x78: {  	_ =	shalt  }
0x79: {  	_ =	shalt  }
0x7a: {  	_ =	shalt  }
0x7b: {  	_ =	shalt  }
0x7c: {  	_ =	shalt  }
0x7d: {  	_ =	shalt  }
0x7e: {  	_ =	shalt  }
0x7f: {  	_ =	shalt  }
0x80: {  	_ =	shalt  }
0x81: {  	_ =	shalt  }
0x82: {  	_ =	shalt  }
0x83: {  	_ =	shalt  }
0x84: {  	_ =	shalt  }
0x85: {  	_ =	shalt  }
0x86: {  	_ =	shalt  }
0x87: {  	_ =	shalt  }
.Lfunc_end0:
.L_simem_size_0:
called_computation.1_lowered:
.L_overlay_start_0:
0x88: {  	s2 =	sld [smem:$0x3FD9]  }
0x89: {  	s3 =	sld [smem:$0x3FFE];
	_ =	sdelay $0x1  }
0x8a: {  	s1 =	srdreg.scid  }
0x8b: {  	s0 =	sand.u32 $0x1, s1  }
0x8c: {  	s17 =	sshll.u32 s0, $0xA;
	s2 =	sadd.s32 s3, s2  }
0x8d: {  	s2 =	sadd.s32 s2, s17  }
0x8e: {  	[smem:$0x3FC2] =	sst s2  }
0x8f: {  	_ = 	snop  }
0x90: {  	s2 =	sld [smem:$0x3FD0];
	(tm) =	ssettm $0x1  }
0x91: {  	s18 =	sld [smem:$0x3FFB];
	_ =	sdelay $0x3  }
0x92: {  	_ =	strace s18  }
0x93: {  	s3 =	sld [smem:$0x3FFC];
	_ =	sdelay $0x3  }
0x94: {  	_ =	strace s3  }
0x95: {  	s3 =	sld [smem:$0x3FFD];
	_ =	sdelay $0x3  }
0x96: {  	_ =	strace s3  }
0x97: {  	_ =	strace $0x8FFFFFFF  }
0x98: {  	s19 =	sld [smem:$0x3FDB];
	_ =	sdelay $0x1  }
0x99: {  	s4 =	simm.s32 $_scs_section_size  }
0x9a: {  	s5 =	simm.s32 $_size__tile_overlayer_lowered;
	s6 =	simm.s32 $_tile_overlayer_lowered  }
0x9b: {  	s22 =	simm.s32 $0x1BFF;
	s21 =	sshll.u32 s6, $0x1;
	s3 =	sadd.s32 s4, s19  }
0x9c: {  	s7 =	simm.s32 $0x0;
	s20 =	sshll.u32 s5, $0x1;
	s5 =	sadd.s32 s21, s3  }
0x9d: {  	[timem:s7], [sflag:s22] =	dma.local [hbm:s5], s20  }
0x9e: {  	_ =	swait.ge [sflag:s22], s20  }
0x9f: {  	s4 =	ssub.s32 $0x0, s20;
	[sflag:s22] =	ssyncset.done $0x0  }
0xa0: {  	[sflag:s22] =	ssyncadd.s32 s4;
	_ =	sdelay $0x1  }
0xa1: {  	s23 =	simm.s32 $0x1B8B  }
0xa2: {  	_ =	swait.ge [sflag:s23], $0x1  }
0xa3: {  	[sflag:s23] =	ssyncset.done $0x0  }
0xa4: {  	s25 =	simm.s32 $0x1B8E;
	s24 =	sld [smem:$0x3FFE];
	[sflag:s23] =	ssyncadd.s32 $0xFFFFFFFF  }
0xa5: {  	s26 =	simm.s32 $execute0_lowered;
	[smem:$0x3FD2] =	sst s25  }
0xa6: {  	s5 =	sshll.u32 s26, $0x1;
	_ =	strace $0x80000049;
	[dreg:$0x1] =	wrdreg $0xFFFFFFFF  }
0xa7: {  	s28 =	simm.s32 $_size_execute0_lowered;
	s3 =	sadd.s32 s3, s5;
	[dreg:$0x0] =	wrdreg $0x0  }
0xa8: {  	s5 =	sshll.u32 s28, $0x1;
	[dreg:$0x2] =	wrdreg s3  }
0xa9: {  	[dreg:$0x3] =	wrdreg s5  }
0xaa: {  	[dreg:$0x4] =	wrdreg $0xC0  }
0xab: {  	_ =	task [dreg:s7], $0x5FFFF  }
0xac: {  	[dreg:$0x1] =	wrdreg $0xFFFFFFFF  }
0xad: {  	[dreg:$0x0] =	wrdreg $0x60  }
0xae: {  	[dreg:$0x2] =	wrdreg s24  }
0xaf: {  	[dreg:$0x3] =	wrdreg s2  }
0xb0: {  	[dreg:$0x4] =	wrdreg $0x0  }
0xb1: {  	[dreg:$0x5] =	wrdreg $0x9  }
0xb2: {  	_ =	task.clear_ibuf [dreg:s7], $0x6FFFF;
	_ =	strace $0x90000049  }
0xb3: {  	s29 =	simm.s32 $0x9;
	_ =	strace $0x8000004B  }
0xb4: {  	_ =	swait.ge [sflag:s29], $0x1  }
0xb5: {  	[sflag:s29] =	ssyncadd.s32 $0xFFFFFFFF  }
0xb6: {  	_ =	strace $0x9000004B  }
0xb7: {  	_ =	sfence  }
0xb8: {  	s30 =	sld [smem:$0x0];
	_ =	sdelay $0x2  }
0xb9: {  	s31 =	sshll.u32 s1, $0xD;
	s1 =	sshrl.u32 s1, $0x2  }
0xba: {  	s3 =	sand.u32 $0x4000, s31;
	s1 =	sadd.s32 s1, s30  }
0xbb: {  	s0 =	sor.u32 s3, s0;
	s1 =	sshll.u32 s1, $0x11  }
0xbc: {  	s0 =	sor.u32 s1, s0  }
0xbd: {  	s0 =	sadd.s32 $0x8F2B, s0  }
0xbe: {  	[sflag:s0] =	ssyncadd.remote.s32 $0x1  }
0xbf: {  	_ =	sfence.sel $0xFFFF  }
0xc0: {  	[dreg:$0x0] =	wrdreg $0xFFFFFFFF;
	(pc) =	sbr.abs _section_cstart, $3  }
0xc1: {  	[dreg:$0x1] =	wrdreg $0xFFFFFFFF  }
0xc2: {  	_ =	task.clear_ibuf [dreg:s7], $0x2FFFF;
	_ =	strace $0x9FFFFFFF  }
0xc3: {  	(tm) =	ssettm $0x7FFFFFFF  }
tec
execute0_lowered:
.L_overlay_start_1:
0x0: {  	(tag) =	ssettag $0x1  }
0x1: {  	s5 =	rddreg [dreg:$0x0]  }
0x2: {  	s9 =	rddreg [dreg:$0x1]  }
0x3: {  	s2 =	rddreg [dreg:$0x2]  }
0x4: {  	s0 =	rddreg [dreg:$0x3];
	s3 =	simm.s32 $0x0;
	s1 =	stileid.u32  }
0x5: {  	s4 =	srdreg.scid;
	s16 =	simm.s32 $0x15C00;
	s17 =	simm.s32 $0x50  }
0x6: {  	s18 =	simm.s32 $0x17C00;
	s19 =	simm.s32 $0x1A400;
	s20 =	simm.s32 $0x1  }
0x7: {  	s21 =	simm.s32 $0x2;
	s22 =	simm.s32 $0x15B80;
	s23 =	simm.s32 $0x17B00  }
0x8: {  	[smem:$0x7FF] =	sst s3;
	s6 =	smul.u32 $0x13C00, s1;
	s7 =	sand.u32 $0x1, s4  }
0x9: {  	s4 =	sadd.s32 $0x51600, s5;
	s10 =	sadd.s32 $0x79400, s5;
	s12 =	smul.u32 $0x4F000, s1  }
0xa: {  	s28 =	sshll.u32 s1, $0xB;
	s29 =	sshll.u32 s1, $0x6;
	_ =	strace $0x8000004A  }
0xb: {  	s8 =	smul.u32 $0x13C000, s7;
	s24 =	ssub.s32 $0x2, s7;
	s26 =	sshll.u32 s7, $0xF  }
0xc: {  	s11 =	sshrl.u32 s6, $0x3;
	s13 =	sshrl.u32 s24, $0x1;
	s25 =	sshrl.u32 s12, $0x2  }
0xd: {  	s30 =	sor.u32 s28, s26;
	s6 =	sadd.s32 s6, s8;
	s11 =	sadd.s32 s11, s5  }
0xe: {  	s13 =	ssub.s32 s24, s13;
	s15 =	sadd.s32 s25, s2;
	s7 =	sadd.s32 s9, s30  }
0xf: {  	s31 =	sor.u32 $0x400, s30;
	s8 =	sadd.s32 s10, s30;
	s24 =	simm.s32 $0x17B80  }
0x10: {  	s25 =	simm.s32 $0x0;
	s6 =	sshrl.u32 s6, $0x3;
	s9 =	sadd.s32 s9, s31  }
0x11: {  	s10 =	sadd.s32 s10, s31;
	s12 =	smax.u32 s13, $0x1;
	s13 =	sshrl.u32 s15, $0x3  }
0x12: {  	s15 =	simm.s32 $0x13C00;
	s14 =	sadd.s32 s6, s5;
	s5 =	sadd.s32 $0x2600, s11  }
0x13: {  	s6 =	sor.u32 $0x1C03, s29;
	s11 =	sadd.s32 $0x89400, s14;
	s14 =	simm.s32 $0x3  }
.LBB2_1:
0x14: {  	[spmem:s13], [sflag:s6] =	dma.local [hbm:s5], $0x2780  }
0x15: {  	_ =	swait.ge [sflag:s14], $0x2780  }
0x16: {  	[sflag:s14] =	ssyncset.done $0x0  }
0x17: {  	[sflag:s14] =	ssyncadd.s32 $0xFFFFD880  }
0x18: {  	[bflag:$0x0] =	sbarrier.arrive $0xFFFF  }
0x19: {  	[tilespmem:s15], [sflag:$0x3] =	stream.linear.gather [hbm4b:s7+s3], $0x2000, $0x38;
	[tilespmem:$0x1CC00] =	vst v63  }
0x1a: {  	_ =	swait.ge [sflag:s14], $0x2000  }
0x1b: {  	[sflag:s14] =	ssyncset.done $0x0  }
0x1c: {  	[sflag:s14] =	ssyncadd.s32 $0xFFFFE000  }
0x1d: {  	[tilespmem:s16], [sflag:$0x3] =	stream.linear.gather [hbm4b:s8+s3], $0x2000, $0x38;
	[tilespmem:$0x1CC00] =	vst v63  }
0x1e: {  	_ =	swait.ge [sflag:s14], $0x2000  }
0x1f: {  	[sflag:s14] =	ssyncset.done $0x0  }
0x20: {  	[sflag:s14] =	ssyncadd.s32 $0xFFFFE000  }
0x21: {  	[tilespmem:s18], [sflag:$0x1] =	stream.indirect.gather [hbm4b:s4+s17], $0x80, s15, s17, $0xb8;
	[tilespmem:$0x1CC00] =	vst v63  }
0x22: {  	s26 =	simm.s32 $0x13C80  }
0x23: {  	[tilespmem:s19], [sflag:$0x2] =	stream.indirect.gather [hbm4b:s4+s17], $0x80, s26, s17, $0xb8;
	[tilespmem:$0x1CC00] =	vst v63  }
0x24: {  	_ =	swait.ge [sflag:s20], $0x2800  }
0x25: {  	[sflag:s20] =	ssyncset.done $0x0  }
0x26: {  	s29 =	simm.s32 $0x15C00;
	[sflag:s20] =	ssyncadd.s32 $0xFFFFD800  }
0x27: {  	[spmem:s2] =	stream.indirect.scatter.add.f32 [tilespmem:s18], [sflag:$0x3], $0x80, s29, s17, $0xb8;
	[tilespmem:$0x1CC00] =	vst v63  }
0x28: {  	_ =	swait.ge [sflag:s14], $0x2800  }
0x29: {  	[sflag:s14] =	ssyncset.done $0x0  }
0x2a: {  	s30 =	simm.s32 $0x13D00;
	[sflag:s14] =	ssyncadd.s32 $0xFFFFD800  }
0x2b: {  	[tilespmem:s18], [sflag:$0x1] =	stream.indirect.gather [hbm4b:s4+s17], $0x80, s30, s17, $0xb8;
	[tilespmem:$0x1CC00] =	vst v63  }
0x2c: {  	_ =	swait.ge [sflag:s21], $0x2800  }
0x2d: {  	[sflag:s21] =	ssyncset.done $0x0  }
0x2e: {  	s31 =	simm.s32 $0x15C80;
	[sflag:s21] =	ssyncadd.s32 $0xFFFFD800  }
0x2f: {  	[spmem:s2] =	stream.indirect.scatter.add.f32 [tilespmem:s19], [sflag:$0x3], $0x80, s31, s17, $0xb8;
	[tilespmem:$0x1CC00] =	vst v63  }
0x30: {  	_ =	swait.ge [sflag:s14], $0x2800  }
0x31: {  	s28 =	simm.s32 $0x800;
	s26 =	simm.s32 $0x100;
	[sflag:s14] =	ssyncset.done $0x0  }
.LBB2_2:
0x32: {  	s29 =	sadd.s32 $0x13C80, s26  }
0x33: {  	[sflag:s14] =	ssyncadd.s32 $0xFFFFD800;
	s30 =	smov.u32 s28;
	s31 =	sadd.s32 $0x400, s28  }
0x34: {  	[tilespmem:s19], [sflag:$0x2] =	stream.indirect.gather [hbm4b:s4+s17], $0x80, s29, s17, $0xb8;
	[tilespmem:$0x1CC00] =	vst v63  }
0x35: {  	p0 =	sne.s32 s28, $0x7800;
	_ =	swait.ge [sflag:s20], $0x2800  }
0x36: {  	[sflag:s20] =	ssyncset.done $0x0  }
0x37: {  	s28 =	sadd.s32 $0x15C00, s26;
	[sflag:s20] =	ssyncadd.s32 $0xFFFFD800  }
0x38: {  	[spmem:s2] =	stream.indirect.scatter.add.f32 [tilespmem:s18], [sflag:$0x3], $0x80, s28, s17, $0xb8;
	[tilespmem:$0x1CC00] =	vst v63  }
0x39: {  	_ =	swait.ge [sflag:s14], $0x2800  }
0x3a: {  	[sflag:s14] =	ssyncset.done $0x0  }
0x3b: {  	s28 =	sadd.s32 $0x13D00, s26;
	[sflag:s14] =	ssyncadd.s32 $0xFFFFD800  }
0x3c: {  	[tilespmem:s18], [sflag:$0x1] =	stream.indirect.gather [hbm4b:s4+s17], $0x80, s28, s17, $0xb8;
	[tilespmem:$0x1CC00] =	vst v63  }
0x3d: {  	_ =	swait.ge [sflag:s21], $0x2800  }
.Ltmp0:
0x3e: {  	[sflag:s21] =	ssyncset.done $0x0;
	(pc) =	sbr.rel @p0 .LBB2_2-.Ltmp0, $4  }
0x3f: {  	s26 =	sadd.s32 $0x15C80, s26;
	[sflag:s21] =	ssyncadd.s32 $0xFFFFD800  }
0x40: {  	[spmem:s2] =	stream.indirect.scatter.add.f32 [tilespmem:s19], [sflag:$0x3], $0x80, s26, s17, $0xb8;
	[tilespmem:$0x1CC00] =	vst v63  }
0x41: {  	_ =	swait.ge [sflag:s14], $0x2800  }
0x42: {  	s28 =	smov.u32 s31;
	s26 =	sshra.s32 s30, $0x2;
	[sflag:s14] =	ssyncset.done $0x0  }
0x43: {  	s28 =	sadd.s32 $0x13C80, s26;
	[sflag:s14] =	ssyncadd.s32 $0xFFFFD800  }
0x44: {  	[tilespmem:s19], [sflag:$0x2] =	stream.indirect.gather [hbm4b:s4+s17], $0x80, s28, s17, $0xb8;
	[tilespmem:$0x1CC00] =	vst v63  }
0x45: {  	_ =	swait.ge [sflag:s20], $0x2800  }
0x46: {  	[sflag:s20] =	ssyncset.done $0x0  }
0x47: {  	s28 =	sadd.s32 $0x15C00, s26;
	[sflag:s20] =	ssyncadd.s32 $0xFFFFD800  }
0x48: {  	[spmem:s2] =	stream.indirect.scatter.add.f32 [tilespmem:s18], [sflag:$0x3], $0x80, s28, s17, $0xb8;
	[tilespmem:$0x1CC00] =	vst v63  }
0x49: {  	_ =	swait.ge [sflag:s14], $0x2800  }
0x4a: {  	[sflag:s14] =	ssyncset.done $0x0  }
0x4b: {  	s28 =	sadd.s32 $0x13D00, s26;
	[sflag:s14] =	ssyncadd.s32 $0xFFFFD800  }
0x4c: {  	[tilespmem:s18], [sflag:$0x1] =	stream.indirect.gather [hbm4b:s4+s17], $0x80, s28, s17, $0xb8;
	[tilespmem:$0x1CC00] =	vst v63  }
0x4d: {  	_ =	swait.ge [sflag:s21], $0x2800  }
0x4e: {  	[sflag:s21] =	ssyncset.done $0x0  }
0x4f: {  	s29 =	sadd.s32 $0x15C80, s26;
	[sflag:s21] =	ssyncadd.s32 $0xFFFFD800  }
0x50: {  	[spmem:s2] =	stream.indirect.scatter.add.f32 [tilespmem:s19], [sflag:$0x3], $0x80, s29, s17, $0xb8;
	[tilespmem:$0x1CC00] =	vst v63  }
0x51: {  	_ =	swait.ge [sflag:s14], $0x2800  }
0x52: {  	[sflag:s14] =	ssyncset.done $0x0  }
0x53: {  	[sflag:s14] =	ssyncadd.s32 $0xFFFFD800  }
0x54: {  	[tilespmem:s19], [sflag:$0x2] =	stream.indirect.gather [hbm4b:s4+s17], $0x80, s22, s17, $0xb8;
	[tilespmem:$0x1CC00] =	vst v63  }
0x55: {  	_ =	swait.ge [sflag:s20], $0x2800  }
0x56: {  	[sflag:s20] =	ssyncset.done $0x0  }
0x57: {  	[sflag:s20] =	ssyncadd.s32 $0xFFFFD800  }
0x58: {  	[spmem:s2] =	stream.indirect.scatter.add.f32 [tilespmem:s18], [sflag:$0x3], $0x80, s23, s17, $0xb8;
	[tilespmem:$0x1CC00] =	vst v63  }
0x59: {  	_ =	swait.ge [sflag:s14], $0x2800  }
0x5a: {  	[sflag:s14] =	ssyncset.done $0x0  }
0x5b: {  	[sflag:s14] =	ssyncadd.s32 $0xFFFFD800  }
0x5c: {  	_ =	swait.ge [sflag:s21], $0x2800  }
0x5d: {  	[sflag:s21] =	ssyncset.done $0x0  }
0x5e: {  	[sflag:s21] =	ssyncadd.s32 $0xFFFFD800  }
0x5f: {  	[spmem:s2] =	stream.indirect.scatter.add.f32 [tilespmem:s19], [sflag:$0x3], $0x80, s24, s17, $0xb8;
	[tilespmem:$0x1CC00] =	vst v63  }
0x60: {  	_ =	swait.ge [sflag:s14], $0x2800  }
0x61: {  	[sflag:s14] =	ssyncset.done $0x0  }
0x62: {  	s30 =	simm.s32 $0x0;
	[sflag:s14] =	ssyncadd.s32 $0xFFFFD800  }
0x63: {  	[tilespmem:s15], [sflag:$0x3] =	stream.linear.gather [hbm4b:s9+s30], $0x2000, $0x38;
	[tilespmem:$0x1CC00] =	vst v63  }
0x64: {  	_ =	swait.ge [sflag:s14], $0x2000  }
0x65: {  	[sflag:s14] =	ssyncset.done $0x0  }
0x66: {  	[sflag:s14] =	ssyncadd.s32 $0xFFFFE000  }
0x67: {  	[tilespmem:s16], [sflag:$0x3] =	stream.linear.gather [hbm4b:s10+s30], $0x2000, $0x38;
	[tilespmem:$0x1CC00] =	vst v63  }
0x68: {  	_ =	swait.ge [sflag:s14], $0x2000  }
0x69: {  	[sflag:s14] =	ssyncset.done $0x0  }
0x6a: {  	[sflag:s14] =	ssyncadd.s32 $0xFFFFE000  }
0x6b: {  	[tilespmem:s18], [sflag:$0x1] =	stream.indirect.gather [hbm4b:s4+s17], $0x80, s15, s17, $0xb8;
	[tilespmem:$0x1CC00] =	vst v63  }
0x6c: {  	s31 =	simm.s32 $0x13C80  }
0x6d: {  	[tilespmem:s19], [sflag:$0x2] =	stream.indirect.gather [hbm4b:s4+s17], $0x80, s31, s17, $0xb8;
	[tilespmem:$0x1CC00] =	vst v63  }
0x6e: {  	_ =	swait.ge [sflag:s20], $0x2800  }
0x6f: {  	[sflag:s20] =	ssyncset.done $0x0  }
0x70: {  	s29 =	simm.s32 $0x15C00;
	[sflag:s20] =	ssyncadd.s32 $0xFFFFD800  }
0x71: {  	[spmem:s2] =	stream.indirect.scatter.add.f32 [tilespmem:s18], [sflag:$0x3], $0x80, s29, s17, $0xb8;
	[tilespmem:$0x1CC00] =	vst v63  }
0x72: {  	_ =	swait.ge [sflag:s14], $0x2800  }
0x73: {  	[sflag:s14] =	ssyncset.done $0x0  }
0x74: {  	s30 =	simm.s32 $0x13D00;
	[sflag:s14] =	ssyncadd.s32 $0xFFFFD800  }
0x75: {  	[tilespmem:s18], [sflag:$0x1] =	stream.indirect.gather [hbm4b:s4+s17], $0x80, s30, s17, $0xb8;
	[tilespmem:$0x1CC00] =	vst v63  }
0x76: {  	_ =	swait.ge [sflag:s21], $0x2800  }
0x77: {  	[sflag:s21] =	ssyncset.done $0x0  }
0x78: {  	s31 =	simm.s32 $0x15C80;
	[sflag:s21] =	ssyncadd.s32 $0xFFFFD800  }
0x79: {  	[spmem:s2] =	stream.indirect.scatter.add.f32 [tilespmem:s19], [sflag:$0x3], $0x80, s31, s17, $0xb8;
	[tilespmem:$0x1CC00] =	vst v63  }
0x7a: {  	_ =	swait.ge [sflag:s14], $0x2800  }
0x7b: {  	s26 =	simm.s32 $0x100;
	s28 =	simm.s32 $0x800;
	[sflag:s14] =	ssyncset.done $0x0  }
.LBB2_4:
0x7c: {  	s29 =	sadd.s32 $0x13C80, s26  }
0x7d: {  	[sflag:s14] =	ssyncadd.s32 $0xFFFFD800;
	s30 =	smov.u32 s28;
	s31 =	sadd.s32 $0x400, s28  }
0x7e: {  	[tilespmem:s19], [sflag:$0x2] =	stream.indirect.gather [hbm4b:s4+s17], $0x80, s29, s17, $0xb8;
	[tilespmem:$0x1CC00] =	vst v63  }
0x7f: {  	p0 =	sne.s32 s28, $0x7800;
	_ =	swait.ge [sflag:s20], $0x2800  }
0x80: {  	[sflag:s20] =	ssyncset.done $0x0  }
0x81: {  	s28 =	sadd.s32 $0x15C00, s26;
	[sflag:s20] =	ssyncadd.s32 $0xFFFFD800  }
0x82: {  	[spmem:s2] =	stream.indirect.scatter.add.f32 [tilespmem:s18], [sflag:$0x3], $0x80, s28, s17, $0xb8;
	[tilespmem:$0x1CC00] =	vst v63  }
0x83: {  	_ =	swait.ge [sflag:s14], $0x2800  }
0x84: {  	[sflag:s14] =	ssyncset.done $0x0  }
0x85: {  	s28 =	sadd.s32 $0x13D00, s26;
	[sflag:s14] =	ssyncadd.s32 $0xFFFFD800  }
0x86: {  	[tilespmem:s18], [sflag:$0x1] =	stream.indirect.gather [hbm4b:s4+s17], $0x80, s28, s17, $0xb8;
	[tilespmem:$0x1CC00] =	vst v63  }
0x87: {  	_ =	swait.ge [sflag:s21], $0x2800  }
.Ltmp1:
0x88: {  	[sflag:s21] =	ssyncset.done $0x0;
	(pc) =	sbr.rel @p0 .LBB2_4-.Ltmp1, $4  }
0x89: {  	s26 =	sadd.s32 $0x15C80, s26;
	[sflag:s21] =	ssyncadd.s32 $0xFFFFD800  }
0x8a: {  	[spmem:s2] =	stream.indirect.scatter.add.f32 [tilespmem:s19], [sflag:$0x3], $0x80, s26, s17, $0xb8;
	[tilespmem:$0x1CC00] =	vst v63  }
0x8b: {  	_ =	swait.ge [sflag:s14], $0x2800  }
0x8c: {  	s28 =	smov.u32 s31;
	s26 =	sshra.s32 s30, $0x2;
	[sflag:s14] =	ssyncset.done $0x0  }
0x8d: {  	s28 =	sadd.s32 $0x13C80, s26;
	[sflag:s14] =	ssyncadd.s32 $0xFFFFD800  }
0x8e: {  	[tilespmem:s19], [sflag:$0x2] =	stream.indirect.gather [hbm4b:s4+s17], $0x80, s28, s17, $0xb8;
	[tilespmem:$0x1CC00] =	vst v63  }
0x8f: {  	_ =	swait.ge [sflag:s20], $0x2800  }
0x90: {  	[sflag:s20] =	ssyncset.done $0x0  }
0x91: {  	s29 =	sadd.s32 $0x15C00, s26;
	[sflag:s20] =	ssyncadd.s32 $0xFFFFD800  }
0x92: {  	[spmem:s2] =	stream.indirect.scatter.add.f32 [tilespmem:s18], [sflag:$0x3], $0x80, s29, s17, $0xb8;
	[tilespmem:$0x1CC00] =	vst v63  }
0x93: {  	_ =	swait.ge [sflag:s14], $0x2800  }
0x94: {  	[sflag:s14] =	ssyncset.done $0x0  }
0x95: {  	s30 =	sadd.s32 $0x13D00, s26;
	[sflag:s14] =	ssyncadd.s32 $0xFFFFD800  }
0x96: {  	[tilespmem:s18], [sflag:$0x1] =	stream.indirect.gather [hbm4b:s4+s17], $0x80, s30, s17, $0xb8;
	[tilespmem:$0x1CC00] =	vst v63  }
0x97: {  	_ =	swait.ge [sflag:s21], $0x2800  }
0x98: {  	[sflag:s21] =	ssyncset.done $0x0  }
0x99: {  	s31 =	sadd.s32 $0x15C80, s26;
	[sflag:s21] =	ssyncadd.s32 $0xFFFFD800  }
0x9a: {  	[spmem:s2] =	stream.indirect.scatter.add.f32 [tilespmem:s19], [sflag:$0x3], $0x80, s31, s17, $0xb8;
	[tilespmem:$0x1CC00] =	vst v63  }
0x9b: {  	_ =	swait.ge [sflag:s14], $0x2800  }
0x9c: {  	[sflag:s14] =	ssyncset.done $0x0  }
0x9d: {  	[sflag:s14] =	ssyncadd.s32 $0xFFFFD800  }
0x9e: {  	[tilespmem:s19], [sflag:$0x2] =	stream.indirect.gather [hbm4b:s4+s17], $0x80, s22, s17, $0xb8;
	[tilespmem:$0x1CC00] =	vst v63  }
0x9f: {  	_ =	swait.ge [sflag:s20], $0x2800  }
0xa0: {  	[sflag:s20] =	ssyncset.done $0x0  }
0xa1: {  	[sflag:s20] =	ssyncadd.s32 $0xFFFFD800  }
0xa2: {  	[spmem:s2] =	stream.indirect.scatter.add.f32 [tilespmem:s18], [sflag:$0x3], $0x80, s23, s17, $0xb8;
	[tilespmem:$0x1CC00] =	vst v63  }
0xa3: {  	_ =	swait.ge [sflag:s14], $0x2800  }
0xa4: {  	[sflag:s14] =	ssyncset.done $0x0  }
0xa5: {  	[sflag:s14] =	ssyncadd.s32 $0xFFFFD800  }
0xa6: {  	_ =	swait.ge [sflag:s21], $0x2800  }
0xa7: {  	[sflag:s21] =	ssyncset.done $0x0  }
0xa8: {  	[sflag:s21] =	ssyncadd.s32 $0xFFFFD800  }
0xa9: {  	[spmem:s2] =	stream.indirect.scatter.add.f32 [tilespmem:s19], [sflag:$0x3], $0x80, s24, s17, $0xb8;
	[tilespmem:$0x1CC00] =	vst v63  }
0xaa: {  	_ =	swait.ge [sflag:s14], $0x2800  }
0xab: {  	s25 =	sadd.s32 $0x1, s25;
	[sflag:s14] =	ssyncset.done $0x0  }
0xac: {  	p0 =	sne.s32 s25, s12;
	[sflag:s14] =	ssyncadd.s32 $0xFFFFD800  }
.Ltmp2:
0xad: {  	[bflag:$0x0] =	sbarrier.arrive $0xFFFF;
	(pc) =	sbr.rel @p0 .LBB2_1-.Ltmp2, $4  }
0xae: {  	[hbm:s11], [sflag:s6] =	dma.local [spmem:s13], $0x2780  }
0xaf: {  	_ =	swait.ge [sflag:s14], $0x2780  }
0xb0: {  	[sflag:s14] =	ssyncset.done $0x0  }
0xb1: {  	[sflag:s14] =	ssyncadd.s32 $0xFFFFD880  }
0xb2: {  	_ =	sfence.sel $0x180000  }
0xb3: {  	[bflag:$0x0] =	sbarrier.arrive $0xFFFF  }
0xb4: {  	p0 =	sne.s32 s1, $0x0;
	_ =	strace $0x9000004A  }
0xb5: {  	s0 =	sadd.s32 @!p0 $0x100000, s0;
	[bflag:$0x2] =	sbarrier.arrive $0xFFFF  }
0xb6: {  	[sflag:s0] =	ssyncadd.tile.s32 @!p0 $0x1;
	_ =	shalt  }
.Lfunc_end2:
_tile_overlayer_lowered:
.L_overlay_start_2:
0xb7: {  	(tag) =	ssettag $0x2  }
0xb8: {  	s0 =	rddreg [dreg:$0x0];
	s2 =	stileid.u32  }
0xb9: {  	s1 =	rddreg [dreg:$0x1];
	p0 =	sne.s32 s2, $0x0  }
0xba: {  	s3 =	rddreg [dreg:$0x2];
	[bflag:$0x3] =	sbarrier.arrive $0xFFFF;
	s2 =	simm.s32 @!p0 $0x1C03  }
0xbb: {  	[timem:s3], [sflag:s2] =	dma.local @!p0 [hbm:s0], s1  }
0xbc: {  	s0 =	simm.s32 @!p0 $0x3  }
0xbd: {  	_ =	swait.ge @!p0 [sflag:s0], s1  }
0xbe: {  	s1 =	ssub.s32 @!p0 $0x0, s1;
	[sflag:s0] =	ssyncset.done @!p0 $0x0  }
0xbf: {  	[sflag:s0] =	ssyncadd.s32 @!p0 s1  }
0xc0: {  	[bflag:$0x3] =	sbarrier.arrive $0xFFFF  }
0xc1: {  	_ =	shalt  }

// kernel: kernel.17.cloned.1.call-start
scs
__scs_entry_jumppad:
0x0: {  	(pc) =	sbr.rel $0x88, $3  }
0x1: {  	(tag) =	ssettag $0x0;
	lr =	simm.s32 $0x1  }
0x2: {  	[smem:$0x3F9B] =	sst lr;
	_ =	strace $0xD0000000  }
0x3: {  	_ = 	snop  }
0x4: {  	_ = 	snop  }
0x5: {  	_ = 	snop  }
0x6: {  	_ = 	snop  }
0x7: {  	_ = 	snop  }
__scs_overlays_trampoline_lowered:
0x8: {  	[smem:$0x3FAA] =	sst s0  }
0x9: {  	[smem:$0x3FAB] =	sst s1  }
0xa: {  	[smem:$0x3FAC] =	sst s2  }
0xb: {  	[smem:$0x3FAD] =	sst s3  }
0xc: {  	[smem:$0x3FAE] =	sst s4  }
0xd: {  	[smem:$0x3FAF] =	sst s5  }
0xe: {  	[smem:$0x3FB0] =	sst s6  }
0xf: {  	[smem:$0x3FB1] =	sst s7  }
0x10: {  	[smem:$0x3FB2] =	sst s8  }
0x11: {  	[smem:$0x3FB3] =	sst s9;
	s0 =	simm.s32 @!p0 $0x0  }
0x12: {  	s1 =	sld [smem:$0x3F99];
	s0 =	simm.s32 @p0 $0x1  }
0x13: {  	[smem:$0x3FB4] =	sst s0;
	s0 =	simm.s32 @!p1 $0x0  }
0x14: {  	s2 =	sld [smem:$0x3F98];
	s0 =	simm.s32 @p1 $0x1  }
0x15: {  	[smem:$0x3FB5] =	sst s0;
	s0 =	simm.s32 @!p2 $0x0  }
0x16: {  	s3 =	sld [smem:$0x3FDB];
	s0 =	simm.s32 @p2 $0x1  }
0x17: {  	s4 =	simm.s32 $0x1BF5;
	[smem:$0x3FB7] =	sst s0  }
0x18: {  	s0 =	sld [smem:$0x3F9A];
	_ =	swait.ge [sflag:s4], $0x0  }
0x19: {  	s7 =	sld [smem:$0x3F9B]  }
0x1a: {  	s8 =	sadd.s32 $0xFFFFE003, lr  }
0x1b: {  	s9 =	sadd.s32 $0xFFFFFEF7, lr;
	s5 =	simm.s32 $0xFFFFFFFF;
	p2 =	slt.u32 s8, $0xFFFFF086  }
0x1c: {  	p1 =	slt.u32 s9, $0xF7A;
	s5 =	simm.s32 @!p2 $0x0  }
0x1d: {  	s5 =	simm.s32 @p1 $0x1;
	p0 =	seq.s32 s7, s2  }
0x1e: {  	s7 =	smul.u32 @!p0 $0xF7A, s2;
	p2 =	seq.s32 @!p0 s5, $0x0  }
0x1f: {  	s9 =	smul.u32 $0xF7A, s1;
	s8 =	simm.s32 @!p0 $0x1BF5;
	p2 =	por !p2, p0  }
0x20: {  	[sflag:s8] =	ssyncset.s32 @!p0 $0xFFFFF086;
	s6 =	sadd.s32 @!p0 s3, s7;
	s7 =	simm.s32 @!p0 $0x108  }
0x21: {  	s3 =	sadd.s32 s3, s9;
	s6 =	sadd.s32 @!p0 $0x88, s6;
	s7 =	simm.s32 @p2 $0x1082  }
0x22: {  	[simem:s7], [sflag:s8] =	dma.local @!p0 [hbm:s6], $0xF7A  }
0x23: {  	s9 =	sor.u32 $0xD0000000, s2;
	s6 =	simm.s32 $0x108;
	_ =	swait.ge @!p0 [sflag:s8], $0x0  }
0x24: {  	s3 =	sadd.s32 $0x88, s3;
	s6 =	simm.s32 @!p1 $0x1082;
	[sflag:s4] =	ssyncset.s32 $0xFFFFF086  }
0x25: {  	[simem:s6], [sflag:s4] =	dma.local [hbm:s3], $0xF7A  }
0x26: {  	[smem:$0x3F9B] =	sst s1;
	(tag) =	ssettag s2;
	_ =	strace s9  }
0x27: {  	s1 =	sld [smem:$0x3FAB]  }
0x28: {  	s2 =	sld [smem:$0x3FAC]  }
0x29: {  	s4 =	sld [smem:$0x3FAE]  }
0x2a: {  	p0 =	seq.s32 s5, $0x0;
	s5 =	sld [smem:$0x3FAF]  }
0x2b: {  	s6 =	sld [smem:$0x3FB0]  }
0x2c: {  	s7 =	sld [smem:$0x3FB1]  }
0x2d: {  	s3 =	simm.s32 $0x108;
	s8 =	sld [smem:$0x3FB2]  }
0x2e: {  	s3 =	simm.s32 @!p0 $0x1082;
	s9 =	sld [smem:$0x3FB3]  }
0x2f: {  	lr =	sadd.s32 s0, s3;
	s0 =	sld [smem:$0x3FAA]  }
0x30: {  	s3 =	sld [smem:$0x3FAD]  }
0x31: {  	[smem:$0x3FB6] =	sst s10  }
0x32: {  	s10 =	sld [smem:$0x3FB4];
	_ =	sdelay $0x3  }
0x33: {  	p0 =	seq.s32 s10, $0x1;
	s10 =	sld [smem:$0x3FB6];
	_ =	sdelay $0x3  }
0x34: {  	[smem:$0x3FB6] =	sst s10  }
0x35: {  	s10 =	sld [smem:$0x3FB5];
	_ =	sdelay $0x3  }
0x36: {  	p1 =	seq.s32 s10, $0x1;
	s10 =	sld [smem:$0x3FB6];
	_ =	sdelay $0x3  }
0x37: {  	[smem:$0x3FB6] =	sst s10  }
0x38: {  	s10 =	sld [smem:$0x3FB7]  }
0x39: {  	_ = 	snop;
	(pc) =	sbr.ind lr, $3  }
0x3a: {  	_ = 	snop  }
0x3b: {  	_ = 	snop  }
0x3c: {  	p2 =	seq.s32 s10, $0x1;
	s10 =	sld [smem:$0x3FB6]  }
0x3d: {  	_ =	shalt  }
0x3e: {  	_ =	shalt  }
0x3f: {  	_ =	shalt  }
0x40: {  	_ =	shalt  }
0x41: {  	_ =	shalt  }
0x42: {  	_ =	shalt  }
0x43: {  	_ =	shalt  }
0x44: {  	_ =	shalt  }
0x45: {  	_ =	shalt  }
0x46: {  	_ =	shalt  }
0x47: {  	_ =	shalt  }
0x48: {  	_ =	shalt  }
0x49: {  	_ =	shalt  }
0x4a: {  	_ =	shalt  }
0x4b: {  	_ =	shalt  }
0x4c: {  	_ =	shalt  }
0x4d: {  	_ =	shalt  }
0x4e: {  	_ =	shalt  }
0x4f: {  	_ =	shalt  }
0x50: {  	_ =	shalt  }
0x51: {  	_ =	shalt  }
0x52: {  	_ =	shalt  }
0x53: {  	_ =	shalt  }
0x54: {  	_ =	shalt  }
0x55: {  	_ =	shalt  }
0x56: {  	_ =	shalt  }
0x57: {  	_ =	shalt  }
0x58: {  	_ =	shalt  }
0x59: {  	_ =	shalt  }
0x5a: {  	_ =	shalt  }
0x5b: {  	_ =	shalt  }
0x5c: {  	_ =	shalt  }
0x5d: {  	_ =	shalt  }
0x5e: {  	_ =	shalt  }
0x5f: {  	_ =	shalt  }
0x60: {  	_ =	shalt  }
0x61: {  	_ =	shalt  }
0x62: {  	_ =	shalt  }
0x63: {  	_ =	shalt  }
0x64: {  	_ =	shalt  }
0x65: {  	_ =	shalt  }
0x66: {  	_ =	shalt  }
0x67: {  	_ =	shalt  }
0x68: {  	_ =	shalt  }
0x69: {  	_ =	shalt  }
0x6a: {  	_ =	shalt  }
0x6b: {  	_ =	shalt  }
0x6c: {  	_ =	shalt  }
0x6d: {  	_ =	shalt  }
0x6e: {  	_ =	shalt  }
0x6f: {  	_ =	shalt  }
0x70: {  	_ =	shalt  }
0x71: {  	_ =	shalt  }
0x72: {  	_ =	shalt  }
0x73: {  	_ =	shalt  }
0x74: {  	_ =	shalt  }
0x75: {  	_ =	shalt  }
0x76: {  	_ =	shalt  }
0x77: {  	_ =	shalt  }
0x78: {  	_ =	shalt  }
0x79: {  	_ =	shalt  }
0x7a: {  	_ =	shalt  }
0x7b: {  	_ =	shalt  }
0x7c: {  	_ =	shalt  }
0x7d: {  	_ =	shalt  }
0x7e: {  	_ =	shalt  }
0x7f: {  	_ =	shalt  }
0x80: {  	_ =	shalt  }
0x81: {  	_ =	shalt  }
0x82: {  	_ =	shalt  }
0x83: {  	_ =	shalt  }
0x84: {  	_ =	shalt  }
0x85: {  	_ =	shalt  }
0x86: {  	_ =	shalt  }
0x87: {  	_ =	shalt  }
.Lfunc_end0:
.L_simem_size_0:
called_computation.2_lowered:
.L_overlay_start_0:
0x88: {  	s2 =	sld [smem:$0x3FD9]  }
0x89: {  	s3 =	sld [smem:$0x3FFE];
	_ =	sdelay $0x1  }
0x8a: {  	s1 =	srdreg.scid  }
0x8b: {  	s0 =	sand.u32 $0x1, s1  }
0x8c: {  	s17 =	sshll.u32 s0, $0xA;
	s2 =	sadd.s32 s3, s2  }
0x8d: {  	s2 =	sadd.s32 s2, s17  }
0x8e: {  	[smem:$0x3FC2] =	sst s2  }
0x8f: {  	_ = 	snop  }
0x90: {  	s2 =	sld [smem:$0x3FD0];
	(tm) =	ssettm $0x1  }
0x91: {  	s18 =	sld [smem:$0x3FFB];
	_ =	sdelay $0x3  }
0x92: {  	_ =	strace s18  }
0x93: {  	s3 =	sld [smem:$0x3FFC];
	_ =	sdelay $0x3  }
0x94: {  	_ =	strace s3  }
0x95: {  	s3 =	sld [smem:$0x3FFD];
	_ =	sdelay $0x3  }
0x96: {  	_ =	strace s3  }
0x97: {  	_ =	strace $0x8FFFFFFF  }
0x98: {  	s19 =	sld [smem:$0x3FDB];
	_ =	sdelay $0x1  }
0x99: {  	s4 =	simm.s32 $_scs_section_size  }
0x9a: {  	s5 =	simm.s32 $_size__tile_overlayer_lowered;
	s6 =	simm.s32 $_tile_overlayer_lowered  }
0x9b: {  	s22 =	simm.s32 $0x1BFF;
	s21 =	sshll.u32 s6, $0x1;
	s3 =	sadd.s32 s4, s19  }
0x9c: {  	s7 =	simm.s32 $0x0;
	s20 =	sshll.u32 s5, $0x1;
	s5 =	sadd.s32 s21, s3  }
0x9d: {  	[timem:s7], [sflag:s22] =	dma.local [hbm:s5], s20  }
0x9e: {  	_ =	swait.ge [sflag:s22], s20  }
0x9f: {  	s4 =	ssub.s32 $0x0, s20;
	[sflag:s22] =	ssyncset.done $0x0  }
0xa0: {  	[sflag:s22] =	ssyncadd.s32 s4;
	_ =	sdelay $0x1  }
0xa1: {  	s23 =	simm.s32 $0x1B8B  }
0xa2: {  	_ =	swait.ge [sflag:s23], $0x1  }
0xa3: {  	[sflag:s23] =	ssyncset.done $0x0  }
0xa4: {  	s25 =	simm.s32 $0x1B8E;
	s24 =	sld [smem:$0x3FFE];
	[sflag:s23] =	ssyncadd.s32 $0xFFFFFFFF  }
0xa5: {  	s26 =	simm.s32 $execute0_lowered;
	[smem:$0x3FD2] =	sst s25  }
0xa6: {  	s5 =	sshll.u32 s26, $0x1;
	_ =	strace $0x8000004C;
	[dreg:$0x1] =	wrdreg $0xFFFFFFFF  }
0xa7: {  	s28 =	simm.s32 $_size_execute0_lowered;
	s3 =	sadd.s32 s3, s5;
	[dreg:$0x0] =	wrdreg $0x0  }
0xa8: {  	s5 =	sshll.u32 s28, $0x1;
	[dreg:$0x2] =	wrdreg s3  }
0xa9: {  	[dreg:$0x3] =	wrdreg s5  }
0xaa: {  	[dreg:$0x4] =	wrdreg $0xC0  }
0xab: {  	_ =	task [dreg:s7], $0x5FFFF  }
0xac: {  	[dreg:$0x1] =	wrdreg $0xFFFFFFFF  }
0xad: {  	[dreg:$0x0] =	wrdreg $0x60  }
0xae: {  	[dreg:$0x2] =	wrdreg s24  }
0xaf: {  	[dreg:$0x3] =	wrdreg s2  }
0xb0: {  	[dreg:$0x4] =	wrdreg $0x0  }
0xb1: {  	[dreg:$0x5] =	wrdreg $0x9  }
0xb2: {  	_ =	task.clear_ibuf [dreg:s7], $0x6FFFF;
	_ =	strace $0x9000004C  }
0xb3: {  	s29 =	simm.s32 $0x9;
	_ =	strace $0x8000004E  }
0xb4: {  	_ =	swait.ge [sflag:s29], $0x1  }
0xb5: {  	[sflag:s29] =	ssyncadd.s32 $0xFFFFFFFF  }
0xb6: {  	_ =	strace $0x9000004E  }
0xb7: {  	_ =	sfence  }
0xb8: {  	s30 =	sld [smem:$0x0];
	_ =	sdelay $0x2  }
0xb9: {  	s31 =	sshll.u32 s1, $0xD;
	s1 =	sshrl.u32 s1, $0x2  }
0xba: {  	s3 =	sand.u32 $0x4000, s31;
	s1 =	sadd.s32 s1, s30  }
0xbb: {  	s0 =	sor.u32 s3, s0;
	s1 =	sshll.u32 s1, $0x11  }
0xbc: {  	s0 =	sor.u32 s1, s0  }
0xbd: {  	s0 =	sadd.s32 $0x8F2B, s0  }
0xbe: {  	[sflag:s0] =	ssyncadd.remote.s32 $0x1  }
0xbf: {  	_ =	sfence.sel $0xFFFF  }
0xc0: {  	[dreg:$0x0] =	wrdreg $0xFFFFFFFF;
	(pc) =	sbr.abs _section_cstart, $3  }
0xc1: {  	[dreg:$0x1] =	wrdreg $0xFFFFFFFF  }
0xc2: {  	_ =	task.clear_ibuf [dreg:s7], $0x2FFFF;
	_ =	strace $0x9FFFFFFF  }
0xc3: {  	(tm) =	ssettm $0x7FFFFFFF  }
tec
execute0_lowered:
.L_overlay_start_1:
0x0: {  	(tag) =	ssettag $0x1  }
0x1: {  	s5 =	rddreg [dreg:$0x0]  }
0x2: {  	s9 =	rddreg [dreg:$0x1]  }
0x3: {  	s2 =	rddreg [dreg:$0x2]  }
0x4: {  	s0 =	rddreg [dreg:$0x3];
	s3 =	simm.s32 $0x0;
	s1 =	stileid.u32  }
0x5: {  	s4 =	srdreg.scid;
	s16 =	simm.s32 $0x15C00;
	s17 =	simm.s32 $0x50  }
0x6: {  	s18 =	simm.s32 $0x17C00;
	s19 =	simm.s32 $0x1A400;
	s20 =	simm.s32 $0x1  }
0x7: {  	s21 =	simm.s32 $0x2;
	s22 =	simm.s32 $0x15B80;
	s23 =	simm.s32 $0x17B00  }
0x8: {  	[smem:$0x7FF] =	sst s3;
	s6 =	smul.u32 $0x13C00, s1;
	s7 =	sand.u32 $0x1, s4  }
0x9: {  	s4 =	sadd.s32 $0x51600, s5;
	s10 =	sadd.s32 $0x79400, s5;
	s12 =	smul.u32 $0x4F000, s1  }
0xa: {  	s28 =	sshll.u32 s1, $0xB;
	s29 =	sshll.u32 s1, $0x6;
	_ =	strace $0x8000004D  }
0xb: {  	s8 =	smul.u32 $0x13C000, s7;
	s24 =	ssub.s32 $0x2, s7;
	s26 =	sshll.u32 s7, $0xF  }
0xc: {  	s11 =	sshrl.u32 s6, $0x3;
	s13 =	sshrl.u32 s24, $0x1;
	s25 =	sshrl.u32 s12, $0x2  }
0xd: {  	s30 =	sor.u32 s28, s26;
	s6 =	sadd.s32 s6, s8;
	s11 =	sadd.s32 s11, s5  }
0xe: {  	s13 =	ssub.s32 s24, s13;
	s15 =	sadd.s32 s25, s2;
	s7 =	sadd.s32 s9, s30  }
0xf: {  	s31 =	sor.u32 $0x400, s30;
	s8 =	sadd.s32 s10, s30;
	s24 =	simm.s32 $0x17B80  }
0x10: {  	s25 =	simm.s32 $0x0;
	s6 =	sshrl.u32 s6, $0x3;
	s9 =	sadd.s32 s9, s31  }
0x11: {  	s10 =	sadd.s32 s10, s31;
	s12 =	smax.u32 s13, $0x1;
	s13 =	sshrl.u32 s15, $0x3  }
0x12: {  	s15 =	simm.s32 $0x13C00;
	s14 =	sadd.s32 s6, s5;
	s5 =	sadd.s32 $0x2600, s11  }
0x13: {  	s6 =	sor.u32 $0x1C03, s29;
	s11 =	sadd.s32 $0x89400, s14;
	s14 =	simm.s32 $0x3  }
.LBB2_1:
0x14: {  	[spmem:s13], [sflag:s6] =	dma.local [hbm:s5], $0x2780  }
0x15: {  	_ =	swait.ge [sflag:s14], $0x2780  }
0x16: {  	[sflag:s14] =	ssyncset.done $0x0  }
0x17: {  	[sflag:s14] =	ssyncadd.s32 $0xFFFFD880  }
0x18: {  	[bflag:$0x0] =	sbarrier.arrive $0xFFFF  }
0x19: {  	[tilespmem:s15], [sflag:$0x3] =	stream.linear.gather [hbm4b:s7+s3], $0x2000, $0x38;
	[tilespmem:$0x1CC00] =	vst v63  }
0x1a: {  	_ =	swait.ge [sflag:s14], $0x2000  }
0x1b: {  	[sflag:s14] =	ssyncset.done $0x0  }
0x1c: {  	[sflag:s14] =	ssyncadd.s32 $0xFFFFE000  }
0x1d: {  	[tilespmem:s16], [sflag:$0x3] =	stream.linear.gather [hbm4b:s8+s3], $0x2000, $0x38;
	[tilespmem:$0x1CC00] =	vst v63  }
0x1e: {  	_ =	swait.ge [sflag:s14], $0x2000  }
0x1f: {  	[sflag:s14] =	ssyncset.done $0x0  }
0x20: {  	[sflag:s14] =	ssyncadd.s32 $0xFFFFE000  }
0x21: {  	[tilespmem:s18], [sflag:$0x1] =	stream.indirect.gather [hbm4b:s4+s17], $0x80, s15, s17, $0xb8;
	[tilespmem:$0x1CC00] =	vst v63  }
0x22: {  	s26 =	simm.s32 $0x13C80  }
0x23: {  	[tilespmem:s19], [sflag:$0x2] =	stream.indirect.gather [hbm4b:s4+s17], $0x80, s26, s17, $0xb8;
	[tilespmem:$0x1CC00] =	vst v63  }
0x24: {  	_ =	swait.ge [sflag:s20], $0x2800  }
0x25: {  	[sflag:s20] =	ssyncset.done $0x0  }
0x26: {  	s29 =	simm.s32 $0x15C00;
	[sflag:s20] =	ssyncadd.s32 $0xFFFFD800  }
0x27: {  	[spmem:s2] =	stream.indirect.scatter.add.f32 [tilespmem:s18], [sflag:$0x3], $0x80, s29, s17, $0xb8;
	[tilespmem:$0x1CC00] =	vst v63  }
0x28: {  	_ =	swait.ge [sflag:s14], $0x2800  }
0x29: {  	[sflag:s14] =	ssyncset.done $0x0  }
0x2a: {  	s30 =	simm.s32 $0x13D00;
	[sflag:s14] =	ssyncadd.s32 $0xFFFFD800  }
0x2b: {  	[tilespmem:s18], [sflag:$0x1] =	stream.indirect.gather [hbm4b:s4+s17], $0x80, s30, s17, $0xb8;
	[tilespmem:$0x1CC00] =	vst v63  }
0x2c: {  	_ =	swait.ge [sflag:s21], $0x2800  }
0x2d: {  	[sflag:s21] =	ssyncset.done $0x0  }
0x2e: {  	s31 =	simm.s32 $0x15C80;
	[sflag:s21] =	ssyncadd.s32 $0xFFFFD800  }
0x2f: {  	[spmem:s2] =	stream.indirect.scatter.add.f32 [tilespmem:s19], [sflag:$0x3], $0x80, s31, s17, $0xb8;
	[tilespmem:$0x1CC00] =	vst v63  }
0x30: {  	_ =	swait.ge [sflag:s14], $0x2800  }
0x31: {  	s28 =	simm.s32 $0x800;
	s26 =	simm.s32 $0x100;
	[sflag:s14] =	ssyncset.done $0x0  }
.LBB2_2:
0x32: {  	s29 =	sadd.s32 $0x13C80, s26  }
0x33: {  	[sflag:s14] =	ssyncadd.s32 $0xFFFFD800;
	s30 =	smov.u32 s28;
	s31 =	sadd.s32 $0x400, s28  }
0x34: {  	[tilespmem:s19], [sflag:$0x2] =	stream.indirect.gather [hbm4b:s4+s17], $0x80, s29, s17, $0xb8;
	[tilespmem:$0x1CC00] =	vst v63  }
0x35: {  	p0 =	sne.s32 s28, $0x7800;
	_ =	swait.ge [sflag:s20], $0x2800  }
0x36: {  	[sflag:s20] =	ssyncset.done $0x0  }
0x37: {  	s28 =	sadd.s32 $0x15C00, s26;
	[sflag:s20] =	ssyncadd.s32 $0xFFFFD800  }
0x38: {  	[spmem:s2] =	stream.indirect.scatter.add.f32 [tilespmem:s18], [sflag:$0x3], $0x80, s28, s17, $0xb8;
	[tilespmem:$0x1CC00] =	vst v63  }
0x39: {  	_ =	swait.ge [sflag:s14], $0x2800  }
0x3a: {  	[sflag:s14] =	ssyncset.done $0x0  }
0x3b: {  	s28 =	sadd.s32 $0x13D00, s26;
	[sflag:s14] =	ssyncadd.s32 $0xFFFFD800  }
0x3c: {  	[tilespmem:s18], [sflag:$0x1] =	stream.indirect.gather [hbm4b:s4+s17], $0x80, s28, s17, $0xb8;
	[tilespmem:$0x1CC00] =	vst v63  }
0x3d: {  	_ =	swait.ge [sflag:s21], $0x2800  }
.Ltmp0:
0x3e: {  	[sflag:s21] =	ssyncset.done $0x0;
	(pc) =	sbr.rel @p0 .LBB2_2-.Ltmp0, $4  }
0x3f: {  	s26 =	sadd.s32 $0x15C80, s26;
	[sflag:s21] =	ssyncadd.s32 $0xFFFFD800  }
0x40: {  	[spmem:s2] =	stream.indirect.scatter.add.f32 [tilespmem:s19], [sflag:$0x3], $0x80, s26, s17, $0xb8;
	[tilespmem:$0x1CC00] =	vst v63  }
0x41: {  	_ =	swait.ge [sflag:s14], $0x2800  }
0x42: {  	s28 =	smov.u32 s31;
	s26 =	sshra.s32 s30, $0x2;
	[sflag:s14] =	ssyncset.done $0x0  }
0x43: {  	s28 =	sadd.s32 $0x13C80, s26;
	[sflag:s14] =	ssyncadd.s32 $0xFFFFD800  }
0x44: {  	[tilespmem:s19], [sflag:$0x2] =	stream.indirect.gather [hbm4b:s4+s17], $0x80, s28, s17, $0xb8;
	[tilespmem:$0x1CC00] =	vst v63  }
0x45: {  	_ =	swait.ge [sflag:s20], $0x2800  }
0x46: {  	[sflag:s20] =	ssyncset.done $0x0  }
0x47: {  	s28 =	sadd.s32 $0x15C00, s26;
	[sflag:s20] =	ssyncadd.s32 $0xFFFFD800  }
0x48: {  	[spmem:s2] =	stream.indirect.scatter.add.f32 [tilespmem:s18], [sflag:$0x3], $0x80, s28, s17, $0xb8;
	[tilespmem:$0x1CC00] =	vst v63  }
0x49: {  	_ =	swait.ge [sflag:s14], $0x2800  }
0x4a: {  	[sflag:s14] =	ssyncset.done $0x0  }
0x4b: {  	s28 =	sadd.s32 $0x13D00, s26;
	[sflag:s14] =	ssyncadd.s32 $0xFFFFD800  }
0x4c: {  	[tilespmem:s18], [sflag:$0x1] =	stream.indirect.gather [hbm4b:s4+s17], $0x80, s28, s17, $0xb8;
	[tilespmem:$0x1CC00] =	vst v63  }
0x4d: {  	_ =	swait.ge [sflag:s21], $0x2800  }
0x4e: {  	[sflag:s21] =	ssyncset.done $0x0  }
0x4f: {  	s29 =	sadd.s32 $0x15C80, s26;
	[sflag:s21] =	ssyncadd.s32 $0xFFFFD800  }
0x50: {  	[spmem:s2] =	stream.indirect.scatter.add.f32 [tilespmem:s19], [sflag:$0x3], $0x80, s29, s17, $0xb8;
	[tilespmem:$0x1CC00] =	vst v63  }
0x51: {  	_ =	swait.ge [sflag:s14], $0x2800  }
0x52: {  	[sflag:s14] =	ssyncset.done $0x0  }
0x53: {  	[sflag:s14] =	ssyncadd.s32 $0xFFFFD800  }
0x54: {  	[tilespmem:s19], [sflag:$0x2] =	stream.indirect.gather [hbm4b:s4+s17], $0x80, s22, s17, $0xb8;
	[tilespmem:$0x1CC00] =	vst v63  }
0x55: {  	_ =	swait.ge [sflag:s20], $0x2800  }
0x56: {  	[sflag:s20] =	ssyncset.done $0x0  }
0x57: {  	[sflag:s20] =	ssyncadd.s32 $0xFFFFD800  }
0x58: {  	[spmem:s2] =	stream.indirect.scatter.add.f32 [tilespmem:s18], [sflag:$0x3], $0x80, s23, s17, $0xb8;
	[tilespmem:$0x1CC00] =	vst v63  }
0x59: {  	_ =	swait.ge [sflag:s14], $0x2800  }
0x5a: {  	[sflag:s14] =	ssyncset.done $0x0  }
0x5b: {  	[sflag:s14] =	ssyncadd.s32 $0xFFFFD800  }
0x5c: {  	_ =	swait.ge [sflag:s21], $0x2800  }
0x5d: {  	[sflag:s21] =	ssyncset.done $0x0  }
0x5e: {  	[sflag:s21] =	ssyncadd.s32 $0xFFFFD800  }
0x5f: {  	[spmem:s2] =	stream.indirect.scatter.add.f32 [tilespmem:s19], [sflag:$0x3], $0x80, s24, s17, $0xb8;
	[tilespmem:$0x1CC00] =	vst v63  }
0x60: {  	_ =	swait.ge [sflag:s14], $0x2800  }
0x61: {  	[sflag:s14] =	ssyncset.done $0x0  }
0x62: {  	s30 =	simm.s32 $0x0;
	[sflag:s14] =	ssyncadd.s32 $0xFFFFD800  }
0x63: {  	[tilespmem:s15], [sflag:$0x3] =	stream.linear.gather [hbm4b:s9+s30], $0x2000, $0x38;
	[tilespmem:$0x1CC00] =	vst v63  }
0x64: {  	_ =	swait.ge [sflag:s14], $0x2000  }
0x65: {  	[sflag:s14] =	ssyncset.done $0x0  }
0x66: {  	[sflag:s14] =	ssyncadd.s32 $0xFFFFE000  }
0x67: {  	[tilespmem:s16], [sflag:$0x3] =	stream.linear.gather [hbm4b:s10+s30], $0x2000, $0x38;
	[tilespmem:$0x1CC00] =	vst v63  }
0x68: {  	_ =	swait.ge [sflag:s14], $0x2000  }
0x69: {  	[sflag:s14] =	ssyncset.done $0x0  }
0x6a: {  	[sflag:s14] =	ssyncadd.s32 $0xFFFFE000  }
0x6b: {  	[tilespmem:s18], [sflag:$0x1] =	stream.indirect.gather [hbm4b:s4+s17], $0x80, s15, s17, $0xb8;
	[tilespmem:$0x1CC00] =	vst v63  }
0x6c: {  	s31 =	simm.s32 $0x13C80  }
0x6d: {  	[tilespmem:s19], [sflag:$0x2] =	stream.indirect.gather [hbm4b:s4+s17], $0x80, s31, s17, $0xb8;
	[tilespmem:$0x1CC00] =	vst v63  }
0x6e: {  	_ =	swait.ge [sflag:s20], $0x2800  }
0x6f: {  	[sflag:s20] =	ssyncset.done $0x0  }
0x70: {  	s29 =	simm.s32 $0x15C00;
	[sflag:s20] =	ssyncadd.s32 $0xFFFFD800  }
0x71: {  	[spmem:s2] =	stream.indirect.scatter.add.f32 [tilespmem:s18], [sflag:$0x3], $0x80, s29, s17, $0xb8;
	[tilespmem:$0x1CC00] =	vst v63  }
0x72: {  	_ =	swait.ge [sflag:s14], $0x2800  }
0x73: {  	[sflag:s14] =	ssyncset.done $0x0  }
0x74: {  	s30 =	simm.s32 $0x13D00;
	[sflag:s14] =	ssyncadd.s32 $0xFFFFD800  }
0x75: {  	[tilespmem:s18], [sflag:$0x1] =	stream.indirect.gather [hbm4b:s4+s17], $0x80, s30, s17, $0xb8;
	[tilespmem:$0x1CC00] =	vst v63  }
0x76: {  	_ =	swait.ge [sflag:s21], $0x2800  }
0x77: {  	[sflag:s21] =	ssyncset.done $0x0  }
0x78: {  	s31 =	simm.s32 $0x15C80;
	[sflag:s21] =	ssyncadd.s32 $0xFFFFD800  }
0x79: {  	[spmem:s2] =	stream.indirect.scatter.add.f32 [tilespmem:s19], [sflag:$0x3], $0x80, s31, s17, $0xb8;
	[tilespmem:$0x1CC00] =	vst v63  }
0x7a: {  	_ =	swait.ge [sflag:s14], $0x2800  }
0x7b: {  	s26 =	simm.s32 $0x100;
	s28 =	simm.s32 $0x800;
	[sflag:s14] =	ssyncset.done $0x0  }
.LBB2_4:
0x7c: {  	s29 =	sadd.s32 $0x13C80, s26  }
0x7d: {  	[sflag:s14] =	ssyncadd.s32 $0xFFFFD800;
	s30 =	smov.u32 s28;
	s31 =	sadd.s32 $0x400, s28  }
0x7e: {  	[tilespmem:s19], [sflag:$0x2] =	stream.indirect.gather [hbm4b:s4+s17], $0x80, s29, s17, $0xb8;
	[tilespmem:$0x1CC00] =	vst v63  }
0x7f: {  	p0 =	sne.s32 s28, $0x7800;
	_ =	swait.ge [sflag:s20], $0x2800  }
0x80: {  	[sflag:s20] =	ssyncset.done $0x0  }
0x81: {  	s28 =	sadd.s32 $0x15C00, s26;
	[sflag:s20] =	ssyncadd.s32 $0xFFFFD800  }
0x82: {  	[spmem:s2] =	stream.indirect.scatter.add.f32 [tilespmem:s18], [sflag:$0x3], $0x80, s28, s17, $0xb8;
	[tilespmem:$0x1CC00] =	vst v63  }
0x83: {  	_ =	swait.ge [sflag:s14], $0x2800  }
0x84: {  	[sflag:s14] =	ssyncset.done $0x0  }
0x85: {  	s28 =	sadd.s32 $0x13D00, s26;
	[sflag:s14] =	ssyncadd.s32 $0xFFFFD800  }
0x86: {  	[tilespmem:s18], [sflag:$0x1] =	stream.indirect.gather [hbm4b:s4+s17], $0x80, s28, s17, $0xb8;
	[tilespmem:$0x1CC00] =	vst v63  }
0x87: {  	_ =	swait.ge [sflag:s21], $0x2800  }
.Ltmp1:
0x88: {  	[sflag:s21] =	ssyncset.done $0x0;
	(pc) =	sbr.rel @p0 .LBB2_4-.Ltmp1, $4  }
0x89: {  	s26 =	sadd.s32 $0x15C80, s26;
	[sflag:s21] =	ssyncadd.s32 $0xFFFFD800  }
0x8a: {  	[spmem:s2] =	stream.indirect.scatter.add.f32 [tilespmem:s19], [sflag:$0x3], $0x80, s26, s17, $0xb8;
	[tilespmem:$0x1CC00] =	vst v63  }
0x8b: {  	_ =	swait.ge [sflag:s14], $0x2800  }
0x8c: {  	s28 =	smov.u32 s31;
	s26 =	sshra.s32 s30, $0x2;
	[sflag:s14] =	ssyncset.done $0x0  }
0x8d: {  	s28 =	sadd.s32 $0x13C80, s26;
	[sflag:s14] =	ssyncadd.s32 $0xFFFFD800  }
0x8e: {  	[tilespmem:s19], [sflag:$0x2] =	stream.indirect.gather [hbm4b:s4+s17], $0x80, s28, s17, $0xb8;
	[tilespmem:$0x1CC00] =	vst v63  }
0x8f: {  	_ =	swait.ge [sflag:s20], $0x2800  }
0x90: {  	[sflag:s20] =	ssyncset.done $0x0  }
0x91: {  	s29 =	sadd.s32 $0x15C00, s26;
	[sflag:s20] =	ssyncadd.s32 $0xFFFFD800  }
0x92: {  	[spmem:s2] =	stream.indirect.scatter.add.f32 [tilespmem:s18], [sflag:$0x3], $0x80, s29, s17, $0xb8;
	[tilespmem:$0x1CC00] =	vst v63  }
0x93: {  	_ =	swait.ge [sflag:s14], $0x2800  }
0x94: {  	[sflag:s14] =	ssyncset.done $0x0  }
0x95: {  	s30 =	sadd.s32 $0x13D00, s26;
	[sflag:s14] =	ssyncadd.s32 $0xFFFFD800  }
0x96: {  	[tilespmem:s18], [sflag:$0x1] =	stream.indirect.gather [hbm4b:s4+s17], $0x80, s30, s17, $0xb8;
	[tilespmem:$0x1CC00] =	vst v63  }
0x97: {  	_ =	swait.ge [sflag:s21], $0x2800  }
0x98: {  	[sflag:s21] =	ssyncset.done $0x0  }
0x99: {  	s31 =	sadd.s32 $0x15C80, s26;
	[sflag:s21] =	ssyncadd.s32 $0xFFFFD800  }
0x9a: {  	[spmem:s2] =	stream.indirect.scatter.add.f32 [tilespmem:s19], [sflag:$0x3], $0x80, s31, s17, $0xb8;
	[tilespmem:$0x1CC00] =	vst v63  }
0x9b: {  	_ =	swait.ge [sflag:s14], $0x2800  }
0x9c: {  	[sflag:s14] =	ssyncset.done $0x0  }
0x9d: {  	[sflag:s14] =	ssyncadd.s32 $0xFFFFD800  }
0x9e: {  	[tilespmem:s19], [sflag:$0x2] =	stream.indirect.gather [hbm4b:s4+s17], $0x80, s22, s17, $0xb8;
	[tilespmem:$0x1CC00] =	vst v63  }
0x9f: {  	_ =	swait.ge [sflag:s20], $0x2800  }
0xa0: {  	[sflag:s20] =	ssyncset.done $0x0  }
0xa1: {  	[sflag:s20] =	ssyncadd.s32 $0xFFFFD800  }
0xa2: {  	[spmem:s2] =	stream.indirect.scatter.add.f32 [tilespmem:s18], [sflag:$0x3], $0x80, s23, s17, $0xb8;
	[tilespmem:$0x1CC00] =	vst v63  }
0xa3: {  	_ =	swait.ge [sflag:s14], $0x2800  }
0xa4: {  	[sflag:s14] =	ssyncset.done $0x0  }
0xa5: {  	[sflag:s14] =	ssyncadd.s32 $0xFFFFD800  }
0xa6: {  	_ =	swait.ge [sflag:s21], $0x2800  }
0xa7: {  	[sflag:s21] =	ssyncset.done $0x0  }
0xa8: {  	[sflag:s21] =	ssyncadd.s32 $0xFFFFD800  }
0xa9: {  	[spmem:s2] =	stream.indirect.scatter.add.f32 [tilespmem:s19], [sflag:$0x3], $0x80, s24, s17, $0xb8;
	[tilespmem:$0x1CC00] =	vst v63  }
0xaa: {  	_ =	swait.ge [sflag:s14], $0x2800  }
0xab: {  	s25 =	sadd.s32 $0x1, s25;
	[sflag:s14] =	ssyncset.done $0x0  }
0xac: {  	p0 =	sne.s32 s25, s12;
	[sflag:s14] =	ssyncadd.s32 $0xFFFFD800  }
.Ltmp2:
0xad: {  	[bflag:$0x0] =	sbarrier.arrive $0xFFFF;
	(pc) =	sbr.rel @p0 .LBB2_1-.Ltmp2, $4  }
0xae: {  	[hbm:s11], [sflag:s6] =	dma.local [spmem:s13], $0x2780  }
0xaf: {  	_ =	swait.ge [sflag:s14], $0x2780  }
0xb0: {  	[sflag:s14] =	ssyncset.done $0x0  }
0xb1: {  	[sflag:s14] =	ssyncadd.s32 $0xFFFFD880  }
0xb2: {  	_ =	sfence.sel $0x180000  }
0xb3: {  	[bflag:$0x0] =	sbarrier.arrive $0xFFFF  }
0xb4: {  	p0 =	sne.s32 s1, $0x0;
	_ =	strace $0x9000004D  }
0xb5: {  	s0 =	sadd.s32 @!p0 $0x100000, s0;
	[bflag:$0x2] =	sbarrier.arrive $0xFFFF  }
0xb6: {  	[sflag:s0] =	ssyncadd.tile.s32 @!p0 $0x1;
	_ =	shalt  }
.Lfunc_end2:
_tile_overlayer_lowered:
.L_overlay_start_2:
0xb7: {  	(tag) =	ssettag $0x2  }
0xb8: {  	s0 =	rddreg [dreg:$0x0];
	s2 =	stileid.u32  }
0xb9: {  	s1 =	rddreg [dreg:$0x1];
	p0 =	sne.s32 s2, $0x0  }
0xba: {  	s3 =	rddreg [dreg:$0x2];
	[bflag:$0x3] =	sbarrier.arrive $0xFFFF;
	s2 =	simm.s32 @!p0 $0x1C03  }
0xbb: {  	[timem:s3], [sflag:s2] =	dma.local @!p0 [hbm:s0], s1  }
0xbc: {  	s0 =	simm.s32 @!p0 $0x3  }
0xbd: {  	_ =	swait.ge @!p0 [sflag:s0], s1  }
0xbe: {  	s1 =	ssub.s32 @!p0 $0x0, s1;
	[sflag:s0] =	ssyncset.done @!p0 $0x0  }
0xbf: {  	[sflag:s0] =	ssyncadd.s32 @!p0 s1  }
0xc0: {  	[bflag:$0x3] =	sbarrier.arrive $0xFFFF  }
0xc1: {  	_ =	shalt  }

// kernel: kernel.20.cloned.1.call-start
scs
__scs_entry_jumppad:
0x0: {  	(pc) =	sbr.rel $0x88, $3  }
0x1: {  	(tag) =	ssettag $0x0;
	lr =	simm.s32 $0x1  }
0x2: {  	[smem:$0x3F9B] =	sst lr;
	_ =	strace $0xD0000000  }
0x3: {  	_ = 	snop  }
0x4: {  	_ = 	snop  }
0x5: {  	_ = 	snop  }
0x6: {  	_ = 	snop  }
0x7: {  	_ = 	snop  }
__scs_overlays_trampoline_lowered:
0x8: {  	[smem:$0x3FAA] =	sst s0  }
0x9: {  	[smem:$0x3FAB] =	sst s1  }
0xa: {  	[smem:$0x3FAC] =	sst s2  }
0xb: {  	[smem:$0x3FAD] =	sst s3  }
0xc: {  	[smem:$0x3FAE] =	sst s4  }
0xd: {  	[smem:$0x3FAF] =	sst s5  }
0xe: {  	[smem:$0x3FB0] =	sst s6  }
0xf: {  	[smem:$0x3FB1] =	sst s7  }
0x10: {  	[smem:$0x3FB2] =	sst s8  }
0x11: {  	[smem:$0x3FB3] =	sst s9;
	s0 =	simm.s32 @!p0 $0x0  }
0x12: {  	s1 =	sld [smem:$0x3F99];
	s0 =	simm.s32 @p0 $0x1  }
0x13: {  	[smem:$0x3FB4] =	sst s0;
	s0 =	simm.s32 @!p1 $0x0  }
0x14: {  	s2 =	sld [smem:$0x3F98];
	s0 =	simm.s32 @p1 $0x1  }
0x15: {  	[smem:$0x3FB5] =	sst s0;
	s0 =	simm.s32 @!p2 $0x0  }
0x16: {  	s3 =	sld [smem:$0x3FDB];
	s0 =	simm.s32 @p2 $0x1  }
0x17: {  	s4 =	simm.s32 $0x1BF5;
	[smem:$0x3FB7] =	sst s0  }
0x18: {  	s0 =	sld [smem:$0x3F9A];
	_ =	swait.ge [sflag:s4], $0x0  }
0x19: {  	s7 =	sld [smem:$0x3F9B]  }
0x1a: {  	s8 =	sadd.s32 $0xFFFFE003, lr  }
0x1b: {  	s9 =	sadd.s32 $0xFFFFFEF7, lr;
	s5 =	simm.s32 $0xFFFFFFFF;
	p2 =	slt.u32 s8, $0xFFFFF086  }
0x1c: {  	p1 =	slt.u32 s9, $0xF7A;
	s5 =	simm.s32 @!p2 $0x0  }
0x1d: {  	s5 =	simm.s32 @p1 $0x1;
	p0 =	seq.s32 s7, s2  }
0x1e: {  	s7 =	smul.u32 @!p0 $0xF7A, s2;
	p2 =	seq.s32 @!p0 s5, $0x0  }
0x1f: {  	s9 =	smul.u32 $0xF7A, s1;
	s8 =	simm.s32 @!p0 $0x1BF5;
	p2 =	por !p2, p0  }
0x20: {  	[sflag:s8] =	ssyncset.s32 @!p0 $0xFFFFF086;
	s6 =	sadd.s32 @!p0 s3, s7;
	s7 =	simm.s32 @!p0 $0x108  }
0x21: {  	s3 =	sadd.s32 s3, s9;
	s6 =	sadd.s32 @!p0 $0x88, s6;
	s7 =	simm.s32 @p2 $0x1082  }
0x22: {  	[simem:s7], [sflag:s8] =	dma.local @!p0 [hbm:s6], $0xF7A  }
0x23: {  	s9 =	sor.u32 $0xD0000000, s2;
	s6 =	simm.s32 $0x108;
	_ =	swait.ge @!p0 [sflag:s8], $0x0  }
0x24: {  	s3 =	sadd.s32 $0x88, s3;
	s6 =	simm.s32 @!p1 $0x1082;
	[sflag:s4] =	ssyncset.s32 $0xFFFFF086  }
0x25: {  	[simem:s6], [sflag:s4] =	dma.local [hbm:s3], $0xF7A  }
0x26: {  	[smem:$0x3F9B] =	sst s1;
	(tag) =	ssettag s2;
	_ =	strace s9  }
0x27: {  	s1 =	sld [smem:$0x3FAB]  }
0x28: {  	s2 =	sld [smem:$0x3FAC]  }
0x29: {  	s4 =	sld [smem:$0x3FAE]  }
0x2a: {  	p0 =	seq.s32 s5, $0x0;
	s5 =	sld [smem:$0x3FAF]  }
0x2b: {  	s6 =	sld [smem:$0x3FB0]  }
0x2c: {  	s7 =	sld [smem:$0x3FB1]  }
0x2d: {  	s3 =	simm.s32 $0x108;
	s8 =	sld [smem:$0x3FB2]  }
0x2e: {  	s3 =	simm.s32 @!p0 $0x1082;
	s9 =	sld [smem:$0x3FB3]  }
0x2f: {  	lr =	sadd.s32 s0, s3;
	s0 =	sld [smem:$0x3FAA]  }
0x30: {  	s3 =	sld [smem:$0x3FAD]  }
0x31: {  	[smem:$0x3FB6] =	sst s10  }
0x32: {  	s10 =	sld [smem:$0x3FB4];
	_ =	sdelay $0x3  }
0x33: {  	p0 =	seq.s32 s10, $0x1;
	s10 =	sld [smem:$0x3FB6];
	_ =	sdelay $0x3  }
0x34: {  	[smem:$0x3FB6] =	sst s10  }
0x35: {  	s10 =	sld [smem:$0x3FB5];
	_ =	sdelay $0x3  }
0x36: {  	p1 =	seq.s32 s10, $0x1;
	s10 =	sld [smem:$0x3FB6];
	_ =	sdelay $0x3  }
0x37: {  	[smem:$0x3FB6] =	sst s10  }
0x38: {  	s10 =	sld [smem:$0x3FB7]  }
0x39: {  	_ = 	snop;
	(pc) =	sbr.ind lr, $3  }
0x3a: {  	_ = 	snop  }
0x3b: {  	_ = 	snop  }
0x3c: {  	p2 =	seq.s32 s10, $0x1;
	s10 =	sld [smem:$0x3FB6]  }
0x3d: {  	_ =	shalt  }
0x3e: {  	_ =	shalt  }
0x3f: {  	_ =	shalt  }
0x40: {  	_ =	shalt  }
0x41: {  	_ =	shalt  }
0x42: {  	_ =	shalt  }
0x43: {  	_ =	shalt  }
0x44: {  	_ =	shalt  }
0x45: {  	_ =	shalt  }
0x46: {  	_ =	shalt  }
0x47: {  	_ =	shalt  }
0x48: {  	_ =	shalt  }
0x49: {  	_ =	shalt  }
0x4a: {  	_ =	shalt  }
0x4b: {  	_ =	shalt  }
0x4c: {  	_ =	shalt  }
0x4d: {  	_ =	shalt  }
0x4e: {  	_ =	shalt  }
0x4f: {  	_ =	shalt  }
0x50: {  	_ =	shalt  }
0x51: {  	_ =	shalt  }
0x52: {  	_ =	shalt  }
0x53: {  	_ =	shalt  }
0x54: {  	_ =	shalt  }
0x55: {  	_ =	shalt  }
0x56: {  	_ =	shalt  }
0x57: {  	_ =	shalt  }
0x58: {  	_ =	shalt  }
0x59: {  	_ =	shalt  }
0x5a: {  	_ =	shalt  }
0x5b: {  	_ =	shalt  }
0x5c: {  	_ =	shalt  }
0x5d: {  	_ =	shalt  }
0x5e: {  	_ =	shalt  }
0x5f: {  	_ =	shalt  }
0x60: {  	_ =	shalt  }
0x61: {  	_ =	shalt  }
0x62: {  	_ =	shalt  }
0x63: {  	_ =	shalt  }
0x64: {  	_ =	shalt  }
0x65: {  	_ =	shalt  }
0x66: {  	_ =	shalt  }
0x67: {  	_ =	shalt  }
0x68: {  	_ =	shalt  }
0x69: {  	_ =	shalt  }
0x6a: {  	_ =	shalt  }
0x6b: {  	_ =	shalt  }
0x6c: {  	_ =	shalt  }
0x6d: {  	_ =	shalt  }
0x6e: {  	_ =	shalt  }
0x6f: {  	_ =	shalt  }
0x70: {  	_ =	shalt  }
0x71: {  	_ =	shalt  }
0x72: {  	_ =	shalt  }
0x73: {  	_ =	shalt  }
0x74: {  	_ =	shalt  }
0x75: {  	_ =	shalt  }
0x76: {  	_ =	shalt  }
0x77: {  	_ =	shalt  }
0x78: {  	_ =	shalt  }
0x79: {  	_ =	shalt  }
0x7a: {  	_ =	shalt  }
0x7b: {  	_ =	shalt  }
0x7c: {  	_ =	shalt  }
0x7d: {  	_ =	shalt  }
0x7e: {  	_ =	shalt  }
0x7f: {  	_ =	shalt  }
0x80: {  	_ =	shalt  }
0x81: {  	_ =	shalt  }
0x82: {  	_ =	shalt  }
0x83: {  	_ =	shalt  }
0x84: {  	_ =	shalt  }
0x85: {  	_ =	shalt  }
0x86: {  	_ =	shalt  }
0x87: {  	_ =	shalt  }
.Lfunc_end0:
.L_simem_size_0:
called_computation.3_lowered:
.L_overlay_start_0:
0x88: {  	s2 =	sld [smem:$0x3FD9]  }
0x89: {  	s3 =	sld [smem:$0x3FFE];
	_ =	sdelay $0x1  }
0x8a: {  	s1 =	srdreg.scid  }
0x8b: {  	s0 =	sand.u32 $0x1, s1  }
0x8c: {  	s17 =	sshll.u32 s0, $0xA;
	s2 =	sadd.s32 s3, s2  }
0x8d: {  	s2 =	sadd.s32 s2, s17  }
0x8e: {  	[smem:$0x3FC2] =	sst s2  }
0x8f: {  	_ = 	snop  }
0x90: {  	s2 =	sld [smem:$0x3FD0];
	(tm) =	ssettm $0x1  }
0x91: {  	s18 =	sld [smem:$0x3FFB];
	_ =	sdelay $0x3  }
0x92: {  	_ =	strace s18  }
0x93: {  	s3 =	sld [smem:$0x3FFC];
	_ =	sdelay $0x3  }
0x94: {  	_ =	strace s3  }
0x95: {  	s3 =	sld [smem:$0x3FFD];
	_ =	sdelay $0x3  }
0x96: {  	_ =	strace s3  }
0x97: {  	_ =	strace $0x8FFFFFFF  }
0x98: {  	s19 =	sld [smem:$0x3FDB];
	_ =	sdelay $0x1  }
0x99: {  	s4 =	simm.s32 $_scs_section_size  }
0x9a: {  	s5 =	simm.s32 $_size__tile_overlayer_lowered;
	s6 =	simm.s32 $_tile_overlayer_lowered  }
0x9b: {  	s22 =	simm.s32 $0x1BFF;
	s21 =	sshll.u32 s6, $0x1;
	s3 =	sadd.s32 s4, s19  }
0x9c: {  	s7 =	simm.s32 $0x0;
	s20 =	sshll.u32 s5, $0x1;
	s5 =	sadd.s32 s21, s3  }
0x9d: {  	[timem:s7], [sflag:s22] =	dma.local [hbm:s5], s20  }
0x9e: {  	_ =	swait.ge [sflag:s22], s20  }
0x9f: {  	s4 =	ssub.s32 $0x0, s20;
	[sflag:s22] =	ssyncset.done $0x0  }
0xa0: {  	[sflag:s22] =	ssyncadd.s32 s4;
	_ =	sdelay $0x1  }
0xa1: {  	s23 =	simm.s32 $0x1B8B  }
0xa2: {  	_ =	swait.ge [sflag:s23], $0x1  }
0xa3: {  	[sflag:s23] =	ssyncset.done $0x0  }
0xa4: {  	s25 =	simm.s32 $0x1B8E;
	s24 =	sld [smem:$0x3FFE];
	[sflag:s23] =	ssyncadd.s32 $0xFFFFFFFF  }
0xa5: {  	s26 =	simm.s32 $execute0_lowered;
	[smem:$0x3FD2] =	sst s25  }
0xa6: {  	s5 =	sshll.u32 s26, $0x1;
	_ =	strace $0x8000004F;
	[dreg:$0x1] =	wrdreg $0xFFFFFFFF  }
0xa7: {  	s28 =	simm.s32 $_size_execute0_lowered;
	s3 =	sadd.s32 s3, s5;
	[dreg:$0x0] =	wrdreg $0x0  }
0xa8: {  	s5 =	sshll.u32 s28, $0x1;
	[dreg:$0x2] =	wrdreg s3  }
0xa9: {  	[dreg:$0x3] =	wrdreg s5  }
0xaa: {  	[dreg:$0x4] =	wrdreg $0xC0  }
0xab: {  	_ =	task [dreg:s7], $0x5FFFF  }
0xac: {  	[dreg:$0x1] =	wrdreg $0xFFFFFFFF  }
0xad: {  	[dreg:$0x0] =	wrdreg $0x60  }
0xae: {  	[dreg:$0x2] =	wrdreg s24  }
0xaf: {  	[dreg:$0x3] =	wrdreg s2  }
0xb0: {  	[dreg:$0x4] =	wrdreg $0x0  }
0xb1: {  	[dreg:$0x5] =	wrdreg $0x9  }
0xb2: {  	_ =	task.clear_ibuf [dreg:s7], $0x6FFFF;
	_ =	strace $0x9000004F  }
0xb3: {  	s29 =	simm.s32 $0x9;
	_ =	strace $0x80000051  }
0xb4: {  	_ =	swait.ge [sflag:s29], $0x1  }
0xb5: {  	[sflag:s29] =	ssyncadd.s32 $0xFFFFFFFF  }
0xb6: {  	_ =	strace $0x90000051  }
0xb7: {  	_ =	sfence  }
0xb8: {  	s30 =	sld [smem:$0x0];
	_ =	sdelay $0x2  }
0xb9: {  	s31 =	sshll.u32 s1, $0xD;
	s1 =	sshrl.u32 s1, $0x2  }
0xba: {  	s3 =	sand.u32 $0x4000, s31;
	s1 =	sadd.s32 s1, s30  }
0xbb: {  	s0 =	sor.u32 s3, s0;
	s1 =	sshll.u32 s1, $0x11  }
0xbc: {  	s0 =	sor.u32 s1, s0  }
0xbd: {  	s0 =	sadd.s32 $0x8F2B, s0  }
0xbe: {  	[sflag:s0] =	ssyncadd.remote.s32 $0x1  }
0xbf: {  	_ =	sfence.sel $0xFFFF  }
0xc0: {  	[dreg:$0x0] =	wrdreg $0xFFFFFFFF;
	(pc) =	sbr.abs _section_cstart, $3  }
0xc1: {  	[dreg:$0x1] =	wrdreg $0xFFFFFFFF  }
0xc2: {  	_ =	task.clear_ibuf [dreg:s7], $0x2FFFF;
	_ =	strace $0x9FFFFFFF  }
0xc3: {  	(tm) =	ssettm $0x7FFFFFFF  }
tec
execute0_lowered:
.L_overlay_start_1:
0x0: {  	(tag) =	ssettag $0x1  }
0x1: {  	s5 =	rddreg [dreg:$0x0]  }
0x2: {  	s9 =	rddreg [dreg:$0x1]  }
0x3: {  	s2 =	rddreg [dreg:$0x2]  }
0x4: {  	s0 =	rddreg [dreg:$0x3];
	s3 =	simm.s32 $0x0;
	s1 =	stileid.u32  }
0x5: {  	s4 =	srdreg.scid;
	s16 =	simm.s32 $0x15C00;
	s17 =	simm.s32 $0x50  }
0x6: {  	s18 =	simm.s32 $0x17C00;
	s19 =	simm.s32 $0x1A400;
	s20 =	simm.s32 $0x1  }
0x7: {  	s21 =	simm.s32 $0x2;
	s22 =	simm.s32 $0x15B80;
	s23 =	simm.s32 $0x17B00  }
0x8: {  	[smem:$0x7FF] =	sst s3;
	s6 =	smul.u32 $0x13C00, s1;
	s7 =	sand.u32 $0x1, s4  }
0x9: {  	s4 =	sadd.s32 $0x51600, s5;
	s10 =	sadd.s32 $0x79400, s5;
	s12 =	smul.u32 $0x4F000, s1  }
0xa: {  	s28 =	sshll.u32 s1, $0xB;
	s29 =	sshll.u32 s1, $0x6;
	_ =	strace $0x80000050  }
0xb: {  	s8 =	smul.u32 $0x13C000, s7;
	s24 =	ssub.s32 $0x2, s7;
	s26 =	sshll.u32 s7, $0xF  }
0xc: {  	s11 =	sshrl.u32 s6, $0x3;
	s13 =	sshrl.u32 s24, $0x1;
	s25 =	sshrl.u32 s12, $0x2  }
0xd: {  	s30 =	sor.u32 s28, s26;
	s6 =	sadd.s32 s6, s8;
	s11 =	sadd.s32 s11, s5  }
0xe: {  	s13 =	ssub.s32 s24, s13;
	s15 =	sadd.s32 s25, s2;
	s7 =	sadd.s32 s9, s30  }
0xf: {  	s31 =	sor.u32 $0x400, s30;
	s8 =	sadd.s32 s10, s30;
	s24 =	simm.s32 $0x17B80  }
0x10: {  	s25 =	simm.s32 $0x0;
	s6 =	sshrl.u32 s6, $0x3;
	s9 =	sadd.s32 s9, s31  }
0x11: {  	s10 =	sadd.s32 s10, s31;
	s12 =	smax.u32 s13, $0x1;
	s13 =	sshrl.u32 s15, $0x3  }
0x12: {  	s15 =	simm.s32 $0x13C00;
	s14 =	sadd.s32 s6, s5;
	s5 =	sadd.s32 $0x2600, s11  }
0x13: {  	s6 =	sor.u32 $0x1C03, s29;
	s11 =	sadd.s32 $0x89400, s14;
	s14 =	simm.s32 $0x3  }
.LBB2_1:
0x14: {  	[spmem:s13], [sflag:s6] =	dma.local [hbm:s5], $0x2780  }
0x15: {  	_ =	swait.ge [sflag:s14], $0x2780  }
0x16: {  	[sflag:s14] =	ssyncset.done $0x0  }
0x17: {  	[sflag:s14] =	ssyncadd.s32 $0xFFFFD880  }
0x18: {  	[bflag:$0x0] =	sbarrier.arrive $0xFFFF  }
0x19: {  	[tilespmem:s15], [sflag:$0x3] =	stream.linear.gather [hbm4b:s7+s3], $0x2000, $0x38;
	[tilespmem:$0x1CC00] =	vst v63  }
0x1a: {  	_ =	swait.ge [sflag:s14], $0x2000  }
0x1b: {  	[sflag:s14] =	ssyncset.done $0x0  }
0x1c: {  	[sflag:s14] =	ssyncadd.s32 $0xFFFFE000  }
0x1d: {  	[tilespmem:s16], [sflag:$0x3] =	stream.linear.gather [hbm4b:s8+s3], $0x2000, $0x38;
	[tilespmem:$0x1CC00] =	vst v63  }
0x1e: {  	_ =	swait.ge [sflag:s14], $0x2000  }
0x1f: {  	[sflag:s14] =	ssyncset.done $0x0  }
0x20: {  	[sflag:s14] =	ssyncadd.s32 $0xFFFFE000  }
0x21: {  	[tilespmem:s18], [sflag:$0x1] =	stream.indirect.gather [hbm4b:s4+s17], $0x80, s15, s17, $0xb8;
	[tilespmem:$0x1CC00] =	vst v63  }
0x22: {  	s26 =	simm.s32 $0x13C80  }
0x23: {  	[tilespmem:s19], [sflag:$0x2] =	stream.indirect.gather [hbm4b:s4+s17], $0x80, s26, s17, $0xb8;
	[tilespmem:$0x1CC00] =	vst v63  }
0x24: {  	_ =	swait.ge [sflag:s20], $0x2800  }
0x25: {  	[sflag:s20] =	ssyncset.done $0x0  }
0x26: {  	s29 =	simm.s32 $0x15C00;
	[sflag:s20] =	ssyncadd.s32 $0xFFFFD800  }
0x27: {  	[spmem:s2] =	stream.indirect.scatter.add.f32 [tilespmem:s18], [sflag:$0x3], $0x80, s29, s17, $0xb8;
	[tilespmem:$0x1CC00] =	vst v63  }
0x28: {  	_ =	swait.ge [sflag:s14], $0x2800  }
0x29: {  	[sflag:s14] =	ssyncset.done $0x0  }
0x2a: {  	s30 =	simm.s32 $0x13D00;
	[sflag:s14] =	ssyncadd.s32 $0xFFFFD800  }
0x2b: {  	[tilespmem:s18], [sflag:$0x1] =	stream.indirect.gather [hbm4b:s4+s17], $0x80, s30, s17, $0xb8;
	[tilespmem:$0x1CC00] =	vst v63  }
0x2c: {  	_ =	swait.ge [sflag:s21], $0x2800  }
0x2d: {  	[sflag:s21] =	ssyncset.done $0x0  }
0x2e: {  	s31 =	simm.s32 $0x15C80;
	[sflag:s21] =	ssyncadd.s32 $0xFFFFD800  }
0x2f: {  	[spmem:s2] =	stream.indirect.scatter.add.f32 [tilespmem:s19], [sflag:$0x3], $0x80, s31, s17, $0xb8;
	[tilespmem:$0x1CC00] =	vst v63  }
0x30: {  	_ =	swait.ge [sflag:s14], $0x2800  }
0x31: {  	s28 =	simm.s32 $0x800;
	s26 =	simm.s32 $0x100;
	[sflag:s14] =	ssyncset.done $0x0  }
.LBB2_2:
0x32: {  	s29 =	sadd.s32 $0x13C80, s26  }
0x33: {  	[sflag:s14] =	ssyncadd.s32 $0xFFFFD800;
	s30 =	smov.u32 s28;
	s31 =	sadd.s32 $0x400, s28  }
0x34: {  	[tilespmem:s19], [sflag:$0x2] =	stream.indirect.gather [hbm4b:s4+s17], $0x80, s29, s17, $0xb8;
	[tilespmem:$0x1CC00] =	vst v63  }
0x35: {  	p0 =	sne.s32 s28, $0x7800;
	_ =	swait.ge [sflag:s20], $0x2800  }
0x36: {  	[sflag:s20] =	ssyncset.done $0x0  }
0x37: {  	s28 =	sadd.s32 $0x15C00, s26;
	[sflag:s20] =	ssyncadd.s32 $0xFFFFD800  }
0x38: {  	[spmem:s2] =	stream.indirect.scatter.add.f32 [tilespmem:s18], [sflag:$0x3], $0x80, s28, s17, $0xb8;
	[tilespmem:$0x1CC00] =	vst v63  }
0x39: {  	_ =	swait.ge [sflag:s14], $0x2800  }
0x3a: {  	[sflag:s14] =	ssyncset.done $0x0  }
0x3b: {  	s28 =	sadd.s32 $0x13D00, s26;
	[sflag:s14] =	ssyncadd.s32 $0xFFFFD800  }
0x3c: {  	[tilespmem:s18], [sflag:$0x1] =	stream.indirect.gather [hbm4b:s4+s17], $0x80, s28, s17, $0xb8;
	[tilespmem:$0x1CC00] =	vst v63  }
0x3d: {  	_ =	swait.ge [sflag:s21], $0x2800  }
.Ltmp0:
0x3e: {  	[sflag:s21] =	ssyncset.done $0x0;
	(pc) =	sbr.rel @p0 .LBB2_2-.Ltmp0, $4  }
0x3f: {  	s26 =	sadd.s32 $0x15C80, s26;
	[sflag:s21] =	ssyncadd.s32 $0xFFFFD800  }
0x40: {  	[spmem:s2] =	stream.indirect.scatter.add.f32 [tilespmem:s19], [sflag:$0x3], $0x80, s26, s17, $0xb8;
	[tilespmem:$0x1CC00] =	vst v63  }
0x41: {  	_ =	swait.ge [sflag:s14], $0x2800  }
0x42: {  	s28 =	smov.u32 s31;
	s26 =	sshra.s32 s30, $0x2;
	[sflag:s14] =	ssyncset.done $0x0  }
0x43: {  	s28 =	sadd.s32 $0x13C80, s26;
	[sflag:s14] =	ssyncadd.s32 $0xFFFFD800  }
0x44: {  	[tilespmem:s19], [sflag:$0x2] =	stream.indirect.gather [hbm4b:s4+s17], $0x80, s28, s17, $0xb8;
	[tilespmem:$0x1CC00] =	vst v63  }
0x45: {  	_ =	swait.ge [sflag:s20], $0x2800  }
0x46: {  	[sflag:s20] =	ssyncset.done $0x0  }
0x47: {  	s28 =	sadd.s32 $0x15C00, s26;
	[sflag:s20] =	ssyncadd.s32 $0xFFFFD800  }
0x48: {  	[spmem:s2] =	stream.indirect.scatter.add.f32 [tilespmem:s18], [sflag:$0x3], $0x80, s28, s17, $0xb8;
	[tilespmem:$0x1CC00] =	vst v63  }
0x49: {  	_ =	swait.ge [sflag:s14], $0x2800  }
0x4a: {  	[sflag:s14] =	ssyncset.done $0x0  }
0x4b: {  	s28 =	sadd.s32 $0x13D00, s26;
	[sflag:s14] =	ssyncadd.s32 $0xFFFFD800  }
0x4c: {  	[tilespmem:s18], [sflag:$0x1] =	stream.indirect.gather [hbm4b:s4+s17], $0x80, s28, s17, $0xb8;
	[tilespmem:$0x1CC00] =	vst v63  }
0x4d: {  	_ =	swait.ge [sflag:s21], $0x2800  }
0x4e: {  	[sflag:s21] =	ssyncset.done $0x0  }
0x4f: {  	s29 =	sadd.s32 $0x15C80, s26;
	[sflag:s21] =	ssyncadd.s32 $0xFFFFD800  }
0x50: {  	[spmem:s2] =	stream.indirect.scatter.add.f32 [tilespmem:s19], [sflag:$0x3], $0x80, s29, s17, $0xb8;
	[tilespmem:$0x1CC00] =	vst v63  }
0x51: {  	_ =	swait.ge [sflag:s14], $0x2800  }
0x52: {  	[sflag:s14] =	ssyncset.done $0x0  }
0x53: {  	[sflag:s14] =	ssyncadd.s32 $0xFFFFD800  }
0x54: {  	[tilespmem:s19], [sflag:$0x2] =	stream.indirect.gather [hbm4b:s4+s17], $0x80, s22, s17, $0xb8;
	[tilespmem:$0x1CC00] =	vst v63  }
0x55: {  	_ =	swait.ge [sflag:s20], $0x2800  }
0x56: {  	[sflag:s20] =	ssyncset.done $0x0  }
0x57: {  	[sflag:s20] =	ssyncadd.s32 $0xFFFFD800  }
0x58: {  	[spmem:s2] =	stream.indirect.scatter.add.f32 [tilespmem:s18], [sflag:$0x3], $0x80, s23, s17, $0xb8;
	[tilespmem:$0x1CC00] =	vst v63  }
0x59: {  	_ =	swait.ge [sflag:s14], $0x2800  }
0x5a: {  	[sflag:s14] =	ssyncset.done $0x0  }
0x5b: {  	[sflag:s14] =	ssyncadd.s32 $0xFFFFD800  }
0x5c: {  	_ =	swait.ge [sflag:s21], $0x2800  }
0x5d: {  	[sflag:s21] =	ssyncset.done $0x0  }
0x5e: {  	[sflag:s21] =	ssyncadd.s32 $0xFFFFD800  }
0x5f: {  	[spmem:s2] =	stream.indirect.scatter.add.f32 [tilespmem:s19], [sflag:$0x3], $0x80, s24, s17, $0xb8;
	[tilespmem:$0x1CC00] =	vst v63  }
0x60: {  	_ =	swait.ge [sflag:s14], $0x2800  }
0x61: {  	[sflag:s14] =	ssyncset.done $0x0  }
0x62: {  	s30 =	simm.s32 $0x0;
	[sflag:s14] =	ssyncadd.s32 $0xFFFFD800  }
0x63: {  	[tilespmem:s15], [sflag:$0x3] =	stream.linear.gather [hbm4b:s9+s30], $0x2000, $0x38;
	[tilespmem:$0x1CC00] =	vst v63  }
0x64: {  	_ =	swait.ge [sflag:s14], $0x2000  }
0x65: {  	[sflag:s14] =	ssyncset.done $0x0  }
0x66: {  	[sflag:s14] =	ssyncadd.s32 $0xFFFFE000  }
0x67: {  	[tilespmem:s16], [sflag:$0x3] =	stream.linear.gather [hbm4b:s10+s30], $0x2000, $0x38;
	[tilespmem:$0x1CC00] =	vst v63  }
0x68: {  	_ =	swait.ge [sflag:s14], $0x2000  }
0x69: {  	[sflag:s14] =	ssyncset.done $0x0  }
0x6a: {  	[sflag:s14] =	ssyncadd.s32 $0xFFFFE000  }
0x6b: {  	[tilespmem:s18], [sflag:$0x1] =	stream.indirect.gather [hbm4b:s4+s17], $0x80, s15, s17, $0xb8;
	[tilespmem:$0x1CC00] =	vst v63  }
0x6c: {  	s31 =	simm.s32 $0x13C80  }
0x6d: {  	[tilespmem:s19], [sflag:$0x2] =	stream.indirect.gather [hbm4b:s4+s17], $0x80, s31, s17, $0xb8;
	[tilespmem:$0x1CC00] =	vst v63  }
0x6e: {  	_ =	swait.ge [sflag:s20], $0x2800  }
0x6f: {  	[sflag:s20] =	ssyncset.done $0x0  }
0x70: {  	s29 =	simm.s32 $0x15C00;
	[sflag:s20] =	ssyncadd.s32 $0xFFFFD800  }
0x71: {  	[spmem:s2] =	stream.indirect.scatter.add.f32 [tilespmem:s18], [sflag:$0x3], $0x80, s29, s17, $0xb8;
	[tilespmem:$0x1CC00] =	vst v63  }
0x72: {  	_ =	swait.ge [sflag:s14], $0x2800  }
0x73: {  	[sflag:s14] =	ssyncset.done $0x0  }
0x74: {  	s30 =	simm.s32 $0x13D00;
	[sflag:s14] =	ssyncadd.s32 $0xFFFFD800  }
0x75: {  	[tilespmem:s18], [sflag:$0x1] =	stream.indirect.gather [hbm4b:s4+s17], $0x80, s30, s17, $0xb8;
	[tilespmem:$0x1CC00] =	vst v63  }
0x76: {  	_ =	swait.ge [sflag:s21], $0x2800  }
0x77: {  	[sflag:s21] =	ssyncset.done $0x0  }
0x78: {  	s31 =	simm.s32 $0x15C80;
	[sflag:s21] =	ssyncadd.s32 $0xFFFFD800  }
0x79: {  	[spmem:s2] =	stream.indirect.scatter.add.f32 [tilespmem:s19], [sflag:$0x3], $0x80, s31, s17, $0xb8;
	[tilespmem:$0x1CC00] =	vst v63  }
0x7a: {  	_ =	swait.ge [sflag:s14], $0x2800  }
0x7b: {  	s26 =	simm.s32 $0x100;
	s28 =	simm.s32 $0x800;
	[sflag:s14] =	ssyncset.done $0x0  }
.LBB2_4:
0x7c: {  	s29 =	sadd.s32 $0x13C80, s26  }
0x7d: {  	[sflag:s14] =	ssyncadd.s32 $0xFFFFD800;
	s30 =	smov.u32 s28;
	s31 =	sadd.s32 $0x400, s28  }
0x7e: {  	[tilespmem:s19], [sflag:$0x2] =	stream.indirect.gather [hbm4b:s4+s17], $0x80, s29, s17, $0xb8;
	[tilespmem:$0x1CC00] =	vst v63  }
0x7f: {  	p0 =	sne.s32 s28, $0x7800;
	_ =	swait.ge [sflag:s20], $0x2800  }
0x80: {  	[sflag:s20] =	ssyncset.done $0x0  }
0x81: {  	s28 =	sadd.s32 $0x15C00, s26;
	[sflag:s20] =	ssyncadd.s32 $0xFFFFD800  }
0x82: {  	[spmem:s2] =	stream.indirect.scatter.add.f32 [tilespmem:s18], [sflag:$0x3], $0x80, s28, s17, $0xb8;
	[tilespmem:$0x1CC00] =	vst v63  }
0x83: {  	_ =	swait.ge [sflag:s14], $0x2800  }
0x84: {  	[sflag:s14] =	ssyncset.done $0x0  }
0x85: {  	s28 =	sadd.s32 $0x13D00, s26;
	[sflag:s14] =	ssyncadd.s32 $0xFFFFD800  }
0x86: {  	[tilespmem:s18], [sflag:$0x1] =	stream.indirect.gather [hbm4b:s4+s17], $0x80, s28, s17, $0xb8;
	[tilespmem:$0x1CC00] =	vst v63  }
0x87: {  	_ =	swait.ge [sflag:s21], $0x2800  }
.Ltmp1:
0x88: {  	[sflag:s21] =	ssyncset.done $0x0;
	(pc) =	sbr.rel @p0 .LBB2_4-.Ltmp1, $4  }
0x89: {  	s26 =	sadd.s32 $0x15C80, s26;
	[sflag:s21] =	ssyncadd.s32 $0xFFFFD800  }
0x8a: {  	[spmem:s2] =	stream.indirect.scatter.add.f32 [tilespmem:s19], [sflag:$0x3], $0x80, s26, s17, $0xb8;
	[tilespmem:$0x1CC00] =	vst v63  }
0x8b: {  	_ =	swait.ge [sflag:s14], $0x2800  }
0x8c: {  	s28 =	smov.u32 s31;
	s26 =	sshra.s32 s30, $0x2;
	[sflag:s14] =	ssyncset.done $0x0  }
0x8d: {  	s28 =	sadd.s32 $0x13C80, s26;
	[sflag:s14] =	ssyncadd.s32 $0xFFFFD800  }
0x8e: {  	[tilespmem:s19], [sflag:$0x2] =	stream.indirect.gather [hbm4b:s4+s17], $0x80, s28, s17, $0xb8;
	[tilespmem:$0x1CC00] =	vst v63  }
0x8f: {  	_ =	swait.ge [sflag:s20], $0x2800  }
0x90: {  	[sflag:s20] =	ssyncset.done $0x0  }
0x91: {  	s29 =	sadd.s32 $0x15C00, s26;
	[sflag:s20] =	ssyncadd.s32 $0xFFFFD800  }
0x92: {  	[spmem:s2] =	stream.indirect.scatter.add.f32 [tilespmem:s18], [sflag:$0x3], $0x80, s29, s17, $0xb8;
	[tilespmem:$0x1CC00] =	vst v63  }
0x93: {  	_ =	swait.ge [sflag:s14], $0x2800  }
0x94: {  	[sflag:s14] =	ssyncset.done $0x0  }
0x95: {  	s30 =	sadd.s32 $0x13D00, s26;
	[sflag:s14] =	ssyncadd.s32 $0xFFFFD800  }
0x96: {  	[tilespmem:s18], [sflag:$0x1] =	stream.indirect.gather [hbm4b:s4+s17], $0x80, s30, s17, $0xb8;
	[tilespmem:$0x1CC00] =	vst v63  }
0x97: {  	_ =	swait.ge [sflag:s21], $0x2800  }
0x98: {  	[sflag:s21] =	ssyncset.done $0x0  }
0x99: {  	s31 =	sadd.s32 $0x15C80, s26;
	[sflag:s21] =	ssyncadd.s32 $0xFFFFD800  }
0x9a: {  	[spmem:s2] =	stream.indirect.scatter.add.f32 [tilespmem:s19], [sflag:$0x3], $0x80, s31, s17, $0xb8;
	[tilespmem:$0x1CC00] =	vst v63  }
0x9b: {  	_ =	swait.ge [sflag:s14], $0x2800  }
0x9c: {  	[sflag:s14] =	ssyncset.done $0x0  }
0x9d: {  	[sflag:s14] =	ssyncadd.s32 $0xFFFFD800  }
0x9e: {  	[tilespmem:s19], [sflag:$0x2] =	stream.indirect.gather [hbm4b:s4+s17], $0x80, s22, s17, $0xb8;
	[tilespmem:$0x1CC00] =	vst v63  }
0x9f: {  	_ =	swait.ge [sflag:s20], $0x2800  }
0xa0: {  	[sflag:s20] =	ssyncset.done $0x0  }
0xa1: {  	[sflag:s20] =	ssyncadd.s32 $0xFFFFD800  }
0xa2: {  	[spmem:s2] =	stream.indirect.scatter.add.f32 [tilespmem:s18], [sflag:$0x3], $0x80, s23, s17, $0xb8;
	[tilespmem:$0x1CC00] =	vst v63  }
0xa3: {  	_ =	swait.ge [sflag:s14], $0x2800  }
0xa4: {  	[sflag:s14] =	ssyncset.done $0x0  }
0xa5: {  	[sflag:s14] =	ssyncadd.s32 $0xFFFFD800  }
0xa6: {  	_ =	swait.ge [sflag:s21], $0x2800  }
0xa7: {  	[sflag:s21] =	ssyncset.done $0x0  }
0xa8: {  	[sflag:s21] =	ssyncadd.s32 $0xFFFFD800  }
0xa9: {  	[spmem:s2] =	stream.indirect.scatter.add.f32 [tilespmem:s19], [sflag:$0x3], $0x80, s24, s17, $0xb8;
	[tilespmem:$0x1CC00] =	vst v63  }
0xaa: {  	_ =	swait.ge [sflag:s14], $0x2800  }
0xab: {  	s25 =	sadd.s32 $0x1, s25;
	[sflag:s14] =	ssyncset.done $0x0  }
0xac: {  	p0 =	sne.s32 s25, s12;
	[sflag:s14] =	ssyncadd.s32 $0xFFFFD800  }
.Ltmp2:
0xad: {  	[bflag:$0x0] =	sbarrier.arrive $0xFFFF;
	(pc) =	sbr.rel @p0 .LBB2_1-.Ltmp2, $4  }
0xae: {  	[hbm:s11], [sflag:s6] =	dma.local [spmem:s13], $0x2780  }
0xaf: {  	_ =	swait.ge [sflag:s14], $0x2780  }
0xb0: {  	[sflag:s14] =	ssyncset.done $0x0  }
0xb1: {  	[sflag:s14] =	ssyncadd.s32 $0xFFFFD880  }
0xb2: {  	_ =	sfence.sel $0x180000  }
0xb3: {  	[bflag:$0x0] =	sbarrier.arrive $0xFFFF  }
0xb4: {  	p0 =	sne.s32 s1, $0x0;
	_ =	strace $0x90000050  }
0xb5: {  	s0 =	sadd.s32 @!p0 $0x100000, s0;
	[bflag:$0x2] =	sbarrier.arrive $0xFFFF  }
0xb6: {  	[sflag:s0] =	ssyncadd.tile.s32 @!p0 $0x1;
	_ =	shalt  }
.Lfunc_end2:
_tile_overlayer_lowered:
.L_overlay_start_2:
0xb7: {  	(tag) =	ssettag $0x2  }
0xb8: {  	s0 =	rddreg [dreg:$0x0];
	s2 =	stileid.u32  }
0xb9: {  	s1 =	rddreg [dreg:$0x1];
	p0 =	sne.s32 s2, $0x0  }
0xba: {  	s3 =	rddreg [dreg:$0x2];
	[bflag:$0x3] =	sbarrier.arrive $0xFFFF;
	s2 =	simm.s32 @!p0 $0x1C03  }
0xbb: {  	[timem:s3], [sflag:s2] =	dma.local @!p0 [hbm:s0], s1  }
0xbc: {  	s0 =	simm.s32 @!p0 $0x3  }
0xbd: {  	_ =	swait.ge @!p0 [sflag:s0], s1  }
0xbe: {  	s1 =	ssub.s32 @!p0 $0x0, s1;
	[sflag:s0] =	ssyncset.done @!p0 $0x0  }
0xbf: {  	[sflag:s0] =	ssyncadd.s32 @!p0 s1  }
0xc0: {  	[bflag:$0x3] =	sbarrier.arrive $0xFFFF  }
0xc1: {  	_ =	shalt  }

// kernel: kernel.23.cloned.1.call-start
scs
__scs_entry_jumppad:
0x0: {  	(pc) =	sbr.rel $0x88, $3  }
0x1: {  	(tag) =	ssettag $0x0;
	lr =	simm.s32 $0x1  }
0x2: {  	[smem:$0x3F9B] =	sst lr;
	_ =	strace $0xD0000000  }
0x3: {  	_ = 	snop  }
0x4: {  	_ = 	snop  }
0x5: {  	_ = 	snop  }
0x6: {  	_ = 	snop  }
0x7: {  	_ = 	snop  }
__scs_overlays_trampoline_lowered:
0x8: {  	[smem:$0x3FAA] =	sst s0  }
0x9: {  	[smem:$0x3FAB] =	sst s1  }
0xa: {  	[smem:$0x3FAC] =	sst s2  }
0xb: {  	[smem:$0x3FAD] =	sst s3  }
0xc: {  	[smem:$0x3FAE] =	sst s4  }
0xd: {  	[smem:$0x3FAF] =	sst s5  }
0xe: {  	[smem:$0x3FB0] =	sst s6  }
0xf: {  	[smem:$0x3FB1] =	sst s7  }
0x10: {  	[smem:$0x3FB2] =	sst s8  }
0x11: {  	[smem:$0x3FB3] =	sst s9;
	s0 =	simm.s32 @!p0 $0x0  }
0x12: {  	s1 =	sld [smem:$0x3F99];
	s0 =	simm.s32 @p0 $0x1  }
0x13: {  	[smem:$0x3FB4] =	sst s0;
	s0 =	simm.s32 @!p1 $0x0  }
0x14: {  	s2 =	sld [smem:$0x3F98];
	s0 =	simm.s32 @p1 $0x1  }
0x15: {  	[smem:$0x3FB5] =	sst s0;
	s0 =	simm.s32 @!p2 $0x0  }
0x16: {  	s3 =	sld [smem:$0x3FDB];
	s0 =	simm.s32 @p2 $0x1  }
0x17: {  	s4 =	simm.s32 $0x1BF5;
	[smem:$0x3FB7] =	sst s0  }
0x18: {  	s0 =	sld [smem:$0x3F9A];
	_ =	swait.ge [sflag:s4], $0x0  }
0x19: {  	s7 =	sld [smem:$0x3F9B]  }
0x1a: {  	s8 =	sadd.s32 $0xFFFFE003, lr  }
0x1b: {  	s9 =	sadd.s32 $0xFFFFFEF7, lr;
	s5 =	simm.s32 $0xFFFFFFFF;
	p2 =	slt.u32 s8, $0xFFFFF086  }
0x1c: {  	p1 =	slt.u32 s9, $0xF7A;
	s5 =	simm.s32 @!p2 $0x0  }
0x1d: {  	s5 =	simm.s32 @p1 $0x1;
	p0 =	seq.s32 s7, s2  }
0x1e: {  	s7 =	smul.u32 @!p0 $0xF7A, s2;
	p2 =	seq.s32 @!p0 s5, $0x0  }
0x1f: {  	s9 =	smul.u32 $0xF7A, s1;
	s8 =	simm.s32 @!p0 $0x1BF5;
	p2 =	por !p2, p0  }
0x20: {  	[sflag:s8] =	ssyncset.s32 @!p0 $0xFFFFF086;
	s6 =	sadd.s32 @!p0 s3, s7;
	s7 =	simm.s32 @!p0 $0x108  }
0x21: {  	s3 =	sadd.s32 s3, s9;
	s6 =	sadd.s32 @!p0 $0x88, s6;
	s7 =	simm.s32 @p2 $0x1082  }
0x22: {  	[simem:s7], [sflag:s8] =	dma.local @!p0 [hbm:s6], $0xF7A  }
0x23: {  	s9 =	sor.u32 $0xD0000000, s2;
	s6 =	simm.s32 $0x108;
	_ =	swait.ge @!p0 [sflag:s8], $0x0  }
0x24: {  	s3 =	sadd.s32 $0x88, s3;
	s6 =	simm.s32 @!p1 $0x1082;
	[sflag:s4] =	ssyncset.s32 $0xFFFFF086  }
0x25: {  	[simem:s6], [sflag:s4] =	dma.local [hbm:s3], $0xF7A  }
0x26: {  	[smem:$0x3F9B] =	sst s1;
	(tag) =	ssettag s2;
	_ =	strace s9  }
0x27: {  	s1 =	sld [smem:$0x3FAB]  }
0x28: {  	s2 =	sld [smem:$0x3FAC]  }
0x29: {  	s4 =	sld [smem:$0x3FAE]  }
0x2a: {  	p0 =	seq.s32 s5, $0x0;
	s5 =	sld [smem:$0x3FAF]  }
0x2b: {  	s6 =	sld [smem:$0x3FB0]  }
0x2c: {  	s7 =	sld [smem:$0x3FB1]  }
0x2d: {  	s3 =	simm.s32 $0x108;
	s8 =	sld [smem:$0x3FB2]  }
0x2e: {  	s3 =	simm.s32 @!p0 $0x1082;
	s9 =	sld [smem:$0x3FB3]  }
0x2f: {  	lr =	sadd.s32 s0, s3;
	s0 =	sld [smem:$0x3FAA]  }
0x30: {  	s3 =	sld [smem:$0x3FAD]  }
0x31: {  	[smem:$0x3FB6] =	sst s10  }
0x32: {  	s10 =	sld [smem:$0x3FB4];
	_ =	sdelay $0x3  }
0x33: {  	p0 =	seq.s32 s10, $0x1;
	s10 =	sld [smem:$0x3FB6];
	_ =	sdelay $0x3  }
0x34: {  	[smem:$0x3FB6] =	sst s10  }
0x35: {  	s10 =	sld [smem:$0x3FB5];
	_ =	sdelay $0x3  }
0x36: {  	p1 =	seq.s32 s10, $0x1;
	s10 =	sld [smem:$0x3FB6];
	_ =	sdelay $0x3  }
0x37: {  	[smem:$0x3FB6] =	sst s10  }
0x38: {  	s10 =	sld [smem:$0x3FB7]  }
0x39: {  	_ = 	snop;
	(pc) =	sbr.ind lr, $3  }
0x3a: {  	_ = 	snop  }
0x3b: {  	_ = 	snop  }
0x3c: {  	p2 =	seq.s32 s10, $0x1;
	s10 =	sld [smem:$0x3FB6]  }
0x3d: {  	_ =	shalt  }
0x3e: {  	_ =	shalt  }
0x3f: {  	_ =	shalt  }
0x40: {  	_ =	shalt  }
0x41: {  	_ =	shalt  }
0x42: {  	_ =	shalt  }
0x43: {  	_ =	shalt  }
0x44: {  	_ =	shalt  }
0x45: {  	_ =	shalt  }
0x46: {  	_ =	shalt  }
0x47: {  	_ =	shalt  }
0x48: {  	_ =	shalt  }
0x49: {  	_ =	shalt  }
0x4a: {  	_ =	shalt  }
0x4b: {  	_ =	shalt  }
0x4c: {  	_ =	shalt  }
0x4d: {  	_ =	shalt  }
0x4e: {  	_ =	shalt  }
0x4f: {  	_ =	shalt  }
0x50: {  	_ =	shalt  }
0x51: {  	_ =	shalt  }
0x52: {  	_ =	shalt  }
0x53: {  	_ =	shalt  }
0x54: {  	_ =	shalt  }
0x55: {  	_ =	shalt  }
0x56: {  	_ =	shalt  }
0x57: {  	_ =	shalt  }
0x58: {  	_ =	shalt  }
0x59: {  	_ =	shalt  }
0x5a: {  	_ =	shalt  }
0x5b: {  	_ =	shalt  }
0x5c: {  	_ =	shalt  }
0x5d: {  	_ =	shalt  }
0x5e: {  	_ =	shalt  }
0x5f: {  	_ =	shalt  }
0x60: {  	_ =	shalt  }
0x61: {  	_ =	shalt  }
0x62: {  	_ =	shalt  }
0x63: {  	_ =	shalt  }
0x64: {  	_ =	shalt  }
0x65: {  	_ =	shalt  }
0x66: {  	_ =	shalt  }
0x67: {  	_ =	shalt  }
0x68: {  	_ =	shalt  }
0x69: {  	_ =	shalt  }
0x6a: {  	_ =	shalt  }
0x6b: {  	_ =	shalt  }
0x6c: {  	_ =	shalt  }
0x6d: {  	_ =	shalt  }
0x6e: {  	_ =	shalt  }
0x6f: {  	_ =	shalt  }
0x70: {  	_ =	shalt  }
0x71: {  	_ =	shalt  }
0x72: {  	_ =	shalt  }
0x73: {  	_ =	shalt  }
0x74: {  	_ =	shalt  }
0x75: {  	_ =	shalt  }
0x76: {  	_ =	shalt  }
0x77: {  	_ =	shalt  }
0x78: {  	_ =	shalt  }
0x79: {  	_ =	shalt  }
0x7a: {  	_ =	shalt  }
0x7b: {  	_ =	shalt  }
0x7c: {  	_ =	shalt  }
0x7d: {  	_ =	shalt  }
0x7e: {  	_ =	shalt  }
0x7f: {  	_ =	shalt  }
0x80: {  	_ =	shalt  }
0x81: {  	_ =	shalt  }
0x82: {  	_ =	shalt  }
0x83: {  	_ =	shalt  }
0x84: {  	_ =	shalt  }
0x85: {  	_ =	shalt  }
0x86: {  	_ =	shalt  }
0x87: {  	_ =	shalt  }
.Lfunc_end0:
.L_simem_size_0:
called_computation.4_lowered:
.L_overlay_start_0:
0x88: {  	s2 =	sld [smem:$0x3FD9]  }
0x89: {  	s3 =	sld [smem:$0x3FFE];
	_ =	sdelay $0x1  }
0x8a: {  	s1 =	srdreg.scid  }
0x8b: {  	s0 =	sand.u32 $0x1, s1  }
0x8c: {  	s17 =	sshll.u32 s0, $0xA;
	s2 =	sadd.s32 s3, s2  }
0x8d: {  	s2 =	sadd.s32 s2, s17  }
0x8e: {  	[smem:$0x3FC2] =	sst s2  }
0x8f: {  	_ = 	snop  }
0x90: {  	s2 =	sld [smem:$0x3FD0];
	(tm) =	ssettm $0x1  }
0x91: {  	s18 =	sld [smem:$0x3FFB];
	_ =	sdelay $0x3  }
0x92: {  	_ =	strace s18  }
0x93: {  	s3 =	sld [smem:$0x3FFC];
	_ =	sdelay $0x3  }
0x94: {  	_ =	strace s3  }
0x95: {  	s3 =	sld [smem:$0x3FFD];
	_ =	sdelay $0x3  }
0x96: {  	_ =	strace s3  }
0x97: {  	_ =	strace $0x8FFFFFFF  }
0x98: {  	s19 =	sld [smem:$0x3FDB];
	_ =	sdelay $0x1  }
0x99: {  	s4 =	simm.s32 $_scs_section_size  }
0x9a: {  	s5 =	simm.s32 $_size__tile_overlayer_lowered;
	s6 =	simm.s32 $_tile_overlayer_lowered  }
0x9b: {  	s22 =	simm.s32 $0x1BFF;
	s21 =	sshll.u32 s6, $0x1;
	s3 =	sadd.s32 s4, s19  }
0x9c: {  	s7 =	simm.s32 $0x0;
	s20 =	sshll.u32 s5, $0x1;
	s5 =	sadd.s32 s21, s3  }
0x9d: {  	[timem:s7], [sflag:s22] =	dma.local [hbm:s5], s20  }
0x9e: {  	_ =	swait.ge [sflag:s22], s20  }
0x9f: {  	s4 =	ssub.s32 $0x0, s20;
	[sflag:s22] =	ssyncset.done $0x0  }
0xa0: {  	[sflag:s22] =	ssyncadd.s32 s4;
	_ =	sdelay $0x1  }
0xa1: {  	s23 =	simm.s32 $0x1B8B  }
0xa2: {  	_ =	swait.ge [sflag:s23], $0x1  }
0xa3: {  	[sflag:s23] =	ssyncset.done $0x0  }
0xa4: {  	s25 =	simm.s32 $0x1B8E;
	s24 =	sld [smem:$0x3FFE];
	[sflag:s23] =	ssyncadd.s32 $0xFFFFFFFF  }
0xa5: {  	s26 =	simm.s32 $execute0_lowered;
	[smem:$0x3FD2] =	sst s25  }
0xa6: {  	s5 =	sshll.u32 s26, $0x1;
	_ =	strace $0x80000052;
	[dreg:$0x1] =	wrdreg $0xFFFFFFFF  }
0xa7: {  	s28 =	simm.s32 $_size_execute0_lowered;
	s3 =	sadd.s32 s3, s5;
	[dreg:$0x0] =	wrdreg $0x0  }
0xa8: {  	s5 =	sshll.u32 s28, $0x1;
	[dreg:$0x2] =	wrdreg s3  }
0xa9: {  	[dreg:$0x3] =	wrdreg s5  }
0xaa: {  	[dreg:$0x4] =	wrdreg $0xC0  }
0xab: {  	_ =	task [dreg:s7], $0x5FFFF  }
0xac: {  	[dreg:$0x1] =	wrdreg $0xFFFFFFFF  }
0xad: {  	[dreg:$0x0] =	wrdreg $0x60  }
0xae: {  	[dreg:$0x2] =	wrdreg s24  }
0xaf: {  	[dreg:$0x3] =	wrdreg s2  }
0xb0: {  	[dreg:$0x4] =	wrdreg $0x0  }
0xb1: {  	[dreg:$0x5] =	wrdreg $0x9  }
0xb2: {  	_ =	task.clear_ibuf [dreg:s7], $0x6FFFF;
	_ =	strace $0x90000052  }
0xb3: {  	s29 =	simm.s32 $0x9;
	_ =	strace $0x80000054  }
0xb4: {  	_ =	swait.ge [sflag:s29], $0x1  }
0xb5: {  	[sflag:s29] =	ssyncadd.s32 $0xFFFFFFFF  }
0xb6: {  	_ =	strace $0x90000054  }
0xb7: {  	_ =	sfence  }
0xb8: {  	s30 =	sld [smem:$0x0];
	_ =	sdelay $0x2  }
0xb9: {  	s31 =	sshll.u32 s1, $0xD;
	s1 =	sshrl.u32 s1, $0x2  }
0xba: {  	s3 =	sand.u32 $0x4000, s31;
	s1 =	sadd.s32 s1, s30  }
0xbb: {  	s0 =	sor.u32 s3, s0;
	s1 =	sshll.u32 s1, $0x11  }
0xbc: {  	s0 =	sor.u32 s1, s0  }
0xbd: {  	s0 =	sadd.s32 $0x8F2B, s0  }
0xbe: {  	[sflag:s0] =	ssyncadd.remote.s32 $0x1  }
0xbf: {  	_ =	sfence.sel $0xFFFF  }
0xc0: {  	[dreg:$0x0] =	wrdreg $0xFFFFFFFF;
	(pc) =	sbr.abs _section_cstart, $3  }
0xc1: {  	[dreg:$0x1] =	wrdreg $0xFFFFFFFF  }
0xc2: {  	_ =	task.clear_ibuf [dreg:s7], $0x2FFFF;
	_ =	strace $0x9FFFFFFF  }
0xc3: {  	(tm) =	ssettm $0x7FFFFFFF  }
tec
execute0_lowered:
.L_overlay_start_1:
0x0: {  	(tag) =	ssettag $0x1  }
0x1: {  	s5 =	rddreg [dreg:$0x0]  }
0x2: {  	s9 =	rddreg [dreg:$0x1]  }
0x3: {  	s2 =	rddreg [dreg:$0x2]  }
0x4: {  	s0 =	rddreg [dreg:$0x3];
	s3 =	simm.s32 $0x0;
	s1 =	stileid.u32  }
0x5: {  	s4 =	srdreg.scid;
	s16 =	simm.s32 $0x15C00;
	s17 =	simm.s32 $0x50  }
0x6: {  	s18 =	simm.s32 $0x17C00;
	s19 =	simm.s32 $0x1A400;
	s20 =	simm.s32 $0x1  }
0x7: {  	s21 =	simm.s32 $0x2;
	s22 =	simm.s32 $0x15B80;
	s23 =	simm.s32 $0x17B00  }
0x8: {  	[smem:$0x7FF] =	sst s3;
	s6 =	smul.u32 $0x13C00, s1;
	s7 =	sand.u32 $0x1, s4  }
0x9: {  	s4 =	sadd.s32 $0x51600, s5;
	s10 =	sadd.s32 $0x79400, s5;
	s12 =	smul.u32 $0x4F000, s1  }
0xa: {  	s28 =	sshll.u32 s1, $0xB;
	s29 =	sshll.u32 s1, $0x6;
	_ =	strace $0x80000053  }
0xb: {  	s8 =	smul.u32 $0x13C000, s7;
	s24 =	ssub.s32 $0x2, s7;
	s26 =	sshll.u32 s7, $0xF  }
0xc: {  	s11 =	sshrl.u32 s6, $0x3;
	s13 =	sshrl.u32 s24, $0x1;
	s25 =	sshrl.u32 s12, $0x2  }
0xd: {  	s30 =	sor.u32 s28, s26;
	s6 =	sadd.s32 s6, s8;
	s11 =	sadd.s32 s11, s5  }
0xe: {  	s13 =	ssub.s32 s24, s13;
	s15 =	sadd.s32 s25, s2;
	s7 =	sadd.s32 s9, s30  }
0xf: {  	s31 =	sor.u32 $0x400, s30;
	s8 =	sadd.s32 s10, s30;
	s24 =	simm.s32 $0x17B80  }
0x10: {  	s25 =	simm.s32 $0x0;
	s6 =	sshrl.u32 s6, $0x3;
	s9 =	sadd.s32 s9, s31  }
0x11: {  	s10 =	sadd.s32 s10, s31;
	s12 =	smax.u32 s13, $0x1;
	s13 =	sshrl.u32 s15, $0x3  }
0x12: {  	s15 =	simm.s32 $0x13C00;
	s14 =	sadd.s32 s6, s5;
	s5 =	sadd.s32 $0x2600, s11  }
0x13: {  	s6 =	sor.u32 $0x1C03, s29;
	s11 =	sadd.s32 $0x89400, s14;
	s14 =	simm.s32 $0x3  }
.LBB2_1:
0x14: {  	[spmem:s13], [sflag:s6] =	dma.local [hbm:s5], $0x2780  }
0x15: {  	_ =	swait.ge [sflag:s14], $0x2780  }
0x16: {  	[sflag:s14] =	ssyncset.done $0x0  }
0x17: {  	[sflag:s14] =	ssyncadd.s32 $0xFFFFD880  }
0x18: {  	[bflag:$0x0] =	sbarrier.arrive $0xFFFF  }
0x19: {  	[tilespmem:s15], [sflag:$0x3] =	stream.linear.gather [hbm4b:s7+s3], $0x2000, $0x38;
	[tilespmem:$0x1CC00] =	vst v63  }
0x1a: {  	_ =	swait.ge [sflag:s14], $0x2000  }
0x1b: {  	[sflag:s14] =	ssyncset.done $0x0  }
0x1c: {  	[sflag:s14] =	ssyncadd.s32 $0xFFFFE000  }
0x1d: {  	[tilespmem:s16], [sflag:$0x3] =	stream.linear.gather [hbm4b:s8+s3], $0x2000, $0x38;
	[tilespmem:$0x1CC00] =	vst v63  }
0x1e: {  	_ =	swait.ge [sflag:s14], $0x2000  }
0x1f: {  	[sflag:s14] =	ssyncset.done $0x0  }
0x20: {  	[sflag:s14] =	ssyncadd.s32 $0xFFFFE000  }
0x21: {  	[tilespmem:s18], [sflag:$0x1] =	stream.indirect.gather [hbm4b:s4+s17], $0x80, s15, s17, $0xb8;
	[tilespmem:$0x1CC00] =	vst v63  }
0x22: {  	s26 =	simm.s32 $0x13C80  }
0x23: {  	[tilespmem:s19], [sflag:$0x2] =	stream.indirect.gather [hbm4b:s4+s17], $0x80, s26, s17, $0xb8;
	[tilespmem:$0x1CC00] =	vst v63  }
0x24: {  	_ =	swait.ge [sflag:s20], $0x2800  }
0x25: {  	[sflag:s20] =	ssyncset.done $0x0  }
0x26: {  	s29 =	simm.s32 $0x15C00;
	[sflag:s20] =	ssyncadd.s32 $0xFFFFD800  }
0x27: {  	[spmem:s2] =	stream.indirect.scatter.add.f32 [tilespmem:s18], [sflag:$0x3], $0x80, s29, s17, $0xb8;
	[tilespmem:$0x1CC00] =	vst v63  }
0x28: {  	_ =	swait.ge [sflag:s14], $0x2800  }
0x29: {  	[sflag:s14] =	ssyncset.done $0x0  }
0x2a: {  	s30 =	simm.s32 $0x13D00;
	[sflag:s14] =	ssyncadd.s32 $0xFFFFD800  }
0x2b: {  	[tilespmem:s18], [sflag:$0x1] =	stream.indirect.gather [hbm4b:s4+s17], $0x80, s30, s17, $0xb8;
	[tilespmem:$0x1CC00] =	vst v63  }
0x2c: {  	_ =	swait.ge [sflag:s21], $0x2800  }
0x2d: {  	[sflag:s21] =	ssyncset.done $0x0  }
0x2e: {  	s31 =	simm.s32 $0x15C80;
	[sflag:s21] =	ssyncadd.s32 $0xFFFFD800  }
0x2f: {  	[spmem:s2] =	stream.indirect.scatter.add.f32 [tilespmem:s19], [sflag:$0x3], $0x80, s31, s17, $0xb8;
	[tilespmem:$0x1CC00] =	vst v63  }
0x30: {  	_ =	swait.ge [sflag:s14], $0x2800  }
0x31: {  	s28 =	simm.s32 $0x800;
	s26 =	simm.s32 $0x100;
	[sflag:s14] =	ssyncset.done $0x0  }
.LBB2_2:
0x32: {  	s29 =	sadd.s32 $0x13C80, s26  }
0x33: {  	[sflag:s14] =	ssyncadd.s32 $0xFFFFD800;
	s30 =	smov.u32 s28;
	s31 =	sadd.s32 $0x400, s28  }
0x34: {  	[tilespmem:s19], [sflag:$0x2] =	stream.indirect.gather [hbm4b:s4+s17], $0x80, s29, s17, $0xb8;
	[tilespmem:$0x1CC00] =	vst v63  }
0x35: {  	p0 =	sne.s32 s28, $0x7800;
	_ =	swait.ge [sflag:s20], $0x2800  }
0x36: {  	[sflag:s20] =	ssyncset.done $0x0  }
0x37: {  	s28 =	sadd.s32 $0x15C00, s26;
	[sflag:s20] =	ssyncadd.s32 $0xFFFFD800  }
0x38: {  	[spmem:s2] =	stream.indirect.scatter.add.f32 [tilespmem:s18], [sflag:$0x3], $0x80, s28, s17, $0xb8;
	[tilespmem:$0x1CC00] =	vst v63  }
0x39: {  	_ =	swait.ge [sflag:s14], $0x2800  }
0x3a: {  	[sflag:s14] =	ssyncset.done $0x0  }
0x3b: {  	s28 =	sadd.s32 $0x13D00, s26;
	[sflag:s14] =	ssyncadd.s32 $0xFFFFD800  }
0x3c: {  	[tilespmem:s18], [sflag:$0x1] =	stream.indirect.gather [hbm4b:s4+s17], $0x80, s28, s17, $0xb8;
	[tilespmem:$0x1CC00] =	vst v63  }
0x3d: {  	_ =	swait.ge [sflag:s21], $0x2800  }
.Ltmp0:
0x3e: {  	[sflag:s21] =	ssyncset.done $0x0;
	(pc) =	sbr.rel @p0 .LBB2_2-.Ltmp0, $4  }
0x3f: {  	s26 =	sadd.s32 $0x15C80, s26;
	[sflag:s21] =	ssyncadd.s32 $0xFFFFD800  }
0x40: {  	[spmem:s2] =	stream.indirect.scatter.add.f32 [tilespmem:s19], [sflag:$0x3], $0x80, s26, s17, $0xb8;
	[tilespmem:$0x1CC00] =	vst v63  }
0x41: {  	_ =	swait.ge [sflag:s14], $0x2800  }
0x42: {  	s28 =	smov.u32 s31;
	s26 =	sshra.s32 s30, $0x2;
	[sflag:s14] =	ssyncset.done $0x0  }
0x43: {  	s28 =	sadd.s32 $0x13C80, s26;
	[sflag:s14] =	ssyncadd.s32 $0xFFFFD800  }
0x44: {  	[tilespmem:s19], [sflag:$0x2] =	stream.indirect.gather [hbm4b:s4+s17], $0x80, s28, s17, $0xb8;
	[tilespmem:$0x1CC00] =	vst v63  }
0x45: {  	_ =	swait.ge [sflag:s20], $0x2800  }
0x46: {  	[sflag:s20] =	ssyncset.done $0x0  }
0x47: {  	s28 =	sadd.s32 $0x15C00, s26;
	[sflag:s20] =	ssyncadd.s32 $0xFFFFD800  }
0x48: {  	[spmem:s2] =	stream.indirect.scatter.add.f32 [tilespmem:s18], [sflag:$0x3], $0x80, s28, s17, $0xb8;
	[tilespmem:$0x1CC00] =	vst v63  }
0x49: {  	_ =	swait.ge [sflag:s14], $0x2800  }
0x4a: {  	[sflag:s14] =	ssyncset.done $0x0  }
0x4b: {  	s28 =	sadd.s32 $0x13D00, s26;
	[sflag:s14] =	ssyncadd.s32 $0xFFFFD800  }
0x4c: {  	[tilespmem:s18], [sflag:$0x1] =	stream.indirect.gather [hbm4b:s4+s17], $0x80, s28, s17, $0xb8;
	[tilespmem:$0x1CC00] =	vst v63  }
0x4d: {  	_ =	swait.ge [sflag:s21], $0x2800  }
0x4e: {  	[sflag:s21] =	ssyncset.done $0x0  }
0x4f: {  	s29 =	sadd.s32 $0x15C80, s26;
	[sflag:s21] =	ssyncadd.s32 $0xFFFFD800  }
0x50: {  	[spmem:s2] =	stream.indirect.scatter.add.f32 [tilespmem:s19], [sflag:$0x3], $0x80, s29, s17, $0xb8;
	[tilespmem:$0x1CC00] =	vst v63  }
0x51: {  	_ =	swait.ge [sflag:s14], $0x2800  }
0x52: {  	[sflag:s14] =	ssyncset.done $0x0  }
0x53: {  	[sflag:s14] =	ssyncadd.s32 $0xFFFFD800  }
0x54: {  	[tilespmem:s19], [sflag:$0x2] =	stream.indirect.gather [hbm4b:s4+s17], $0x80, s22, s17, $0xb8;
	[tilespmem:$0x1CC00] =	vst v63  }
0x55: {  	_ =	swait.ge [sflag:s20], $0x2800  }
0x56: {  	[sflag:s20] =	ssyncset.done $0x0  }
0x57: {  	[sflag:s20] =	ssyncadd.s32 $0xFFFFD800  }
0x58: {  	[spmem:s2] =	stream.indirect.scatter.add.f32 [tilespmem:s18], [sflag:$0x3], $0x80, s23, s17, $0xb8;
	[tilespmem:$0x1CC00] =	vst v63  }
0x59: {  	_ =	swait.ge [sflag:s14], $0x2800  }
0x5a: {  	[sflag:s14] =	ssyncset.done $0x0  }
0x5b: {  	[sflag:s14] =	ssyncadd.s32 $0xFFFFD800  }
0x5c: {  	_ =	swait.ge [sflag:s21], $0x2800  }
0x5d: {  	[sflag:s21] =	ssyncset.done $0x0  }
0x5e: {  	[sflag:s21] =	ssyncadd.s32 $0xFFFFD800  }
0x5f: {  	[spmem:s2] =	stream.indirect.scatter.add.f32 [tilespmem:s19], [sflag:$0x3], $0x80, s24, s17, $0xb8;
	[tilespmem:$0x1CC00] =	vst v63  }
0x60: {  	_ =	swait.ge [sflag:s14], $0x2800  }
0x61: {  	[sflag:s14] =	ssyncset.done $0x0  }
0x62: {  	s30 =	simm.s32 $0x0;
	[sflag:s14] =	ssyncadd.s32 $0xFFFFD800  }
0x63: {  	[tilespmem:s15], [sflag:$0x3] =	stream.linear.gather [hbm4b:s9+s30], $0x2000, $0x38;
	[tilespmem:$0x1CC00] =	vst v63  }
0x64: {  	_ =	swait.ge [sflag:s14], $0x2000  }
0x65: {  	[sflag:s14] =	ssyncset.done $0x0  }
0x66: {  	[sflag:s14] =	ssyncadd.s32 $0xFFFFE000  }
0x67: {  	[tilespmem:s16], [sflag:$0x3] =	stream.linear.gather [hbm4b:s10+s30], $0x2000, $0x38;
	[tilespmem:$0x1CC00] =	vst v63  }
0x68: {  	_ =	swait.ge [sflag:s14], $0x2000  }
0x69: {  	[sflag:s14] =	ssyncset.done $0x0  }
0x6a: {  	[sflag:s14] =	ssyncadd.s32 $0xFFFFE000  }
0x6b: {  	[tilespmem:s18], [sflag:$0x1] =	stream.indirect.gather [hbm4b:s4+s17], $0x80, s15, s17, $0xb8;
	[tilespmem:$0x1CC00] =	vst v63  }
0x6c: {  	s31 =	simm.s32 $0x13C80  }
0x6d: {  	[tilespmem:s19], [sflag:$0x2] =	stream.indirect.gather [hbm4b:s4+s17], $0x80, s31, s17, $0xb8;
	[tilespmem:$0x1CC00] =	vst v63  }
0x6e: {  	_ =	swait.ge [sflag:s20], $0x2800  }
0x6f: {  	[sflag:s20] =	ssyncset.done $0x0  }
0x70: {  	s29 =	simm.s32 $0x15C00;
	[sflag:s20] =	ssyncadd.s32 $0xFFFFD800  }
0x71: {  	[spmem:s2] =	stream.indirect.scatter.add.f32 [tilespmem:s18], [sflag:$0x3], $0x80, s29, s17, $0xb8;
	[tilespmem:$0x1CC00] =	vst v63  }
0x72: {  	_ =	swait.ge [sflag:s14], $0x2800  }
0x73: {  	[sflag:s14] =	ssyncset.done $0x0  }
0x74: {  	s30 =	simm.s32 $0x13D00;
	[sflag:s14] =	ssyncadd.s32 $0xFFFFD800  }
0x75: {  	[tilespmem:s18], [sflag:$0x1] =	stream.indirect.gather [hbm4b:s4+s17], $0x80, s30, s17, $0xb8;
	[tilespmem:$0x1CC00] =	vst v63  }
0x76: {  	_ =	swait.ge [sflag:s21], $0x2800  }
0x77: {  	[sflag:s21] =	ssyncset.done $0x0  }
0x78: {  	s31 =	simm.s32 $0x15C80;
	[sflag:s21] =	ssyncadd.s32 $0xFFFFD800  }
0x79: {  	[spmem:s2] =	stream.indirect.scatter.add.f32 [tilespmem:s19], [sflag:$0x3], $0x80, s31, s17, $0xb8;
	[tilespmem:$0x1CC00] =	vst v63  }
0x7a: {  	_ =	swait.ge [sflag:s14], $0x2800  }
0x7b: {  	s26 =	simm.s32 $0x100;
	s28 =	simm.s32 $0x800;
	[sflag:s14] =	ssyncset.done $0x0  }
.LBB2_4:
0x7c: {  	s29 =	sadd.s32 $0x13C80, s26  }
0x7d: {  	[sflag:s14] =	ssyncadd.s32 $0xFFFFD800;
	s30 =	smov.u32 s28;
	s31 =	sadd.s32 $0x400, s28  }
0x7e: {  	[tilespmem:s19], [sflag:$0x2] =	stream.indirect.gather [hbm4b:s4+s17], $0x80, s29, s17, $0xb8;
	[tilespmem:$0x1CC00] =	vst v63  }
0x7f: {  	p0 =	sne.s32 s28, $0x7800;
	_ =	swait.ge [sflag:s20], $0x2800  }
0x80: {  	[sflag:s20] =	ssyncset.done $0x0  }
0x81: {  	s28 =	sadd.s32 $0x15C00, s26;
	[sflag:s20] =	ssyncadd.s32 $0xFFFFD800  }
0x82: {  	[spmem:s2] =	stream.indirect.scatter.add.f32 [tilespmem:s18], [sflag:$0x3], $0x80, s28, s17, $0xb8;
	[tilespmem:$0x1CC00] =	vst v63  }
0x83: {  	_ =	swait.ge [sflag:s14], $0x2800  }
0x84: {  	[sflag:s14] =	ssyncset.done $0x0  }
0x85: {  	s28 =	sadd.s32 $0x13D00, s26;
	[sflag:s14] =	ssyncadd.s32 $0xFFFFD800  }
0x86: {  	[tilespmem:s18], [sflag:$0x1] =	stream.indirect.gather [hbm4b:s4+s17], $0x80, s28, s17, $0xb8;
	[tilespmem:$0x1CC00] =	vst v63  }
0x87: {  	_ =	swait.ge [sflag:s21], $0x2800  }
.Ltmp1:
0x88: {  	[sflag:s21] =	ssyncset.done $0x0;
	(pc) =	sbr.rel @p0 .LBB2_4-.Ltmp1, $4  }
0x89: {  	s26 =	sadd.s32 $0x15C80, s26;
	[sflag:s21] =	ssyncadd.s32 $0xFFFFD800  }
0x8a: {  	[spmem:s2] =	stream.indirect.scatter.add.f32 [tilespmem:s19], [sflag:$0x3], $0x80, s26, s17, $0xb8;
	[tilespmem:$0x1CC00] =	vst v63  }
0x8b: {  	_ =	swait.ge [sflag:s14], $0x2800  }
0x8c: {  	s28 =	smov.u32 s31;
	s26 =	sshra.s32 s30, $0x2;
	[sflag:s14] =	ssyncset.done $0x0  }
0x8d: {  	s28 =	sadd.s32 $0x13C80, s26;
	[sflag:s14] =	ssyncadd.s32 $0xFFFFD800  }
0x8e: {  	[tilespmem:s19], [sflag:$0x2] =	stream.indirect.gather [hbm4b:s4+s17], $0x80, s28, s17, $0xb8;
	[tilespmem:$0x1CC00] =	vst v63  }
0x8f: {  	_ =	swait.ge [sflag:s20], $0x2800  }
0x90: {  	[sflag:s20] =	ssyncset.done $0x0  }
0x91: {  	s29 =	sadd.s32 $0x15C00, s26;
	[sflag:s20] =	ssyncadd.s32 $0xFFFFD800  }
0x92: {  	[spmem:s2] =	stream.indirect.scatter.add.f32 [tilespmem:s18], [sflag:$0x3], $0x80, s29, s17, $0xb8;
	[tilespmem:$0x1CC00] =	vst v63  }
0x93: {  	_ =	swait.ge [sflag:s14], $0x2800  }
0x94: {  	[sflag:s14] =	ssyncset.done $0x0  }
0x95: {  	s30 =	sadd.s32 $0x13D00, s26;
	[sflag:s14] =	ssyncadd.s32 $0xFFFFD800  }
0x96: {  	[tilespmem:s18], [sflag:$0x1] =	stream.indirect.gather [hbm4b:s4+s17], $0x80, s30, s17, $0xb8;
	[tilespmem:$0x1CC00] =	vst v63  }
0x97: {  	_ =	swait.ge [sflag:s21], $0x2800  }
0x98: {  	[sflag:s21] =	ssyncset.done $0x0  }
0x99: {  	s31 =	sadd.s32 $0x15C80, s26;
	[sflag:s21] =	ssyncadd.s32 $0xFFFFD800  }
0x9a: {  	[spmem:s2] =	stream.indirect.scatter.add.f32 [tilespmem:s19], [sflag:$0x3], $0x80, s31, s17, $0xb8;
	[tilespmem:$0x1CC00] =	vst v63  }
0x9b: {  	_ =	swait.ge [sflag:s14], $0x2800  }
0x9c: {  	[sflag:s14] =	ssyncset.done $0x0  }
0x9d: {  	[sflag:s14] =	ssyncadd.s32 $0xFFFFD800  }
0x9e: {  	[tilespmem:s19], [sflag:$0x2] =	stream.indirect.gather [hbm4b:s4+s17], $0x80, s22, s17, $0xb8;
	[tilespmem:$0x1CC00] =	vst v63  }
0x9f: {  	_ =	swait.ge [sflag:s20], $0x2800  }
0xa0: {  	[sflag:s20] =	ssyncset.done $0x0  }
0xa1: {  	[sflag:s20] =	ssyncadd.s32 $0xFFFFD800  }
0xa2: {  	[spmem:s2] =	stream.indirect.scatter.add.f32 [tilespmem:s18], [sflag:$0x3], $0x80, s23, s17, $0xb8;
	[tilespmem:$0x1CC00] =	vst v63  }
0xa3: {  	_ =	swait.ge [sflag:s14], $0x2800  }
0xa4: {  	[sflag:s14] =	ssyncset.done $0x0  }
0xa5: {  	[sflag:s14] =	ssyncadd.s32 $0xFFFFD800  }
0xa6: {  	_ =	swait.ge [sflag:s21], $0x2800  }
0xa7: {  	[sflag:s21] =	ssyncset.done $0x0  }
0xa8: {  	[sflag:s21] =	ssyncadd.s32 $0xFFFFD800  }
0xa9: {  	[spmem:s2] =	stream.indirect.scatter.add.f32 [tilespmem:s19], [sflag:$0x3], $0x80, s24, s17, $0xb8;
	[tilespmem:$0x1CC00] =	vst v63  }
0xaa: {  	_ =	swait.ge [sflag:s14], $0x2800  }
0xab: {  	s25 =	sadd.s32 $0x1, s25;
	[sflag:s14] =	ssyncset.done $0x0  }
0xac: {  	p0 =	sne.s32 s25, s12;
	[sflag:s14] =	ssyncadd.s32 $0xFFFFD800  }
.Ltmp2:
0xad: {  	[bflag:$0x0] =	sbarrier.arrive $0xFFFF;
	(pc) =	sbr.rel @p0 .LBB2_1-.Ltmp2, $4  }
0xae: {  	[hbm:s11], [sflag:s6] =	dma.local [spmem:s13], $0x2780  }
0xaf: {  	_ =	swait.ge [sflag:s14], $0x2780  }
0xb0: {  	[sflag:s14] =	ssyncset.done $0x0  }
0xb1: {  	[sflag:s14] =	ssyncadd.s32 $0xFFFFD880  }
0xb2: {  	_ =	sfence.sel $0x180000  }
0xb3: {  	[bflag:$0x0] =	sbarrier.arrive $0xFFFF  }
0xb4: {  	p0 =	sne.s32 s1, $0x0;
	_ =	strace $0x90000053  }
0xb5: {  	s0 =	sadd.s32 @!p0 $0x100000, s0;
	[bflag:$0x2] =	sbarrier.arrive $0xFFFF  }
0xb6: {  	[sflag:s0] =	ssyncadd.tile.s32 @!p0 $0x1;
	_ =	shalt  }
.Lfunc_end2:
_tile_overlayer_lowered:
.L_overlay_start_2:
0xb7: {  	(tag) =	ssettag $0x2  }
0xb8: {  	s0 =	rddreg [dreg:$0x0];
	s2 =	stileid.u32  }
0xb9: {  	s1 =	rddreg [dreg:$0x1];
	p0 =	sne.s32 s2, $0x0  }
0xba: {  	s3 =	rddreg [dreg:$0x2];
	[bflag:$0x3] =	sbarrier.arrive $0xFFFF;
	s2 =	simm.s32 @!p0 $0x1C03  }
0xbb: {  	[timem:s3], [sflag:s2] =	dma.local @!p0 [hbm:s0], s1  }
0xbc: {  	s0 =	simm.s32 @!p0 $0x3  }
0xbd: {  	_ =	swait.ge @!p0 [sflag:s0], s1  }
0xbe: {  	s1 =	ssub.s32 @!p0 $0x0, s1;
	[sflag:s0] =	ssyncset.done @!p0 $0x0  }
0xbf: {  	[sflag:s0] =	ssyncadd.s32 @!p0 s1  }
0xc0: {  	[bflag:$0x3] =	sbarrier.arrive $0xFFFF  }
0xc1: {  	_ =	shalt  }

// kernel: kernel.26.cloned.1.call-start
scs
__scs_entry_jumppad:
0x0: {  	(pc) =	sbr.rel $0x88, $3  }
0x1: {  	(tag) =	ssettag $0x0;
	lr =	simm.s32 $0x1  }
0x2: {  	[smem:$0x3F9B] =	sst lr;
	_ =	strace $0xD0000000  }
0x3: {  	_ = 	snop  }
0x4: {  	_ = 	snop  }
0x5: {  	_ = 	snop  }
0x6: {  	_ = 	snop  }
0x7: {  	_ = 	snop  }
__scs_overlays_trampoline_lowered:
0x8: {  	[smem:$0x3FAA] =	sst s0  }
0x9: {  	[smem:$0x3FAB] =	sst s1  }
0xa: {  	[smem:$0x3FAC] =	sst s2  }
0xb: {  	[smem:$0x3FAD] =	sst s3  }
0xc: {  	[smem:$0x3FAE] =	sst s4  }
0xd: {  	[smem:$0x3FAF] =	sst s5  }
0xe: {  	[smem:$0x3FB0] =	sst s6  }
0xf: {  	[smem:$0x3FB1] =	sst s7  }
0x10: {  	[smem:$0x3FB2] =	sst s8  }
0x11: {  	[smem:$0x3FB3] =	sst s9;
	s0 =	simm.s32 @!p0 $0x0  }
0x12: {  	s1 =	sld [smem:$0x3F99];
	s0 =	simm.s32 @p0 $0x1  }
0x13: {  	[smem:$0x3FB4] =	sst s0;
	s0 =	simm.s32 @!p1 $0x0  }
0x14: {  	s2 =	sld [smem:$0x3F98];
	s0 =	simm.s32 @p1 $0x1  }
0x15: {  	[smem:$0x3FB5] =	sst s0;
	s0 =	simm.s32 @!p2 $0x0  }
0x16: {  	s3 =	sld [smem:$0x3FDB];
	s0 =	simm.s32 @p2 $0x1  }
0x17: {  	s4 =	simm.s32 $0x1BF5;
	[smem:$0x3FB7] =	sst s0  }
0x18: {  	s0 =	sld [smem:$0x3F9A];
	_ =	swait.ge [sflag:s4], $0x0  }
0x19: {  	s7 =	sld [smem:$0x3F9B]  }
0x1a: {  	s8 =	sadd.s32 $0xFFFFE003, lr  }
0x1b: {  	s9 =	sadd.s32 $0xFFFFFEF7, lr;
	s5 =	simm.s32 $0xFFFFFFFF;
	p2 =	slt.u32 s8, $0xFFFFF086  }
0x1c: {  	p1 =	slt.u32 s9, $0xF7A;
	s5 =	simm.s32 @!p2 $0x0  }
0x1d: {  	s5 =	simm.s32 @p1 $0x1;
	p0 =	seq.s32 s7, s2  }
0x1e: {  	s7 =	smul.u32 @!p0 $0xF7A, s2;
	p2 =	seq.s32 @!p0 s5, $0x0  }
0x1f: {  	s9 =	smul.u32 $0xF7A, s1;
	s8 =	simm.s32 @!p0 $0x1BF5;
	p2 =	por !p2, p0  }
0x20: {  	[sflag:s8] =	ssyncset.s32 @!p0 $0xFFFFF086;
	s6 =	sadd.s32 @!p0 s3, s7;
	s7 =	simm.s32 @!p0 $0x108  }
0x21: {  	s3 =	sadd.s32 s3, s9;
	s6 =	sadd.s32 @!p0 $0x88, s6;
	s7 =	simm.s32 @p2 $0x1082  }
0x22: {  	[simem:s7], [sflag:s8] =	dma.local @!p0 [hbm:s6], $0xF7A  }
0x23: {  	s9 =	sor.u32 $0xD0000000, s2;
	s6 =	simm.s32 $0x108;
	_ =	swait.ge @!p0 [sflag:s8], $0x0  }
0x24: {  	s3 =	sadd.s32 $0x88, s3;
	s6 =	simm.s32 @!p1 $0x1082;
	[sflag:s4] =	ssyncset.s32 $0xFFFFF086  }
0x25: {  	[simem:s6], [sflag:s4] =	dma.local [hbm:s3], $0xF7A  }
0x26: {  	[smem:$0x3F9B] =	sst s1;
	(tag) =	ssettag s2;
	_ =	strace s9  }
0x27: {  	s1 =	sld [smem:$0x3FAB]  }
0x28: {  	s2 =	sld [smem:$0x3FAC]  }
0x29: {  	s4 =	sld [smem:$0x3FAE]  }
0x2a: {  	p0 =	seq.s32 s5, $0x0;
	s5 =	sld [smem:$0x3FAF]  }
0x2b: {  	s6 =	sld [smem:$0x3FB0]  }
0x2c: {  	s7 =	sld [smem:$0x3FB1]  }
0x2d: {  	s3 =	simm.s32 $0x108;
	s8 =	sld [smem:$0x3FB2]  }
0x2e: {  	s3 =	simm.s32 @!p0 $0x1082;
	s9 =	sld [smem:$0x3FB3]  }
0x2f: {  	lr =	sadd.s32 s0, s3;
	s0 =	sld [smem:$0x3FAA]  }
0x30: {  	s3 =	sld [smem:$0x3FAD]  }
0x31: {  	[smem:$0x3FB6] =	sst s10  }
0x32: {  	s10 =	sld [smem:$0x3FB4];
	_ =	sdelay $0x3  }
0x33: {  	p0 =	seq.s32 s10, $0x1;
	s10 =	sld [smem:$0x3FB6];
	_ =	sdelay $0x3  }
0x34: {  	[smem:$0x3FB6] =	sst s10  }
0x35: {  	s10 =	sld [smem:$0x3FB5];
	_ =	sdelay $0x3  }
0x36: {  	p1 =	seq.s32 s10, $0x1;
	s10 =	sld [smem:$0x3FB6];
	_ =	sdelay $0x3  }
0x37: {  	[smem:$0x3FB6] =	sst s10  }
0x38: {  	s10 =	sld [smem:$0x3FB7]  }
0x39: {  	_ = 	snop;
	(pc) =	sbr.ind lr, $3  }
0x3a: {  	_ = 	snop  }
0x3b: {  	_ = 	snop  }
0x3c: {  	p2 =	seq.s32 s10, $0x1;
	s10 =	sld [smem:$0x3FB6]  }
0x3d: {  	_ =	shalt  }
0x3e: {  	_ =	shalt  }
0x3f: {  	_ =	shalt  }
0x40: {  	_ =	shalt  }
0x41: {  	_ =	shalt  }
0x42: {  	_ =	shalt  }
0x43: {  	_ =	shalt  }
0x44: {  	_ =	shalt  }
0x45: {  	_ =	shalt  }
0x46: {  	_ =	shalt  }
0x47: {  	_ =	shalt  }
0x48: {  	_ =	shalt  }
0x49: {  	_ =	shalt  }
0x4a: {  	_ =	shalt  }
0x4b: {  	_ =	shalt  }
0x4c: {  	_ =	shalt  }
0x4d: {  	_ =	shalt  }
0x4e: {  	_ =	shalt  }
0x4f: {  	_ =	shalt  }
0x50: {  	_ =	shalt  }
0x51: {  	_ =	shalt  }
0x52: {  	_ =	shalt  }
0x53: {  	_ =	shalt  }
0x54: {  	_ =	shalt  }
0x55: {  	_ =	shalt  }
0x56: {  	_ =	shalt  }
0x57: {  	_ =	shalt  }
0x58: {  	_ =	shalt  }
0x59: {  	_ =	shalt  }
0x5a: {  	_ =	shalt  }
0x5b: {  	_ =	shalt  }
0x5c: {  	_ =	shalt  }
0x5d: {  	_ =	shalt  }
0x5e: {  	_ =	shalt  }
0x5f: {  	_ =	shalt  }
0x60: {  	_ =	shalt  }
0x61: {  	_ =	shalt  }
0x62: {  	_ =	shalt  }
0x63: {  	_ =	shalt  }
0x64: {  	_ =	shalt  }
0x65: {  	_ =	shalt  }
0x66: {  	_ =	shalt  }
0x67: {  	_ =	shalt  }
0x68: {  	_ =	shalt  }
0x69: {  	_ =	shalt  }
0x6a: {  	_ =	shalt  }
0x6b: {  	_ =	shalt  }
0x6c: {  	_ =	shalt  }
0x6d: {  	_ =	shalt  }
0x6e: {  	_ =	shalt  }
0x6f: {  	_ =	shalt  }
0x70: {  	_ =	shalt  }
0x71: {  	_ =	shalt  }
0x72: {  	_ =	shalt  }
0x73: {  	_ =	shalt  }
0x74: {  	_ =	shalt  }
0x75: {  	_ =	shalt  }
0x76: {  	_ =	shalt  }
0x77: {  	_ =	shalt  }
0x78: {  	_ =	shalt  }
0x79: {  	_ =	shalt  }
0x7a: {  	_ =	shalt  }
0x7b: {  	_ =	shalt  }
0x7c: {  	_ =	shalt  }
0x7d: {  	_ =	shalt  }
0x7e: {  	_ =	shalt  }
0x7f: {  	_ =	shalt  }
0x80: {  	_ =	shalt  }
0x81: {  	_ =	shalt  }
0x82: {  	_ =	shalt  }
0x83: {  	_ =	shalt  }
0x84: {  	_ =	shalt  }
0x85: {  	_ =	shalt  }
0x86: {  	_ =	shalt  }
0x87: {  	_ =	shalt  }
.Lfunc_end0:
.L_simem_size_0:
called_computation.5_lowered:
.L_overlay_start_0:
0x88: {  	s2 =	sld [smem:$0x3FD9]  }
0x89: {  	s3 =	sld [smem:$0x3FFE];
	_ =	sdelay $0x1  }
0x8a: {  	s1 =	srdreg.scid  }
0x8b: {  	s0 =	sand.u32 $0x1, s1  }
0x8c: {  	s17 =	sshll.u32 s0, $0xA;
	s2 =	sadd.s32 s3, s2  }
0x8d: {  	s2 =	sadd.s32 s2, s17  }
0x8e: {  	[smem:$0x3FC2] =	sst s2  }
0x8f: {  	_ = 	snop  }
0x90: {  	s2 =	sld [smem:$0x3FD0];
	(tm) =	ssettm $0x1  }
0x91: {  	s18 =	sld [smem:$0x3FFB];
	_ =	sdelay $0x3  }
0x92: {  	_ =	strace s18  }
0x93: {  	s3 =	sld [smem:$0x3FFC];
	_ =	sdelay $0x3  }
0x94: {  	_ =	strace s3  }
0x95: {  	s3 =	sld [smem:$0x3FFD];
	_ =	sdelay $0x3  }
0x96: {  	_ =	strace s3  }
0x97: {  	_ =	strace $0x8FFFFFFF  }
0x98: {  	s19 =	sld [smem:$0x3FDB];
	_ =	sdelay $0x1  }
0x99: {  	s4 =	simm.s32 $_scs_section_size  }
0x9a: {  	s5 =	simm.s32 $_size__tile_overlayer_lowered;
	s6 =	simm.s32 $_tile_overlayer_lowered  }
0x9b: {  	s22 =	simm.s32 $0x1BFF;
	s21 =	sshll.u32 s6, $0x1;
	s3 =	sadd.s32 s4, s19  }
0x9c: {  	s7 =	simm.s32 $0x0;
	s20 =	sshll.u32 s5, $0x1;
	s5 =	sadd.s32 s21, s3  }
0x9d: {  	[timem:s7], [sflag:s22] =	dma.local [hbm:s5], s20  }
0x9e: {  	_ =	swait.ge [sflag:s22], s20  }
0x9f: {  	s4 =	ssub.s32 $0x0, s20;
	[sflag:s22] =	ssyncset.done $0x0  }
0xa0: {  	[sflag:s22] =	ssyncadd.s32 s4;
	_ =	sdelay $0x1  }
0xa1: {  	s23 =	simm.s32 $0x1B8B  }
0xa2: {  	_ =	swait.ge [sflag:s23], $0x1  }
0xa3: {  	[sflag:s23] =	ssyncset.done $0x0  }
0xa4: {  	s25 =	simm.s32 $0x1B8E;
	s24 =	sld [smem:$0x3FFE];
	[sflag:s23] =	ssyncadd.s32 $0xFFFFFFFF  }
0xa5: {  	s26 =	simm.s32 $execute0_lowered;
	[smem:$0x3FD2] =	sst s25  }
0xa6: {  	s5 =	sshll.u32 s26, $0x1;
	_ =	strace $0x80000055;
	[dreg:$0x1] =	wrdreg $0xFFFFFFFF  }
0xa7: {  	s28 =	simm.s32 $_size_execute0_lowered;
	s3 =	sadd.s32 s3, s5;
	[dreg:$0x0] =	wrdreg $0x0  }
0xa8: {  	s5 =	sshll.u32 s28, $0x1;
	[dreg:$0x2] =	wrdreg s3  }
0xa9: {  	[dreg:$0x3] =	wrdreg s5  }
0xaa: {  	[dreg:$0x4] =	wrdreg $0xC0  }
0xab: {  	_ =	task [dreg:s7], $0x5FFFF  }
0xac: {  	[dreg:$0x1] =	wrdreg $0xFFFFFFFF  }
0xad: {  	[dreg:$0x0] =	wrdreg $0x60  }
0xae: {  	[dreg:$0x2] =	wrdreg s24  }
0xaf: {  	[dreg:$0x3] =	wrdreg s2  }
0xb0: {  	[dreg:$0x4] =	wrdreg $0x0  }
0xb1: {  	[dreg:$0x5] =	wrdreg $0x9  }
0xb2: {  	_ =	task.clear_ibuf [dreg:s7], $0x6FFFF;
	_ =	strace $0x90000055  }
0xb3: {  	s29 =	simm.s32 $0x9;
	_ =	strace $0x80000057  }
0xb4: {  	_ =	swait.ge [sflag:s29], $0x1  }
0xb5: {  	[sflag:s29] =	ssyncadd.s32 $0xFFFFFFFF  }
0xb6: {  	_ =	strace $0x90000057  }
0xb7: {  	_ =	sfence  }
0xb8: {  	s30 =	sld [smem:$0x0];
	_ =	sdelay $0x2  }
0xb9: {  	s31 =	sshll.u32 s1, $0xD;
	s1 =	sshrl.u32 s1, $0x2  }
0xba: {  	s3 =	sand.u32 $0x4000, s31;
	s1 =	sadd.s32 s1, s30  }
0xbb: {  	s0 =	sor.u32 s3, s0;
	s1 =	sshll.u32 s1, $0x11  }
0xbc: {  	s0 =	sor.u32 s1, s0  }
0xbd: {  	s0 =	sadd.s32 $0x8F2B, s0  }
0xbe: {  	[sflag:s0] =	ssyncadd.remote.s32 $0x1  }
0xbf: {  	_ =	sfence.sel $0xFFFF  }
0xc0: {  	[dreg:$0x0] =	wrdreg $0xFFFFFFFF;
	(pc) =	sbr.abs _section_cstart, $3  }
0xc1: {  	[dreg:$0x1] =	wrdreg $0xFFFFFFFF  }
0xc2: {  	_ =	task.clear_ibuf [dreg:s7], $0x2FFFF;
	_ =	strace $0x9FFFFFFF  }
0xc3: {  	(tm) =	ssettm $0x7FFFFFFF  }
tec
execute0_lowered:
.L_overlay_start_1:
0x0: {  	(tag) =	ssettag $0x1  }
0x1: {  	s5 =	rddreg [dreg:$0x0]  }
0x2: {  	s9 =	rddreg [dreg:$0x1]  }
0x3: {  	s2 =	rddreg [dreg:$0x2]  }
0x4: {  	s0 =	rddreg [dreg:$0x3];
	s3 =	simm.s32 $0x0;
	s1 =	stileid.u32  }
0x5: {  	s4 =	srdreg.scid;
	s16 =	simm.s32 $0x15C00;
	s17 =	simm.s32 $0x50  }
0x6: {  	s18 =	simm.s32 $0x17C00;
	s19 =	simm.s32 $0x1A400;
	s20 =	simm.s32 $0x1  }
0x7: {  	s21 =	simm.s32 $0x2;
	s22 =	simm.s32 $0x15B80;
	s23 =	simm.s32 $0x17B00  }
0x8: {  	[smem:$0x7FF] =	sst s3;
	s6 =	smul.u32 $0x13C00, s1;
	s7 =	sand.u32 $0x1, s4  }
0x9: {  	s4 =	sadd.s32 $0x51600, s5;
	s10 =	sadd.s32 $0x79400, s5;
	s12 =	smul.u32 $0x4F000, s1  }
0xa: {  	s28 =	sshll.u32 s1, $0xB;
	s29 =	sshll.u32 s1, $0x6;
	_ =	strace $0x80000056  }
0xb: {  	s8 =	smul.u32 $0x13C000, s7;
	s24 =	ssub.s32 $0x2, s7;
	s26 =	sshll.u32 s7, $0xF  }
0xc: {  	s11 =	sshrl.u32 s6, $0x3;
	s13 =	sshrl.u32 s24, $0x1;
	s25 =	sshrl.u32 s12, $0x2  }
0xd: {  	s30 =	sor.u32 s28, s26;
	s6 =	sadd.s32 s6, s8;
	s11 =	sadd.s32 s11, s5  }
0xe: {  	s13 =	ssub.s32 s24, s13;
	s15 =	sadd.s32 s25, s2;
	s7 =	sadd.s32 s9, s30  }
0xf: {  	s31 =	sor.u32 $0x400, s30;
	s8 =	sadd.s32 s10, s30;
	s24 =	simm.s32 $0x17B80  }
0x10: {  	s25 =	simm.s32 $0x0;
	s6 =	sshrl.u32 s6, $0x3;
	s9 =	sadd.s32 s9, s31  }
0x11: {  	s10 =	sadd.s32 s10, s31;
	s12 =	smax.u32 s13, $0x1;
	s13 =	sshrl.u32 s15, $0x3  }
0x12: {  	s15 =	simm.s32 $0x13C00;
	s14 =	sadd.s32 s6, s5;
	s5 =	sadd.s32 $0x2600, s11  }
0x13: {  	s6 =	sor.u32 $0x1C03, s29;
	s11 =	sadd.s32 $0x89400, s14;
	s14 =	simm.s32 $0x3  }
.LBB2_1:
0x14: {  	[spmem:s13], [sflag:s6] =	dma.local [hbm:s5], $0x2780  }
0x15: {  	_ =	swait.ge [sflag:s14], $0x2780  }
0x16: {  	[sflag:s14] =	ssyncset.done $0x0  }
0x17: {  	[sflag:s14] =	ssyncadd.s32 $0xFFFFD880  }
0x18: {  	[bflag:$0x0] =	sbarrier.arrive $0xFFFF  }
0x19: {  	[tilespmem:s15], [sflag:$0x3] =	stream.linear.gather [hbm4b:s7+s3], $0x2000, $0x38;
	[tilespmem:$0x1CC00] =	vst v63  }
0x1a: {  	_ =	swait.ge [sflag:s14], $0x2000  }
0x1b: {  	[sflag:s14] =	ssyncset.done $0x0  }
0x1c: {  	[sflag:s14] =	ssyncadd.s32 $0xFFFFE000  }
0x1d: {  	[tilespmem:s16], [sflag:$0x3] =	stream.linear.gather [hbm4b:s8+s3], $0x2000, $0x38;
	[tilespmem:$0x1CC00] =	vst v63  }
0x1e: {  	_ =	swait.ge [sflag:s14], $0x2000  }
0x1f: {  	[sflag:s14] =	ssyncset.done $0x0  }
0x20: {  	[sflag:s14] =	ssyncadd.s32 $0xFFFFE000  }
0x21: {  	[tilespmem:s18], [sflag:$0x1] =	stream.indirect.gather [hbm4b:s4+s17], $0x80, s15, s17, $0xb8;
	[tilespmem:$0x1CC00] =	vst v63  }
0x22: {  	s26 =	simm.s32 $0x13C80  }
0x23: {  	[tilespmem:s19], [sflag:$0x2] =	stream.indirect.gather [hbm4b:s4+s17], $0x80, s26, s17, $0xb8;
	[tilespmem:$0x1CC00] =	vst v63  }
0x24: {  	_ =	swait.ge [sflag:s20], $0x2800  }
0x25: {  	[sflag:s20] =	ssyncset.done $0x0  }
0x26: {  	s29 =	simm.s32 $0x15C00;
	[sflag:s20] =	ssyncadd.s32 $0xFFFFD800  }
0x27: {  	[spmem:s2] =	stream.indirect.scatter.add.f32 [tilespmem:s18], [sflag:$0x3], $0x80, s29, s17, $0xb8;
	[tilespmem:$0x1CC00] =	vst v63  }
0x28: {  	_ =	swait.ge [sflag:s14], $0x2800  }
0x29: {  	[sflag:s14] =	ssyncset.done $0x0  }
0x2a: {  	s30 =	simm.s32 $0x13D00;
	[sflag:s14] =	ssyncadd.s32 $0xFFFFD800  }
0x2b: {  	[tilespmem:s18], [sflag:$0x1] =	stream.indirect.gather [hbm4b:s4+s17], $0x80, s30, s17, $0xb8;
	[tilespmem:$0x1CC00] =	vst v63  }
0x2c: {  	_ =	swait.ge [sflag:s21], $0x2800  }
0x2d: {  	[sflag:s21] =	ssyncset.done $0x0  }
0x2e: {  	s31 =	simm.s32 $0x15C80;
	[sflag:s21] =	ssyncadd.s32 $0xFFFFD800  }
0x2f: {  	[spmem:s2] =	stream.indirect.scatter.add.f32 [tilespmem:s19], [sflag:$0x3], $0x80, s31, s17, $0xb8;
	[tilespmem:$0x1CC00] =	vst v63  }
0x30: {  	_ =	swait.ge [sflag:s14], $0x2800  }
0x31: {  	s28 =	simm.s32 $0x800;
	s26 =	simm.s32 $0x100;
	[sflag:s14] =	ssyncset.done $0x0  }
.LBB2_2:
0x32: {  	s29 =	sadd.s32 $0x13C80, s26  }
0x33: {  	[sflag:s14] =	ssyncadd.s32 $0xFFFFD800;
	s30 =	smov.u32 s28;
	s31 =	sadd.s32 $0x400, s28  }
0x34: {  	[tilespmem:s19], [sflag:$0x2] =	stream.indirect.gather [hbm4b:s4+s17], $0x80, s29, s17, $0xb8;
	[tilespmem:$0x1CC00] =	vst v63  }
0x35: {  	p0 =	sne.s32 s28, $0x7800;
	_ =	swait.ge [sflag:s20], $0x2800  }
0x36: {  	[sflag:s20] =	ssyncset.done $0x0  }
0x37: {  	s28 =	sadd.s32 $0x15C00, s26;
	[sflag:s20] =	ssyncadd.s32 $0xFFFFD800  }
0x38: {  	[spmem:s2] =	stream.indirect.scatter.add.f32 [tilespmem:s18], [sflag:$0x3], $0x80, s28, s17, $0xb8;
	[tilespmem:$0x1CC00] =	vst v63  }
0x39: {  	_ =	swait.ge [sflag:s14], $0x2800  }
0x3a: {  	[sflag:s14] =	ssyncset.done $0x0  }
0x3b: {  	s28 =	sadd.s32 $0x13D00, s26;
	[sflag:s14] =	ssyncadd.s32 $0xFFFFD800  }
0x3c: {  	[tilespmem:s18], [sflag:$0x1] =	stream.indirect.gather [hbm4b:s4+s17], $0x80, s28, s17, $0xb8;
	[tilespmem:$0x1CC00] =	vst v63  }
0x3d: {  	_ =	swait.ge [sflag:s21], $0x2800  }
.Ltmp0:
0x3e: {  	[sflag:s21] =	ssyncset.done $0x0;
	(pc) =	sbr.rel @p0 .LBB2_2-.Ltmp0, $4  }
0x3f: {  	s26 =	sadd.s32 $0x15C80, s26;
	[sflag:s21] =	ssyncadd.s32 $0xFFFFD800  }
0x40: {  	[spmem:s2] =	stream.indirect.scatter.add.f32 [tilespmem:s19], [sflag:$0x3], $0x80, s26, s17, $0xb8;
	[tilespmem:$0x1CC00] =	vst v63  }
0x41: {  	_ =	swait.ge [sflag:s14], $0x2800  }
0x42: {  	s28 =	smov.u32 s31;
	s26 =	sshra.s32 s30, $0x2;
	[sflag:s14] =	ssyncset.done $0x0  }
0x43: {  	s28 =	sadd.s32 $0x13C80, s26;
	[sflag:s14] =	ssyncadd.s32 $0xFFFFD800  }
0x44: {  	[tilespmem:s19], [sflag:$0x2] =	stream.indirect.gather [hbm4b:s4+s17], $0x80, s28, s17, $0xb8;
	[tilespmem:$0x1CC00] =	vst v63  }
0x45: {  	_ =	swait.ge [sflag:s20], $0x2800  }
0x46: {  	[sflag:s20] =	ssyncset.done $0x0  }
0x47: {  	s28 =	sadd.s32 $0x15C00, s26;
	[sflag:s20] =	ssyncadd.s32 $0xFFFFD800  }
0x48: {  	[spmem:s2] =	stream.indirect.scatter.add.f32 [tilespmem:s18], [sflag:$0x3], $0x80, s28, s17, $0xb8;
	[tilespmem:$0x1CC00] =	vst v63  }
0x49: {  	_ =	swait.ge [sflag:s14], $0x2800  }
0x4a: {  	[sflag:s14] =	ssyncset.done $0x0  }
0x4b: {  	s28 =	sadd.s32 $0x13D00, s26;
	[sflag:s14] =	ssyncadd.s32 $0xFFFFD800  }
0x4c: {  	[tilespmem:s18], [sflag:$0x1] =	stream.indirect.gather [hbm4b:s4+s17], $0x80, s28, s17, $0xb8;
	[tilespmem:$0x1CC00] =	vst v63  }
0x4d: {  	_ =	swait.ge [sflag:s21], $0x2800  }
0x4e: {  	[sflag:s21] =	ssyncset.done $0x0  }
0x4f: {  	s29 =	sadd.s32 $0x15C80, s26;
	[sflag:s21] =	ssyncadd.s32 $0xFFFFD800  }
0x50: {  	[spmem:s2] =	stream.indirect.scatter.add.f32 [tilespmem:s19], [sflag:$0x3], $0x80, s29, s17, $0xb8;
	[tilespmem:$0x1CC00] =	vst v63  }
0x51: {  	_ =	swait.ge [sflag:s14], $0x2800  }
0x52: {  	[sflag:s14] =	ssyncset.done $0x0  }
0x53: {  	[sflag:s14] =	ssyncadd.s32 $0xFFFFD800  }
0x54: {  	[tilespmem:s19], [sflag:$0x2] =	stream.indirect.gather [hbm4b:s4+s17], $0x80, s22, s17, $0xb8;
	[tilespmem:$0x1CC00] =	vst v63  }
0x55: {  	_ =	swait.ge [sflag:s20], $0x2800  }
0x56: {  	[sflag:s20] =	ssyncset.done $0x0  }
0x57: {  	[sflag:s20] =	ssyncadd.s32 $0xFFFFD800  }
0x58: {  	[spmem:s2] =	stream.indirect.scatter.add.f32 [tilespmem:s18], [sflag:$0x3], $0x80, s23, s17, $0xb8;
	[tilespmem:$0x1CC00] =	vst v63  }
0x59: {  	_ =	swait.ge [sflag:s14], $0x2800  }
0x5a: {  	[sflag:s14] =	ssyncset.done $0x0  }
0x5b: {  	[sflag:s14] =	ssyncadd.s32 $0xFFFFD800  }
0x5c: {  	_ =	swait.ge [sflag:s21], $0x2800  }
0x5d: {  	[sflag:s21] =	ssyncset.done $0x0  }
0x5e: {  	[sflag:s21] =	ssyncadd.s32 $0xFFFFD800  }
0x5f: {  	[spmem:s2] =	stream.indirect.scatter.add.f32 [tilespmem:s19], [sflag:$0x3], $0x80, s24, s17, $0xb8;
	[tilespmem:$0x1CC00] =	vst v63  }
0x60: {  	_ =	swait.ge [sflag:s14], $0x2800  }
0x61: {  	[sflag:s14] =	ssyncset.done $0x0  }
0x62: {  	s30 =	simm.s32 $0x0;
	[sflag:s14] =	ssyncadd.s32 $0xFFFFD800  }
0x63: {  	[tilespmem:s15], [sflag:$0x3] =	stream.linear.gather [hbm4b:s9+s30], $0x2000, $0x38;
	[tilespmem:$0x1CC00] =	vst v63  }
0x64: {  	_ =	swait.ge [sflag:s14], $0x2000  }
0x65: {  	[sflag:s14] =	ssyncset.done $0x0  }
0x66: {  	[sflag:s14] =	ssyncadd.s32 $0xFFFFE000  }
0x67: {  	[tilespmem:s16], [sflag:$0x3] =	stream.linear.gather [hbm4b:s10+s30], $0x2000, $0x38;
	[tilespmem:$0x1CC00] =	vst v63  }
0x68: {  	_ =	swait.ge [sflag:s14], $0x2000  }
0x69: {  	[sflag:s14] =	ssyncset.done $0x0  }
0x6a: {  	[sflag:s14] =	ssyncadd.s32 $0xFFFFE000  }
0x6b: {  	[tilespmem:s18], [sflag:$0x1] =	stream.indirect.gather [hbm4b:s4+s17], $0x80, s15, s17, $0xb8;
	[tilespmem:$0x1CC00] =	vst v63  }
0x6c: {  	s31 =	simm.s32 $0x13C80  }
0x6d: {  	[tilespmem:s19], [sflag:$0x2] =	stream.indirect.gather [hbm4b:s4+s17], $0x80, s31, s17, $0xb8;
	[tilespmem:$0x1CC00] =	vst v63  }
0x6e: {  	_ =	swait.ge [sflag:s20], $0x2800  }
0x6f: {  	[sflag:s20] =	ssyncset.done $0x0  }
0x70: {  	s29 =	simm.s32 $0x15C00;
	[sflag:s20] =	ssyncadd.s32 $0xFFFFD800  }
0x71: {  	[spmem:s2] =	stream.indirect.scatter.add.f32 [tilespmem:s18], [sflag:$0x3], $0x80, s29, s17, $0xb8;
	[tilespmem:$0x1CC00] =	vst v63  }
0x72: {  	_ =	swait.ge [sflag:s14], $0x2800  }
0x73: {  	[sflag:s14] =	ssyncset.done $0x0  }
0x74: {  	s30 =	simm.s32 $0x13D00;
	[sflag:s14] =	ssyncadd.s32 $0xFFFFD800  }
0x75: {  	[tilespmem:s18], [sflag:$0x1] =	stream.indirect.gather [hbm4b:s4+s17], $0x80, s30, s17, $0xb8;
	[tilespmem:$0x1CC00] =	vst v63  }
0x76: {  	_ =	swait.ge [sflag:s21], $0x2800  }
0x77: {  	[sflag:s21] =	ssyncset.done $0x0  }
0x78: {  	s31 =	simm.s32 $0x15C80;
	[sflag:s21] =	ssyncadd.s32 $0xFFFFD800  }
0x79: {  	[spmem:s2] =	stream.indirect.scatter.add.f32 [tilespmem:s19], [sflag:$0x3], $0x80, s31, s17, $0xb8;
	[tilespmem:$0x1CC00] =	vst v63  }
0x7a: {  	_ =	swait.ge [sflag:s14], $0x2800  }
0x7b: {  	s26 =	simm.s32 $0x100;
	s28 =	simm.s32 $0x800;
	[sflag:s14] =	ssyncset.done $0x0  }
.LBB2_4:
0x7c: {  	s29 =	sadd.s32 $0x13C80, s26  }
0x7d: {  	[sflag:s14] =	ssyncadd.s32 $0xFFFFD800;
	s30 =	smov.u32 s28;
	s31 =	sadd.s32 $0x400, s28  }
0x7e: {  	[tilespmem:s19], [sflag:$0x2] =	stream.indirect.gather [hbm4b:s4+s17], $0x80, s29, s17, $0xb8;
	[tilespmem:$0x1CC00] =	vst v63  }
0x7f: {  	p0 =	sne.s32 s28, $0x7800;
	_ =	swait.ge [sflag:s20], $0x2800  }
0x80: {  	[sflag:s20] =	ssyncset.done $0x0  }
0x81: {  	s28 =	sadd.s32 $0x15C00, s26;
	[sflag:s20] =	ssyncadd.s32 $0xFFFFD800  }
0x82: {  	[spmem:s2] =	stream.indirect.scatter.add.f32 [tilespmem:s18], [sflag:$0x3], $0x80, s28, s17, $0xb8;
	[tilespmem:$0x1CC00] =	vst v63  }
0x83: {  	_ =	swait.ge [sflag:s14], $0x2800  }
0x84: {  	[sflag:s14] =	ssyncset.done $0x0  }
0x85: {  	s28 =	sadd.s32 $0x13D00, s26;
	[sflag:s14] =	ssyncadd.s32 $0xFFFFD800  }
0x86: {  	[tilespmem:s18], [sflag:$0x1] =	stream.indirect.gather [hbm4b:s4+s17], $0x80, s28, s17, $0xb8;
	[tilespmem:$0x1CC00] =	vst v63  }
0x87: {  	_ =	swait.ge [sflag:s21], $0x2800  }
.Ltmp1:
0x88: {  	[sflag:s21] =	ssyncset.done $0x0;
	(pc) =	sbr.rel @p0 .LBB2_4-.Ltmp1, $4  }
0x89: {  	s26 =	sadd.s32 $0x15C80, s26;
	[sflag:s21] =	ssyncadd.s32 $0xFFFFD800  }
0x8a: {  	[spmem:s2] =	stream.indirect.scatter.add.f32 [tilespmem:s19], [sflag:$0x3], $0x80, s26, s17, $0xb8;
	[tilespmem:$0x1CC00] =	vst v63  }
0x8b: {  	_ =	swait.ge [sflag:s14], $0x2800  }
0x8c: {  	s28 =	smov.u32 s31;
	s26 =	sshra.s32 s30, $0x2;
	[sflag:s14] =	ssyncset.done $0x0  }
0x8d: {  	s28 =	sadd.s32 $0x13C80, s26;
	[sflag:s14] =	ssyncadd.s32 $0xFFFFD800  }
0x8e: {  	[tilespmem:s19], [sflag:$0x2] =	stream.indirect.gather [hbm4b:s4+s17], $0x80, s28, s17, $0xb8;
	[tilespmem:$0x1CC00] =	vst v63  }
0x8f: {  	_ =	swait.ge [sflag:s20], $0x2800  }
0x90: {  	[sflag:s20] =	ssyncset.done $0x0  }
0x91: {  	s29 =	sadd.s32 $0x15C00, s26;
	[sflag:s20] =	ssyncadd.s32 $0xFFFFD800  }
0x92: {  	[spmem:s2] =	stream.indirect.scatter.add.f32 [tilespmem:s18], [sflag:$0x3], $0x80, s29, s17, $0xb8;
	[tilespmem:$0x1CC00] =	vst v63  }
0x93: {  	_ =	swait.ge [sflag:s14], $0x2800  }
0x94: {  	[sflag:s14] =	ssyncset.done $0x0  }
0x95: {  	s30 =	sadd.s32 $0x13D00, s26;
	[sflag:s14] =	ssyncadd.s32 $0xFFFFD800  }
0x96: {  	[tilespmem:s18], [sflag:$0x1] =	stream.indirect.gather [hbm4b:s4+s17], $0x80, s30, s17, $0xb8;
	[tilespmem:$0x1CC00] =	vst v63  }
0x97: {  	_ =	swait.ge [sflag:s21], $0x2800  }
0x98: {  	[sflag:s21] =	ssyncset.done $0x0  }
0x99: {  	s31 =	sadd.s32 $0x15C80, s26;
	[sflag:s21] =	ssyncadd.s32 $0xFFFFD800  }
0x9a: {  	[spmem:s2] =	stream.indirect.scatter.add.f32 [tilespmem:s19], [sflag:$0x3], $0x80, s31, s17, $0xb8;
	[tilespmem:$0x1CC00] =	vst v63  }
0x9b: {  	_ =	swait.ge [sflag:s14], $0x2800  }
0x9c: {  	[sflag:s14] =	ssyncset.done $0x0  }
0x9d: {  	[sflag:s14] =	ssyncadd.s32 $0xFFFFD800  }
0x9e: {  	[tilespmem:s19], [sflag:$0x2] =	stream.indirect.gather [hbm4b:s4+s17], $0x80, s22, s17, $0xb8;
	[tilespmem:$0x1CC00] =	vst v63  }
0x9f: {  	_ =	swait.ge [sflag:s20], $0x2800  }
0xa0: {  	[sflag:s20] =	ssyncset.done $0x0  }
0xa1: {  	[sflag:s20] =	ssyncadd.s32 $0xFFFFD800  }
0xa2: {  	[spmem:s2] =	stream.indirect.scatter.add.f32 [tilespmem:s18], [sflag:$0x3], $0x80, s23, s17, $0xb8;
	[tilespmem:$0x1CC00] =	vst v63  }
0xa3: {  	_ =	swait.ge [sflag:s14], $0x2800  }
0xa4: {  	[sflag:s14] =	ssyncset.done $0x0  }
0xa5: {  	[sflag:s14] =	ssyncadd.s32 $0xFFFFD800  }
0xa6: {  	_ =	swait.ge [sflag:s21], $0x2800  }
0xa7: {  	[sflag:s21] =	ssyncset.done $0x0  }
0xa8: {  	[sflag:s21] =	ssyncadd.s32 $0xFFFFD800  }
0xa9: {  	[spmem:s2] =	stream.indirect.scatter.add.f32 [tilespmem:s19], [sflag:$0x3], $0x80, s24, s17, $0xb8;
	[tilespmem:$0x1CC00] =	vst v63  }
0xaa: {  	_ =	swait.ge [sflag:s14], $0x2800  }
0xab: {  	s25 =	sadd.s32 $0x1, s25;
	[sflag:s14] =	ssyncset.done $0x0  }
0xac: {  	p0 =	sne.s32 s25, s12;
	[sflag:s14] =	ssyncadd.s32 $0xFFFFD800  }
.Ltmp2:
0xad: {  	[bflag:$0x0] =	sbarrier.arrive $0xFFFF;
	(pc) =	sbr.rel @p0 .LBB2_1-.Ltmp2, $4  }
0xae: {  	[hbm:s11], [sflag:s6] =	dma.local [spmem:s13], $0x2780  }
0xaf: {  	_ =	swait.ge [sflag:s14], $0x2780  }
0xb0: {  	[sflag:s14] =	ssyncset.done $0x0  }
0xb1: {  	[sflag:s14] =	ssyncadd.s32 $0xFFFFD880  }
0xb2: {  	_ =	sfence.sel $0x180000  }
0xb3: {  	[bflag:$0x0] =	sbarrier.arrive $0xFFFF  }
0xb4: {  	p0 =	sne.s32 s1, $0x0;
	_ =	strace $0x90000056  }
0xb5: {  	s0 =	sadd.s32 @!p0 $0x100000, s0;
	[bflag:$0x2] =	sbarrier.arrive $0xFFFF  }
0xb6: {  	[sflag:s0] =	ssyncadd.tile.s32 @!p0 $0x1;
	_ =	shalt  }
.Lfunc_end2:
_tile_overlayer_lowered:
.L_overlay_start_2:
0xb7: {  	(tag) =	ssettag $0x2  }
0xb8: {  	s0 =	rddreg [dreg:$0x0];
	s2 =	stileid.u32  }
0xb9: {  	s1 =	rddreg [dreg:$0x1];
	p0 =	sne.s32 s2, $0x0  }
0xba: {  	s3 =	rddreg [dreg:$0x2];
	[bflag:$0x3] =	sbarrier.arrive $0xFFFF;
	s2 =	simm.s32 @!p0 $0x1C03  }
0xbb: {  	[timem:s3], [sflag:s2] =	dma.local @!p0 [hbm:s0], s1  }
0xbc: {  	s0 =	simm.s32 @!p0 $0x3  }
0xbd: {  	_ =	swait.ge @!p0 [sflag:s0], s1  }
0xbe: {  	s1 =	ssub.s32 @!p0 $0x0, s1;
	[sflag:s0] =	ssyncset.done @!p0 $0x0  }
0xbf: {  	[sflag:s0] =	ssyncadd.s32 @!p0 s1  }
0xc0: {  	[bflag:$0x3] =	sbarrier.arrive $0xFFFF  }
0xc1: {  	_ =	shalt  }

// kernel: kernel.29.cloned.1.call-start
scs
__scs_entry_jumppad:
0x0: {  	(pc) =	sbr.rel $0x88, $3  }
0x1: {  	(tag) =	ssettag $0x0;
	lr =	simm.s32 $0x1  }
0x2: {  	[smem:$0x3F9B] =	sst lr;
	_ =	strace $0xD0000000  }
0x3: {  	_ = 	snop  }
0x4: {  	_ = 	snop  }
0x5: {  	_ = 	snop  }
0x6: {  	_ = 	snop  }
0x7: {  	_ = 	snop  }
__scs_overlays_trampoline_lowered:
0x8: {  	[smem:$0x3FAA] =	sst s0  }
0x9: {  	[smem:$0x3FAB] =	sst s1  }
0xa: {  	[smem:$0x3FAC] =	sst s2  }
0xb: {  	[smem:$0x3FAD] =	sst s3  }
0xc: {  	[smem:$0x3FAE] =	sst s4  }
0xd: {  	[smem:$0x3FAF] =	sst s5  }
0xe: {  	[smem:$0x3FB0] =	sst s6  }
0xf: {  	[smem:$0x3FB1] =	sst s7  }
0x10: {  	[smem:$0x3FB2] =	sst s8  }
0x11: {  	[smem:$0x3FB3] =	sst s9;
	s0 =	simm.s32 @!p0 $0x0  }
0x12: {  	s1 =	sld [smem:$0x3F99];
	s0 =	simm.s32 @p0 $0x1  }
0x13: {  	[smem:$0x3FB4] =	sst s0;
	s0 =	simm.s32 @!p1 $0x0  }
0x14: {  	s2 =	sld [smem:$0x3F98];
	s0 =	simm.s32 @p1 $0x1  }
0x15: {  	[smem:$0x3FB5] =	sst s0;
	s0 =	simm.s32 @!p2 $0x0  }
0x16: {  	s3 =	sld [smem:$0x3FDB];
	s0 =	simm.s32 @p2 $0x1  }
0x17: {  	s4 =	simm.s32 $0x1BF5;
	[smem:$0x3FB7] =	sst s0  }
0x18: {  	s0 =	sld [smem:$0x3F9A];
	_ =	swait.ge [sflag:s4], $0x0  }
0x19: {  	s7 =	sld [smem:$0x3F9B]  }
0x1a: {  	s8 =	sadd.s32 $0xFFFFE003, lr  }
0x1b: {  	s9 =	sadd.s32 $0xFFFFFEF7, lr;
	s5 =	simm.s32 $0xFFFFFFFF;
	p2 =	slt.u32 s8, $0xFFFFF086  }
0x1c: {  	p1 =	slt.u32 s9, $0xF7A;
	s5 =	simm.s32 @!p2 $0x0  }
0x1d: {  	s5 =	simm.s32 @p1 $0x1;
	p0 =	seq.s32 s7, s2  }
0x1e: {  	s7 =	smul.u32 @!p0 $0xF7A, s2;
	p2 =	seq.s32 @!p0 s5, $0x0  }
0x1f: {  	s9 =	smul.u32 $0xF7A, s1;
	s8 =	simm.s32 @!p0 $0x1BF5;
	p2 =	por !p2, p0  }
0x20: {  	[sflag:s8] =	ssyncset.s32 @!p0 $0xFFFFF086;
	s6 =	sadd.s32 @!p0 s3, s7;
	s7 =	simm.s32 @!p0 $0x108  }
0x21: {  	s3 =	sadd.s32 s3, s9;
	s6 =	sadd.s32 @!p0 $0x88, s6;
	s7 =	simm.s32 @p2 $0x1082  }
0x22: {  	[simem:s7], [sflag:s8] =	dma.local @!p0 [hbm:s6], $0xF7A  }
0x23: {  	s9 =	sor.u32 $0xD0000000, s2;
	s6 =	simm.s32 $0x108;
	_ =	swait.ge @!p0 [sflag:s8], $0x0  }
0x24: {  	s3 =	sadd.s32 $0x88, s3;
	s6 =	simm.s32 @!p1 $0x1082;
	[sflag:s4] =	ssyncset.s32 $0xFFFFF086  }
0x25: {  	[simem:s6], [sflag:s4] =	dma.local [hbm:s3], $0xF7A  }
0x26: {  	[smem:$0x3F9B] =	sst s1;
	(tag) =	ssettag s2;
	_ =	strace s9  }
0x27: {  	s1 =	sld [smem:$0x3FAB]  }
0x28: {  	s2 =	sld [smem:$0x3FAC]  }
0x29: {  	s4 =	sld [smem:$0x3FAE]  }
0x2a: {  	p0 =	seq.s32 s5, $0x0;
	s5 =	sld [smem:$0x3FAF]  }
0x2b: {  	s6 =	sld [smem:$0x3FB0]  }
0x2c: {  	s7 =	sld [smem:$0x3FB1]  }
0x2d: {  	s3 =	simm.s32 $0x108;
	s8 =	sld [smem:$0x3FB2]  }
0x2e: {  	s3 =	simm.s32 @!p0 $0x1082;
	s9 =	sld [smem:$0x3FB3]  }
0x2f: {  	lr =	sadd.s32 s0, s3;
	s0 =	sld [smem:$0x3FAA]  }
0x30: {  	s3 =	sld [smem:$0x3FAD]  }
0x31: {  	[smem:$0x3FB6] =	sst s10  }
0x32: {  	s10 =	sld [smem:$0x3FB4];
	_ =	sdelay $0x3  }
0x33: {  	p0 =	seq.s32 s10, $0x1;
	s10 =	sld [smem:$0x3FB6];
	_ =	sdelay $0x3  }
0x34: {  	[smem:$0x3FB6] =	sst s10  }
0x35: {  	s10 =	sld [smem:$0x3FB5];
	_ =	sdelay $0x3  }
0x36: {  	p1 =	seq.s32 s10, $0x1;
	s10 =	sld [smem:$0x3FB6];
	_ =	sdelay $0x3  }
0x37: {  	[smem:$0x3FB6] =	sst s10  }
0x38: {  	s10 =	sld [smem:$0x3FB7]  }
0x39: {  	_ = 	snop;
	(pc) =	sbr.ind lr, $3  }
0x3a: {  	_ = 	snop  }
0x3b: {  	_ = 	snop  }
0x3c: {  	p2 =	seq.s32 s10, $0x1;
	s10 =	sld [smem:$0x3FB6]  }
0x3d: {  	_ =	shalt  }
0x3e: {  	_ =	shalt  }
0x3f: {  	_ =	shalt  }
0x40: {  	_ =	shalt  }
0x41: {  	_ =	shalt  }
0x42: {  	_ =	shalt  }
0x43: {  	_ =	shalt  }
0x44: {  	_ =	shalt  }
0x45: {  	_ =	shalt  }
0x46: {  	_ =	shalt  }
0x47: {  	_ =	shalt  }
0x48: {  	_ =	shalt  }
0x49: {  	_ =	shalt  }
0x4a: {  	_ =	shalt  }
0x4b: {  	_ =	shalt  }
0x4c: {  	_ =	shalt  }
0x4d: {  	_ =	shalt  }
0x4e: {  	_ =	shalt  }
0x4f: {  	_ =	shalt  }
0x50: {  	_ =	shalt  }
0x51: {  	_ =	shalt  }
0x52: {  	_ =	shalt  }
0x53: {  	_ =	shalt  }
0x54: {  	_ =	shalt  }
0x55: {  	_ =	shalt  }
0x56: {  	_ =	shalt  }
0x57: {  	_ =	shalt  }
0x58: {  	_ =	shalt  }
0x59: {  	_ =	shalt  }
0x5a: {  	_ =	shalt  }
0x5b: {  	_ =	shalt  }
0x5c: {  	_ =	shalt  }
0x5d: {  	_ =	shalt  }
0x5e: {  	_ =	shalt  }
0x5f: {  	_ =	shalt  }
0x60: {  	_ =	shalt  }
0x61: {  	_ =	shalt  }
0x62: {  	_ =	shalt  }
0x63: {  	_ =	shalt  }
0x64: {  	_ =	shalt  }
0x65: {  	_ =	shalt  }
0x66: {  	_ =	shalt  }
0x67: {  	_ =	shalt  }
0x68: {  	_ =	shalt  }
0x69: {  	_ =	shalt  }
0x6a: {  	_ =	shalt  }
0x6b: {  	_ =	shalt  }
0x6c: {  	_ =	shalt  }
0x6d: {  	_ =	shalt  }
0x6e: {  	_ =	shalt  }
0x6f: {  	_ =	shalt  }
0x70: {  	_ =	shalt  }
0x71: {  	_ =	shalt  }
0x72: {  	_ =	shalt  }
0x73: {  	_ =	shalt  }
0x74: {  	_ =	shalt  }
0x75: {  	_ =	shalt  }
0x76: {  	_ =	shalt  }
0x77: {  	_ =	shalt  }
0x78: {  	_ =	shalt  }
0x79: {  	_ =	shalt  }
0x7a: {  	_ =	shalt  }
0x7b: {  	_ =	shalt  }
0x7c: {  	_ =	shalt  }
0x7d: {  	_ =	shalt  }
0x7e: {  	_ =	shalt  }
0x7f: {  	_ =	shalt  }
0x80: {  	_ =	shalt  }
0x81: {  	_ =	shalt  }
0x82: {  	_ =	shalt  }
0x83: {  	_ =	shalt  }
0x84: {  	_ =	shalt  }
0x85: {  	_ =	shalt  }
0x86: {  	_ =	shalt  }
0x87: {  	_ =	shalt  }
.Lfunc_end0:
.L_simem_size_0:
called_computation.6_lowered:
.L_overlay_start_0:
0x88: {  	s2 =	sld [smem:$0x3FD9]  }
0x89: {  	s3 =	sld [smem:$0x3FFE];
	_ =	sdelay $0x1  }
0x8a: {  	s1 =	srdreg.scid  }
0x8b: {  	s0 =	sand.u32 $0x1, s1  }
0x8c: {  	s17 =	sshll.u32 s0, $0xA;
	s2 =	sadd.s32 s3, s2  }
0x8d: {  	s2 =	sadd.s32 s2, s17  }
0x8e: {  	[smem:$0x3FC2] =	sst s2  }
0x8f: {  	_ = 	snop  }
0x90: {  	s2 =	sld [smem:$0x3FD0];
	(tm) =	ssettm $0x1  }
0x91: {  	s18 =	sld [smem:$0x3FFB];
	_ =	sdelay $0x3  }
0x92: {  	_ =	strace s18  }
0x93: {  	s3 =	sld [smem:$0x3FFC];
	_ =	sdelay $0x3  }
0x94: {  	_ =	strace s3  }
0x95: {  	s3 =	sld [smem:$0x3FFD];
	_ =	sdelay $0x3  }
0x96: {  	_ =	strace s3  }
0x97: {  	_ =	strace $0x8FFFFFFF  }
0x98: {  	s19 =	sld [smem:$0x3FDB];
	_ =	sdelay $0x1  }
0x99: {  	s4 =	simm.s32 $_scs_section_size  }
0x9a: {  	s5 =	simm.s32 $_size__tile_overlayer_lowered;
	s6 =	simm.s32 $_tile_overlayer_lowered  }
0x9b: {  	s22 =	simm.s32 $0x1BFF;
	s21 =	sshll.u32 s6, $0x1;
	s3 =	sadd.s32 s4, s19  }
0x9c: {  	s7 =	simm.s32 $0x0;
	s20 =	sshll.u32 s5, $0x1;
	s5 =	sadd.s32 s21, s3  }
0x9d: {  	[timem:s7], [sflag:s22] =	dma.local [hbm:s5], s20  }
0x9e: {  	_ =	swait.ge [sflag:s22], s20  }
0x9f: {  	s4 =	ssub.s32 $0x0, s20;
	[sflag:s22] =	ssyncset.done $0x0  }
0xa0: {  	[sflag:s22] =	ssyncadd.s32 s4;
	_ =	sdelay $0x1  }
0xa1: {  	s23 =	simm.s32 $0x1B8B  }
0xa2: {  	_ =	swait.ge [sflag:s23], $0x1  }
0xa3: {  	[sflag:s23] =	ssyncset.done $0x0  }
0xa4: {  	s25 =	simm.s32 $0x1B8E;
	s24 =	sld [smem:$0x3FFE];
	[sflag:s23] =	ssyncadd.s32 $0xFFFFFFFF  }
0xa5: {  	s26 =	simm.s32 $execute0_lowered;
	[smem:$0x3FD2] =	sst s25  }
0xa6: {  	s5 =	sshll.u32 s26, $0x1;
	_ =	strace $0x80000058;
	[dreg:$0x1] =	wrdreg $0xFFFFFFFF  }
0xa7: {  	s28 =	simm.s32 $_size_execute0_lowered;
	s3 =	sadd.s32 s3, s5;
	[dreg:$0x0] =	wrdreg $0x0  }
0xa8: {  	s5 =	sshll.u32 s28, $0x1;
	[dreg:$0x2] =	wrdreg s3  }
0xa9: {  	[dreg:$0x3] =	wrdreg s5  }
0xaa: {  	[dreg:$0x4] =	wrdreg $0xC0  }
0xab: {  	_ =	task [dreg:s7], $0x5FFFF  }
0xac: {  	[dreg:$0x1] =	wrdreg $0xFFFFFFFF  }
0xad: {  	[dreg:$0x0] =	wrdreg $0x60  }
0xae: {  	[dreg:$0x2] =	wrdreg s24  }
0xaf: {  	[dreg:$0x3] =	wrdreg s2  }
0xb0: {  	[dreg:$0x4] =	wrdreg $0x0  }
0xb1: {  	[dreg:$0x5] =	wrdreg $0x9  }
0xb2: {  	_ =	task.clear_ibuf [dreg:s7], $0x6FFFF;
	_ =	strace $0x90000058  }
0xb3: {  	s29 =	simm.s32 $0x9;
	_ =	strace $0x8000005A  }
0xb4: {  	_ =	swait.ge [sflag:s29], $0x1  }
0xb5: {  	[sflag:s29] =	ssyncadd.s32 $0xFFFFFFFF  }
0xb6: {  	_ =	strace $0x9000005A  }
0xb7: {  	_ =	sfence  }
0xb8: {  	s30 =	sld [smem:$0x0];
	_ =	sdelay $0x2  }
0xb9: {  	s31 =	sshll.u32 s1, $0xD;
	s1 =	sshrl.u32 s1, $0x2  }
0xba: {  	s3 =	sand.u32 $0x4000, s31;
	s1 =	sadd.s32 s1, s30  }
0xbb: {  	s0 =	sor.u32 s3, s0;
	s1 =	sshll.u32 s1, $0x11  }
0xbc: {  	s0 =	sor.u32 s1, s0  }
0xbd: {  	s0 =	sadd.s32 $0x8F2B, s0  }
0xbe: {  	[sflag:s0] =	ssyncadd.remote.s32 $0x1  }
0xbf: {  	_ =	sfence.sel $0xFFFF  }
0xc0: {  	[dreg:$0x0] =	wrdreg $0xFFFFFFFF;
	(pc) =	sbr.abs _section_cstart, $3  }
0xc1: {  	[dreg:$0x1] =	wrdreg $0xFFFFFFFF  }
0xc2: {  	_ =	task.clear_ibuf [dreg:s7], $0x2FFFF;
	_ =	strace $0x9FFFFFFF  }
0xc3: {  	(tm) =	ssettm $0x7FFFFFFF  }
tec
execute0_lowered:
.L_overlay_start_1:
0x0: {  	(tag) =	ssettag $0x1  }
0x1: {  	s5 =	rddreg [dreg:$0x0]  }
0x2: {  	s9 =	rddreg [dreg:$0x1]  }
0x3: {  	s2 =	rddreg [dreg:$0x2]  }
0x4: {  	s0 =	rddreg [dreg:$0x3];
	s3 =	simm.s32 $0x0;
	s1 =	stileid.u32  }
0x5: {  	s4 =	srdreg.scid;
	s16 =	simm.s32 $0x15C00;
	s17 =	simm.s32 $0x50  }
0x6: {  	s18 =	simm.s32 $0x17C00;
	s19 =	simm.s32 $0x1A400;
	s20 =	simm.s32 $0x1  }
0x7: {  	s21 =	simm.s32 $0x2;
	s22 =	simm.s32 $0x15B80;
	s23 =	simm.s32 $0x17B00  }
0x8: {  	[smem:$0x7FF] =	sst s3;
	s6 =	smul.u32 $0x13C00, s1;
	s7 =	sand.u32 $0x1, s4  }
0x9: {  	s4 =	sadd.s32 $0x51600, s5;
	s10 =	sadd.s32 $0x79400, s5;
	s12 =	smul.u32 $0x4F000, s1  }
0xa: {  	s28 =	sshll.u32 s1, $0xB;
	s29 =	sshll.u32 s1, $0x6;
	_ =	strace $0x80000059  }
0xb: {  	s8 =	smul.u32 $0x13C000, s7;
	s24 =	ssub.s32 $0x2, s7;
	s26 =	sshll.u32 s7, $0xF  }
0xc: {  	s11 =	sshrl.u32 s6, $0x3;
	s13 =	sshrl.u32 s24, $0x1;
	s25 =	sshrl.u32 s12, $0x2  }
0xd: {  	s30 =	sor.u32 s28, s26;
	s6 =	sadd.s32 s6, s8;
	s11 =	sadd.s32 s11, s5  }
0xe: {  	s13 =	ssub.s32 s24, s13;
	s15 =	sadd.s32 s25, s2;
	s7 =	sadd.s32 s9, s30  }
0xf: {  	s31 =	sor.u32 $0x400, s30;
	s8 =	sadd.s32 s10, s30;
	s24 =	simm.s32 $0x17B80  }
0x10: {  	s25 =	simm.s32 $0x0;
	s6 =	sshrl.u32 s6, $0x3;
	s9 =	sadd.s32 s9, s31  }
0x11: {  	s10 =	sadd.s32 s10, s31;
	s12 =	smax.u32 s13, $0x1;
	s13 =	sshrl.u32 s15, $0x3  }
0x12: {  	s15 =	simm.s32 $0x13C00;
	s14 =	sadd.s32 s6, s5;
	s5 =	sadd.s32 $0x2600, s11  }
0x13: {  	s6 =	sor.u32 $0x1C03, s29;
	s11 =	sadd.s32 $0x89400, s14;
	s14 =	simm.s32 $0x3  }
.LBB2_1:
0x14: {  	[spmem:s13], [sflag:s6] =	dma.local [hbm:s5], $0x2780  }
0x15: {  	_ =	swait.ge [sflag:s14], $0x2780  }
0x16: {  	[sflag:s14] =	ssyncset.done $0x0  }
0x17: {  	[sflag:s14] =	ssyncadd.s32 $0xFFFFD880  }
0x18: {  	[bflag:$0x0] =	sbarrier.arrive $0xFFFF  }
0x19: {  	[tilespmem:s15], [sflag:$0x3] =	stream.linear.gather [hbm4b:s7+s3], $0x2000, $0x38;
	[tilespmem:$0x1CC00] =	vst v63  }
0x1a: {  	_ =	swait.ge [sflag:s14], $0x2000  }
0x1b: {  	[sflag:s14] =	ssyncset.done $0x0  }
0x1c: {  	[sflag:s14] =	ssyncadd.s32 $0xFFFFE000  }
0x1d: {  	[tilespmem:s16], [sflag:$0x3] =	stream.linear.gather [hbm4b:s8+s3], $0x2000, $0x38;
	[tilespmem:$0x1CC00] =	vst v63  }
0x1e: {  	_ =	swait.ge [sflag:s14], $0x2000  }
0x1f: {  	[sflag:s14] =	ssyncset.done $0x0  }
0x20: {  	[sflag:s14] =	ssyncadd.s32 $0xFFFFE000  }
0x21: {  	[tilespmem:s18], [sflag:$0x1] =	stream.indirect.gather [hbm4b:s4+s17], $0x80, s15, s17, $0xb8;
	[tilespmem:$0x1CC00] =	vst v63  }
0x22: {  	s26 =	simm.s32 $0x13C80  }
0x23: {  	[tilespmem:s19], [sflag:$0x2] =	stream.indirect.gather [hbm4b:s4+s17], $0x80, s26, s17, $0xb8;
	[tilespmem:$0x1CC00] =	vst v63  }
0x24: {  	_ =	swait.ge [sflag:s20], $0x2800  }
0x25: {  	[sflag:s20] =	ssyncset.done $0x0  }
0x26: {  	s29 =	simm.s32 $0x15C00;
	[sflag:s20] =	ssyncadd.s32 $0xFFFFD800  }
0x27: {  	[spmem:s2] =	stream.indirect.scatter.add.f32 [tilespmem:s18], [sflag:$0x3], $0x80, s29, s17, $0xb8;
	[tilespmem:$0x1CC00] =	vst v63  }
0x28: {  	_ =	swait.ge [sflag:s14], $0x2800  }
0x29: {  	[sflag:s14] =	ssyncset.done $0x0  }
0x2a: {  	s30 =	simm.s32 $0x13D00;
	[sflag:s14] =	ssyncadd.s32 $0xFFFFD800  }
0x2b: {  	[tilespmem:s18], [sflag:$0x1] =	stream.indirect.gather [hbm4b:s4+s17], $0x80, s30, s17, $0xb8;
	[tilespmem:$0x1CC00] =	vst v63  }
0x2c: {  	_ =	swait.ge [sflag:s21], $0x2800  }
0x2d: {  	[sflag:s21] =	ssyncset.done $0x0  }
0x2e: {  	s31 =	simm.s32 $0x15C80;
	[sflag:s21] =	ssyncadd.s32 $0xFFFFD800  }
0x2f: {  	[spmem:s2] =	stream.indirect.scatter.add.f32 [tilespmem:s19], [sflag:$0x3], $0x80, s31, s17, $0xb8;
	[tilespmem:$0x1CC00] =	vst v63  }
0x30: {  	_ =	swait.ge [sflag:s14], $0x2800  }
0x31: {  	s28 =	simm.s32 $0x800;
	s26 =	simm.s32 $0x100;
	[sflag:s14] =	ssyncset.done $0x0  }
.LBB2_2:
0x32: {  	s29 =	sadd.s32 $0x13C80, s26  }
0x33: {  	[sflag:s14] =	ssyncadd.s32 $0xFFFFD800;
	s30 =	smov.u32 s28;
	s31 =	sadd.s32 $0x400, s28  }
0x34: {  	[tilespmem:s19], [sflag:$0x2] =	stream.indirect.gather [hbm4b:s4+s17], $0x80, s29, s17, $0xb8;
	[tilespmem:$0x1CC00] =	vst v63  }
0x35: {  	p0 =	sne.s32 s28, $0x7800;
	_ =	swait.ge [sflag:s20], $0x2800  }
0x36: {  	[sflag:s20] =	ssyncset.done $0x0  }
0x37: {  	s28 =	sadd.s32 $0x15C00, s26;
	[sflag:s20] =	ssyncadd.s32 $0xFFFFD800  }
0x38: {  	[spmem:s2] =	stream.indirect.scatter.add.f32 [tilespmem:s18], [sflag:$0x3], $0x80, s28, s17, $0xb8;
	[tilespmem:$0x1CC00] =	vst v63  }
0x39: {  	_ =	swait.ge [sflag:s14], $0x2800  }
0x3a: {  	[sflag:s14] =	ssyncset.done $0x0  }
0x3b: {  	s28 =	sadd.s32 $0x13D00, s26;
	[sflag:s14] =	ssyncadd.s32 $0xFFFFD800  }
0x3c: {  	[tilespmem:s18], [sflag:$0x1] =	stream.indirect.gather [hbm4b:s4+s17], $0x80, s28, s17, $0xb8;
	[tilespmem:$0x1CC00] =	vst v63  }
0x3d: {  	_ =	swait.ge [sflag:s21], $0x2800  }
.Ltmp0:
0x3e: {  	[sflag:s21] =	ssyncset.done $0x0;
	(pc) =	sbr.rel @p0 .LBB2_2-.Ltmp0, $4  }
0x3f: {  	s26 =	sadd.s32 $0x15C80, s26;
	[sflag:s21] =	ssyncadd.s32 $0xFFFFD800  }
0x40: {  	[spmem:s2] =	stream.indirect.scatter.add.f32 [tilespmem:s19], [sflag:$0x3], $0x80, s26, s17, $0xb8;
	[tilespmem:$0x1CC00] =	vst v63  }
0x41: {  	_ =	swait.ge [sflag:s14], $0x2800  }
0x42: {  	s28 =	smov.u32 s31;
	s26 =	sshra.s32 s30, $0x2;
	[sflag:s14] =	ssyncset.done $0x0  }
0x43: {  	s28 =	sadd.s32 $0x13C80, s26;
	[sflag:s14] =	ssyncadd.s32 $0xFFFFD800  }
0x44: {  	[tilespmem:s19], [sflag:$0x2] =	stream.indirect.gather [hbm4b:s4+s17], $0x80, s28, s17, $0xb8;
	[tilespmem:$0x1CC00] =	vst v63  }
0x45: {  	_ =	swait.ge [sflag:s20], $0x2800  }
0x46: {  	[sflag:s20] =	ssyncset.done $0x0  }
0x47: {  	s28 =	sadd.s32 $0x15C00, s26;
	[sflag:s20] =	ssyncadd.s32 $0xFFFFD800  }
0x48: {  	[spmem:s2] =	stream.indirect.scatter.add.f32 [tilespmem:s18], [sflag:$0x3], $0x80, s28, s17, $0xb8;
	[tilespmem:$0x1CC00] =	vst v63  }
0x49: {  	_ =	swait.ge [sflag:s14], $0x2800  }
0x4a: {  	[sflag:s14] =	ssyncset.done $0x0  }
0x4b: {  	s28 =	sadd.s32 $0x13D00, s26;
	[sflag:s14] =	ssyncadd.s32 $0xFFFFD800  }
0x4c: {  	[tilespmem:s18], [sflag:$0x1] =	stream.indirect.gather [hbm4b:s4+s17], $0x80, s28, s17, $0xb8;
	[tilespmem:$0x1CC00] =	vst v63  }
0x4d: {  	_ =	swait.ge [sflag:s21], $0x2800  }
0x4e: {  	[sflag:s21] =	ssyncset.done $0x0  }
0x4f: {  	s29 =	sadd.s32 $0x15C80, s26;
	[sflag:s21] =	ssyncadd.s32 $0xFFFFD800  }
0x50: {  	[spmem:s2] =	stream.indirect.scatter.add.f32 [tilespmem:s19], [sflag:$0x3], $0x80, s29, s17, $0xb8;
	[tilespmem:$0x1CC00] =	vst v63  }
0x51: {  	_ =	swait.ge [sflag:s14], $0x2800  }
0x52: {  	[sflag:s14] =	ssyncset.done $0x0  }
0x53: {  	[sflag:s14] =	ssyncadd.s32 $0xFFFFD800  }
0x54: {  	[tilespmem:s19], [sflag:$0x2] =	stream.indirect.gather [hbm4b:s4+s17], $0x80, s22, s17, $0xb8;
	[tilespmem:$0x1CC00] =	vst v63  }
0x55: {  	_ =	swait.ge [sflag:s20], $0x2800  }
0x56: {  	[sflag:s20] =	ssyncset.done $0x0  }
0x57: {  	[sflag:s20] =	ssyncadd.s32 $0xFFFFD800  }
0x58: {  	[spmem:s2] =	stream.indirect.scatter.add.f32 [tilespmem:s18], [sflag:$0x3], $0x80, s23, s17, $0xb8;
	[tilespmem:$0x1CC00] =	vst v63  }
0x59: {  	_ =	swait.ge [sflag:s14], $0x2800  }
0x5a: {  	[sflag:s14] =	ssyncset.done $0x0  }
0x5b: {  	[sflag:s14] =	ssyncadd.s32 $0xFFFFD800  }
0x5c: {  	_ =	swait.ge [sflag:s21], $0x2800  }
0x5d: {  	[sflag:s21] =	ssyncset.done $0x0  }
0x5e: {  	[sflag:s21] =	ssyncadd.s32 $0xFFFFD800  }
0x5f: {  	[spmem:s2] =	stream.indirect.scatter.add.f32 [tilespmem:s19], [sflag:$0x3], $0x80, s24, s17, $0xb8;
	[tilespmem:$0x1CC00] =	vst v63  }
0x60: {  	_ =	swait.ge [sflag:s14], $0x2800  }
0x61: {  	[sflag:s14] =	ssyncset.done $0x0  }
0x62: {  	s30 =	simm.s32 $0x0;
	[sflag:s14] =	ssyncadd.s32 $0xFFFFD800  }
0x63: {  	[tilespmem:s15], [sflag:$0x3] =	stream.linear.gather [hbm4b:s9+s30], $0x2000, $0x38;
	[tilespmem:$0x1CC00] =	vst v63  }
0x64: {  	_ =	swait.ge [sflag:s14], $0x2000  }
0x65: {  	[sflag:s14] =	ssyncset.done $0x0  }
0x66: {  	[sflag:s14] =	ssyncadd.s32 $0xFFFFE000  }
0x67: {  	[tilespmem:s16], [sflag:$0x3] =	stream.linear.gather [hbm4b:s10+s30], $0x2000, $0x38;
	[tilespmem:$0x1CC00] =	vst v63  }
0x68: {  	_ =	swait.ge [sflag:s14], $0x2000  }
0x69: {  	[sflag:s14] =	ssyncset.done $0x0  }
0x6a: {  	[sflag:s14] =	ssyncadd.s32 $0xFFFFE000  }
0x6b: {  	[tilespmem:s18], [sflag:$0x1] =	stream.indirect.gather [hbm4b:s4+s17], $0x80, s15, s17, $0xb8;
	[tilespmem:$0x1CC00] =	vst v63  }
0x6c: {  	s31 =	simm.s32 $0x13C80  }
0x6d: {  	[tilespmem:s19], [sflag:$0x2] =	stream.indirect.gather [hbm4b:s4+s17], $0x80, s31, s17, $0xb8;
	[tilespmem:$0x1CC00] =	vst v63  }
0x6e: {  	_ =	swait.ge [sflag:s20], $0x2800  }
0x6f: {  	[sflag:s20] =	ssyncset.done $0x0  }
0x70: {  	s29 =	simm.s32 $0x15C00;
	[sflag:s20] =	ssyncadd.s32 $0xFFFFD800  }
0x71: {  	[spmem:s2] =	stream.indirect.scatter.add.f32 [tilespmem:s18], [sflag:$0x3], $0x80, s29, s17, $0xb8;
	[tilespmem:$0x1CC00] =	vst v63  }
0x72: {  	_ =	swait.ge [sflag:s14], $0x2800  }
0x73: {  	[sflag:s14] =	ssyncset.done $0x0  }
0x74: {  	s30 =	simm.s32 $0x13D00;
	[sflag:s14] =	ssyncadd.s32 $0xFFFFD800  }
0x75: {  	[tilespmem:s18], [sflag:$0x1] =	stream.indirect.gather [hbm4b:s4+s17], $0x80, s30, s17, $0xb8;
	[tilespmem:$0x1CC00] =	vst v63  }
0x76: {  	_ =	swait.ge [sflag:s21], $0x2800  }
0x77: {  	[sflag:s21] =	ssyncset.done $0x0  }
0x78: {  	s31 =	simm.s32 $0x15C80;
	[sflag:s21] =	ssyncadd.s32 $0xFFFFD800  }
0x79: {  	[spmem:s2] =	stream.indirect.scatter.add.f32 [tilespmem:s19], [sflag:$0x3], $0x80, s31, s17, $0xb8;
	[tilespmem:$0x1CC00] =	vst v63  }
0x7a: {  	_ =	swait.ge [sflag:s14], $0x2800  }
0x7b: {  	s26 =	simm.s32 $0x100;
	s28 =	simm.s32 $0x800;
	[sflag:s14] =	ssyncset.done $0x0  }
.LBB2_4:
0x7c: {  	s29 =	sadd.s32 $0x13C80, s26  }
0x7d: {  	[sflag:s14] =	ssyncadd.s32 $0xFFFFD800;
	s30 =	smov.u32 s28;
	s31 =	sadd.s32 $0x400, s28  }
0x7e: {  	[tilespmem:s19], [sflag:$0x2] =	stream.indirect.gather [hbm4b:s4+s17], $0x80, s29, s17, $0xb8;
	[tilespmem:$0x1CC00] =	vst v63  }
0x7f: {  	p0 =	sne.s32 s28, $0x7800;
	_ =	swait.ge [sflag:s20], $0x2800  }
0x80: {  	[sflag:s20] =	ssyncset.done $0x0  }
0x81: {  	s28 =	sadd.s32 $0x15C00, s26;
	[sflag:s20] =	ssyncadd.s32 $0xFFFFD800  }
0x82: {  	[spmem:s2] =	stream.indirect.scatter.add.f32 [tilespmem:s18], [sflag:$0x3], $0x80, s28, s17, $0xb8;
	[tilespmem:$0x1CC00] =	vst v63  }
0x83: {  	_ =	swait.ge [sflag:s14], $0x2800  }
0x84: {  	[sflag:s14] =	ssyncset.done $0x0  }
0x85: {  	s28 =	sadd.s32 $0x13D00, s26;
	[sflag:s14] =	ssyncadd.s32 $0xFFFFD800  }
0x86: {  	[tilespmem:s18], [sflag:$0x1] =	stream.indirect.gather [hbm4b:s4+s17], $0x80, s28, s17, $0xb8;
	[tilespmem:$0x1CC00] =	vst v63  }
0x87: {  	_ =	swait.ge [sflag:s21], $0x2800  }
.Ltmp1:
0x88: {  	[sflag:s21] =	ssyncset.done $0x0;
	(pc) =	sbr.rel @p0 .LBB2_4-.Ltmp1, $4  }
0x89: {  	s26 =	sadd.s32 $0x15C80, s26;
	[sflag:s21] =	ssyncadd.s32 $0xFFFFD800  }
0x8a: {  	[spmem:s2] =	stream.indirect.scatter.add.f32 [tilespmem:s19], [sflag:$0x3], $0x80, s26, s17, $0xb8;
	[tilespmem:$0x1CC00] =	vst v63  }
0x8b: {  	_ =	swait.ge [sflag:s14], $0x2800  }
0x8c: {  	s28 =	smov.u32 s31;
	s26 =	sshra.s32 s30, $0x2;
	[sflag:s14] =	ssyncset.done $0x0  }
0x8d: {  	s28 =	sadd.s32 $0x13C80, s26;
	[sflag:s14] =	ssyncadd.s32 $0xFFFFD800  }
0x8e: {  	[tilespmem:s19], [sflag:$0x2] =	stream.indirect.gather [hbm4b:s4+s17], $0x80, s28, s17, $0xb8;
	[tilespmem:$0x1CC00] =	vst v63  }
0x8f: {  	_ =	swait.ge [sflag:s20], $0x2800  }
0x90: {  	[sflag:s20] =	ssyncset.done $0x0  }
0x91: {  	s29 =	sadd.s32 $0x15C00, s26;
	[sflag:s20] =	ssyncadd.s32 $0xFFFFD800  }
0x92: {  	[spmem:s2] =	stream.indirect.scatter.add.f32 [tilespmem:s18], [sflag:$0x3], $0x80, s29, s17, $0xb8;
	[tilespmem:$0x1CC00] =	vst v63  }
0x93: {  	_ =	swait.ge [sflag:s14], $0x2800  }
0x94: {  	[sflag:s14] =	ssyncset.done $0x0  }
0x95: {  	s30 =	sadd.s32 $0x13D00, s26;
	[sflag:s14] =	ssyncadd.s32 $0xFFFFD800  }
0x96: {  	[tilespmem:s18], [sflag:$0x1] =	stream.indirect.gather [hbm4b:s4+s17], $0x80, s30, s17, $0xb8;
	[tilespmem:$0x1CC00] =	vst v63  }
0x97: {  	_ =	swait.ge [sflag:s21], $0x2800  }
0x98: {  	[sflag:s21] =	ssyncset.done $0x0  }
0x99: {  	s31 =	sadd.s32 $0x15C80, s26;
	[sflag:s21] =	ssyncadd.s32 $0xFFFFD800  }
0x9a: {  	[spmem:s2] =	stream.indirect.scatter.add.f32 [tilespmem:s19], [sflag:$0x3], $0x80, s31, s17, $0xb8;
	[tilespmem:$0x1CC00] =	vst v63  }
0x9b: {  	_ =	swait.ge [sflag:s14], $0x2800  }
0x9c: {  	[sflag:s14] =	ssyncset.done $0x0  }
0x9d: {  	[sflag:s14] =	ssyncadd.s32 $0xFFFFD800  }
0x9e: {  	[tilespmem:s19], [sflag:$0x2] =	stream.indirect.gather [hbm4b:s4+s17], $0x80, s22, s17, $0xb8;
	[tilespmem:$0x1CC00] =	vst v63  }
0x9f: {  	_ =	swait.ge [sflag:s20], $0x2800  }
0xa0: {  	[sflag:s20] =	ssyncset.done $0x0  }
0xa1: {  	[sflag:s20] =	ssyncadd.s32 $0xFFFFD800  }
0xa2: {  	[spmem:s2] =	stream.indirect.scatter.add.f32 [tilespmem:s18], [sflag:$0x3], $0x80, s23, s17, $0xb8;
	[tilespmem:$0x1CC00] =	vst v63  }
0xa3: {  	_ =	swait.ge [sflag:s14], $0x2800  }
0xa4: {  	[sflag:s14] =	ssyncset.done $0x0  }
0xa5: {  	[sflag:s14] =	ssyncadd.s32 $0xFFFFD800  }
0xa6: {  	_ =	swait.ge [sflag:s21], $0x2800  }
0xa7: {  	[sflag:s21] =	ssyncset.done $0x0  }
0xa8: {  	[sflag:s21] =	ssyncadd.s32 $0xFFFFD800  }
0xa9: {  	[spmem:s2] =	stream.indirect.scatter.add.f32 [tilespmem:s19], [sflag:$0x3], $0x80, s24, s17, $0xb8;
	[tilespmem:$0x1CC00] =	vst v63  }
0xaa: {  	_ =	swait.ge [sflag:s14], $0x2800  }
0xab: {  	s25 =	sadd.s32 $0x1, s25;
	[sflag:s14] =	ssyncset.done $0x0  }
0xac: {  	p0 =	sne.s32 s25, s12;
	[sflag:s14] =	ssyncadd.s32 $0xFFFFD800  }
.Ltmp2:
0xad: {  	[bflag:$0x0] =	sbarrier.arrive $0xFFFF;
	(pc) =	sbr.rel @p0 .LBB2_1-.Ltmp2, $4  }
0xae: {  	[hbm:s11], [sflag:s6] =	dma.local [spmem:s13], $0x2780  }
0xaf: {  	_ =	swait.ge [sflag:s14], $0x2780  }
0xb0: {  	[sflag:s14] =	ssyncset.done $0x0  }
0xb1: {  	[sflag:s14] =	ssyncadd.s32 $0xFFFFD880  }
0xb2: {  	_ =	sfence.sel $0x180000  }
0xb3: {  	[bflag:$0x0] =	sbarrier.arrive $0xFFFF  }
0xb4: {  	p0 =	sne.s32 s1, $0x0;
	_ =	strace $0x90000059  }
0xb5: {  	s0 =	sadd.s32 @!p0 $0x100000, s0;
	[bflag:$0x2] =	sbarrier.arrive $0xFFFF  }
0xb6: {  	[sflag:s0] =	ssyncadd.tile.s32 @!p0 $0x1;
	_ =	shalt  }
.Lfunc_end2:
_tile_overlayer_lowered:
.L_overlay_start_2:
0xb7: {  	(tag) =	ssettag $0x2  }
0xb8: {  	s0 =	rddreg [dreg:$0x0];
	s2 =	stileid.u32  }
0xb9: {  	s1 =	rddreg [dreg:$0x1];
	p0 =	sne.s32 s2, $0x0  }
0xba: {  	s3 =	rddreg [dreg:$0x2];
	[bflag:$0x3] =	sbarrier.arrive $0xFFFF;
	s2 =	simm.s32 @!p0 $0x1C03  }
0xbb: {  	[timem:s3], [sflag:s2] =	dma.local @!p0 [hbm:s0], s1  }
0xbc: {  	s0 =	simm.s32 @!p0 $0x3  }
0xbd: {  	_ =	swait.ge @!p0 [sflag:s0], s1  }
0xbe: {  	s1 =	ssub.s32 @!p0 $0x0, s1;
	[sflag:s0] =	ssyncset.done @!p0 $0x0  }
0xbf: {  	[sflag:s0] =	ssyncadd.s32 @!p0 s1  }
0xc0: {  	[bflag:$0x3] =	sbarrier.arrive $0xFFFF  }
0xc1: {  	_ =	shalt  }

</sc_bundles>
